<compile_context>
chip_gen: v7x
topology: tpu7x:2x2x1
jax: 0.10.2.dev20260603
libtpu: 0.0.44.dev20260713+nightly
codegen_flags: <defaults>
</compile_context>

<pallas_src>
import functools

import jax
import jax.numpy as jnp
from jax import lax
from jax.experimental import pallas as pl
from jax.experimental.pallas import tpu as pltpu
from jax.experimental.pallas import tpu_sc as plsc

N = 16384
Q = 1000
QPAD = 1024
NTILES = 16
ROWS_P1 = N // NTILES
NW = 32
ROWS_P2 = N // NW
ZCH = QPAD // NTILES


def _sc_body(idx3, mm0c, mm1c, mm2c, xf, betas, out_hbm,
             idxv, val0, val1, val2, onesv, zerov,
             tab0, tab1, tab2, tab3, pidxv, xv, bv, outv,
             tsh0, tsh1, tsh2, tsh3, sem_p1):
    vals = (val0, val1, val2)
    tabs = (tab0, tab1, tab2, tab3)
    tshs = (tsh0, tsh1, tsh2, tsh3)
    c = lax.axis_index("c")
    s = lax.axis_index("s")
    base = s * ROWS_P1 + c * ROWS_P2

    zero16 = jnp.zeros((16,), jnp.float32)
    one16 = jnp.ones((16,), jnp.float32)

    def fill_z(i, _):
        zerov[pl.ds(i * 16, 16)] = zero16
        return 0
    lax.fori_loop(0, ZCH // 16, fill_z, 0)

    def fill_o(i, _):
        onesv[pl.ds(i * 16, 16)] = one16
        return 0
    lax.fori_loop(0, 128 // 16, fill_o, 0)

    for t in range(4):
        pltpu.sync_copy(zerov, tshs[t].at[pl.ds(s * ZCH, ZCH)])
    plsc.subcore_barrier()

    pltpu.sync_copy(idx3.at[s], idxv)
    for t, mmc in enumerate((mm0c, mm1c, mm2c)):
        pltpu.sync_copy(mmc.at[pl.ds(s * ROWS_P1, ROWS_P1)],
                        vals[t])
    descs = []
    for j in range(8):
        for t in range(3):
            descs.append(pltpu.async_copy(
                vals[t].at[pl.ds(j * 128, 128)],
                tshs[t].at[idxv.at[j]], sem_p1, add=True))
        descs.append(pltpu.async_copy(
            onesv, tshs[3].at[idxv.at[j]], sem_p1, add=True))
    for d in descs:
        d.wait()
    plsc.subcore_barrier()

    for t in range(4):
        pltpu.sync_copy(tshs[t], tabs[t])
    pltpu.sync_copy(idx3.at[s, pl.ds(c * 4, 4)], pidxv)
    pltpu.sync_copy(xf.at[pl.ds(base, ROWS_P2)], xv)
    pltpu.sync_copy(betas, bv)
    b1 = bv[0]
    b2 = bv[1]
    b3 = bv[2]

    def p2(k, _):
        g = k // 8
        l = k % 8
        iv = pidxv[g, pl.ds(l * 16, 16)]
        s0 = plsc.load_gather(tab0, [iv])
        s1 = plsc.load_gather(tab1, [iv])
        s2 = plsc.load_gather(tab2, [iv])
        cn = plsc.load_gather(tab3, [iv])
        empty = cn == 0.0
        safe = jnp.where(empty, 1.0, cn)
        z0 = jnp.where(empty, 0.0, s0 / safe)
        z1 = jnp.where(empty, 0.0, s1 / safe)
        z2 = jnp.where(empty, 0.0, s2 / safe)
        x = xv[pl.ds(k * 16, 16)]
        t = (x - (b2 + z1)) / jnp.maximum(b3 + z2, jnp.float32(0.1))
        e = jnp.exp(jnp.clip(-t, -50.0, 50.0))
        outv[pl.ds(k * 16, 16)] = (b1 + z0) / (1.0 + e)
    for k in range(ROWS_P2 // 16):
        p2(k, None)
    pltpu.sync_copy(outv, out_hbm.at[pl.ds(base, ROWS_P2)])


_sc_call = functools.partial(
    pl.kernel,
    out_type=jax.ShapeDtypeStruct((N,), jnp.float32),
    mesh=plsc.VectorSubcoreMesh(core_axis_name="c", subcore_axis_name="s"),
    compiler_params=pltpu.CompilerParams(needs_layout_passes=False),
    scratch_types=[
        pltpu.VMEM((8, 128), jnp.int32),
        pltpu.VMEM((ROWS_P1,), jnp.float32),
        pltpu.VMEM((ROWS_P1,), jnp.float32),
        pltpu.VMEM((ROWS_P1,), jnp.float32),
        pltpu.VMEM((128,), jnp.float32),
        pltpu.VMEM((ZCH,), jnp.float32),
        pltpu.VMEM((QPAD,), jnp.float32),
        pltpu.VMEM((QPAD,), jnp.float32),
        pltpu.VMEM((QPAD,), jnp.float32),
        pltpu.VMEM((QPAD,), jnp.float32),
        pltpu.VMEM((4, 128), jnp.int32),
        pltpu.VMEM((ROWS_P2,), jnp.float32),
        pltpu.VMEM((3, 16), jnp.float32),
        pltpu.VMEM((ROWS_P2,), jnp.float32),
        pltpu.VMEM_SHARED((QPAD,), jnp.float32),
        pltpu.VMEM_SHARED((QPAD,), jnp.float32),
        pltpu.VMEM_SHARED((QPAD,), jnp.float32),
        pltpu.VMEM_SHARED((QPAD,), jnp.float32),
        pltpu.SemaphoreType.DMA,
    ],
)(_sc_body)


_BN = 2048


def _onehot_body(i0_ref, i1_ref, o0_ref, o1_ref):
    iota = lax.broadcasted_iota(jnp.int32, (_BN, 1024), 1)
    o0_ref[...] = (i0_ref[...][:, None] == iota).astype(jnp.float32)
    o1_ref[...] = (i1_ref[...][:, None] == iota).astype(jnp.float32)


_onehot_call = pl.pallas_call(
    _onehot_body,
    grid=(N // _BN,),
    in_specs=[pl.BlockSpec((_BN,), lambda i: (i,)),
              pl.BlockSpec((_BN,), lambda i: (i,))],
    out_specs=[pl.BlockSpec((_BN, 1024), lambda i: (i, 0)),
               pl.BlockSpec((_BN, 1024), lambda i: (i, 0))],
    out_shape=[jax.ShapeDtypeStruct((N, 1024), jnp.float32),
               jax.ShapeDtypeStruct((N, 1024), jnp.float32)],
)


def kernel(X_input, Z_inputs_0, Z_inputs_1, mmbeddings_0, mmbeddings_1,
           beta_1, beta_2, beta_3):
    del mmbeddings_1
    i0 = Z_inputs_0.astype(jnp.int32)
    i1 = Z_inputs_1.astype(jnp.int32)
    idx3 = i0.reshape(NTILES, 8, 128)
    mm0c = mmbeddings_0[:, 0]
    mm1c = mmbeddings_0[:, 1]
    mm2c = mmbeddings_0[:, 2]
    betas = jnp.stack([
        jnp.full((16,), beta_1, jnp.float32),
        jnp.full((16,), beta_2, jnp.float32),
        jnp.full((16,), beta_3, jnp.float32),
    ])
    out_flat = _sc_call(idx3, mm0c, mm1c, mm2c, X_input.reshape(N), betas)
    oh0p, oh1p = _onehot_call(i0, i1)
    return out_flat.reshape(N, 1), oh0p[:, :Q], oh1p[:, :Q]

# --- scband reference (transcript-rebuilt; emitter-appended) ---
"""Pipeline reference for scband-mmbeddings-decoder-growth-model-71622874628175 (READ-ONLY COPY).

The authoritative reference and input builder live on the scoring server;
editing this copy changes nothing except your own understanding.
"""

import jax, jax.numpy as jnp
import numpy as np

QS = [1000, 1000]
N = 16384
EMBED_DIM = 16


def div_no_nan(a, b):
    safe_b = jnp.where(b == 0, 1.0, b)
    return jnp.where(b == 0, jnp.zeros_like(a / safe_b), a / safe_b)


def setup_inputs(seed: int = 0) -> dict:
    key = jax.random.key(seed)
    k1, k2, k3, k4, k5 = jax.random.split(key, 5)
    return {
        "X_input": jax.random.normal(k1, (N, 1), dtype=jnp.float32),
        "Z_inputs_0": jax.random.randint(k2, (N,), 0, QS[0], dtype=jnp.int64),
        "Z_inputs_1": jax.random.randint(k3, (N,), 0, QS[1], dtype=jnp.int64),
        "mmbeddings_0": jax.random.normal(k4, (N, EMBED_DIM), dtype=jnp.float32),
        "mmbeddings_1": jax.random.normal(k5, (N, EMBED_DIM), dtype=jnp.float32),
        "beta_1": jnp.float32(1.0),
        "beta_2": jnp.float32(1.0),
        "beta_3": jnp.float32(1.0),
    }


def reference(X_input, Z_inputs_0, Z_inputs_1, mmbeddings_0, mmbeddings_1, beta_1, beta_2, beta_3):
    Z_idx = [Z_inputs_0, Z_inputs_1]
    mm_list = [mmbeddings_0, mmbeddings_1]
    Z_mats = []
    ZB_list = []
    for i in range(len(QS)):
        # CategoryEncoding one_hot
        Z = jax.nn.one_hot(Z_idx[i], QS[i], dtype=jnp.float32)
        Z_mats.append(Z)
        # B = divide_no_nan(Z^T @ mm, sum(Z, axis=0))  -> per-category segment mean
        counts = jnp.sum(Z, axis=0).reshape(QS[i], 1)
        B = div_no_nan(jnp.matmul(Z.T, mm_list[i]), counts)
        # ZB = Z @ B -> gather per-row category mean back to rows
        ZB = jnp.matmul(Z, B)
        ZB_list.append(ZB)
    Z_0 = ZB_list[0][:, 0:1]
    Z_1 = ZB_list[0][:, 1:2]
    Z_2 = ZB_list[0][:, 2:3]
    numerator = beta_1 + Z_0
    denominator = 1.0 + jnp.exp(
        jnp.clip(
            -div_no_nan(X_input - (beta_2 + Z_1), jnp.maximum(beta_3 + Z_2, 0.1)),
            -50.0,
            50.0,
        )
    )
    output = div_no_nan(numerator, denominator)
    return (output, Z_mats[0], Z_mats[1])

if __name__ == "__main__":
    import jax
    _d = setup_inputs()
    print(jax.jit(kernel)(*tuple(_d.values())))

</pallas_src>

<mosaic_0001>
#map = affine_map<(d0, d1) -> (0, 0, 0)>
#map1 = affine_map<(d0, d1) -> (0)>
#map2 = affine_map<(d0, d1) -> (0, 0)>
module attributes {stable_mosaic.version = 14 : i64} {
  func.func @_sc_body(%arg0: i32, %arg1: i32, %arg2: memref<16x8x128xi32, #tpu.memory_space<hbm>>, %arg3: memref<16384xf32, #tpu.memory_space<hbm>>, %arg4: memref<16384xf32, #tpu.memory_space<hbm>>, %arg5: memref<16384xf32, #tpu.memory_space<hbm>>, %arg6: memref<16384xf32, #tpu.memory_space<hbm>>, %arg7: memref<3x16xf32, #tpu.memory_space<hbm>>, %arg8: memref<16384xf32, #tpu.memory_space<hbm>>, %arg9: memref<8x128xi32, #tpu.memory_space<vmem>>, %arg10: memref<1024xf32, #tpu.memory_space<vmem>>, %arg11: memref<1024xf32, #tpu.memory_space<vmem>>, %arg12: memref<1024xf32, #tpu.memory_space<vmem>>, %arg13: memref<128xf32, #tpu.memory_space<vmem>>, %arg14: memref<64xf32, #tpu.memory_space<vmem>>, %arg15: memref<1024xf32, #tpu.memory_space<vmem>>, %arg16: memref<1024xf32, #tpu.memory_space<vmem>>, %arg17: memref<1024xf32, #tpu.memory_space<vmem>>, %arg18: memref<1024xf32, #tpu.memory_space<vmem>>, %arg19: memref<4x128xi32, #tpu.memory_space<vmem>>, %arg20: memref<512xf32, #tpu.memory_space<vmem>>, %arg21: memref<3x16xf32, #tpu.memory_space<vmem>>, %arg22: memref<512xf32, #tpu.memory_space<vmem>>, %arg23: memref<1024xf32, #tpu.memory_space<vmem_shared>>, %arg24: memref<1024xf32, #tpu.memory_space<vmem_shared>>, %arg25: memref<1024xf32, #tpu.memory_space<vmem_shared>>, %arg26: memref<1024xf32, #tpu.memory_space<vmem_shared>>, %arg27: memref<!tpu.dma_semaphore, #tpu.memory_space<semaphore_mem>>) attributes {dimension_semantics = [#tpu.dimension_semantics<core_parallel>, #tpu.dimension_semantics<subcore_parallel>], iteration_bounds = array<i64: 2, 16>, scalar_prefetch = 0 : i64, scratch_operands = 19 : i64, tpu.core_type = #tpu.core_type<sc_vector_subcore>, window_params = [{transform_indices = #map}, {transform_indices = #map1}, {transform_indices = #map1}, {transform_indices = #map1}, {transform_indices = #map1}, {transform_indices = #map2}, {transform_indices = #map1}]} {
    %mul3A = arith.constant 1024 : i32
    %mul3A_0 = arith.muli %arg1, %mul3A : i32
    %mul3A_1 = arith.constant 512 : i32
    %mul3A_2 = arith.muli %arg0, %mul3A_1 : i32
    %add3A = arith.addi %mul3A_0, %mul3A_2 : i32
    %broadcast_in_dim3A = arith.constant 0.000000e+00 : f32
    %broadcast_in_dim3A_3 = vector.broadcast %broadcast_in_dim3A : f32 to vector<16xf32>
    %broadcast_in_dim3A_4 = arith.constant 1.000000e+00 : f32
    %broadcast_in_dim3A_5 = vector.broadcast %broadcast_in_dim3A_4 : f32 to vector<16xf32>
    %scan3A = arith.constant 0 : i32
    %scan3A_6 = arith.constant 0 : i32
    %scan3A_7 = arith.constant 4 : i32
    %scan3A_8 = arith.addi %scan3A_6, %scan3A_7 : i32
    %scan3A_9 = arith.constant 1 : i32
    %scan3A_10 = scf.for %scan3A_2178 = %scan3A_6 to %scan3A_8 step %scan3A_9 iter_args(%scan3A_2179 = %scan3A) -> (i32)  : i32 {
      %mul3A_2180 = arith.constant 16 : i32
      %mul3A_2181 = arith.muli %scan3A_2178, %mul3A_2180 : i32
      %swap3A_2182 = arith.index_cast %mul3A_2181 : i32 to index
      %swap3A_2183 = tpu.vector_load %arg14[%swap3A_2182] {strides = array<i32>} : memref<64xf32, #tpu.memory_space<vmem>>, vector<16xf32>,
      tpu.vector_store %arg14[%swap3A_2182], %broadcast_in_dim3A_3 {strides = array<i32>} : memref<64xf32, #tpu.memory_space<vmem>>, vector<16xf32>,
      %scan3A_2184 = arith.constant 0 : i32
      scf.yield %scan3A_2184 : i32
    }
    %scan3A_11 = arith.constant 4 : i32
    %scan3A_12 = arith.constant 0 : i32
    %scan3A_13 = arith.constant 0 : i32
    %scan3A_14 = arith.constant 8 : i32
    %scan3A_15 = arith.addi %scan3A_13, %scan3A_14 : i32
    %scan3A_16 = arith.constant 1 : i32
    %scan3A_17 = scf.for %scan3A_2178 = %scan3A_13 to %scan3A_15 step %scan3A_16 iter_args(%scan3A_2179 = %scan3A_12) -> (i32)  : i32 {
      %mul3A_2180 = arith.constant 16 : i32
      %mul3A_2181 = arith.muli %scan3A_2178, %mul3A_2180 : i32
      %swap3A_2182 = arith.index_cast %mul3A_2181 : i32 to index
      %swap3A_2183 = tpu.vector_load %arg13[%swap3A_2182] {strides = array<i32>} : memref<128xf32, #tpu.memory_space<vmem>>, vector<16xf32>,
      tpu.vector_store %arg13[%swap3A_2182], %broadcast_in_dim3A_5 {strides = array<i32>} : memref<128xf32, #tpu.memory_space<vmem>>, vector<16xf32>,
      %scan3A_2184 = arith.constant 0 : i32
      scf.yield %scan3A_2184 : i32
    }
    %scan3A_18 = arith.constant 8 : i32
    %mul3A_19 = arith.constant 64 : i32
    %mul3A_20 = arith.muli %arg1, %mul3A_19 : i32
    "tpu.region"() ({
      %run_scoped3A = tpu.sem_alloc : memref<!tpu.dma_semaphore, #tpu.memory_space<semaphore_mem>>
      %dma_start3A_2178 = tpu.memref_slice %arg23[%mul3A_20] : memref<1024xf32, #tpu.memory_space<vmem_shared>> -> memref<64xf32, #tpu.memory_space<vmem_shared>>
      %dma_start3A_2179 = tpu.memref_slice %arg23[%mul3A_20] : memref<1024xf32, #tpu.memory_space<vmem_shared>> -> memref<64xf32, #tpu.memory_space<vmem_shared>>
      tpu.enqueue_dma source(%arg14 : memref<64xf32, #tpu.memory_space<vmem>>) target(%dma_start3A_2179 : memref<64xf32, #tpu.memory_space<vmem_shared>>) target_semaphore(%run_scoped3A : memref<!tpu.dma_semaphore, #tpu.memory_space<semaphore_mem>>)
      %dma_wait3A_2180 = tpu.memref_slice %arg23[%mul3A_20] : memref<1024xf32, #tpu.memory_space<vmem_shared>> -> memref<64xf32, #tpu.memory_space<vmem_shared>>
      %dma_wait3A_2181 = tpu.memref_slice %arg23[%mul3A_20] : memref<1024xf32, #tpu.memory_space<vmem_shared>> -> memref<64xf32, #tpu.memory_space<vmem_shared>>
      tpu.wait_dma2 semaphore(%run_scoped3A : memref<!tpu.dma_semaphore, #tpu.memory_space<semaphore_mem>>) src(%arg14 : memref<64xf32, #tpu.memory_space<vmem>>) dst(%dma_wait3A_2181 : memref<64xf32, #tpu.memory_space<vmem_shared>>)
      tpu.yield
    }) : () -> ()
    %mul3A_21 = arith.constant 64 : i32
    %mul3A_22 = arith.muli %arg1, %mul3A_21 : i32
    "tpu.region"() ({
      %run_scoped3A = tpu.sem_alloc : memref<!tpu.dma_semaphore, #tpu.memory_space<semaphore_mem>>
      %dma_start3A_2178 = tpu.memref_slice %arg24[%mul3A_22] : memref<1024xf32, #tpu.memory_space<vmem_shared>> -> memref<64xf32, #tpu.memory_space<vmem_shared>>
      %dma_start3A_2179 = tpu.memref_slice %arg24[%mul3A_22] : memref<1024xf32, #tpu.memory_space<vmem_shared>> -> memref<64xf32, #tpu.memory_space<vmem_shared>>
      tpu.enqueue_dma source(%arg14 : memref<64xf32, #tpu.memory_space<vmem>>) target(%dma_start3A_2179 : memref<64xf32, #tpu.memory_space<vmem_shared>>) target_semaphore(%run_scoped3A : memref<!tpu.dma_semaphore, #tpu.memory_space<semaphore_mem>>)
      %dma_wait3A_2180 = tpu.memref_slice %arg24[%mul3A_22] : memref<1024xf32, #tpu.memory_space<vmem_shared>> -> memref<64xf32, #tpu.memory_space<vmem_shared>>
      %dma_wait3A_2181 = tpu.memref_slice %arg24[%mul3A_22] : memref<1024xf32, #tpu.memory_space<vmem_shared>> -> memref<64xf32, #tpu.memory_space<vmem_shared>>
      tpu.wait_dma2 semaphore(%run_scoped3A : memref<!tpu.dma_semaphore, #tpu.memory_space<semaphore_mem>>) src(%arg14 : memref<64xf32, #tpu.memory_space<vmem>>) dst(%dma_wait3A_2181 : memref<64xf32, #tpu.memory_space<vmem_shared>>)
      tpu.yield
    }) : () -> ()
    %mul3A_23 = arith.constant 64 : i32
    %mul3A_24 = arith.muli %arg1, %mul3A_23 : i32
    "tpu.region"() ({
      %run_scoped3A = tpu.sem_alloc : memref<!tpu.dma_semaphore, #tpu.memory_space<semaphore_mem>>
      %dma_start3A_2178 = tpu.memref_slice %arg25[%mul3A_24] : memref<1024xf32, #tpu.memory_space<vmem_shared>> -> memref<64xf32, #tpu.memory_space<vmem_shared>>
      %dma_start3A_2179 = tpu.memref_slice %arg25[%mul3A_24] : memref<1024xf32, #tpu.memory_space<vmem_shared>> -> memref<64xf32, #tpu.memory_space<vmem_shared>>
      tpu.enqueue_dma source(%arg14 : memref<64xf32, #tpu.memory_space<vmem>>) target(%dma_start3A_2179 : memref<64xf32, #tpu.memory_space<vmem_shared>>) target_semaphore(%run_scoped3A : memref<!tpu.dma_semaphore, #tpu.memory_space<semaphore_mem>>)
      %dma_wait3A_2180 = tpu.memref_slice %arg25[%mul3A_24] : memref<1024xf32, #tpu.memory_space<vmem_shared>> -> memref<64xf32, #tpu.memory_space<vmem_shared>>
      %dma_wait3A_2181 = tpu.memref_slice %arg25[%mul3A_24] : memref<1024xf32, #tpu.memory_space<vmem_shared>> -> memref<64xf32, #tpu.memory_space<vmem_shared>>
      tpu.wait_dma2 semaphore(%run_scoped3A : memref<!tpu.dma_semaphore, #tpu.memory_space<semaphore_mem>>) src(%arg14 : memref<64xf32, #tpu.memory_space<vmem>>) dst(%dma_wait3A_2181 : memref<64xf32, #tpu.memory_space<vmem_shared>>)
      tpu.yield
    }) : () -> ()
    %mul3A_25 = arith.constant 64 : i32
    %mul3A_26 = arith.muli %arg1, %mul3A_25 : i32
    "tpu.region"() ({
      %run_scoped3A = tpu.sem_alloc : memref<!tpu.dma_semaphore, #tpu.memory_space<semaphore_mem>>
      %dma_start3A_2178 = tpu.memref_slice %arg26[%mul3A_26] : memref<1024xf32, #tpu.memory_space<vmem_shared>> -> memref<64xf32, #tpu.memory_space<vmem_shared>>
      %dma_start3A_2179 = tpu.memref_slice %arg26[%mul3A_26] : memref<1024xf32, #tpu.memory_space<vmem_shared>> -> memref<64xf32, #tpu.memory_space<vmem_shared>>
      tpu.enqueue_dma source(%arg14 : memref<64xf32, #tpu.memory_space<vmem>>) target(%dma_start3A_2179 : memref<64xf32, #tpu.memory_space<vmem_shared>>) target_semaphore(%run_scoped3A : memref<!tpu.dma_semaphore, #tpu.memory_space<semaphore_mem>>)
      %dma_wait3A_2180 = tpu.memref_slice %arg26[%mul3A_26] : memref<1024xf32, #tpu.memory_space<vmem_shared>> -> memref<64xf32, #tpu.memory_space<vmem_shared>>
      %dma_wait3A_2181 = tpu.memref_slice %arg26[%mul3A_26] : memref<1024xf32, #tpu.memory_space<vmem_shared>> -> memref<64xf32, #tpu.memory_space<vmem_shared>>
      tpu.wait_dma2 semaphore(%run_scoped3A : memref<!tpu.dma_semaphore, #tpu.memory_space<semaphore_mem>>) src(%arg14 : memref<64xf32, #tpu.memory_space<vmem>>) dst(%dma_wait3A_2181 : memref<64xf32, #tpu.memory_space<vmem_shared>>)
      tpu.yield
    }) : () -> ()
    %barrier3A = arith.constant 0 : index
    tpu.barrier barrier_id(%barrier3A)
    "tpu.region"() ({
      %run_scoped3A = tpu.sem_alloc : memref<!tpu.dma_semaphore, #tpu.memory_space<semaphore_mem>>
      %dma_start3A_2178 = arith.constant 0 : i32
      %dma_start3A_2179 = arith.constant 0 : i32
      %dma_start3A_2180 = tpu.memref_slice %arg2[%arg1, %dma_start3A_2178, %dma_start3A_2179] : memref<16x8x128xi32, #tpu.memory_space<hbm>> -> memref<1x8x128xi32, #tpu.memory_space<hbm>>
      %dma_start3A_2181 = tpu.memref_squeeze %dma_start3A_2180 : memref<1x8x128xi32, #tpu.memory_space<hbm>> -> memref<8x128xi32, #tpu.memory_space<hbm>>
      %dma_start3A_2182 = arith.constant 0 : i32
      %dma_start3A_2183 = arith.constant 0 : i32
      %dma_start3A_2184 = tpu.memref_slice %arg2[%arg1, %dma_start3A_2182, %dma_start3A_2183] : memref<16x8x128xi32, #tpu.memory_space<hbm>> -> memref<1x8x128xi32, #tpu.memory_space<hbm>>
      %dma_start3A_2185 = tpu.memref_squeeze %dma_start3A_2184 : memref<1x8x128xi32, #tpu.memory_space<hbm>> -> memref<8x128xi32, #tpu.memory_space<hbm>>
      tpu.enqueue_dma source(%dma_start3A_2185 : memref<8x128xi32, #tpu.memory_space<hbm>>) target(%arg9 : memref<8x128xi32, #tpu.memory_space<vmem>>) target_semaphore(%run_scoped3A : memref<!tpu.dma_semaphore, #tpu.memory_space<semaphore_mem>>)
      %dma_wait3A_2186 = arith.constant 0 : i32
      %dma_wait3A_2187 = arith.constant 0 : i32
      %dma_wait3A_2188 = tpu.memref_slice %arg2[%arg1, %dma_wait3A_2186, %dma_wait3A_2187] : memref<16x8x128xi32, #tpu.memory_space<hbm>> -> memref<1x8x128xi32, #tpu.memory_space<hbm>>
      %dma_wait3A_2189 = tpu.memref_squeeze %dma_wait3A_2188 : memref<1x8x128xi32, #tpu.memory_space<hbm>> -> memref<8x128xi32, #tpu.memory_space<hbm>>
      %dma_wait3A_2190 = arith.constant 0 : i32
      %dma_wait3A_2191 = arith.constant 0 : i32
      %dma_wait3A_2192 = tpu.memref_slice %arg2[%arg1, %dma_wait3A_2190, %dma_wait3A_2191] : memref<16x8x128xi32, #tpu.memory_space<hbm>> -> memref<1x8x128xi32, #tpu.memory_space<hbm>>
      %dma_wait3A_2193 = tpu.memref_squeeze %dma_wait3A_2192 : memref<1x8x128xi32, #tpu.memory_space<hbm>> -> memref<8x128xi32, #tpu.memory_space<hbm>>
      tpu.wait_dma2 semaphore(%run_scoped3A : memref<!tpu.dma_semaphore, #tpu.memory_space<semaphore_mem>>) src(%dma_wait3A_2193 : memref<8x128xi32, #tpu.memory_space<hbm>>) dst(%arg9 : memref<8x128xi32, #tpu.memory_space<vmem>>)
      tpu.yield
    }) : () -> ()
    %mul3A_27 = arith.constant 1024 : i32
    %mul3A_28 = arith.muli %arg1, %mul3A_27 : i32
    "tpu.region"() ({
      %run_scoped3A = tpu.sem_alloc : memref<!tpu.dma_semaphore, #tpu.memory_space<semaphore_mem>>
      %dma_start3A_2178 = tpu.memref_slice %arg3[%mul3A_28] : memref<16384xf32, #tpu.memory_space<hbm>> -> memref<1024xf32, #tpu.memory_space<hbm>>
      %dma_start3A_2179 = tpu.memref_slice %arg3[%mul3A_28] : memref<16384xf32, #tpu.memory_space<hbm>> -> memref<1024xf32, #tpu.memory_space<hbm>>
      tpu.enqueue_dma source(%dma_start3A_2179 : memref<1024xf32, #tpu.memory_space<hbm>>) target(%arg10 : memref<1024xf32, #tpu.memory_space<vmem>>) target_semaphore(%run_scoped3A : memref<!tpu.dma_semaphore, #tpu.memory_space<semaphore_mem>>)
      %dma_wait3A_2180 = tpu.memref_slice %arg3[%mul3A_28] : memref<16384xf32, #tpu.memory_space<hbm>> -> memref<1024xf32, #tpu.memory_space<hbm>>
      %dma_wait3A_2181 = tpu.memref_slice %arg3[%mul3A_28] : memref<16384xf32, #tpu.memory_space<hbm>> -> memref<1024xf32, #tpu.memory_space<hbm>>
      tpu.wait_dma2 semaphore(%run_scoped3A : memref<!tpu.dma_semaphore, #tpu.memory_space<semaphore_mem>>) src(%dma_wait3A_2181 : memref<1024xf32, #tpu.memory_space<hbm>>) dst(%arg10 : memref<1024xf32, #tpu.memory_space<vmem>>)
      tpu.yield
    }) : () -> ()
    %mul3A_29 = arith.constant 1024 : i32
    %mul3A_30 = arith.muli %arg1, %mul3A_29 : i32
    "tpu.region"() ({
      %run_scoped3A = tpu.sem_alloc : memref<!tpu.dma_semaphore, #tpu.memory_space<semaphore_mem>>
      %dma_start3A_2178 = tpu.memref_slice %arg4[%mul3A_30] : memref<16384xf32, #tpu.memory_space<hbm>> -> memref<1024xf32, #tpu.memory_space<hbm>>
      %dma_start3A_2179 = tpu.memref_slice %arg4[%mul3A_30] : memref<16384xf32, #tpu.memory_space<hbm>> -> memref<1024xf32, #tpu.memory_space<hbm>>
      tpu.enqueue_dma source(%dma_start3A_2179 : memref<1024xf32, #tpu.memory_space<hbm>>) target(%arg11 : memref<1024xf32, #tpu.memory_space<vmem>>) target_semaphore(%run_scoped3A : memref<!tpu.dma_semaphore, #tpu.memory_space<semaphore_mem>>)
      %dma_wait3A_2180 = tpu.memref_slice %arg4[%mul3A_30] : memref<16384xf32, #tpu.memory_space<hbm>> -> memref<1024xf32, #tpu.memory_space<hbm>>
      %dma_wait3A_2181 = tpu.memref_slice %arg4[%mul3A_30] : memref<16384xf32, #tpu.memory_space<hbm>> -> memref<1024xf32, #tpu.memory_space<hbm>>
      tpu.wait_dma2 semaphore(%run_scoped3A : memref<!tpu.dma_semaphore, #tpu.memory_space<semaphore_mem>>) src(%dma_wait3A_2181 : memref<1024xf32, #tpu.memory_space<hbm>>) dst(%arg11 : memref<1024xf32, #tpu.memory_space<vmem>>)
      tpu.yield
    }) : () -> ()
    %mul3A_31 = arith.constant 1024 : i32
    %mul3A_32 = arith.muli %arg1, %mul3A_31 : i32
    "tpu.region"() ({
      %run_scoped3A = tpu.sem_alloc : memref<!tpu.dma_semaphore, #tpu.memory_space<semaphore_mem>>
      %dma_start3A_2178 = tpu.memref_slice %arg5[%mul3A_32] : memref<16384xf32, #tpu.memory_space<hbm>> -> memref<1024xf32, #tpu.memory_space<hbm>>
      %dma_start3A_2179 = tpu.memref_slice %arg5[%mul3A_32] : memref<16384xf32, #tpu.memory_space<hbm>> -> memref<1024xf32, #tpu.memory_space<hbm>>
      tpu.enqueue_dma source(%dma_start3A_2179 : memref<1024xf32, #tpu.memory_space<hbm>>) target(%arg12 : memref<1024xf32, #tpu.memory_space<vmem>>) target_semaphore(%run_scoped3A : memref<!tpu.dma_semaphore, #tpu.memory_space<semaphore_mem>>)
      %dma_wait3A_2180 = tpu.memref_slice %arg5[%mul3A_32] : memref<16384xf32, #tpu.memory_space<hbm>> -> memref<1024xf32, #tpu.memory_space<hbm>>
      %dma_wait3A_2181 = tpu.memref_slice %arg5[%mul3A_32] : memref<16384xf32, #tpu.memory_space<hbm>> -> memref<1024xf32, #tpu.memory_space<hbm>>
      tpu.wait_dma2 semaphore(%run_scoped3A : memref<!tpu.dma_semaphore, #tpu.memory_space<semaphore_mem>>) src(%dma_wait3A_2181 : memref<1024xf32, #tpu.memory_space<hbm>>) dst(%arg12 : memref<1024xf32, #tpu.memory_space<vmem>>)
      tpu.yield
    }) : () -> ()
    %dma_start3A = arith.constant 0 : i32
    %dma_start3A_33 = arith.constant 0 : i32
    %dma_start3A_34 = tpu.memref_slice %arg10[%dma_start3A_33] : memref<1024xf32, #tpu.memory_space<vmem>> -> memref<128xf32, #tpu.memory_space<vmem>>
    %dma_start3A_35 = arith.constant 0 : i32
    %dma_start3A_36 = tpu.memref_slice %arg9[%dma_start3A, %dma_start3A_35] : memref<8x128xi32, #tpu.memory_space<vmem>> -> memref<1x128xi32, #tpu.memory_space<vmem>>
    %dma_start3A_37 = tpu.memref_squeeze %dma_start3A_36 : memref<1x128xi32, #tpu.memory_space<vmem>> -> memref<128xi32, #tpu.memory_space<vmem>>
    %dma_start3A_38 = arith.constant 0 : i32
    %dma_start3A_39 = tpu.memref_slice %arg23[%dma_start3A_38] : memref<1024xf32, #tpu.memory_space<vmem_shared>> -> memref<1024xf32, #tpu.memory_space<vmem_shared>>
    tpu.enqueue_indirect_dma source(%dma_start3A_34 : memref<128xf32, #tpu.memory_space<vmem>>) target(%dma_start3A_39 : memref<1024xf32, #tpu.memory_space<vmem_shared>>) offsets(%dma_start3A_37 : memref<128xi32, #tpu.memory_space<vmem>>) semaphore(%arg27 : memref<!tpu.dma_semaphore, #tpu.memory_space<semaphore_mem>>) {add = true}
    %dma_start3A_40 = arith.constant 0 : i32
    %dma_start3A_41 = arith.constant 0 : i32
    %dma_start3A_42 = tpu.memref_slice %arg11[%dma_start3A_41] : memref<1024xf32, #tpu.memory_space<vmem>> -> memref<128xf32, #tpu.memory_space<vmem>>
    %dma_start3A_43 = arith.constant 0 : i32
    %dma_start3A_44 = tpu.memref_slice %arg9[%dma_start3A_40, %dma_start3A_43] : memref<8x128xi32, #tpu.memory_space<vmem>> -> memref<1x128xi32, #tpu.memory_space<vmem>>
    %dma_start3A_45 = tpu.memref_squeeze %dma_start3A_44 : memref<1x128xi32, #tpu.memory_space<vmem>> -> memref<128xi32, #tpu.memory_space<vmem>>
    %dma_start3A_46 = arith.constant 0 : i32
    %dma_start3A_47 = tpu.memref_slice %arg24[%dma_start3A_46] : memref<1024xf32, #tpu.memory_space<vmem_shared>> -> memref<1024xf32, #tpu.memory_space<vmem_shared>>
    tpu.enqueue_indirect_dma source(%dma_start3A_42 : memref<128xf32, #tpu.memory_space<vmem>>) target(%dma_start3A_47 : memref<1024xf32, #tpu.memory_space<vmem_shared>>) offsets(%dma_start3A_45 : memref<128xi32, #tpu.memory_space<vmem>>) semaphore(%arg27 : memref<!tpu.dma_semaphore, #tpu.memory_space<semaphore_mem>>) {add = true}
    %dma_start3A_48 = arith.constant 0 : i32
    %dma_start3A_49 = arith.constant 0 : i32
    %dma_start3A_50 = tpu.memref_slice %arg12[%dma_start3A_49] : memref<1024xf32, #tpu.memory_space<vmem>> -> memref<128xf32, #tpu.memory_space<vmem>>
    %dma_start3A_51 = arith.constant 0 : i32
    %dma_start3A_52 = tpu.memref_slice %arg9[%dma_start3A_48, %dma_start3A_51] : memref<8x128xi32, #tpu.memory_space<vmem>> -> memref<1x128xi32, #tpu.memory_space<vmem>>
    %dma_start3A_53 = tpu.memref_squeeze %dma_start3A_52 : memref<1x128xi32, #tpu.memory_space<vmem>> -> memref<128xi32, #tpu.memory_space<vmem>>
    %dma_start3A_54 = arith.constant 0 : i32
    %dma_start3A_55 = tpu.memref_slice %arg25[%dma_start3A_54] : memref<1024xf32, #tpu.memory_space<vmem_shared>> -> memref<1024xf32, #tpu.memory_space<vmem_shared>>
    tpu.enqueue_indirect_dma source(%dma_start3A_50 : memref<128xf32, #tpu.memory_space<vmem>>) target(%dma_start3A_55 : memref<1024xf32, #tpu.memory_space<vmem_shared>>) offsets(%dma_start3A_53 : memref<128xi32, #tpu.memory_space<vmem>>) semaphore(%arg27 : memref<!tpu.dma_semaphore, #tpu.memory_space<semaphore_mem>>) {add = true}
    %dma_start3A_56 = arith.constant 0 : i32
    %dma_start3A_57 = arith.constant 0 : i32
    %dma_start3A_58 = tpu.memref_slice %arg9[%dma_start3A_56, %dma_start3A_57] : memref<8x128xi32, #tpu.memory_space<vmem>> -> memref<1x128xi32, #tpu.memory_space<vmem>>
    %dma_start3A_59 = tpu.memref_squeeze %dma_start3A_58 : memref<1x128xi32, #tpu.memory_space<vmem>> -> memref<128xi32, #tpu.memory_space<vmem>>
    %dma_start3A_60 = arith.constant 0 : i32
    %dma_start3A_61 = tpu.memref_slice %arg26[%dma_start3A_60] : memref<1024xf32, #tpu.memory_space<vmem_shared>> -> memref<1024xf32, #tpu.memory_space<vmem_shared>>
    tpu.enqueue_indirect_dma source(%arg13 : memref<128xf32, #tpu.memory_space<vmem>>) target(%dma_start3A_61 : memref<1024xf32, #tpu.memory_space<vmem_shared>>) offsets(%dma_start3A_59 : memref<128xi32, #tpu.memory_space<vmem>>) semaphore(%arg27 : memref<!tpu.dma_semaphore, #tpu.memory_space<semaphore_mem>>) {add = true}
    %dma_start3A_62 = arith.constant 1 : i32
    %dma_start3A_63 = arith.constant 128 : i32
    %dma_start3A_64 = tpu.memref_slice %arg10[%dma_start3A_63] : memref<1024xf32, #tpu.memory_space<vmem>> -> memref<128xf32, #tpu.memory_space<vmem>>
    %dma_start3A_65 = arith.constant 0 : i32
    %dma_start3A_66 = tpu.memref_slice %arg9[%dma_start3A_62, %dma_start3A_65] : memref<8x128xi32, #tpu.memory_space<vmem>> -> memref<1x128xi32, #tpu.memory_space<vmem>>
    %dma_start3A_67 = tpu.memref_squeeze %dma_start3A_66 : memref<1x128xi32, #tpu.memory_space<vmem>> -> memref<128xi32, #tpu.memory_space<vmem>>
    %dma_start3A_68 = arith.constant 0 : i32
    %dma_start3A_69 = tpu.memref_slice %arg23[%dma_start3A_68] : memref<1024xf32, #tpu.memory_space<vmem_shared>> -> memref<1024xf32, #tpu.memory_space<vmem_shared>>
    tpu.enqueue_indirect_dma source(%dma_start3A_64 : memref<128xf32, #tpu.memory_space<vmem>>) target(%dma_start3A_69 : memref<1024xf32, #tpu.memory_space<vmem_shared>>) offsets(%dma_start3A_67 : memref<128xi32, #tpu.memory_space<vmem>>) semaphore(%arg27 : memref<!tpu.dma_semaphore, #tpu.memory_space<semaphore_mem>>) {add = true}
    %dma_start3A_70 = arith.constant 1 : i32
    %dma_start3A_71 = arith.constant 128 : i32
    %dma_start3A_72 = tpu.memref_slice %arg11[%dma_start3A_71] : memref<1024xf32, #tpu.memory_space<vmem>> -> memref<128xf32, #tpu.memory_space<vmem>>
    %dma_start3A_73 = arith.constant 0 : i32
    %dma_start3A_74 = tpu.memref_slice %arg9[%dma_start3A_70, %dma_start3A_73] : memref<8x128xi32, #tpu.memory_space<vmem>> -> memref<1x128xi32, #tpu.memory_space<vmem>>
    %dma_start3A_75 = tpu.memref_squeeze %dma_start3A_74 : memref<1x128xi32, #tpu.memory_space<vmem>> -> memref<128xi32, #tpu.memory_space<vmem>>
    %dma_start3A_76 = arith.constant 0 : i32
    %dma_start3A_77 = tpu.memref_slice %arg24[%dma_start3A_76] : memref<1024xf32, #tpu.memory_space<vmem_shared>> -> memref<1024xf32, #tpu.memory_space<vmem_shared>>
    tpu.enqueue_indirect_dma source(%dma_start3A_72 : memref<128xf32, #tpu.memory_space<vmem>>) target(%dma_start3A_77 : memref<1024xf32, #tpu.memory_space<vmem_shared>>) offsets(%dma_start3A_75 : memref<128xi32, #tpu.memory_space<vmem>>) semaphore(%arg27 : memref<!tpu.dma_semaphore, #tpu.memory_space<semaphore_mem>>) {add = true}
    %dma_start3A_78 = arith.constant 1 : i32
    %dma_start3A_79 = arith.constant 128 : i32
    %dma_start3A_80 = tpu.memref_slice %arg12[%dma_start3A_79] : memref<1024xf32, #tpu.memory_space<vmem>> -> memref<128xf32, #tpu.memory_space<vmem>>
    %dma_start3A_81 = arith.constant 0 : i32
    %dma_start3A_82 = tpu.memref_slice %arg9[%dma_start3A_78, %dma_start3A_81] : memref<8x128xi32, #tpu.memory_space<vmem>> -> memref<1x128xi32, #tpu.memory_space<vmem>>
    %dma_start3A_83 = tpu.memref_squeeze %dma_start3A_82 : memref<1x128xi32, #tpu.memory_space<vmem>> -> memref<128xi32, #tpu.memory_space<vmem>>
    %dma_start3A_84 = arith.constant 0 : i32
    %dma_start3A_85 = tpu.memref_slice %arg25[%dma_start3A_84] : memref<1024xf32, #tpu.memory_space<vmem_shared>> -> memref<1024xf32, #tpu.memory_space<vmem_shared>>
    tpu.enqueue_indirect_dma source(%dma_start3A_80 : memref<128xf32, #tpu.memory_space<vmem>>) target(%dma_start3A_85 : memref<1024xf32, #tpu.memory_space<vmem_shared>>) offsets(%dma_start3A_83 : memref<128xi32, #tpu.memory_space<vmem>>) semaphore(%arg27 : memref<!tpu.dma_semaphore, #tpu.memory_space<semaphore_mem>>) {add = true}
    %dma_start3A_86 = arith.constant 1 : i32
    %dma_start3A_87 = arith.constant 0 : i32
    %dma_start3A_88 = tpu.memref_slice %arg9[%dma_start3A_86, %dma_start3A_87] : memref<8x128xi32, #tpu.memory_space<vmem>> -> memref<1x128xi32, #tpu.memory_space<vmem>>
    %dma_start3A_89 = tpu.memref_squeeze %dma_start3A_88 : memref<1x128xi32, #tpu.memory_space<vmem>> -> memref<128xi32, #tpu.memory_space<vmem>>
    %dma_start3A_90 = arith.constant 0 : i32
    %dma_start3A_91 = tpu.memref_slice %arg26[%dma_start3A_90] : memref<1024xf32, #tpu.memory_space<vmem_shared>> -> memref<1024xf32, #tpu.memory_space<vmem_shared>>
    tpu.enqueue_indirect_dma source(%arg13 : memref<128xf32, #tpu.memory_space<vmem>>) target(%dma_start3A_91 : memref<1024xf32, #tpu.memory_space<vmem_shared>>) offsets(%dma_start3A_89 : memref<128xi32, #tpu.memory_space<vmem>>) semaphore(%arg27 : memref<!tpu.dma_semaphore, #tpu.memory_space<semaphore_mem>>) {add = true}
    %dma_start3A_92 = arith.constant 2 : i32
    %dma_start3A_93 = arith.constant 256 : i32
    %dma_start3A_94 = tpu.memref_slice %arg10[%dma_start3A_93] : memref<1024xf32, #tpu.memory_space<vmem>> -> memref<128xf32, #tpu.memory_space<vmem>>
    %dma_start3A_95 = arith.constant 0 : i32
    %dma_start3A_96 = tpu.memref_slice %arg9[%dma_start3A_92, %dma_start3A_95] : memref<8x128xi32, #tpu.memory_space<vmem>> -> memref<1x128xi32, #tpu.memory_space<vmem>>
    %dma_start3A_97 = tpu.memref_squeeze %dma_start3A_96 : memref<1x128xi32, #tpu.memory_space<vmem>> -> memref<128xi32, #tpu.memory_space<vmem>>
    %dma_start3A_98 = arith.constant 0 : i32
    %dma_start3A_99 = tpu.memref_slice %arg23[%dma_start3A_98] : memref<1024xf32, #tpu.memory_space<vmem_shared>> -> memref<1024xf32, #tpu.memory_space<vmem_shared>>
    tpu.enqueue_indirect_dma source(%dma_start3A_94 : memref<128xf32, #tpu.memory_space<vmem>>) target(%dma_start3A_99 : memref<1024xf32, #tpu.memory_space<vmem_shared>>) offsets(%dma_start3A_97 : memref<128xi32, #tpu.memory_space<vmem>>) semaphore(%arg27 : memref<!tpu.dma_semaphore, #tpu.memory_space<semaphore_mem>>) {add = true}
    %dma_start3A_100 = arith.constant 2 : i32
    %dma_start3A_101 = arith.constant 256 : i32
    %dma_start3A_102 = tpu.memref_slice %arg11[%dma_start3A_101] : memref<1024xf32, #tpu.memory_space<vmem>> -> memref<128xf32, #tpu.memory_space<vmem>>
    %dma_start3A_103 = arith.constant 0 : i32
    %dma_start3A_104 = tpu.memref_slice %arg9[%dma_start3A_100, %dma_start3A_103] : memref<8x128xi32, #tpu.memory_space<vmem>> -> memref<1x128xi32, #tpu.memory_space<vmem>>
    %dma_start3A_105 = tpu.memref_squeeze %dma_start3A_104 : memref<1x128xi32, #tpu.memory_space<vmem>> -> memref<128xi32, #tpu.memory_space<vmem>>
    %dma_start3A_106 = arith.constant 0 : i32
    %dma_start3A_107 = tpu.memref_slice %arg24[%dma_start3A_106] : memref<1024xf32, #tpu.memory_space<vmem_shared>> -> memref<1024xf32, #tpu.memory_space<vmem_shared>>
    tpu.enqueue_indirect_dma source(%dma_start3A_102 : memref<128xf32, #tpu.memory_space<vmem>>) target(%dma_start3A_107 : memref<1024xf32, #tpu.memory_space<vmem_shared>>) offsets(%dma_start3A_105 : memref<128xi32, #tpu.memory_space<vmem>>) semaphore(%arg27 : memref<!tpu.dma_semaphore, #tpu.memory_space<semaphore_mem>>) {add = true}
    %dma_start3A_108 = arith.constant 2 : i32
    %dma_start3A_109 = arith.constant 256 : i32
    %dma_start3A_110 = tpu.memref_slice %arg12[%dma_start3A_109] : memref<1024xf32, #tpu.memory_space<vmem>> -> memref<128xf32, #tpu.memory_space<vmem>>
    %dma_start3A_111 = arith.constant 0 : i32
    %dma_start3A_112 = tpu.memref_slice %arg9[%dma_start3A_108, %dma_start3A_111] : memref<8x128xi32, #tpu.memory_space<vmem>> -> memref<1x128xi32, #tpu.memory_space<vmem>>
    %dma_start3A_113 = tpu.memref_squeeze %dma_start3A_112 : memref<1x128xi32, #tpu.memory_space<vmem>> -> memref<128xi32, #tpu.memory_space<vmem>>
    %dma_start3A_114 = arith.constant 0 : i32
    %dma_start3A_115 = tpu.memref_slice %arg25[%dma_start3A_114] : memref<1024xf32, #tpu.memory_space<vmem_shared>> -> memref<1024xf32, #tpu.memory_space<vmem_shared>>
    tpu.enqueue_indirect_dma source(%dma_start3A_110 : memref<128xf32, #tpu.memory_space<vmem>>) target(%dma_start3A_115 : memref<1024xf32, #tpu.memory_space<vmem_shared>>) offsets(%dma_start3A_113 : memref<128xi32, #tpu.memory_space<vmem>>) semaphore(%arg27 : memref<!tpu.dma_semaphore, #tpu.memory_space<semaphore_mem>>) {add = true}
    %dma_start3A_116 = arith.constant 2 : i32
    %dma_start3A_117 = arith.constant 0 : i32
    %dma_start3A_118 = tpu.memref_slice %arg9[%dma_start3A_116, %dma_start3A_117] : memref<8x128xi32, #tpu.memory_space<vmem>> -> memref<1x128xi32, #tpu.memory_space<vmem>>
    %dma_start3A_119 = tpu.memref_squeeze %dma_start3A_118 : memref<1x128xi32, #tpu.memory_space<vmem>> -> memref<128xi32, #tpu.memory_space<vmem>>
    %dma_start3A_120 = arith.constant 0 : i32
    %dma_start3A_121 = tpu.memref_slice %arg26[%dma_start3A_120] : memref<1024xf32, #tpu.memory_space<vmem_shared>> -> memref<1024xf32, #tpu.memory_space<vmem_shared>>
    tpu.enqueue_indirect_dma source(%arg13 : memref<128xf32, #tpu.memory_space<vmem>>) target(%dma_start3A_121 : memref<1024xf32, #tpu.memory_space<vmem_shared>>) offsets(%dma_start3A_119 : memref<128xi32, #tpu.memory_space<vmem>>) semaphore(%arg27 : memref<!tpu.dma_semaphore, #tpu.memory_space<semaphore_mem>>) {add = true}
    %dma_start3A_122 = arith.constant 3 : i32
    %dma_start3A_123 = arith.constant 384 : i32
    %dma_start3A_124 = tpu.memref_slice %arg10[%dma_start3A_123] : memref<1024xf32, #tpu.memory_space<vmem>> -> memref<128xf32, #tpu.memory_space<vmem>>
    %dma_start3A_125 = arith.constant 0 : i32
    %dma_start3A_126 = tpu.memref_slice %arg9[%dma_start3A_122, %dma_start3A_125] : memref<8x128xi32, #tpu.memory_space<vmem>> -> memref<1x128xi32, #tpu.memory_space<vmem>>
    %dma_start3A_127 = tpu.memref_squeeze %dma_start3A_126 : memref<1x128xi32, #tpu.memory_space<vmem>> -> memref<128xi32, #tpu.memory_space<vmem>>
    %dma_start3A_128 = arith.constant 0 : i32
    %dma_start3A_129 = tpu.memref_slice %arg23[%dma_start3A_128] : memref<1024xf32, #tpu.memory_space<vmem_shared>> -> memref<1024xf32, #tpu.memory_space<vmem_shared>>
    tpu.enqueue_indirect_dma source(%dma_start3A_124 : memref<128xf32, #tpu.memory_space<vmem>>) target(%dma_start3A_129 : memref<1024xf32, #tpu.memory_space<vmem_shared>>) offsets(%dma_start3A_127 : memref<128xi32, #tpu.memory_space<vmem>>) semaphore(%arg27 : memref<!tpu.dma_semaphore, #tpu.memory_space<semaphore_mem>>) {add = true}
    %dma_start3A_130 = arith.constant 3 : i32
    %dma_start3A_131 = arith.constant 384 : i32
    %dma_start3A_132 = tpu.memref_slice %arg11[%dma_start3A_131] : memref<1024xf32, #tpu.memory_space<vmem>> -> memref<128xf32, #tpu.memory_space<vmem>>
    %dma_start3A_133 = arith.constant 0 : i32
    %dma_start3A_134 = tpu.memref_slice %arg9[%dma_start3A_130, %dma_start3A_133] : memref<8x128xi32, #tpu.memory_space<vmem>> -> memref<1x128xi32, #tpu.memory_space<vmem>>
    %dma_start3A_135 = tpu.memref_squeeze %dma_start3A_134 : memref<1x128xi32, #tpu.memory_space<vmem>> -> memref<128xi32, #tpu.memory_space<vmem>>
    %dma_start3A_136 = arith.constant 0 : i32
    %dma_start3A_137 = tpu.memref_slice %arg24[%dma_start3A_136] : memref<1024xf32, #tpu.memory_space<vmem_shared>> -> memref<1024xf32, #tpu.memory_space<vmem_shared>>
    tpu.enqueue_indirect_dma source(%dma_start3A_132 : memref<128xf32, #tpu.memory_space<vmem>>) target(%dma_start3A_137 : memref<1024xf32, #tpu.memory_space<vmem_shared>>) offsets(%dma_start3A_135 : memref<128xi32, #tpu.memory_space<vmem>>) semaphore(%arg27 : memref<!tpu.dma_semaphore, #tpu.memory_space<semaphore_mem>>) {add = true}
    %dma_start3A_138 = arith.constant 3 : i32
    %dma_start3A_139 = arith.constant 384 : i32
    %dma_start3A_140 = tpu.memref_slice %arg12[%dma_start3A_139] : memref<1024xf32, #tpu.memory_space<vmem>> -> memref<128xf32, #tpu.memory_space<vmem>>
    %dma_start3A_141 = arith.constant 0 : i32
    %dma_start3A_142 = tpu.memref_slice %arg9[%dma_start3A_138, %dma_start3A_141] : memref<8x128xi32, #tpu.memory_space<vmem>> -> memref<1x128xi32, #tpu.memory_space<vmem>>
    %dma_start3A_143 = tpu.memref_squeeze %dma_start3A_142 : memref<1x128xi32, #tpu.memory_space<vmem>> -> memref<128xi32, #tpu.memory_space<vmem>>
    %dma_start3A_144 = arith.constant 0 : i32
    %dma_start3A_145 = tpu.memref_slice %arg25[%dma_start3A_144] : memref<1024xf32, #tpu.memory_space<vmem_shared>> -> memref<1024xf32, #tpu.memory_space<vmem_shared>>
    tpu.enqueue_indirect_dma source(%dma_start3A_140 : memref<128xf32, #tpu.memory_space<vmem>>) target(%dma_start3A_145 : memref<1024xf32, #tpu.memory_space<vmem_shared>>) offsets(%dma_start3A_143 : memref<128xi32, #tpu.memory_space<vmem>>) semaphore(%arg27 : memref<!tpu.dma_semaphore, #tpu.memory_space<semaphore_mem>>) {add = true}
    %dma_start3A_146 = arith.constant 3 : i32
    %dma_start3A_147 = arith.constant 0 : i32
    %dma_start3A_148 = tpu.memref_slice %arg9[%dma_start3A_146, %dma_start3A_147] : memref<8x128xi32, #tpu.memory_space<vmem>> -> memref<1x128xi32, #tpu.memory_space<vmem>>
    %dma_start3A_149 = tpu.memref_squeeze %dma_start3A_148 : memref<1x128xi32, #tpu.memory_space<vmem>> -> memref<128xi32, #tpu.memory_space<vmem>>
    %dma_start3A_150 = arith.constant 0 : i32
    %dma_start3A_151 = tpu.memref_slice %arg26[%dma_start3A_150] : memref<1024xf32, #tpu.memory_space<vmem_shared>> -> memref<1024xf32, #tpu.memory_space<vmem_shared>>
    tpu.enqueue_indirect_dma source(%arg13 : memref<128xf32, #tpu.memory_space<vmem>>) target(%dma_start3A_151 : memref<1024xf32, #tpu.memory_space<vmem_shared>>) offsets(%dma_start3A_149 : memref<128xi32, #tpu.memory_space<vmem>>) semaphore(%arg27 : memref<!tpu.dma_semaphore, #tpu.memory_space<semaphore_mem>>) {add = true}
    %dma_start3A_152 = arith.constant 4 : i32
    %dma_start3A_153 = arith.constant 512 : i32
    %dma_start3A_154 = tpu.memref_slice %arg10[%dma_start3A_153] : memref<1024xf32, #tpu.memory_space<vmem>> -> memref<128xf32, #tpu.memory_space<vmem>>
    %dma_start3A_155 = arith.constant 0 : i32
    %dma_start3A_156 = tpu.memref_slice %arg9[%dma_start3A_152, %dma_start3A_155] : memref<8x128xi32, #tpu.memory_space<vmem>> -> memref<1x128xi32, #tpu.memory_space<vmem>>
    %dma_start3A_157 = tpu.memref_squeeze %dma_start3A_156 : memref<1x128xi32, #tpu.memory_space<vmem>> -> memref<128xi32, #tpu.memory_space<vmem>>
    %dma_start3A_158 = arith.constant 0 : i32
    %dma_start3A_159 = tpu.memref_slice %arg23[%dma_start3A_158] : memref<1024xf32, #tpu.memory_space<vmem_shared>> -> memref<1024xf32, #tpu.memory_space<vmem_shared>>
    tpu.enqueue_indirect_dma source(%dma_start3A_154 : memref<128xf32, #tpu.memory_space<vmem>>) target(%dma_start3A_159 : memref<1024xf32, #tpu.memory_space<vmem_shared>>) offsets(%dma_start3A_157 : memref<128xi32, #tpu.memory_space<vmem>>) semaphore(%arg27 : memref<!tpu.dma_semaphore, #tpu.memory_space<semaphore_mem>>) {add = true}
    %dma_start3A_160 = arith.constant 4 : i32
    %dma_start3A_161 = arith.constant 512 : i32
    %dma_start3A_162 = tpu.memref_slice %arg11[%dma_start3A_161] : memref<1024xf32, #tpu.memory_space<vmem>> -> memref<128xf32, #tpu.memory_space<vmem>>
    %dma_start3A_163 = arith.constant 0 : i32
    %dma_start3A_164 = tpu.memref_slice %arg9[%dma_start3A_160, %dma_start3A_163] : memref<8x128xi32, #tpu.memory_space<vmem>> -> memref<1x128xi32, #tpu.memory_space<vmem>>
    %dma_start3A_165 = tpu.memref_squeeze %dma_start3A_164 : memref<1x128xi32, #tpu.memory_space<vmem>> -> memref<128xi32, #tpu.memory_space<vmem>>
    %dma_start3A_166 = arith.constant 0 : i32
    %dma_start3A_167 = tpu.memref_slice %arg24[%dma_start3A_166] : memref<1024xf32, #tpu.memory_space<vmem_shared>> -> memref<1024xf32, #tpu.memory_space<vmem_shared>>
    tpu.enqueue_indirect_dma source(%dma_start3A_162 : memref<128xf32, #tpu.memory_space<vmem>>) target(%dma_start3A_167 : memref<1024xf32, #tpu.memory_space<vmem_shared>>) offsets(%dma_start3A_165 : memref<128xi32, #tpu.memory_space<vmem>>) semaphore(%arg27 : memref<!tpu.dma_semaphore, #tpu.memory_space<semaphore_mem>>) {add = true}
    %dma_start3A_168 = arith.constant 4 : i32
    %dma_start3A_169 = arith.constant 512 : i32
    %dma_start3A_170 = tpu.memref_slice %arg12[%dma_start3A_169] : memref<1024xf32, #tpu.memory_space<vmem>> -> memref<128xf32, #tpu.memory_space<vmem>>
    %dma_start3A_171 = arith.constant 0 : i32
    %dma_start3A_172 = tpu.memref_slice %arg9[%dma_start3A_168, %dma_start3A_171] : memref<8x128xi32, #tpu.memory_space<vmem>> -> memref<1x128xi32, #tpu.memory_space<vmem>>
    %dma_start3A_173 = tpu.memref_squeeze %dma_start3A_172 : memref<1x128xi32, #tpu.memory_space<vmem>> -> memref<128xi32, #tpu.memory_space<vmem>>
    %dma_start3A_174 = arith.constant 0 : i32
    %dma_start3A_175 = tpu.memref_slice %arg25[%dma_start3A_174] : memref<1024xf32, #tpu.memory_space<vmem_shared>> -> memref<1024xf32, #tpu.memory_space<vmem_shared>>
    tpu.enqueue_indirect_dma source(%dma_start3A_170 : memref<128xf32, #tpu.memory_space<vmem>>) target(%dma_start3A_175 : memref<1024xf32, #tpu.memory_space<vmem_shared>>) offsets(%dma_start3A_173 : memref<128xi32, #tpu.memory_space<vmem>>) semaphore(%arg27 : memref<!tpu.dma_semaphore, #tpu.memory_space<semaphore_mem>>) {add = true}
    %dma_start3A_176 = arith.constant 4 : i32
    %dma_start3A_177 = arith.constant 0 : i32
    %dma_start3A_178 = tpu.memref_slice %arg9[%dma_start3A_176, %dma_start3A_177] : memref<8x128xi32, #tpu.memory_space<vmem>> -> memref<1x128xi32, #tpu.memory_space<vmem>>
    %dma_start3A_179 = tpu.memref_squeeze %dma_start3A_178 : memref<1x128xi32, #tpu.memory_space<vmem>> -> memref<128xi32, #tpu.memory_space<vmem>>
    %dma_start3A_180 = arith.constant 0 : i32
    %dma_start3A_181 = tpu.memref_slice %arg26[%dma_start3A_180] : memref<1024xf32, #tpu.memory_space<vmem_shared>> -> memref<1024xf32, #tpu.memory_space<vmem_shared>>
    tpu.enqueue_indirect_dma source(%arg13 : memref<128xf32, #tpu.memory_space<vmem>>) target(%dma_start3A_181 : memref<1024xf32, #tpu.memory_space<vmem_shared>>) offsets(%dma_start3A_179 : memref<128xi32, #tpu.memory_space<vmem>>) semaphore(%arg27 : memref<!tpu.dma_semaphore, #tpu.memory_space<semaphore_mem>>) {add = true}
    %dma_start3A_182 = arith.constant 5 : i32
    %dma_start3A_183 = arith.constant 640 : i32
    %dma_start3A_184 = tpu.memref_slice %arg10[%dma_start3A_183] : memref<1024xf32, #tpu.memory_space<vmem>> -> memref<128xf32, #tpu.memory_space<vmem>>
    %dma_start3A_185 = arith.constant 0 : i32
    %dma_start3A_186 = tpu.memref_slice %arg9[%dma_start3A_182, %dma_start3A_185] : memref<8x128xi32, #tpu.memory_space<vmem>> -> memref<1x128xi32, #tpu.memory_space<vmem>>
    %dma_start3A_187 = tpu.memref_squeeze %dma_start3A_186 : memref<1x128xi32, #tpu.memory_space<vmem>> -> memref<128xi32, #tpu.memory_space<vmem>>
    %dma_start3A_188 = arith.constant 0 : i32
    %dma_start3A_189 = tpu.memref_slice %arg23[%dma_start3A_188] : memref<1024xf32, #tpu.memory_space<vmem_shared>> -> memref<1024xf32, #tpu.memory_space<vmem_shared>>
    tpu.enqueue_indirect_dma source(%dma_start3A_184 : memref<128xf32, #tpu.memory_space<vmem>>) target(%dma_start3A_189 : memref<1024xf32, #tpu.memory_space<vmem_shared>>) offsets(%dma_start3A_187 : memref<128xi32, #tpu.memory_space<vmem>>) semaphore(%arg27 : memref<!tpu.dma_semaphore, #tpu.memory_space<semaphore_mem>>) {add = true}
    %dma_start3A_190 = arith.constant 5 : i32
    %dma_start3A_191 = arith.constant 640 : i32
    %dma_start3A_192 = tpu.memref_slice %arg11[%dma_start3A_191] : memref<1024xf32, #tpu.memory_space<vmem>> -> memref<128xf32, #tpu.memory_space<vmem>>
    %dma_start3A_193 = arith.constant 0 : i32
    %dma_start3A_194 = tpu.memref_slice %arg9[%dma_start3A_190, %dma_start3A_193] : memref<8x128xi32, #tpu.memory_space<vmem>> -> memref<1x128xi32, #tpu.memory_space<vmem>>
    %dma_start3A_195 = tpu.memref_squeeze %dma_start3A_194 : memref<1x128xi32, #tpu.memory_space<vmem>> -> memref<128xi32, #tpu.memory_space<vmem>>
    %dma_start3A_196 = arith.constant 0 : i32
    %dma_start3A_197 = tpu.memref_slice %arg24[%dma_start3A_196] : memref<1024xf32, #tpu.memory_space<vmem_shared>> -> memref<1024xf32, #tpu.memory_space<vmem_shared>>
    tpu.enqueue_indirect_dma source(%dma_start3A_192 : memref<128xf32, #tpu.memory_space<vmem>>) target(%dma_start3A_197 : memref<1024xf32, #tpu.memory_space<vmem_shared>>) offsets(%dma_start3A_195 : memref<128xi32, #tpu.memory_space<vmem>>) semaphore(%arg27 : memref<!tpu.dma_semaphore, #tpu.memory_space<semaphore_mem>>) {add = true}
    %dma_start3A_198 = arith.constant 5 : i32
    %dma_start3A_199 = arith.constant 640 : i32
    %dma_start3A_200 = tpu.memref_slice %arg12[%dma_start3A_199] : memref<1024xf32, #tpu.memory_space<vmem>> -> memref<128xf32, #tpu.memory_space<vmem>>
    %dma_start3A_201 = arith.constant 0 : i32
    %dma_start3A_202 = tpu.memref_slice %arg9[%dma_start3A_198, %dma_start3A_201] : memref<8x128xi32, #tpu.memory_space<vmem>> -> memref<1x128xi32, #tpu.memory_space<vmem>>
    %dma_start3A_203 = tpu.memref_squeeze %dma_start3A_202 : memref<1x128xi32, #tpu.memory_space<vmem>> -> memref<128xi32, #tpu.memory_space<vmem>>
    %dma_start3A_204 = arith.constant 0 : i32
    %dma_start3A_205 = tpu.memref_slice %arg25[%dma_start3A_204] : memref<1024xf32, #tpu.memory_space<vmem_shared>> -> memref<1024xf32, #tpu.memory_space<vmem_shared>>
    tpu.enqueue_indirect_dma source(%dma_start3A_200 : memref<128xf32, #tpu.memory_space<vmem>>) target(%dma_start3A_205 : memref<1024xf32, #tpu.memory_space<vmem_shared>>) offsets(%dma_start3A_203 : memref<128xi32, #tpu.memory_space<vmem>>) semaphore(%arg27 : memref<!tpu.dma_semaphore, #tpu.memory_space<semaphore_mem>>) {add = true}
    %dma_start3A_206 = arith.constant 5 : i32
    %dma_start3A_207 = arith.constant 0 : i32
    %dma_start3A_208 = tpu.memref_slice %arg9[%dma_start3A_206, %dma_start3A_207] : memref<8x128xi32, #tpu.memory_space<vmem>> -> memref<1x128xi32, #tpu.memory_space<vmem>>
    %dma_start3A_209 = tpu.memref_squeeze %dma_start3A_208 : memref<1x128xi32, #tpu.memory_space<vmem>> -> memref<128xi32, #tpu.memory_space<vmem>>
    %dma_start3A_210 = arith.constant 0 : i32
    %dma_start3A_211 = tpu.memref_slice %arg26[%dma_start3A_210] : memref<1024xf32, #tpu.memory_space<vmem_shared>> -> memref<1024xf32, #tpu.memory_space<vmem_shared>>
    tpu.enqueue_indirect_dma source(%arg13 : memref<128xf32, #tpu.memory_space<vmem>>) target(%dma_start3A_211 : memref<1024xf32, #tpu.memory_space<vmem_shared>>) offsets(%dma_start3A_209 : memref<128xi32, #tpu.memory_space<vmem>>) semaphore(%arg27 : memref<!tpu.dma_semaphore, #tpu.memory_space<semaphore_mem>>) {add = true}
    %dma_start3A_212 = arith.constant 6 : i32
    %dma_start3A_213 = arith.constant 768 : i32
    %dma_start3A_214 = tpu.memref_slice %arg10[%dma_start3A_213] : memref<1024xf32, #tpu.memory_space<vmem>> -> memref<128xf32, #tpu.memory_space<vmem>>
    %dma_start3A_215 = arith.constant 0 : i32
    %dma_start3A_216 = tpu.memref_slice %arg9[%dma_start3A_212, %dma_start3A_215] : memref<8x128xi32, #tpu.memory_space<vmem>> -> memref<1x128xi32, #tpu.memory_space<vmem>>
    %dma_start3A_217 = tpu.memref_squeeze %dma_start3A_216 : memref<1x128xi32, #tpu.memory_space<vmem>> -> memref<128xi32, #tpu.memory_space<vmem>>
    %dma_start3A_218 = arith.constant 0 : i32
    %dma_start3A_219 = tpu.memref_slice %arg23[%dma_start3A_218] : memref<1024xf32, #tpu.memory_space<vmem_shared>> -> memref<1024xf32, #tpu.memory_space<vmem_shared>>
    tpu.enqueue_indirect_dma source(%dma_start3A_214 : memref<128xf32, #tpu.memory_space<vmem>>) target(%dma_start3A_219 : memref<1024xf32, #tpu.memory_space<vmem_shared>>) offsets(%dma_start3A_217 : memref<128xi32, #tpu.memory_space<vmem>>) semaphore(%arg27 : memref<!tpu.dma_semaphore, #tpu.memory_space<semaphore_mem>>) {add = true}
    %dma_start3A_220 = arith.constant 6 : i32
    %dma_start3A_221 = arith.constant 768 : i32
    %dma_start3A_222 = tpu.memref_slice %arg11[%dma_start3A_221] : memref<1024xf32, #tpu.memory_space<vmem>> -> memref<128xf32, #tpu.memory_space<vmem>>
    %dma_start3A_223 = arith.constant 0 : i32
    %dma_start3A_224 = tpu.memref_slice %arg9[%dma_start3A_220, %dma_start3A_223] : memref<8x128xi32, #tpu.memory_space<vmem>> -> memref<1x128xi32, #tpu.memory_space<vmem>>
    %dma_start3A_225 = tpu.memref_squeeze %dma_start3A_224 : memref<1x128xi32, #tpu.memory_space<vmem>> -> memref<128xi32, #tpu.memory_space<vmem>>
    %dma_start3A_226 = arith.constant 0 : i32
    %dma_start3A_227 = tpu.memref_slice %arg24[%dma_start3A_226] : memref<1024xf32, #tpu.memory_space<vmem_shared>> -> memref<1024xf32, #tpu.memory_space<vmem_shared>>
    tpu.enqueue_indirect_dma source(%dma_start3A_222 : memref<128xf32, #tpu.memory_space<vmem>>) target(%dma_start3A_227 : memref<1024xf32, #tpu.memory_space<vmem_shared>>) offsets(%dma_start3A_225 : memref<128xi32, #tpu.memory_space<vmem>>) semaphore(%arg27 : memref<!tpu.dma_semaphore, #tpu.memory_space<semaphore_mem>>) {add = true}
    %dma_start3A_228 = arith.constant 6 : i32
    %dma_start3A_229 = arith.constant 768 : i32
    %dma_start3A_230 = tpu.memref_slice %arg12[%dma_start3A_229] : memref<1024xf32, #tpu.memory_space<vmem>> -> memref<128xf32, #tpu.memory_space<vmem>>
    %dma_start3A_231 = arith.constant 0 : i32
    %dma_start3A_232 = tpu.memref_slice %arg9[%dma_start3A_228, %dma_start3A_231] : memref<8x128xi32, #tpu.memory_space<vmem>> -> memref<1x128xi32, #tpu.memory_space<vmem>>
    %dma_start3A_233 = tpu.memref_squeeze %dma_start3A_232 : memref<1x128xi32, #tpu.memory_space<vmem>> -> memref<128xi32, #tpu.memory_space<vmem>>
    %dma_start3A_234 = arith.constant 0 : i32
    %dma_start3A_235 = tpu.memref_slice %arg25[%dma_start3A_234] : memref<1024xf32, #tpu.memory_space<vmem_shared>> -> memref<1024xf32, #tpu.memory_space<vmem_shared>>
    tpu.enqueue_indirect_dma source(%dma_start3A_230 : memref<128xf32, #tpu.memory_space<vmem>>) target(%dma_start3A_235 : memref<1024xf32, #tpu.memory_space<vmem_shared>>) offsets(%dma_start3A_233 : memref<128xi32, #tpu.memory_space<vmem>>) semaphore(%arg27 : memref<!tpu.dma_semaphore, #tpu.memory_space<semaphore_mem>>) {add = true}
    %dma_start3A_236 = arith.constant 6 : i32
    %dma_start3A_237 = arith.constant 0 : i32
    %dma_start3A_238 = tpu.memref_slice %arg9[%dma_start3A_236, %dma_start3A_237] : memref<8x128xi32, #tpu.memory_space<vmem>> -> memref<1x128xi32, #tpu.memory_space<vmem>>
    %dma_start3A_239 = tpu.memref_squeeze %dma_start3A_238 : memref<1x128xi32, #tpu.memory_space<vmem>> -> memref<128xi32, #tpu.memory_space<vmem>>
    %dma_start3A_240 = arith.constant 0 : i32
    %dma_start3A_241 = tpu.memref_slice %arg26[%dma_start3A_240] : memref<1024xf32, #tpu.memory_space<vmem_shared>> -> memref<1024xf32, #tpu.memory_space<vmem_shared>>
    tpu.enqueue_indirect_dma source(%arg13 : memref<128xf32, #tpu.memory_space<vmem>>) target(%dma_start3A_241 : memref<1024xf32, #tpu.memory_space<vmem_shared>>) offsets(%dma_start3A_239 : memref<128xi32, #tpu.memory_space<vmem>>) semaphore(%arg27 : memref<!tpu.dma_semaphore, #tpu.memory_space<semaphore_mem>>) {add = true}
    %dma_start3A_242 = arith.constant 7 : i32
    %dma_start3A_243 = arith.constant 896 : i32
    %dma_start3A_244 = tpu.memref_slice %arg10[%dma_start3A_243] : memref<1024xf32, #tpu.memory_space<vmem>> -> memref<128xf32, #tpu.memory_space<vmem>>
    %dma_start3A_245 = arith.constant 0 : i32
    %dma_start3A_246 = tpu.memref_slice %arg9[%dma_start3A_242, %dma_start3A_245] : memref<8x128xi32, #tpu.memory_space<vmem>> -> memref<1x128xi32, #tpu.memory_space<vmem>>
    %dma_start3A_247 = tpu.memref_squeeze %dma_start3A_246 : memref<1x128xi32, #tpu.memory_space<vmem>> -> memref<128xi32, #tpu.memory_space<vmem>>
    %dma_start3A_248 = arith.constant 0 : i32
    %dma_start3A_249 = tpu.memref_slice %arg23[%dma_start3A_248] : memref<1024xf32, #tpu.memory_space<vmem_shared>> -> memref<1024xf32, #tpu.memory_space<vmem_shared>>
    tpu.enqueue_indirect_dma source(%dma_start3A_244 : memref<128xf32, #tpu.memory_space<vmem>>) target(%dma_start3A_249 : memref<1024xf32, #tpu.memory_space<vmem_shared>>) offsets(%dma_start3A_247 : memref<128xi32, #tpu.memory_space<vmem>>) semaphore(%arg27 : memref<!tpu.dma_semaphore, #tpu.memory_space<semaphore_mem>>) {add = true}
    %dma_start3A_250 = arith.constant 7 : i32
    %dma_start3A_251 = arith.constant 896 : i32
    %dma_start3A_252 = tpu.memref_slice %arg11[%dma_start3A_251] : memref<1024xf32, #tpu.memory_space<vmem>> -> memref<128xf32, #tpu.memory_space<vmem>>
    %dma_start3A_253 = arith.constant 0 : i32
    %dma_start3A_254 = tpu.memref_slice %arg9[%dma_start3A_250, %dma_start3A_253] : memref<8x128xi32, #tpu.memory_space<vmem>> -> memref<1x128xi32, #tpu.memory_space<vmem>>
    %dma_start3A_255 = tpu.memref_squeeze %dma_start3A_254 : memref<1x128xi32, #tpu.memory_space<vmem>> -> memref<128xi32, #tpu.memory_space<vmem>>
    %dma_start3A_256 = arith.constant 0 : i32
    %dma_start3A_257 = tpu.memref_slice %arg24[%dma_start3A_256] : memref<1024xf32, #tpu.memory_space<vmem_shared>> -> memref<1024xf32, #tpu.memory_space<vmem_shared>>
    tpu.enqueue_indirect_dma source(%dma_start3A_252 : memref<128xf32, #tpu.memory_space<vmem>>) target(%dma_start3A_257 : memref<1024xf32, #tpu.memory_space<vmem_shared>>) offsets(%dma_start3A_255 : memref<128xi32, #tpu.memory_space<vmem>>) semaphore(%arg27 : memref<!tpu.dma_semaphore, #tpu.memory_space<semaphore_mem>>) {add = true}
    %dma_start3A_258 = arith.constant 7 : i32
    %dma_start3A_259 = arith.constant 896 : i32
    %dma_start3A_260 = tpu.memref_slice %arg12[%dma_start3A_259] : memref<1024xf32, #tpu.memory_space<vmem>> -> memref<128xf32, #tpu.memory_space<vmem>>
    %dma_start3A_261 = arith.constant 0 : i32
    %dma_start3A_262 = tpu.memref_slice %arg9[%dma_start3A_258, %dma_start3A_261] : memref<8x128xi32, #tpu.memory_space<vmem>> -> memref<1x128xi32, #tpu.memory_space<vmem>>
    %dma_start3A_263 = tpu.memref_squeeze %dma_start3A_262 : memref<1x128xi32, #tpu.memory_space<vmem>> -> memref<128xi32, #tpu.memory_space<vmem>>
    %dma_start3A_264 = arith.constant 0 : i32
    %dma_start3A_265 = tpu.memref_slice %arg25[%dma_start3A_264] : memref<1024xf32, #tpu.memory_space<vmem_shared>> -> memref<1024xf32, #tpu.memory_space<vmem_shared>>
    tpu.enqueue_indirect_dma source(%dma_start3A_260 : memref<128xf32, #tpu.memory_space<vmem>>) target(%dma_start3A_265 : memref<1024xf32, #tpu.memory_space<vmem_shared>>) offsets(%dma_start3A_263 : memref<128xi32, #tpu.memory_space<vmem>>) semaphore(%arg27 : memref<!tpu.dma_semaphore, #tpu.memory_space<semaphore_mem>>) {add = true}
    %dma_start3A_266 = arith.constant 7 : i32
    %dma_start3A_267 = arith.constant 0 : i32
    %dma_start3A_268 = tpu.memref_slice %arg9[%dma_start3A_266, %dma_start3A_267] : memref<8x128xi32, #tpu.memory_space<vmem>> -> memref<1x128xi32, #tpu.memory_space<vmem>>
    %dma_start3A_269 = tpu.memref_squeeze %dma_start3A_268 : memref<1x128xi32, #tpu.memory_space<vmem>> -> memref<128xi32, #tpu.memory_space<vmem>>
    %dma_start3A_270 = arith.constant 0 : i32
    %dma_start3A_271 = tpu.memref_slice %arg26[%dma_start3A_270] : memref<1024xf32, #tpu.memory_space<vmem_shared>> -> memref<1024xf32, #tpu.memory_space<vmem_shared>>
    tpu.enqueue_indirect_dma source(%arg13 : memref<128xf32, #tpu.memory_space<vmem>>) target(%dma_start3A_271 : memref<1024xf32, #tpu.memory_space<vmem_shared>>) offsets(%dma_start3A_269 : memref<128xi32, #tpu.memory_space<vmem>>) semaphore(%arg27 : memref<!tpu.dma_semaphore, #tpu.memory_space<semaphore_mem>>) {add = true}
    %dma_wait3A = arith.constant 0 : i32
    %dma_wait3A_272 = arith.constant 0 : i32
    %dma_wait3A_273 = tpu.memref_slice %arg10[%dma_wait3A_272] : memref<1024xf32, #tpu.memory_space<vmem>> -> memref<128xf32, #tpu.memory_space<vmem>>
    %dma_wait3A_274 = arith.constant 0 : i32
    %dma_wait3A_275 = tpu.memref_slice %arg9[%dma_wait3A, %dma_wait3A_274] : memref<8x128xi32, #tpu.memory_space<vmem>> -> memref<1x128xi32, #tpu.memory_space<vmem>>
    %dma_wait3A_276 = tpu.memref_squeeze %dma_wait3A_275 : memref<1x128xi32, #tpu.memory_space<vmem>> -> memref<128xi32, #tpu.memory_space<vmem>>
    %dma_wait3A_277 = arith.constant 0 : i32
    %dma_wait3A_278 = tpu.memref_slice %arg23[%dma_wait3A_277] : memref<1024xf32, #tpu.memory_space<vmem_shared>> -> memref<1024xf32, #tpu.memory_space<vmem_shared>>
    tpu.wait_indirect_dma semaphore(%arg27 : memref<!tpu.dma_semaphore, #tpu.memory_space<semaphore_mem>>) src(%dma_wait3A_273 : memref<128xf32, #tpu.memory_space<vmem>>) dst(%dma_wait3A_278 : memref<1024xf32, #tpu.memory_space<vmem_shared>>)
    %dma_wait3A_279 = arith.constant 0 : i32
    %dma_wait3A_280 = arith.constant 0 : i32
    %dma_wait3A_281 = tpu.memref_slice %arg11[%dma_wait3A_280] : memref<1024xf32, #tpu.memory_space<vmem>> -> memref<128xf32, #tpu.memory_space<vmem>>
    %dma_wait3A_282 = arith.constant 0 : i32
    %dma_wait3A_283 = tpu.memref_slice %arg9[%dma_wait3A_279, %dma_wait3A_282] : memref<8x128xi32, #tpu.memory_space<vmem>> -> memref<1x128xi32, #tpu.memory_space<vmem>>
    %dma_wait3A_284 = tpu.memref_squeeze %dma_wait3A_283 : memref<1x128xi32, #tpu.memory_space<vmem>> -> memref<128xi32, #tpu.memory_space<vmem>>
    %dma_wait3A_285 = arith.constant 0 : i32
    %dma_wait3A_286 = tpu.memref_slice %arg24[%dma_wait3A_285] : memref<1024xf32, #tpu.memory_space<vmem_shared>> -> memref<1024xf32, #tpu.memory_space<vmem_shared>>
    tpu.wait_indirect_dma semaphore(%arg27 : memref<!tpu.dma_semaphore, #tpu.memory_space<semaphore_mem>>) src(%dma_wait3A_281 : memref<128xf32, #tpu.memory_space<vmem>>) dst(%dma_wait3A_286 : memref<1024xf32, #tpu.memory_space<vmem_shared>>)
    %dma_wait3A_287 = arith.constant 0 : i32
    %dma_wait3A_288 = arith.constant 0 : i32
    %dma_wait3A_289 = tpu.memref_slice %arg12[%dma_wait3A_288] : memref<1024xf32, #tpu.memory_space<vmem>> -> memref<128xf32, #tpu.memory_space<vmem>>
    %dma_wait3A_290 = arith.constant 0 : i32
    %dma_wait3A_291 = tpu.memref_slice %arg9[%dma_wait3A_287, %dma_wait3A_290] : memref<8x128xi32, #tpu.memory_space<vmem>> -> memref<1x128xi32, #tpu.memory_space<vmem>>
    %dma_wait3A_292 = tpu.memref_squeeze %dma_wait3A_291 : memref<1x128xi32, #tpu.memory_space<vmem>> -> memref<128xi32, #tpu.memory_space<vmem>>
    %dma_wait3A_293 = arith.constant 0 : i32
    %dma_wait3A_294 = tpu.memref_slice %arg25[%dma_wait3A_293] : memref<1024xf32, #tpu.memory_space<vmem_shared>> -> memref<1024xf32, #tpu.memory_space<vmem_shared>>
    tpu.wait_indirect_dma semaphore(%arg27 : memref<!tpu.dma_semaphore, #tpu.memory_space<semaphore_mem>>) src(%dma_wait3A_289 : memref<128xf32, #tpu.memory_space<vmem>>) dst(%dma_wait3A_294 : memref<1024xf32, #tpu.memory_space<vmem_shared>>)
    %dma_wait3A_295 = arith.constant 0 : i32
    %dma_wait3A_296 = arith.constant 0 : i32
    %dma_wait3A_297 = tpu.memref_slice %arg9[%dma_wait3A_295, %dma_wait3A_296] : memref<8x128xi32, #tpu.memory_space<vmem>> -> memref<1x128xi32, #tpu.memory_space<vmem>>
    %dma_wait3A_298 = tpu.memref_squeeze %dma_wait3A_297 : memref<1x128xi32, #tpu.memory_space<vmem>> -> memref<128xi32, #tpu.memory_space<vmem>>
    %dma_wait3A_299 = arith.constant 0 : i32
    %dma_wait3A_300 = tpu.memref_slice %arg26[%dma_wait3A_299] : memref<1024xf32, #tpu.memory_space<vmem_shared>> -> memref<1024xf32, #tpu.memory_space<vmem_shared>>
    tpu.wait_indirect_dma semaphore(%arg27 : memref<!tpu.dma_semaphore, #tpu.memory_space<semaphore_mem>>) src(%arg13 : memref<128xf32, #tpu.memory_space<vmem>>) dst(%dma_wait3A_300 : memref<1024xf32, #tpu.memory_space<vmem_shared>>)
    %dma_wait3A_301 = arith.constant 1 : i32
    %dma_wait3A_302 = arith.constant 128 : i32
    %dma_wait3A_303 = tpu.memref_slice %arg10[%dma_wait3A_302] : memref<1024xf32, #tpu.memory_space<vmem>> -> memref<128xf32, #tpu.memory_space<vmem>>
    %dma_wait3A_304 = arith.constant 0 : i32
    %dma_wait3A_305 = tpu.memref_slice %arg9[%dma_wait3A_301, %dma_wait3A_304] : memref<8x128xi32, #tpu.memory_space<vmem>> -> memref<1x128xi32, #tpu.memory_space<vmem>>
    %dma_wait3A_306 = tpu.memref_squeeze %dma_wait3A_305 : memref<1x128xi32, #tpu.memory_space<vmem>> -> memref<128xi32, #tpu.memory_space<vmem>>
    %dma_wait3A_307 = arith.constant 0 : i32
    %dma_wait3A_308 = tpu.memref_slice %arg23[%dma_wait3A_307] : memref<1024xf32, #tpu.memory_space<vmem_shared>> -> memref<1024xf32, #tpu.memory_space<vmem_shared>>
    tpu.wait_indirect_dma semaphore(%arg27 : memref<!tpu.dma_semaphore, #tpu.memory_space<semaphore_mem>>) src(%dma_wait3A_303 : memref<128xf32, #tpu.memory_space<vmem>>) dst(%dma_wait3A_308 : memref<1024xf32, #tpu.memory_space<vmem_shared>>)
    %dma_wait3A_309 = arith.constant 1 : i32
    %dma_wait3A_310 = arith.constant 128 : i32
    %dma_wait3A_311 = tpu.memref_slice %arg11[%dma_wait3A_310] : memref<1024xf32, #tpu.memory_space<vmem>> -> memref<128xf32, #tpu.memory_space<vmem>>
    %dma_wait3A_312 = arith.constant 0 : i32
    %dma_wait3A_313 = tpu.memref_slice %arg9[%dma_wait3A_309, %dma_wait3A_312] : memref<8x128xi32, #tpu.memory_space<vmem>> -> memref<1x128xi32, #tpu.memory_space<vmem>>
    %dma_wait3A_314 = tpu.memref_squeeze %dma_wait3A_313 : memref<1x128xi32, #tpu.memory_space<vmem>> -> memref<128xi32, #tpu.memory_space<vmem>>
    %dma_wait3A_315 = arith.constant 0 : i32
    %dma_wait3A_316 = tpu.memref_slice %arg24[%dma_wait3A_315] : memref<1024xf32, #tpu.memory_space<vmem_shared>> -> memref<1024xf32, #tpu.memory_space<vmem_shared>>
    tpu.wait_indirect_dma semaphore(%arg27 : memref<!tpu.dma_semaphore, #tpu.memory_space<semaphore_mem>>) src(%dma_wait3A_311 : memref<128xf32, #tpu.memory_space<vmem>>) dst(%dma_wait3A_316 : memref<1024xf32, #tpu.memory_space<vmem_shared>>)
    %dma_wait3A_317 = arith.constant 1 : i32
    %dma_wait3A_318 = arith.constant 128 : i32
    %dma_wait3A_319 = tpu.memref_slice %arg12[%dma_wait3A_318] : memref<1024xf32, #tpu.memory_space<vmem>> -> memref<128xf32, #tpu.memory_space<vmem>>
    %dma_wait3A_320 = arith.constant 0 : i32
    %dma_wait3A_321 = tpu.memref_slice %arg9[%dma_wait3A_317, %dma_wait3A_320] : memref<8x128xi32, #tpu.memory_space<vmem>> -> memref<1x128xi32, #tpu.memory_space<vmem>>
    %dma_wait3A_322 = tpu.memref_squeeze %dma_wait3A_321 : memref<1x128xi32, #tpu.memory_space<vmem>> -> memref<128xi32, #tpu.memory_space<vmem>>
    %dma_wait3A_323 = arith.constant 0 : i32
    %dma_wait3A_324 = tpu.memref_slice %arg25[%dma_wait3A_323] : memref<1024xf32, #tpu.memory_space<vmem_shared>> -> memref<1024xf32, #tpu.memory_space<vmem_shared>>
    tpu.wait_indirect_dma semaphore(%arg27 : memref<!tpu.dma_semaphore, #tpu.memory_space<semaphore_mem>>) src(%dma_wait3A_319 : memref<128xf32, #tpu.memory_space<vmem>>) dst(%dma_wait3A_324 : memref<1024xf32, #tpu.memory_space<vmem_shared>>)
    %dma_wait3A_325 = arith.constant 1 : i32
    %dma_wait3A_326 = arith.constant 0 : i32
    %dma_wait3A_327 = tpu.memref_slice %arg9[%dma_wait3A_325, %dma_wait3A_326] : memref<8x128xi32, #tpu.memory_space<vmem>> -> memref<1x128xi32, #tpu.memory_space<vmem>>
    %dma_wait3A_328 = tpu.memref_squeeze %dma_wait3A_327 : memref<1x128xi32, #tpu.memory_space<vmem>> -> memref<128xi32, #tpu.memory_space<vmem>>
    %dma_wait3A_329 = arith.constant 0 : i32
    %dma_wait3A_330 = tpu.memref_slice %arg26[%dma_wait3A_329] : memref<1024xf32, #tpu.memory_space<vmem_shared>> -> memref<1024xf32, #tpu.memory_space<vmem_shared>>
    tpu.wait_indirect_dma semaphore(%arg27 : memref<!tpu.dma_semaphore, #tpu.memory_space<semaphore_mem>>) src(%arg13 : memref<128xf32, #tpu.memory_space<vmem>>) dst(%dma_wait3A_330 : memref<1024xf32, #tpu.memory_space<vmem_shared>>)
    %dma_wait3A_331 = arith.constant 2 : i32
    %dma_wait3A_332 = arith.constant 256 : i32
    %dma_wait3A_333 = tpu.memref_slice %arg10[%dma_wait3A_332] : memref<1024xf32, #tpu.memory_space<vmem>> -> memref<128xf32, #tpu.memory_space<vmem>>
    %dma_wait3A_334 = arith.constant 0 : i32
    %dma_wait3A_335 = tpu.memref_slice %arg9[%dma_wait3A_331, %dma_wait3A_334] : memref<8x128xi32, #tpu.memory_space<vmem>> -> memref<1x128xi32, #tpu.memory_space<vmem>>
    %dma_wait3A_336 = tpu.memref_squeeze %dma_wait3A_335 : memref<1x128xi32, #tpu.memory_space<vmem>> -> memref<128xi32, #tpu.memory_space<vmem>>
    %dma_wait3A_337 = arith.constant 0 : i32
    %dma_wait3A_338 = tpu.memref_slice %arg23[%dma_wait3A_337] : memref<1024xf32, #tpu.memory_space<vmem_shared>> -> memref<1024xf32, #tpu.memory_space<vmem_shared>>
    tpu.wait_indirect_dma semaphore(%arg27 : memref<!tpu.dma_semaphore, #tpu.memory_space<semaphore_mem>>) src(%dma_wait3A_333 : memref<128xf32, #tpu.memory_space<vmem>>) dst(%dma_wait3A_338 : memref<1024xf32, #tpu.memory_space<vmem_shared>>)
    %dma_wait3A_339 = arith.constant 2 : i32
    %dma_wait3A_340 = arith.constant 256 : i32
    %dma_wait3A_341 = tpu.memref_slice %arg11[%dma_wait3A_340] : memref<1024xf32, #tpu.memory_space<vmem>> -> memref<128xf32, #tpu.memory_space<vmem>>
    %dma_wait3A_342 = arith.constant 0 : i32
    %dma_wait3A_343 = tpu.memref_slice %arg9[%dma_wait3A_339, %dma_wait3A_342] : memref<8x128xi32, #tpu.memory_space<vmem>> -> memref<1x128xi32, #tpu.memory_space<vmem>>
    %dma_wait3A_344 = tpu.memref_squeeze %dma_wait3A_343 : memref<1x128xi32, #tpu.memory_space<vmem>> -> memref<128xi32, #tpu.memory_space<vmem>>
    %dma_wait3A_345 = arith.constant 0 : i32
    %dma_wait3A_346 = tpu.memref_slice %arg24[%dma_wait3A_345] : memref<1024xf32, #tpu.memory_space<vmem_shared>> -> memref<1024xf32, #tpu.memory_space<vmem_shared>>
    tpu.wait_indirect_dma semaphore(%arg27 : memref<!tpu.dma_semaphore, #tpu.memory_space<semaphore_mem>>) src(%dma_wait3A_341 : memref<128xf32, #tpu.memory_space<vmem>>) dst(%dma_wait3A_346 : memref<1024xf32, #tpu.memory_space<vmem_shared>>)
    %dma_wait3A_347 = arith.constant 2 : i32
    %dma_wait3A_348 = arith.constant 256 : i32
    %dma_wait3A_349 = tpu.memref_slice %arg12[%dma_wait3A_348] : memref<1024xf32, #tpu.memory_space<vmem>> -> memref<128xf32, #tpu.memory_space<vmem>>
    %dma_wait3A_350 = arith.constant 0 : i32
    %dma_wait3A_351 = tpu.memref_slice %arg9[%dma_wait3A_347, %dma_wait3A_350] : memref<8x128xi32, #tpu.memory_space<vmem>> -> memref<1x128xi32, #tpu.memory_space<vmem>>
    %dma_wait3A_352 = tpu.memref_squeeze %dma_wait3A_351 : memref<1x128xi32, #tpu.memory_space<vmem>> -> memref<128xi32, #tpu.memory_space<vmem>>
    %dma_wait3A_353 = arith.constant 0 : i32
    %dma_wait3A_354 = tpu.memref_slice %arg25[%dma_wait3A_353] : memref<1024xf32, #tpu.memory_space<vmem_shared>> -> memref<1024xf32, #tpu.memory_space<vmem_shared>>
    tpu.wait_indirect_dma semaphore(%arg27 : memref<!tpu.dma_semaphore, #tpu.memory_space<semaphore_mem>>) src(%dma_wait3A_349 : memref<128xf32, #tpu.memory_space<vmem>>) dst(%dma_wait3A_354 : memref<1024xf32, #tpu.memory_space<vmem_shared>>)
    %dma_wait3A_355 = arith.constant 2 : i32
    %dma_wait3A_356 = arith.constant 0 : i32
    %dma_wait3A_357 = tpu.memref_slice %arg9[%dma_wait3A_355, %dma_wait3A_356] : memref<8x128xi32, #tpu.memory_space<vmem>> -> memref<1x128xi32, #tpu.memory_space<vmem>>
    %dma_wait3A_358 = tpu.memref_squeeze %dma_wait3A_357 : memref<1x128xi32, #tpu.memory_space<vmem>> -> memref<128xi32, #tpu.memory_space<vmem>>
    %dma_wait3A_359 = arith.constant 0 : i32
    %dma_wait3A_360 = tpu.memref_slice %arg26[%dma_wait3A_359] : memref<1024xf32, #tpu.memory_space<vmem_shared>> -> memref<1024xf32, #tpu.memory_space<vmem_shared>>
    tpu.wait_indirect_dma semaphore(%arg27 : memref<!tpu.dma_semaphore, #tpu.memory_space<semaphore_mem>>) src(%arg13 : memref<128xf32, #tpu.memory_space<vmem>>) dst(%dma_wait3A_360 : memref<1024xf32, #tpu.memory_space<vmem_shared>>)
    %dma_wait3A_361 = arith.constant 3 : i32
    %dma_wait3A_362 = arith.constant 384 : i32
    %dma_wait3A_363 = tpu.memref_slice %arg10[%dma_wait3A_362] : memref<1024xf32, #tpu.memory_space<vmem>> -> memref<128xf32, #tpu.memory_space<vmem>>
    %dma_wait3A_364 = arith.constant 0 : i32
    %dma_wait3A_365 = tpu.memref_slice %arg9[%dma_wait3A_361, %dma_wait3A_364] : memref<8x128xi32, #tpu.memory_space<vmem>> -> memref<1x128xi32, #tpu.memory_space<vmem>>
    %dma_wait3A_366 = tpu.memref_squeeze %dma_wait3A_365 : memref<1x128xi32, #tpu.memory_space<vmem>> -> memref<128xi32, #tpu.memory_space<vmem>>
    %dma_wait3A_367 = arith.constant 0 : i32
    %dma_wait3A_368 = tpu.memref_slice %arg23[%dma_wait3A_367] : memref<1024xf32, #tpu.memory_space<vmem_shared>> -> memref<1024xf32, #tpu.memory_space<vmem_shared>>
    tpu.wait_indirect_dma semaphore(%arg27 : memref<!tpu.dma_semaphore, #tpu.memory_space<semaphore_mem>>) src(%dma_wait3A_363 : memref<128xf32, #tpu.memory_space<vmem>>) dst(%dma_wait3A_368 : memref<1024xf32, #tpu.memory_space<vmem_shared>>)
    %dma_wait3A_369 = arith.constant 3 : i32
    %dma_wait3A_370 = arith.constant 384 : i32
    %dma_wait3A_371 = tpu.memref_slice %arg11[%dma_wait3A_370] : memref<1024xf32, #tpu.memory_space<vmem>> -> memref<128xf32, #tpu.memory_space<vmem>>
    %dma_wait3A_372 = arith.constant 0 : i32
    %dma_wait3A_373 = tpu.memref_slice %arg9[%dma_wait3A_369, %dma_wait3A_372] : memref<8x128xi32, #tpu.memory_space<vmem>> -> memref<1x128xi32, #tpu.memory_space<vmem>>
    %dma_wait3A_374 = tpu.memref_squeeze %dma_wait3A_373 : memref<1x128xi32, #tpu.memory_space<vmem>> -> memref<128xi32, #tpu.memory_space<vmem>>
    %dma_wait3A_375 = arith.constant 0 : i32
    %dma_wait3A_376 = tpu.memref_slice %arg24[%dma_wait3A_375] : memref<1024xf32, #tpu.memory_space<vmem_shared>> -> memref<1024xf32, #tpu.memory_space<vmem_shared>>
    tpu.wait_indirect_dma semaphore(%arg27 : memref<!tpu.dma_semaphore, #tpu.memory_space<semaphore_mem>>) src(%dma_wait3A_371 : memref<128xf32, #tpu.memory_space<vmem>>) dst(%dma_wait3A_376 : memref<1024xf32, #tpu.memory_space<vmem_shared>>)
    %dma_wait3A_377 = arith.constant 3 : i32
    %dma_wait3A_378 = arith.constant 384 : i32
    %dma_wait3A_379 = tpu.memref_slice %arg12[%dma_wait3A_378] : memref<1024xf32, #tpu.memory_space<vmem>> -> memref<128xf32, #tpu.memory_space<vmem>>
    %dma_wait3A_380 = arith.constant 0 : i32
    %dma_wait3A_381 = tpu.memref_slice %arg9[%dma_wait3A_377, %dma_wait3A_380] : memref<8x128xi32, #tpu.memory_space<vmem>> -> memref<1x128xi32, #tpu.memory_space<vmem>>
    %dma_wait3A_382 = tpu.memref_squeeze %dma_wait3A_381 : memref<1x128xi32, #tpu.memory_space<vmem>> -> memref<128xi32, #tpu.memory_space<vmem>>
    %dma_wait3A_383 = arith.constant 0 : i32
    %dma_wait3A_384 = tpu.memref_slice %arg25[%dma_wait3A_383] : memref<1024xf32, #tpu.memory_space<vmem_shared>> -> memref<1024xf32, #tpu.memory_space<vmem_shared>>
    tpu.wait_indirect_dma semaphore(%arg27 : memref<!tpu.dma_semaphore, #tpu.memory_space<semaphore_mem>>) src(%dma_wait3A_379 : memref<128xf32, #tpu.memory_space<vmem>>) dst(%dma_wait3A_384 : memref<1024xf32, #tpu.memory_space<vmem_shared>>)
    %dma_wait3A_385 = arith.constant 3 : i32
    %dma_wait3A_386 = arith.constant 0 : i32
    %dma_wait3A_387 = tpu.memref_slice %arg9[%dma_wait3A_385, %dma_wait3A_386] : memref<8x128xi32, #tpu.memory_space<vmem>> -> memref<1x128xi32, #tpu.memory_space<vmem>>
    %dma_wait3A_388 = tpu.memref_squeeze %dma_wait3A_387 : memref<1x128xi32, #tpu.memory_space<vmem>> -> memref<128xi32, #tpu.memory_space<vmem>>
    %dma_wait3A_389 = arith.constant 0 : i32
    %dma_wait3A_390 = tpu.memref_slice %arg26[%dma_wait3A_389] : memref<1024xf32, #tpu.memory_space<vmem_shared>> -> memref<1024xf32, #tpu.memory_space<vmem_shared>>
    tpu.wait_indirect_dma semaphore(%arg27 : memref<!tpu.dma_semaphore, #tpu.memory_space<semaphore_mem>>) src(%arg13 : memref<128xf32, #tpu.memory_space<vmem>>) dst(%dma_wait3A_390 : memref<1024xf32, #tpu.memory_space<vmem_shared>>)
    %dma_wait3A_391 = arith.constant 4 : i32
    %dma_wait3A_392 = arith.constant 512 : i32
    %dma_wait3A_393 = tpu.memref_slice %arg10[%dma_wait3A_392] : memref<1024xf32, #tpu.memory_space<vmem>> -> memref<128xf32, #tpu.memory_space<vmem>>
    %dma_wait3A_394 = arith.constant 0 : i32
    %dma_wait3A_395 = tpu.memref_slice %arg9[%dma_wait3A_391, %dma_wait3A_394] : memref<8x128xi32, #tpu.memory_space<vmem>> -> memref<1x128xi32, #tpu.memory_space<vmem>>
    %dma_wait3A_396 = tpu.memref_squeeze %dma_wait3A_395 : memref<1x128xi32, #tpu.memory_space<vmem>> -> memref<128xi32, #tpu.memory_space<vmem>>
    %dma_wait3A_397 = arith.constant 0 : i32
    %dma_wait3A_398 = tpu.memref_slice %arg23[%dma_wait3A_397] : memref<1024xf32, #tpu.memory_space<vmem_shared>> -> memref<1024xf32, #tpu.memory_space<vmem_shared>>
    tpu.wait_indirect_dma semaphore(%arg27 : memref<!tpu.dma_semaphore, #tpu.memory_space<semaphore_mem>>) src(%dma_wait3A_393 : memref<128xf32, #tpu.memory_space<vmem>>) dst(%dma_wait3A_398 : memref<1024xf32, #tpu.memory_space<vmem_shared>>)
    %dma_wait3A_399 = arith.constant 4 : i32
    %dma_wait3A_400 = arith.constant 512 : i32
    %dma_wait3A_401 = tpu.memref_slice %arg11[%dma_wait3A_400] : memref<1024xf32, #tpu.memory_space<vmem>> -> memref<128xf32, #tpu.memory_space<vmem>>
    %dma_wait3A_402 = arith.constant 0 : i32
    %dma_wait3A_403 = tpu.memref_slice %arg9[%dma_wait3A_399, %dma_wait3A_402] : memref<8x128xi32, #tpu.memory_space<vmem>> -> memref<1x128xi32, #tpu.memory_space<vmem>>
    %dma_wait3A_404 = tpu.memref_squeeze %dma_wait3A_403 : memref<1x128xi32, #tpu.memory_space<vmem>> -> memref<128xi32, #tpu.memory_space<vmem>>
    %dma_wait3A_405 = arith.constant 0 : i32
    %dma_wait3A_406 = tpu.memref_slice %arg24[%dma_wait3A_405] : memref<1024xf32, #tpu.memory_space<vmem_shared>> -> memref<1024xf32, #tpu.memory_space<vmem_shared>>
    tpu.wait_indirect_dma semaphore(%arg27 : memref<!tpu.dma_semaphore, #tpu.memory_space<semaphore_mem>>) src(%dma_wait3A_401 : memref<128xf32, #tpu.memory_space<vmem>>) dst(%dma_wait3A_406 : memref<1024xf32, #tpu.memory_space<vmem_shared>>)
    %dma_wait3A_407 = arith.constant 4 : i32
    %dma_wait3A_408 = arith.constant 512 : i32
    %dma_wait3A_409 = tpu.memref_slice %arg12[%dma_wait3A_408] : memref<1024xf32, #tpu.memory_space<vmem>> -> memref<128xf32, #tpu.memory_space<vmem>>
    %dma_wait3A_410 = arith.constant 0 : i32
    %dma_wait3A_411 = tpu.memref_slice %arg9[%dma_wait3A_407, %dma_wait3A_410] : memref<8x128xi32, #tpu.memory_space<vmem>> -> memref<1x128xi32, #tpu.memory_space<vmem>>
    %dma_wait3A_412 = tpu.memref_squeeze %dma_wait3A_411 : memref<1x128xi32, #tpu.memory_space<vmem>> -> memref<128xi32, #tpu.memory_space<vmem>>
    %dma_wait3A_413 = arith.constant 0 : i32
    %dma_wait3A_414 = tpu.memref_slice %arg25[%dma_wait3A_413] : memref<1024xf32, #tpu.memory_space<vmem_shared>> -> memref<1024xf32, #tpu.memory_space<vmem_shared>>
    tpu.wait_indirect_dma semaphore(%arg27 : memref<!tpu.dma_semaphore, #tpu.memory_space<semaphore_mem>>) src(%dma_wait3A_409 : memref<128xf32, #tpu.memory_space<vmem>>) dst(%dma_wait3A_414 : memref<1024xf32, #tpu.memory_space<vmem_shared>>)
    %dma_wait3A_415 = arith.constant 4 : i32
    %dma_wait3A_416 = arith.constant 0 : i32
    %dma_wait3A_417 = tpu.memref_slice %arg9[%dma_wait3A_415, %dma_wait3A_416] : memref<8x128xi32, #tpu.memory_space<vmem>> -> memref<1x128xi32, #tpu.memory_space<vmem>>
    %dma_wait3A_418 = tpu.memref_squeeze %dma_wait3A_417 : memref<1x128xi32, #tpu.memory_space<vmem>> -> memref<128xi32, #tpu.memory_space<vmem>>
    %dma_wait3A_419 = arith.constant 0 : i32
    %dma_wait3A_420 = tpu.memref_slice %arg26[%dma_wait3A_419] : memref<1024xf32, #tpu.memory_space<vmem_shared>> -> memref<1024xf32, #tpu.memory_space<vmem_shared>>
    tpu.wait_indirect_dma semaphore(%arg27 : memref<!tpu.dma_semaphore, #tpu.memory_space<semaphore_mem>>) src(%arg13 : memref<128xf32, #tpu.memory_space<vmem>>) dst(%dma_wait3A_420 : memref<1024xf32, #tpu.memory_space<vmem_shared>>)
    %dma_wait3A_421 = arith.constant 5 : i32
    %dma_wait3A_422 = arith.constant 640 : i32
    %dma_wait3A_423 = tpu.memref_slice %arg10[%dma_wait3A_422] : memref<1024xf32, #tpu.memory_space<vmem>> -> memref<128xf32, #tpu.memory_space<vmem>>
    %dma_wait3A_424 = arith.constant 0 : i32
    %dma_wait3A_425 = tpu.memref_slice %arg9[%dma_wait3A_421, %dma_wait3A_424] : memref<8x128xi32, #tpu.memory_space<vmem>> -> memref<1x128xi32, #tpu.memory_space<vmem>>
    %dma_wait3A_426 = tpu.memref_squeeze %dma_wait3A_425 : memref<1x128xi32, #tpu.memory_space<vmem>> -> memref<128xi32, #tpu.memory_space<vmem>>
    %dma_wait3A_427 = arith.constant 0 : i32
    %dma_wait3A_428 = tpu.memref_slice %arg23[%dma_wait3A_427] : memref<1024xf32, #tpu.memory_space<vmem_shared>> -> memref<1024xf32, #tpu.memory_space<vmem_shared>>
    tpu.wait_indirect_dma semaphore(%arg27 : memref<!tpu.dma_semaphore, #tpu.memory_space<semaphore_mem>>) src(%dma_wait3A_423 : memref<128xf32, #tpu.memory_space<vmem>>) dst(%dma_wait3A_428 : memref<1024xf32, #tpu.memory_space<vmem_shared>>)
    %dma_wait3A_429 = arith.constant 5 : i32
    %dma_wait3A_430 = arith.constant 640 : i32
    %dma_wait3A_431 = tpu.memref_slice %arg11[%dma_wait3A_430] : memref<1024xf32, #tpu.memory_space<vmem>> -> memref<128xf32, #tpu.memory_space<vmem>>
    %dma_wait3A_432 = arith.constant 0 : i32
    %dma_wait3A_433 = tpu.memref_slice %arg9[%dma_wait3A_429, %dma_wait3A_432] : memref<8x128xi32, #tpu.memory_space<vmem>> -> memref<1x128xi32, #tpu.memory_space<vmem>>
    %dma_wait3A_434 = tpu.memref_squeeze %dma_wait3A_433 : memref<1x128xi32, #tpu.memory_space<vmem>> -> memref<128xi32, #tpu.memory_space<vmem>>
    %dma_wait3A_435 = arith.constant 0 : i32
    %dma_wait3A_436 = tpu.memref_slice %arg24[%dma_wait3A_435] : memref<1024xf32, #tpu.memory_space<vmem_shared>> -> memref<1024xf32, #tpu.memory_space<vmem_shared>>
    tpu.wait_indirect_dma semaphore(%arg27 : memref<!tpu.dma_semaphore, #tpu.memory_space<semaphore_mem>>) src(%dma_wait3A_431 : memref<128xf32, #tpu.memory_space<vmem>>) dst(%dma_wait3A_436 : memref<1024xf32, #tpu.memory_space<vmem_shared>>)
    %dma_wait3A_437 = arith.constant 5 : i32
    %dma_wait3A_438 = arith.constant 640 : i32
    %dma_wait3A_439 = tpu.memref_slice %arg12[%dma_wait3A_438] : memref<1024xf32, #tpu.memory_space<vmem>> -> memref<128xf32, #tpu.memory_space<vmem>>
    %dma_wait3A_440 = arith.constant 0 : i32
    %dma_wait3A_441 = tpu.memref_slice %arg9[%dma_wait3A_437, %dma_wait3A_440] : memref<8x128xi32, #tpu.memory_space<vmem>> -> memref<1x128xi32, #tpu.memory_space<vmem>>
    %dma_wait3A_442 = tpu.memref_squeeze %dma_wait3A_441 : memref<1x128xi32, #tpu.memory_space<vmem>> -> memref<128xi32, #tpu.memory_space<vmem>>
    %dma_wait3A_443 = arith.constant 0 : i32
    %dma_wait3A_444 = tpu.memref_slice %arg25[%dma_wait3A_443] : memref<1024xf32, #tpu.memory_space<vmem_shared>> -> memref<1024xf32, #tpu.memory_space<vmem_shared>>
    tpu.wait_indirect_dma semaphore(%arg27 : memref<!tpu.dma_semaphore, #tpu.memory_space<semaphore_mem>>) src(%dma_wait3A_439 : memref<128xf32, #tpu.memory_space<vmem>>) dst(%dma_wait3A_444 : memref<1024xf32, #tpu.memory_space<vmem_shared>>)
    %dma_wait3A_445 = arith.constant 5 : i32
    %dma_wait3A_446 = arith.constant 0 : i32
    %dma_wait3A_447 = tpu.memref_slice %arg9[%dma_wait3A_445, %dma_wait3A_446] : memref<8x128xi32, #tpu.memory_space<vmem>> -> memref<1x128xi32, #tpu.memory_space<vmem>>
    %dma_wait3A_448 = tpu.memref_squeeze %dma_wait3A_447 : memref<1x128xi32, #tpu.memory_space<vmem>> -> memref<128xi32, #tpu.memory_space<vmem>>
    %dma_wait3A_449 = arith.constant 0 : i32
    %dma_wait3A_450 = tpu.memref_slice %arg26[%dma_wait3A_449] : memref<1024xf32, #tpu.memory_space<vmem_shared>> -> memref<1024xf32, #tpu.memory_space<vmem_shared>>
    tpu.wait_indirect_dma semaphore(%arg27 : memref<!tpu.dma_semaphore, #tpu.memory_space<semaphore_mem>>) src(%arg13 : memref<128xf32, #tpu.memory_space<vmem>>) dst(%dma_wait3A_450 : memref<1024xf32, #tpu.memory_space<vmem_shared>>)
    %dma_wait3A_451 = arith.constant 6 : i32
    %dma_wait3A_452 = arith.constant 768 : i32
    %dma_wait3A_453 = tpu.memref_slice %arg10[%dma_wait3A_452] : memref<1024xf32, #tpu.memory_space<vmem>> -> memref<128xf32, #tpu.memory_space<vmem>>
    %dma_wait3A_454 = arith.constant 0 : i32
    %dma_wait3A_455 = tpu.memref_slice %arg9[%dma_wait3A_451, %dma_wait3A_454] : memref<8x128xi32, #tpu.memory_space<vmem>> -> memref<1x128xi32, #tpu.memory_space<vmem>>
    %dma_wait3A_456 = tpu.memref_squeeze %dma_wait3A_455 : memref<1x128xi32, #tpu.memory_space<vmem>> -> memref<128xi32, #tpu.memory_space<vmem>>
    %dma_wait3A_457 = arith.constant 0 : i32
    %dma_wait3A_458 = tpu.memref_slice %arg23[%dma_wait3A_457] : memref<1024xf32, #tpu.memory_space<vmem_shared>> -> memref<1024xf32, #tpu.memory_space<vmem_shared>>
    tpu.wait_indirect_dma semaphore(%arg27 : memref<!tpu.dma_semaphore, #tpu.memory_space<semaphore_mem>>) src(%dma_wait3A_453 : memref<128xf32, #tpu.memory_space<vmem>>) dst(%dma_wait3A_458 : memref<1024xf32, #tpu.memory_space<vmem_shared>>)
    %dma_wait3A_459 = arith.constant 6 : i32
    %dma_wait3A_460 = arith.constant 768 : i32
    %dma_wait3A_461 = tpu.memref_slice %arg11[%dma_wait3A_460] : memref<1024xf32, #tpu.memory_space<vmem>> -> memref<128xf32, #tpu.memory_space<vmem>>
    %dma_wait3A_462 = arith.constant 0 : i32
    %dma_wait3A_463 = tpu.memref_slice %arg9[%dma_wait3A_459, %dma_wait3A_462] : memref<8x128xi32, #tpu.memory_space<vmem>> -> memref<1x128xi32, #tpu.memory_space<vmem>>
    %dma_wait3A_464 = tpu.memref_squeeze %dma_wait3A_463 : memref<1x128xi32, #tpu.memory_space<vmem>> -> memref<128xi32, #tpu.memory_space<vmem>>
    %dma_wait3A_465 = arith.constant 0 : i32
    %dma_wait3A_466 = tpu.memref_slice %arg24[%dma_wait3A_465] : memref<1024xf32, #tpu.memory_space<vmem_shared>> -> memref<1024xf32, #tpu.memory_space<vmem_shared>>
    tpu.wait_indirect_dma semaphore(%arg27 : memref<!tpu.dma_semaphore, #tpu.memory_space<semaphore_mem>>) src(%dma_wait3A_461 : memref<128xf32, #tpu.memory_space<vmem>>) dst(%dma_wait3A_466 : memref<1024xf32, #tpu.memory_space<vmem_shared>>)
    %dma_wait3A_467 = arith.constant 6 : i32
    %dma_wait3A_468 = arith.constant 768 : i32
    %dma_wait3A_469 = tpu.memref_slice %arg12[%dma_wait3A_468] : memref<1024xf32, #tpu.memory_space<vmem>> -> memref<128xf32, #tpu.memory_space<vmem>>
    %dma_wait3A_470 = arith.constant 0 : i32
    %dma_wait3A_471 = tpu.memref_slice %arg9[%dma_wait3A_467, %dma_wait3A_470] : memref<8x128xi32, #tpu.memory_space<vmem>> -> memref<1x128xi32, #tpu.memory_space<vmem>>
    %dma_wait3A_472 = tpu.memref_squeeze %dma_wait3A_471 : memref<1x128xi32, #tpu.memory_space<vmem>> -> memref<128xi32, #tpu.memory_space<vmem>>
    %dma_wait3A_473 = arith.constant 0 : i32
    %dma_wait3A_474 = tpu.memref_slice %arg25[%dma_wait3A_473] : memref<1024xf32, #tpu.memory_space<vmem_shared>> -> memref<1024xf32, #tpu.memory_space<vmem_shared>>
    tpu.wait_indirect_dma semaphore(%arg27 : memref<!tpu.dma_semaphore, #tpu.memory_space<semaphore_mem>>) src(%dma_wait3A_469 : memref<128xf32, #tpu.memory_space<vmem>>) dst(%dma_wait3A_474 : memref<1024xf32, #tpu.memory_space<vmem_shared>>)
    %dma_wait3A_475 = arith.constant 6 : i32
    %dma_wait3A_476 = arith.constant 0 : i32
    %dma_wait3A_477 = tpu.memref_slice %arg9[%dma_wait3A_475, %dma_wait3A_476] : memref<8x128xi32, #tpu.memory_space<vmem>> -> memref<1x128xi32, #tpu.memory_space<vmem>>
    %dma_wait3A_478 = tpu.memref_squeeze %dma_wait3A_477 : memref<1x128xi32, #tpu.memory_space<vmem>> -> memref<128xi32, #tpu.memory_space<vmem>>
    %dma_wait3A_479 = arith.constant 0 : i32
    %dma_wait3A_480 = tpu.memref_slice %arg26[%dma_wait3A_479] : memref<1024xf32, #tpu.memory_space<vmem_shared>> -> memref<1024xf32, #tpu.memory_space<vmem_shared>>
    tpu.wait_indirect_dma semaphore(%arg27 : memref<!tpu.dma_semaphore, #tpu.memory_space<semaphore_mem>>) src(%arg13 : memref<128xf32, #tpu.memory_space<vmem>>) dst(%dma_wait3A_480 : memref<1024xf32, #tpu.memory_space<vmem_shared>>)
    %dma_wait3A_481 = arith.constant 7 : i32
    %dma_wait3A_482 = arith.constant 896 : i32
    %dma_wait3A_483 = tpu.memref_slice %arg10[%dma_wait3A_482] : memref<1024xf32, #tpu.memory_space<vmem>> -> memref<128xf32, #tpu.memory_space<vmem>>
    %dma_wait3A_484 = arith.constant 0 : i32
    %dma_wait3A_485 = tpu.memref_slice %arg9[%dma_wait3A_481, %dma_wait3A_484] : memref<8x128xi32, #tpu.memory_space<vmem>> -> memref<1x128xi32, #tpu.memory_space<vmem>>
    %dma_wait3A_486 = tpu.memref_squeeze %dma_wait3A_485 : memref<1x128xi32, #tpu.memory_space<vmem>> -> memref<128xi32, #tpu.memory_space<vmem>>
    %dma_wait3A_487 = arith.constant 0 : i32
    %dma_wait3A_488 = tpu.memref_slice %arg23[%dma_wait3A_487] : memref<1024xf32, #tpu.memory_space<vmem_shared>> -> memref<1024xf32, #tpu.memory_space<vmem_shared>>
    tpu.wait_indirect_dma semaphore(%arg27 : memref<!tpu.dma_semaphore, #tpu.memory_space<semaphore_mem>>) src(%dma_wait3A_483 : memref<128xf32, #tpu.memory_space<vmem>>) dst(%dma_wait3A_488 : memref<1024xf32, #tpu.memory_space<vmem_shared>>)
    %dma_wait3A_489 = arith.constant 7 : i32
    %dma_wait3A_490 = arith.constant 896 : i32
    %dma_wait3A_491 = tpu.memref_slice %arg11[%dma_wait3A_490] : memref<1024xf32, #tpu.memory_space<vmem>> -> memref<128xf32, #tpu.memory_space<vmem>>
    %dma_wait3A_492 = arith.constant 0 : i32
    %dma_wait3A_493 = tpu.memref_slice %arg9[%dma_wait3A_489, %dma_wait3A_492] : memref<8x128xi32, #tpu.memory_space<vmem>> -> memref<1x128xi32, #tpu.memory_space<vmem>>
    %dma_wait3A_494 = tpu.memref_squeeze %dma_wait3A_493 : memref<1x128xi32, #tpu.memory_space<vmem>> -> memref<128xi32, #tpu.memory_space<vmem>>
    %dma_wait3A_495 = arith.constant 0 : i32
    %dma_wait3A_496 = tpu.memref_slice %arg24[%dma_wait3A_495] : memref<1024xf32, #tpu.memory_space<vmem_shared>> -> memref<1024xf32, #tpu.memory_space<vmem_shared>>
    tpu.wait_indirect_dma semaphore(%arg27 : memref<!tpu.dma_semaphore, #tpu.memory_space<semaphore_mem>>) src(%dma_wait3A_491 : memref<128xf32, #tpu.memory_space<vmem>>) dst(%dma_wait3A_496 : memref<1024xf32, #tpu.memory_space<vmem_shared>>)
    %dma_wait3A_497 = arith.constant 7 : i32
    %dma_wait3A_498 = arith.constant 896 : i32
    %dma_wait3A_499 = tpu.memref_slice %arg12[%dma_wait3A_498] : memref<1024xf32, #tpu.memory_space<vmem>> -> memref<128xf32, #tpu.memory_space<vmem>>
    %dma_wait3A_500 = arith.constant 0 : i32
    %dma_wait3A_501 = tpu.memref_slice %arg9[%dma_wait3A_497, %dma_wait3A_500] : memref<8x128xi32, #tpu.memory_space<vmem>> -> memref<1x128xi32, #tpu.memory_space<vmem>>
    %dma_wait3A_502 = tpu.memref_squeeze %dma_wait3A_501 : memref<1x128xi32, #tpu.memory_space<vmem>> -> memref<128xi32, #tpu.memory_space<vmem>>
    %dma_wait3A_503 = arith.constant 0 : i32
    %dma_wait3A_504 = tpu.memref_slice %arg25[%dma_wait3A_503] : memref<1024xf32, #tpu.memory_space<vmem_shared>> -> memref<1024xf32, #tpu.memory_space<vmem_shared>>
    tpu.wait_indirect_dma semaphore(%arg27 : memref<!tpu.dma_semaphore, #tpu.memory_space<semaphore_mem>>) src(%dma_wait3A_499 : memref<128xf32, #tpu.memory_space<vmem>>) dst(%dma_wait3A_504 : memref<1024xf32, #tpu.memory_space<vmem_shared>>)
    %dma_wait3A_505 = arith.constant 7 : i32
    %dma_wait3A_506 = arith.constant 0 : i32
    %dma_wait3A_507 = tpu.memref_slice %arg9[%dma_wait3A_505, %dma_wait3A_506] : memref<8x128xi32, #tpu.memory_space<vmem>> -> memref<1x128xi32, #tpu.memory_space<vmem>>
    %dma_wait3A_508 = tpu.memref_squeeze %dma_wait3A_507 : memref<1x128xi32, #tpu.memory_space<vmem>> -> memref<128xi32, #tpu.memory_space<vmem>>
    %dma_wait3A_509 = arith.constant 0 : i32
    %dma_wait3A_510 = tpu.memref_slice %arg26[%dma_wait3A_509] : memref<1024xf32, #tpu.memory_space<vmem_shared>> -> memref<1024xf32, #tpu.memory_space<vmem_shared>>
    tpu.wait_indirect_dma semaphore(%arg27 : memref<!tpu.dma_semaphore, #tpu.memory_space<semaphore_mem>>) src(%arg13 : memref<128xf32, #tpu.memory_space<vmem>>) dst(%dma_wait3A_510 : memref<1024xf32, #tpu.memory_space<vmem_shared>>)
    %barrier3A_511 = arith.constant 0 : index
    tpu.barrier barrier_id(%barrier3A_511)
    "tpu.region"() ({
      %run_scoped3A = tpu.sem_alloc : memref<!tpu.dma_semaphore, #tpu.memory_space<semaphore_mem>>
      tpu.enqueue_dma source(%arg23 : memref<1024xf32, #tpu.memory_space<vmem_shared>>) target(%arg15 : memref<1024xf32, #tpu.memory_space<vmem>>) target_semaphore(%run_scoped3A : memref<!tpu.dma_semaphore, #tpu.memory_space<semaphore_mem>>)
      tpu.wait_dma2 semaphore(%run_scoped3A : memref<!tpu.dma_semaphore, #tpu.memory_space<semaphore_mem>>) src(%arg23 : memref<1024xf32, #tpu.memory_space<vmem_shared>>) dst(%arg15 : memref<1024xf32, #tpu.memory_space<vmem>>)
      tpu.yield
    }) : () -> ()
    "tpu.region"() ({
      %run_scoped3A = tpu.sem_alloc : memref<!tpu.dma_semaphore, #tpu.memory_space<semaphore_mem>>
      tpu.enqueue_dma source(%arg24 : memref<1024xf32, #tpu.memory_space<vmem_shared>>) target(%arg16 : memref<1024xf32, #tpu.memory_space<vmem>>) target_semaphore(%run_scoped3A : memref<!tpu.dma_semaphore, #tpu.memory_space<semaphore_mem>>)
      tpu.wait_dma2 semaphore(%run_scoped3A : memref<!tpu.dma_semaphore, #tpu.memory_space<semaphore_mem>>) src(%arg24 : memref<1024xf32, #tpu.memory_space<vmem_shared>>) dst(%arg16 : memref<1024xf32, #tpu.memory_space<vmem>>)
      tpu.yield
    }) : () -> ()
    "tpu.region"() ({
      %run_scoped3A = tpu.sem_alloc : memref<!tpu.dma_semaphore, #tpu.memory_space<semaphore_mem>>
      tpu.enqueue_dma source(%arg25 : memref<1024xf32, #tpu.memory_space<vmem_shared>>) target(%arg17 : memref<1024xf32, #tpu.memory_space<vmem>>) target_semaphore(%run_scoped3A : memref<!tpu.dma_semaphore, #tpu.memory_space<semaphore_mem>>)
      tpu.wait_dma2 semaphore(%run_scoped3A : memref<!tpu.dma_semaphore, #tpu.memory_space<semaphore_mem>>) src(%arg25 : memref<1024xf32, #tpu.memory_space<vmem_shared>>) dst(%arg17 : memref<1024xf32, #tpu.memory_space<vmem>>)
      tpu.yield
    }) : () -> ()
    "tpu.region"() ({
      %run_scoped3A = tpu.sem_alloc : memref<!tpu.dma_semaphore, #tpu.memory_space<semaphore_mem>>
      tpu.enqueue_dma source(%arg26 : memref<1024xf32, #tpu.memory_space<vmem_shared>>) target(%arg18 : memref<1024xf32, #tpu.memory_space<vmem>>) target_semaphore(%run_scoped3A : memref<!tpu.dma_semaphore, #tpu.memory_space<semaphore_mem>>)
      tpu.wait_dma2 semaphore(%run_scoped3A : memref<!tpu.dma_semaphore, #tpu.memory_space<semaphore_mem>>) src(%arg26 : memref<1024xf32, #tpu.memory_space<vmem_shared>>) dst(%arg18 : memref<1024xf32, #tpu.memory_space<vmem>>)
      tpu.yield
    }) : () -> ()
    %mul3A_512 = arith.constant 4 : i32
    %mul3A_513 = arith.muli %arg0, %mul3A_512 : i32
    "tpu.region"() ({
      %run_scoped3A = tpu.sem_alloc : memref<!tpu.dma_semaphore, #tpu.memory_space<semaphore_mem>>
      %dma_start3A_2178 = arith.constant 0 : i32
      %dma_start3A_2179 = tpu.memref_slice %arg2[%arg1, %mul3A_513, %dma_start3A_2178] : memref<16x8x128xi32, #tpu.memory_space<hbm>> -> memref<1x4x128xi32, #tpu.memory_space<hbm>>
      %dma_start3A_2180 = tpu.memref_squeeze %dma_start3A_2179 : memref<1x4x128xi32, #tpu.memory_space<hbm>> -> memref<4x128xi32, #tpu.memory_space<hbm>>
      %dma_start3A_2181 = arith.constant 0 : i32
      %dma_start3A_2182 = tpu.memref_slice %arg2[%arg1, %mul3A_513, %dma_start3A_2181] : memref<16x8x128xi32, #tpu.memory_space<hbm>> -> memref<1x4x128xi32, #tpu.memory_space<hbm>>
      %dma_start3A_2183 = tpu.memref_squeeze %dma_start3A_2182 : memref<1x4x128xi32, #tpu.memory_space<hbm>> -> memref<4x128xi32, #tpu.memory_space<hbm>>
      tpu.enqueue_dma source(%dma_start3A_2183 : memref<4x128xi32, #tpu.memory_space<hbm>>) target(%arg19 : memref<4x128xi32, #tpu.memory_space<vmem>>) target_semaphore(%run_scoped3A : memref<!tpu.dma_semaphore, #tpu.memory_space<semaphore_mem>>)
      %dma_wait3A_2184 = arith.constant 0 : i32
      %dma_wait3A_2185 = tpu.memref_slice %arg2[%arg1, %mul3A_513, %dma_wait3A_2184] : memref<16x8x128xi32, #tpu.memory_space<hbm>> -> memref<1x4x128xi32, #tpu.memory_space<hbm>>
      %dma_wait3A_2186 = tpu.memref_squeeze %dma_wait3A_2185 : memref<1x4x128xi32, #tpu.memory_space<hbm>> -> memref<4x128xi32, #tpu.memory_space<hbm>>
      %dma_wait3A_2187 = arith.constant 0 : i32
      %dma_wait3A_2188 = tpu.memref_slice %arg2[%arg1, %mul3A_513, %dma_wait3A_2187] : memref<16x8x128xi32, #tpu.memory_space<hbm>> -> memref<1x4x128xi32, #tpu.memory_space<hbm>>
      %dma_wait3A_2189 = tpu.memref_squeeze %dma_wait3A_2188 : memref<1x4x128xi32, #tpu.memory_space<hbm>> -> memref<4x128xi32, #tpu.memory_space<hbm>>
      tpu.wait_dma2 semaphore(%run_scoped3A : memref<!tpu.dma_semaphore, #tpu.memory_space<semaphore_mem>>) src(%dma_wait3A_2189 : memref<4x128xi32, #tpu.memory_space<hbm>>) dst(%arg19 : memref<4x128xi32, #tpu.memory_space<vmem>>)
      tpu.yield
    }) : () -> ()
    "tpu.region"() ({
      %run_scoped3A = tpu.sem_alloc : memref<!tpu.dma_semaphore, #tpu.memory_space<semaphore_mem>>
      %dma_start3A_2178 = tpu.memref_slice %arg6[%add3A] : memref<16384xf32, #tpu.memory_space<hbm>> -> memref<512xf32, #tpu.memory_space<hbm>>
      %dma_start3A_2179 = tpu.memref_slice %arg6[%add3A] : memref<16384xf32, #tpu.memory_space<hbm>> -> memref<512xf32, #tpu.memory_space<hbm>>
      tpu.enqueue_dma source(%dma_start3A_2179 : memref<512xf32, #tpu.memory_space<hbm>>) target(%arg20 : memref<512xf32, #tpu.memory_space<vmem>>) target_semaphore(%run_scoped3A : memref<!tpu.dma_semaphore, #tpu.memory_space<semaphore_mem>>)
      %dma_wait3A_2180 = tpu.memref_slice %arg6[%add3A] : memref<16384xf32, #tpu.memory_space<hbm>> -> memref<512xf32, #tpu.memory_space<hbm>>
      %dma_wait3A_2181 = tpu.memref_slice %arg6[%add3A] : memref<16384xf32, #tpu.memory_space<hbm>> -> memref<512xf32, #tpu.memory_space<hbm>>
      tpu.wait_dma2 semaphore(%run_scoped3A : memref<!tpu.dma_semaphore, #tpu.memory_space<semaphore_mem>>) src(%dma_wait3A_2181 : memref<512xf32, #tpu.memory_space<hbm>>) dst(%arg20 : memref<512xf32, #tpu.memory_space<vmem>>)
      tpu.yield
    }) : () -> ()
    "tpu.region"() ({
      %run_scoped3A = tpu.sem_alloc : memref<!tpu.dma_semaphore, #tpu.memory_space<semaphore_mem>>
      tpu.enqueue_dma source(%arg7 : memref<3x16xf32, #tpu.memory_space<hbm>>) target(%arg21 : memref<3x16xf32, #tpu.memory_space<vmem>>) target_semaphore(%run_scoped3A : memref<!tpu.dma_semaphore, #tpu.memory_space<semaphore_mem>>)
      tpu.wait_dma2 semaphore(%run_scoped3A : memref<!tpu.dma_semaphore, #tpu.memory_space<semaphore_mem>>) src(%arg7 : memref<3x16xf32, #tpu.memory_space<hbm>>) dst(%arg21 : memref<3x16xf32, #tpu.memory_space<vmem>>)
      tpu.yield
    }) : () -> ()
    %get3A = arith.constant 0 : i32
    %get3A_514 = arith.index_cast %get3A : i32 to index
    %get3A_515 = arith.constant 0 : index
    %get3A_516 = tpu.vector_load %arg21[%get3A_514, %get3A_515] {strides = array<i32>} : memref<3x16xf32, #tpu.memory_space<vmem>>, vector<16xf32>,
    %get3A_517 = arith.constant 1 : i32
    %get3A_518 = arith.index_cast %get3A_517 : i32 to index
    %get3A_519 = arith.constant 0 : index
    %get3A_520 = tpu.vector_load %arg21[%get3A_518, %get3A_519] {strides = array<i32>} : memref<3x16xf32, #tpu.memory_space<vmem>>, vector<16xf32>,
    %get3A_521 = arith.constant 2 : i32
    %get3A_522 = arith.index_cast %get3A_521 : i32 to index
    %get3A_523 = arith.constant 0 : index
    %get3A_524 = tpu.vector_load %arg21[%get3A_522, %get3A_523] {strides = array<i32>} : memref<3x16xf32, #tpu.memory_space<vmem>>, vector<16xf32>,
    %get3A_525 = arith.constant 0 : i32
    %get3A_526 = arith.index_cast %get3A_525 : i32 to index
    %get3A_527 = arith.constant 0 : index
    %get3A_528 = tpu.vector_load %arg19[%get3A_526, %get3A_527] {strides = array<i32>} : memref<4x128xi32, #tpu.memory_space<vmem>>, vector<16xi32>,
    %gather3A = tpu.vector_load_idx %arg15[%get3A_528] : memref<1024xf32, #tpu.memory_space<vmem>>[vector<16xi32>], vector<16xf32>,
    %gather3A_529 = tpu.vector_load_idx %arg16[%get3A_528] : memref<1024xf32, #tpu.memory_space<vmem>>[vector<16xi32>], vector<16xf32>,
    %gather3A_530 = tpu.vector_load_idx %arg17[%get3A_528] : memref<1024xf32, #tpu.memory_space<vmem>>[vector<16xi32>], vector<16xf32>,
    %gather3A_531 = tpu.vector_load_idx %arg18[%get3A_528] : memref<1024xf32, #tpu.memory_space<vmem>>[vector<16xi32>], vector<16xf32>,
    %eq3A = arith.constant 0.000000e+00 : f32
    %eq3A_532 = vector.broadcast %eq3A : f32 to vector<16xf32>
    %eq3A_533 = arith.cmpf oeq, %gather3A_531, %eq3A_532 : vector<16xf32>
    %jit3A = arith.constant 1.000000e+00 : f32
    %broadcast_in_dim3A_534 = vector.broadcast %jit3A : f32 to vector<16xf32>
    %select_n3A = arith.select %eq3A_533, %broadcast_in_dim3A_534, %gather3A_531 : vector<16xi1>, vector<16xf32>
    %div3A = arith.divf %gather3A, %select_n3A : vector<16xf32>
    %jit3A_535 = arith.constant 0.000000e+00 : f32
    %broadcast_in_dim3A_536 = vector.broadcast %jit3A_535 : f32 to vector<16xf32>
    %select_n3A_537 = arith.select %eq3A_533, %broadcast_in_dim3A_536, %div3A : vector<16xi1>, vector<16xf32>
    %div3A_538 = arith.divf %gather3A_529, %select_n3A : vector<16xf32>
    %jit3A_539 = arith.constant 0.000000e+00 : f32
    %broadcast_in_dim3A_540 = vector.broadcast %jit3A_539 : f32 to vector<16xf32>
    %select_n3A_541 = arith.select %eq3A_533, %broadcast_in_dim3A_540, %div3A_538 : vector<16xi1>, vector<16xf32>
    %div3A_542 = arith.divf %gather3A_530, %select_n3A : vector<16xf32>
    %jit3A_543 = arith.constant 0.000000e+00 : f32
    %broadcast_in_dim3A_544 = vector.broadcast %jit3A_543 : f32 to vector<16xf32>
    %select_n3A_545 = arith.select %eq3A_533, %broadcast_in_dim3A_544, %div3A_542 : vector<16xi1>, vector<16xf32>
    %get3A_546 = arith.constant 0 : index
    %get3A_547 = tpu.vector_load %arg20[%get3A_546] {strides = array<i32>} : memref<512xf32, #tpu.memory_space<vmem>>, vector<16xf32>,
    %add3A_548 = arith.addf %get3A_520, %select_n3A_541 : vector<16xf32>
    %sub3A = arith.subf %get3A_547, %add3A_548 : vector<16xf32>
    %add3A_549 = arith.addf %get3A_524, %select_n3A_545 : vector<16xf32>
    %max3A = arith.constant 1.000000e-01 : f32
    %max3A_550 = vector.broadcast %max3A : f32 to vector<16xf32>
    %max3A_551 = arith.maximumf %add3A_549, %max3A_550 : vector<16xf32>
    %div3A_552 = arith.divf %sub3A, %max3A_551 : vector<16xf32>
    %neg3A = arith.constant 0.000000e+00 : f32
    %neg3A_553 = vector.broadcast %neg3A : f32 to vector<16xf32>
    %neg3A_554 = arith.subf %neg3A_553, %div3A_552 : vector<16xf32>
    %jit3A_555 = arith.constant -5.000000e+01 : f32
    %jit3A_556 = arith.constant 5.000000e+01 : f32
    %max3A_557 = vector.broadcast %jit3A_555 : f32 to vector<16xf32>
    %max3A_558 = arith.maximumf %max3A_557, %neg3A_554 : vector<16xf32>
    %min3A = vector.broadcast %jit3A_556 : f32 to vector<16xf32>
    %min3A_559 = arith.minimumf %min3A, %max3A_558 : vector<16xf32>
    %exp3A = math.exp %min3A_559 : vector<16xf32>
    %add3A_560 = arith.addf %get3A_516, %select_n3A_537 : vector<16xf32>
    %add3A_561 = arith.constant 1.000000e+00 : f32
    %add3A_562 = vector.broadcast %add3A_561 : f32 to vector<16xf32>
    %add3A_563 = arith.addf %add3A_562, %exp3A : vector<16xf32>
    %div3A_564 = arith.divf %add3A_560, %add3A_563 : vector<16xf32>
    %swap3A = arith.constant 0 : index
    %swap3A_565 = tpu.vector_load %arg22[%swap3A] {strides = array<i32>} : memref<512xf32, #tpu.memory_space<vmem>>, vector<16xf32>,
    tpu.vector_store %arg22[%swap3A], %div3A_564 {strides = array<i32>} : memref<512xf32, #tpu.memory_space<vmem>>, vector<16xf32>,
    %get3A_566 = arith.constant 0 : i32
    %get3A_567 = arith.index_cast %get3A_566 : i32 to index
    %get3A_568 = arith.constant 16 : index
    %get3A_569 = tpu.vector_load %arg19[%get3A_567, %get3A_568] {strides = array<i32>} : memref<4x128xi32, #tpu.memory_space<vmem>>, vector<16xi32>,
    %gather3A_570 = tpu.vector_load_idx %arg15[%get3A_569] : memref<1024xf32, #tpu.memory_space<vmem>>[vector<16xi32>], vector<16xf32>,
    %gather3A_571 = tpu.vector_load_idx %arg16[%get3A_569] : memref<1024xf32, #tpu.memory_space<vmem>>[vector<16xi32>], vector<16xf32>,
    %gather3A_572 = tpu.vector_load_idx %arg17[%get3A_569] : memref<1024xf32, #tpu.memory_space<vmem>>[vector<16xi32>], vector<16xf32>,
    %gather3A_573 = tpu.vector_load_idx %arg18[%get3A_569] : memref<1024xf32, #tpu.memory_space<vmem>>[vector<16xi32>], vector<16xf32>,
    %eq3A_574 = arith.constant 0.000000e+00 : f32
    %eq3A_575 = vector.broadcast %eq3A_574 : f32 to vector<16xf32>
    %eq3A_576 = arith.cmpf oeq, %gather3A_573, %eq3A_575 : vector<16xf32>
    %jit3A_577 = arith.constant 1.000000e+00 : f32
    %broadcast_in_dim3A_578 = vector.broadcast %jit3A_577 : f32 to vector<16xf32>
    %select_n3A_579 = arith.select %eq3A_576, %broadcast_in_dim3A_578, %gather3A_573 : vector<16xi1>, vector<16xf32>
    %div3A_580 = arith.divf %gather3A_570, %select_n3A_579 : vector<16xf32>
    %jit3A_581 = arith.constant 0.000000e+00 : f32
    %broadcast_in_dim3A_582 = vector.broadcast %jit3A_581 : f32 to vector<16xf32>
    %select_n3A_583 = arith.select %eq3A_576, %broadcast_in_dim3A_582, %div3A_580 : vector<16xi1>, vector<16xf32>
    %div3A_584 = arith.divf %gather3A_571, %select_n3A_579 : vector<16xf32>
    %jit3A_585 = arith.constant 0.000000e+00 : f32
    %broadcast_in_dim3A_586 = vector.broadcast %jit3A_585 : f32 to vector<16xf32>
    %select_n3A_587 = arith.select %eq3A_576, %broadcast_in_dim3A_586, %div3A_584 : vector<16xi1>, vector<16xf32>
    %div3A_588 = arith.divf %gather3A_572, %select_n3A_579 : vector<16xf32>
    %jit3A_589 = arith.constant 0.000000e+00 : f32
    %broadcast_in_dim3A_590 = vector.broadcast %jit3A_589 : f32 to vector<16xf32>
    %select_n3A_591 = arith.select %eq3A_576, %broadcast_in_dim3A_590, %div3A_588 : vector<16xi1>, vector<16xf32>
    %get3A_592 = arith.constant 16 : index
    %get3A_593 = tpu.vector_load %arg20[%get3A_592] {strides = array<i32>} : memref<512xf32, #tpu.memory_space<vmem>>, vector<16xf32>,
    %add3A_594 = arith.addf %get3A_520, %select_n3A_587 : vector<16xf32>
    %sub3A_595 = arith.subf %get3A_593, %add3A_594 : vector<16xf32>
    %add3A_596 = arith.addf %get3A_524, %select_n3A_591 : vector<16xf32>
    %max3A_597 = arith.constant 1.000000e-01 : f32
    %max3A_598 = vector.broadcast %max3A_597 : f32 to vector<16xf32>
    %max3A_599 = arith.maximumf %add3A_596, %max3A_598 : vector<16xf32>
    %div3A_600 = arith.divf %sub3A_595, %max3A_599 : vector<16xf32>
    %neg3A_601 = arith.constant 0.000000e+00 : f32
    %neg3A_602 = vector.broadcast %neg3A_601 : f32 to vector<16xf32>
    %neg3A_603 = arith.subf %neg3A_602, %div3A_600 : vector<16xf32>
    %jit3A_604 = arith.constant -5.000000e+01 : f32
    %jit3A_605 = arith.constant 5.000000e+01 : f32
    %max3A_606 = vector.broadcast %jit3A_604 : f32 to vector<16xf32>
    %max3A_607 = arith.maximumf %max3A_606, %neg3A_603 : vector<16xf32>
    %min3A_608 = vector.broadcast %jit3A_605 : f32 to vector<16xf32>
    %min3A_609 = arith.minimumf %min3A_608, %max3A_607 : vector<16xf32>
    %exp3A_610 = math.exp %min3A_609 : vector<16xf32>
    %add3A_611 = arith.addf %get3A_516, %select_n3A_583 : vector<16xf32>
    %add3A_612 = arith.constant 1.000000e+00 : f32
    %add3A_613 = vector.broadcast %add3A_612 : f32 to vector<16xf32>
    %add3A_614 = arith.addf %add3A_613, %exp3A_610 : vector<16xf32>
    %div3A_615 = arith.divf %add3A_611, %add3A_614 : vector<16xf32>
    %swap3A_616 = arith.constant 16 : index
    %swap3A_617 = tpu.vector_load %arg22[%swap3A_616] {strides = array<i32>} : memref<512xf32, #tpu.memory_space<vmem>>, vector<16xf32>,
    tpu.vector_store %arg22[%swap3A_616], %div3A_615 {strides = array<i32>} : memref<512xf32, #tpu.memory_space<vmem>>, vector<16xf32>,
    %get3A_618 = arith.constant 0 : i32
    %get3A_619 = arith.index_cast %get3A_618 : i32 to index
    %get3A_620 = arith.constant 32 : index
    %get3A_621 = tpu.vector_load %arg19[%get3A_619, %get3A_620] {strides = array<i32>} : memref<4x128xi32, #tpu.memory_space<vmem>>, vector<16xi32>,
    %gather3A_622 = tpu.vector_load_idx %arg15[%get3A_621] : memref<1024xf32, #tpu.memory_space<vmem>>[vector<16xi32>], vector<16xf32>,
    %gather3A_623 = tpu.vector_load_idx %arg16[%get3A_621] : memref<1024xf32, #tpu.memory_space<vmem>>[vector<16xi32>], vector<16xf32>,
    %gather3A_624 = tpu.vector_load_idx %arg17[%get3A_621] : memref<1024xf32, #tpu.memory_space<vmem>>[vector<16xi32>], vector<16xf32>,
    %gather3A_625 = tpu.vector_load_idx %arg18[%get3A_621] : memref<1024xf32, #tpu.memory_space<vmem>>[vector<16xi32>], vector<16xf32>,
    %eq3A_626 = arith.constant 0.000000e+00 : f32
    %eq3A_627 = vector.broadcast %eq3A_626 : f32 to vector<16xf32>
    %eq3A_628 = arith.cmpf oeq, %gather3A_625, %eq3A_627 : vector<16xf32>
    %jit3A_629 = arith.constant 1.000000e+00 : f32
    %broadcast_in_dim3A_630 = vector.broadcast %jit3A_629 : f32 to vector<16xf32>
    %select_n3A_631 = arith.select %eq3A_628, %broadcast_in_dim3A_630, %gather3A_625 : vector<16xi1>, vector<16xf32>
    %div3A_632 = arith.divf %gather3A_622, %select_n3A_631 : vector<16xf32>
    %jit3A_633 = arith.constant 0.000000e+00 : f32
    %broadcast_in_dim3A_634 = vector.broadcast %jit3A_633 : f32 to vector<16xf32>
    %select_n3A_635 = arith.select %eq3A_628, %broadcast_in_dim3A_634, %div3A_632 : vector<16xi1>, vector<16xf32>
    %div3A_636 = arith.divf %gather3A_623, %select_n3A_631 : vector<16xf32>
    %jit3A_637 = arith.constant 0.000000e+00 : f32
    %broadcast_in_dim3A_638 = vector.broadcast %jit3A_637 : f32 to vector<16xf32>
    %select_n3A_639 = arith.select %eq3A_628, %broadcast_in_dim3A_638, %div3A_636 : vector<16xi1>, vector<16xf32>
    %div3A_640 = arith.divf %gather3A_624, %select_n3A_631 : vector<16xf32>
    %jit3A_641 = arith.constant 0.000000e+00 : f32
    %broadcast_in_dim3A_642 = vector.broadcast %jit3A_641 : f32 to vector<16xf32>
    %select_n3A_643 = arith.select %eq3A_628, %broadcast_in_dim3A_642, %div3A_640 : vector<16xi1>, vector<16xf32>
    %get3A_644 = arith.constant 32 : index
    %get3A_645 = tpu.vector_load %arg20[%get3A_644] {strides = array<i32>} : memref<512xf32, #tpu.memory_space<vmem>>, vector<16xf32>,
    %add3A_646 = arith.addf %get3A_520, %select_n3A_639 : vector<16xf32>
    %sub3A_647 = arith.subf %get3A_645, %add3A_646 : vector<16xf32>
    %add3A_648 = arith.addf %get3A_524, %select_n3A_643 : vector<16xf32>
    %max3A_649 = arith.constant 1.000000e-01 : f32
    %max3A_650 = vector.broadcast %max3A_649 : f32 to vector<16xf32>
    %max3A_651 = arith.maximumf %add3A_648, %max3A_650 : vector<16xf32>
    %div3A_652 = arith.divf %sub3A_647, %max3A_651 : vector<16xf32>
    %neg3A_653 = arith.constant 0.000000e+00 : f32
    %neg3A_654 = vector.broadcast %neg3A_653 : f32 to vector<16xf32>
    %neg3A_655 = arith.subf %neg3A_654, %div3A_652 : vector<16xf32>
    %jit3A_656 = arith.constant -5.000000e+01 : f32
    %jit3A_657 = arith.constant 5.000000e+01 : f32
    %max3A_658 = vector.broadcast %jit3A_656 : f32 to vector<16xf32>
    %max3A_659 = arith.maximumf %max3A_658, %neg3A_655 : vector<16xf32>
    %min3A_660 = vector.broadcast %jit3A_657 : f32 to vector<16xf32>
    %min3A_661 = arith.minimumf %min3A_660, %max3A_659 : vector<16xf32>
    %exp3A_662 = math.exp %min3A_661 : vector<16xf32>
    %add3A_663 = arith.addf %get3A_516, %select_n3A_635 : vector<16xf32>
    %add3A_664 = arith.constant 1.000000e+00 : f32
    %add3A_665 = vector.broadcast %add3A_664 : f32 to vector<16xf32>
    %add3A_666 = arith.addf %add3A_665, %exp3A_662 : vector<16xf32>
    %div3A_667 = arith.divf %add3A_663, %add3A_666 : vector<16xf32>
    %swap3A_668 = arith.constant 32 : index
    %swap3A_669 = tpu.vector_load %arg22[%swap3A_668] {strides = array<i32>} : memref<512xf32, #tpu.memory_space<vmem>>, vector<16xf32>,
    tpu.vector_store %arg22[%swap3A_668], %div3A_667 {strides = array<i32>} : memref<512xf32, #tpu.memory_space<vmem>>, vector<16xf32>,
    %get3A_670 = arith.constant 0 : i32
    %get3A_671 = arith.index_cast %get3A_670 : i32 to index
    %get3A_672 = arith.constant 48 : index
    %get3A_673 = tpu.vector_load %arg19[%get3A_671, %get3A_672] {strides = array<i32>} : memref<4x128xi32, #tpu.memory_space<vmem>>, vector<16xi32>,
    %gather3A_674 = tpu.vector_load_idx %arg15[%get3A_673] : memref<1024xf32, #tpu.memory_space<vmem>>[vector<16xi32>], vector<16xf32>,
    %gather3A_675 = tpu.vector_load_idx %arg16[%get3A_673] : memref<1024xf32, #tpu.memory_space<vmem>>[vector<16xi32>], vector<16xf32>,
    %gather3A_676 = tpu.vector_load_idx %arg17[%get3A_673] : memref<1024xf32, #tpu.memory_space<vmem>>[vector<16xi32>], vector<16xf32>,
    %gather3A_677 = tpu.vector_load_idx %arg18[%get3A_673] : memref<1024xf32, #tpu.memory_space<vmem>>[vector<16xi32>], vector<16xf32>,
    %eq3A_678 = arith.constant 0.000000e+00 : f32
    %eq3A_679 = vector.broadcast %eq3A_678 : f32 to vector<16xf32>
    %eq3A_680 = arith.cmpf oeq, %gather3A_677, %eq3A_679 : vector<16xf32>
    %jit3A_681 = arith.constant 1.000000e+00 : f32
    %broadcast_in_dim3A_682 = vector.broadcast %jit3A_681 : f32 to vector<16xf32>
    %select_n3A_683 = arith.select %eq3A_680, %broadcast_in_dim3A_682, %gather3A_677 : vector<16xi1>, vector<16xf32>
    %div3A_684 = arith.divf %gather3A_674, %select_n3A_683 : vector<16xf32>
    %jit3A_685 = arith.constant 0.000000e+00 : f32
    %broadcast_in_dim3A_686 = vector.broadcast %jit3A_685 : f32 to vector<16xf32>
    %select_n3A_687 = arith.select %eq3A_680, %broadcast_in_dim3A_686, %div3A_684 : vector<16xi1>, vector<16xf32>
    %div3A_688 = arith.divf %gather3A_675, %select_n3A_683 : vector<16xf32>
    %jit3A_689 = arith.constant 0.000000e+00 : f32
    %broadcast_in_dim3A_690 = vector.broadcast %jit3A_689 : f32 to vector<16xf32>
    %select_n3A_691 = arith.select %eq3A_680, %broadcast_in_dim3A_690, %div3A_688 : vector<16xi1>, vector<16xf32>
    %div3A_692 = arith.divf %gather3A_676, %select_n3A_683 : vector<16xf32>
    %jit3A_693 = arith.constant 0.000000e+00 : f32
    %broadcast_in_dim3A_694 = vector.broadcast %jit3A_693 : f32 to vector<16xf32>
    %select_n3A_695 = arith.select %eq3A_680, %broadcast_in_dim3A_694, %div3A_692 : vector<16xi1>, vector<16xf32>
    %get3A_696 = arith.constant 48 : index
    %get3A_697 = tpu.vector_load %arg20[%get3A_696] {strides = array<i32>} : memref<512xf32, #tpu.memory_space<vmem>>, vector<16xf32>,
    %add3A_698 = arith.addf %get3A_520, %select_n3A_691 : vector<16xf32>
    %sub3A_699 = arith.subf %get3A_697, %add3A_698 : vector<16xf32>
    %add3A_700 = arith.addf %get3A_524, %select_n3A_695 : vector<16xf32>
    %max3A_701 = arith.constant 1.000000e-01 : f32
    %max3A_702 = vector.broadcast %max3A_701 : f32 to vector<16xf32>
    %max3A_703 = arith.maximumf %add3A_700, %max3A_702 : vector<16xf32>
    %div3A_704 = arith.divf %sub3A_699, %max3A_703 : vector<16xf32>
    %neg3A_705 = arith.constant 0.000000e+00 : f32
    %neg3A_706 = vector.broadcast %neg3A_705 : f32 to vector<16xf32>
    %neg3A_707 = arith.subf %neg3A_706, %div3A_704 : vector<16xf32>
    %jit3A_708 = arith.constant -5.000000e+01 : f32
    %jit3A_709 = arith.constant 5.000000e+01 : f32
    %max3A_710 = vector.broadcast %jit3A_708 : f32 to vector<16xf32>
    %max3A_711 = arith.maximumf %max3A_710, %neg3A_707 : vector<16xf32>
    %min3A_712 = vector.broadcast %jit3A_709 : f32 to vector<16xf32>
    %min3A_713 = arith.minimumf %min3A_712, %max3A_711 : vector<16xf32>
    %exp3A_714 = math.exp %min3A_713 : vector<16xf32>
    %add3A_715 = arith.addf %get3A_516, %select_n3A_687 : vector<16xf32>
    %add3A_716 = arith.constant 1.000000e+00 : f32
    %add3A_717 = vector.broadcast %add3A_716 : f32 to vector<16xf32>
    %add3A_718 = arith.addf %add3A_717, %exp3A_714 : vector<16xf32>
    %div3A_719 = arith.divf %add3A_715, %add3A_718 : vector<16xf32>
    %swap3A_720 = arith.constant 48 : index
    %swap3A_721 = tpu.vector_load %arg22[%swap3A_720] {strides = array<i32>} : memref<512xf32, #tpu.memory_space<vmem>>, vector<16xf32>,
    tpu.vector_store %arg22[%swap3A_720], %div3A_719 {strides = array<i32>} : memref<512xf32, #tpu.memory_space<vmem>>, vector<16xf32>,
    %get3A_722 = arith.constant 0 : i32
    %get3A_723 = arith.index_cast %get3A_722 : i32 to index
    %get3A_724 = arith.constant 64 : index
    %get3A_725 = tpu.vector_load %arg19[%get3A_723, %get3A_724] {strides = array<i32>} : memref<4x128xi32, #tpu.memory_space<vmem>>, vector<16xi32>,
    %gather3A_726 = tpu.vector_load_idx %arg15[%get3A_725] : memref<1024xf32, #tpu.memory_space<vmem>>[vector<16xi32>], vector<16xf32>,
    %gather3A_727 = tpu.vector_load_idx %arg16[%get3A_725] : memref<1024xf32, #tpu.memory_space<vmem>>[vector<16xi32>], vector<16xf32>,
    %gather3A_728 = tpu.vector_load_idx %arg17[%get3A_725] : memref<1024xf32, #tpu.memory_space<vmem>>[vector<16xi32>], vector<16xf32>,
    %gather3A_729 = tpu.vector_load_idx %arg18[%get3A_725] : memref<1024xf32, #tpu.memory_space<vmem>>[vector<16xi32>], vector<16xf32>,
    %eq3A_730 = arith.constant 0.000000e+00 : f32
    %eq3A_731 = vector.broadcast %eq3A_730 : f32 to vector<16xf32>
    %eq3A_732 = arith.cmpf oeq, %gather3A_729, %eq3A_731 : vector<16xf32>
    %jit3A_733 = arith.constant 1.000000e+00 : f32
    %broadcast_in_dim3A_734 = vector.broadcast %jit3A_733 : f32 to vector<16xf32>
    %select_n3A_735 = arith.select %eq3A_732, %broadcast_in_dim3A_734, %gather3A_729 : vector<16xi1>, vector<16xf32>
    %div3A_736 = arith.divf %gather3A_726, %select_n3A_735 : vector<16xf32>
    %jit3A_737 = arith.constant 0.000000e+00 : f32
    %broadcast_in_dim3A_738 = vector.broadcast %jit3A_737 : f32 to vector<16xf32>
    %select_n3A_739 = arith.select %eq3A_732, %broadcast_in_dim3A_738, %div3A_736 : vector<16xi1>, vector<16xf32>
    %div3A_740 = arith.divf %gather3A_727, %select_n3A_735 : vector<16xf32>
    %jit3A_741 = arith.constant 0.000000e+00 : f32
    %broadcast_in_dim3A_742 = vector.broadcast %jit3A_741 : f32 to vector<16xf32>
    %select_n3A_743 = arith.select %eq3A_732, %broadcast_in_dim3A_742, %div3A_740 : vector<16xi1>, vector<16xf32>
    %div3A_744 = arith.divf %gather3A_728, %select_n3A_735 : vector<16xf32>
    %jit3A_745 = arith.constant 0.000000e+00 : f32
    %broadcast_in_dim3A_746 = vector.broadcast %jit3A_745 : f32 to vector<16xf32>
    %select_n3A_747 = arith.select %eq3A_732, %broadcast_in_dim3A_746, %div3A_744 : vector<16xi1>, vector<16xf32>
    %get3A_748 = arith.constant 64 : index
    %get3A_749 = tpu.vector_load %arg20[%get3A_748] {strides = array<i32>} : memref<512xf32, #tpu.memory_space<vmem>>, vector<16xf32>,
    %add3A_750 = arith.addf %get3A_520, %select_n3A_743 : vector<16xf32>
    %sub3A_751 = arith.subf %get3A_749, %add3A_750 : vector<16xf32>
    %add3A_752 = arith.addf %get3A_524, %select_n3A_747 : vector<16xf32>
    %max3A_753 = arith.constant 1.000000e-01 : f32
    %max3A_754 = vector.broadcast %max3A_753 : f32 to vector<16xf32>
    %max3A_755 = arith.maximumf %add3A_752, %max3A_754 : vector<16xf32>
    %div3A_756 = arith.divf %sub3A_751, %max3A_755 : vector<16xf32>
    %neg3A_757 = arith.constant 0.000000e+00 : f32
    %neg3A_758 = vector.broadcast %neg3A_757 : f32 to vector<16xf32>
    %neg3A_759 = arith.subf %neg3A_758, %div3A_756 : vector<16xf32>
    %jit3A_760 = arith.constant -5.000000e+01 : f32
    %jit3A_761 = arith.constant 5.000000e+01 : f32
    %max3A_762 = vector.broadcast %jit3A_760 : f32 to vector<16xf32>
    %max3A_763 = arith.maximumf %max3A_762, %neg3A_759 : vector<16xf32>
    %min3A_764 = vector.broadcast %jit3A_761 : f32 to vector<16xf32>
    %min3A_765 = arith.minimumf %min3A_764, %max3A_763 : vector<16xf32>
    %exp3A_766 = math.exp %min3A_765 : vector<16xf32>
    %add3A_767 = arith.addf %get3A_516, %select_n3A_739 : vector<16xf32>
    %add3A_768 = arith.constant 1.000000e+00 : f32
    %add3A_769 = vector.broadcast %add3A_768 : f32 to vector<16xf32>
    %add3A_770 = arith.addf %add3A_769, %exp3A_766 : vector<16xf32>
    %div3A_771 = arith.divf %add3A_767, %add3A_770 : vector<16xf32>
    %swap3A_772 = arith.constant 64 : index
    %swap3A_773 = tpu.vector_load %arg22[%swap3A_772] {strides = array<i32>} : memref<512xf32, #tpu.memory_space<vmem>>, vector<16xf32>,
    tpu.vector_store %arg22[%swap3A_772], %div3A_771 {strides = array<i32>} : memref<512xf32, #tpu.memory_space<vmem>>, vector<16xf32>,
    %get3A_774 = arith.constant 0 : i32
    %get3A_775 = arith.index_cast %get3A_774 : i32 to index
    %get3A_776 = arith.constant 80 : index
    %get3A_777 = tpu.vector_load %arg19[%get3A_775, %get3A_776] {strides = array<i32>} : memref<4x128xi32, #tpu.memory_space<vmem>>, vector<16xi32>,
    %gather3A_778 = tpu.vector_load_idx %arg15[%get3A_777] : memref<1024xf32, #tpu.memory_space<vmem>>[vector<16xi32>], vector<16xf32>,
    %gather3A_779 = tpu.vector_load_idx %arg16[%get3A_777] : memref<1024xf32, #tpu.memory_space<vmem>>[vector<16xi32>], vector<16xf32>,
    %gather3A_780 = tpu.vector_load_idx %arg17[%get3A_777] : memref<1024xf32, #tpu.memory_space<vmem>>[vector<16xi32>], vector<16xf32>,
    %gather3A_781 = tpu.vector_load_idx %arg18[%get3A_777] : memref<1024xf32, #tpu.memory_space<vmem>>[vector<16xi32>], vector<16xf32>,
    %eq3A_782 = arith.constant 0.000000e+00 : f32
    %eq3A_783 = vector.broadcast %eq3A_782 : f32 to vector<16xf32>
    %eq3A_784 = arith.cmpf oeq, %gather3A_781, %eq3A_783 : vector<16xf32>
    %jit3A_785 = arith.constant 1.000000e+00 : f32
    %broadcast_in_dim3A_786 = vector.broadcast %jit3A_785 : f32 to vector<16xf32>
    %select_n3A_787 = arith.select %eq3A_784, %broadcast_in_dim3A_786, %gather3A_781 : vector<16xi1>, vector<16xf32>
    %div3A_788 = arith.divf %gather3A_778, %select_n3A_787 : vector<16xf32>
    %jit3A_789 = arith.constant 0.000000e+00 : f32
    %broadcast_in_dim3A_790 = vector.broadcast %jit3A_789 : f32 to vector<16xf32>
    %select_n3A_791 = arith.select %eq3A_784, %broadcast_in_dim3A_790, %div3A_788 : vector<16xi1>, vector<16xf32>
    %div3A_792 = arith.divf %gather3A_779, %select_n3A_787 : vector<16xf32>
    %jit3A_793 = arith.constant 0.000000e+00 : f32
    %broadcast_in_dim3A_794 = vector.broadcast %jit3A_793 : f32 to vector<16xf32>
    %select_n3A_795 = arith.select %eq3A_784, %broadcast_in_dim3A_794, %div3A_792 : vector<16xi1>, vector<16xf32>
    %div3A_796 = arith.divf %gather3A_780, %select_n3A_787 : vector<16xf32>
    %jit3A_797 = arith.constant 0.000000e+00 : f32
    %broadcast_in_dim3A_798 = vector.broadcast %jit3A_797 : f32 to vector<16xf32>
    %select_n3A_799 = arith.select %eq3A_784, %broadcast_in_dim3A_798, %div3A_796 : vector<16xi1>, vector<16xf32>
    %get3A_800 = arith.constant 80 : index
    %get3A_801 = tpu.vector_load %arg20[%get3A_800] {strides = array<i32>} : memref<512xf32, #tpu.memory_space<vmem>>, vector<16xf32>,
    %add3A_802 = arith.addf %get3A_520, %select_n3A_795 : vector<16xf32>
    %sub3A_803 = arith.subf %get3A_801, %add3A_802 : vector<16xf32>
    %add3A_804 = arith.addf %get3A_524, %select_n3A_799 : vector<16xf32>
    %max3A_805 = arith.constant 1.000000e-01 : f32
    %max3A_806 = vector.broadcast %max3A_805 : f32 to vector<16xf32>
    %max3A_807 = arith.maximumf %add3A_804, %max3A_806 : vector<16xf32>
    %div3A_808 = arith.divf %sub3A_803, %max3A_807 : vector<16xf32>
    %neg3A_809 = arith.constant 0.000000e+00 : f32
    %neg3A_810 = vector.broadcast %neg3A_809 : f32 to vector<16xf32>
    %neg3A_811 = arith.subf %neg3A_810, %div3A_808 : vector<16xf32>
    %jit3A_812 = arith.constant -5.000000e+01 : f32
    %jit3A_813 = arith.constant 5.000000e+01 : f32
    %max3A_814 = vector.broadcast %jit3A_812 : f32 to vector<16xf32>
    %max3A_815 = arith.maximumf %max3A_814, %neg3A_811 : vector<16xf32>
    %min3A_816 = vector.broadcast %jit3A_813 : f32 to vector<16xf32>
    %min3A_817 = arith.minimumf %min3A_816, %max3A_815 : vector<16xf32>
    %exp3A_818 = math.exp %min3A_817 : vector<16xf32>
    %add3A_819 = arith.addf %get3A_516, %select_n3A_791 : vector<16xf32>
    %add3A_820 = arith.constant 1.000000e+00 : f32
    %add3A_821 = vector.broadcast %add3A_820 : f32 to vector<16xf32>
    %add3A_822 = arith.addf %add3A_821, %exp3A_818 : vector<16xf32>
    %div3A_823 = arith.divf %add3A_819, %add3A_822 : vector<16xf32>
    %swap3A_824 = arith.constant 80 : index
    %swap3A_825 = tpu.vector_load %arg22[%swap3A_824] {strides = array<i32>} : memref<512xf32, #tpu.memory_space<vmem>>, vector<16xf32>,
    tpu.vector_store %arg22[%swap3A_824], %div3A_823 {strides = array<i32>} : memref<512xf32, #tpu.memory_space<vmem>>, vector<16xf32>,
    %get3A_826 = arith.constant 0 : i32
    %get3A_827 = arith.index_cast %get3A_826 : i32 to index
    %get3A_828 = arith.constant 96 : index
    %get3A_829 = tpu.vector_load %arg19[%get3A_827, %get3A_828] {strides = array<i32>} : memref<4x128xi32, #tpu.memory_space<vmem>>, vector<16xi32>,
    %gather3A_830 = tpu.vector_load_idx %arg15[%get3A_829] : memref<1024xf32, #tpu.memory_space<vmem>>[vector<16xi32>], vector<16xf32>,
    %gather3A_831 = tpu.vector_load_idx %arg16[%get3A_829] : memref<1024xf32, #tpu.memory_space<vmem>>[vector<16xi32>], vector<16xf32>,
    %gather3A_832 = tpu.vector_load_idx %arg17[%get3A_829] : memref<1024xf32, #tpu.memory_space<vmem>>[vector<16xi32>], vector<16xf32>,
    %gather3A_833 = tpu.vector_load_idx %arg18[%get3A_829] : memref<1024xf32, #tpu.memory_space<vmem>>[vector<16xi32>], vector<16xf32>,
    %eq3A_834 = arith.constant 0.000000e+00 : f32
    %eq3A_835 = vector.broadcast %eq3A_834 : f32 to vector<16xf32>
    %eq3A_836 = arith.cmpf oeq, %gather3A_833, %eq3A_835 : vector<16xf32>
    %jit3A_837 = arith.constant 1.000000e+00 : f32
    %broadcast_in_dim3A_838 = vector.broadcast %jit3A_837 : f32 to vector<16xf32>
    %select_n3A_839 = arith.select %eq3A_836, %broadcast_in_dim3A_838, %gather3A_833 : vector<16xi1>, vector<16xf32>
    %div3A_840 = arith.divf %gather3A_830, %select_n3A_839 : vector<16xf32>
    %jit3A_841 = arith.constant 0.000000e+00 : f32
    %broadcast_in_dim3A_842 = vector.broadcast %jit3A_841 : f32 to vector<16xf32>
    %select_n3A_843 = arith.select %eq3A_836, %broadcast_in_dim3A_842, %div3A_840 : vector<16xi1>, vector<16xf32>
    %div3A_844 = arith.divf %gather3A_831, %select_n3A_839 : vector<16xf32>
    %jit3A_845 = arith.constant 0.000000e+00 : f32
    %broadcast_in_dim3A_846 = vector.broadcast %jit3A_845 : f32 to vector<16xf32>
    %select_n3A_847 = arith.select %eq3A_836, %broadcast_in_dim3A_846, %div3A_844 : vector<16xi1>, vector<16xf32>
    %div3A_848 = arith.divf %gather3A_832, %select_n3A_839 : vector<16xf32>
    %jit3A_849 = arith.constant 0.000000e+00 : f32
    %broadcast_in_dim3A_850 = vector.broadcast %jit3A_849 : f32 to vector<16xf32>
    %select_n3A_851 = arith.select %eq3A_836, %broadcast_in_dim3A_850, %div3A_848 : vector<16xi1>, vector<16xf32>
    %get3A_852 = arith.constant 96 : index
    %get3A_853 = tpu.vector_load %arg20[%get3A_852] {strides = array<i32>} : memref<512xf32, #tpu.memory_space<vmem>>, vector<16xf32>,
    %add3A_854 = arith.addf %get3A_520, %select_n3A_847 : vector<16xf32>
    %sub3A_855 = arith.subf %get3A_853, %add3A_854 : vector<16xf32>
    %add3A_856 = arith.addf %get3A_524, %select_n3A_851 : vector<16xf32>
    %max3A_857 = arith.constant 1.000000e-01 : f32
    %max3A_858 = vector.broadcast %max3A_857 : f32 to vector<16xf32>
    %max3A_859 = arith.maximumf %add3A_856, %max3A_858 : vector<16xf32>
    %div3A_860 = arith.divf %sub3A_855, %max3A_859 : vector<16xf32>
    %neg3A_861 = arith.constant 0.000000e+00 : f32
    %neg3A_862 = vector.broadcast %neg3A_861 : f32 to vector<16xf32>
    %neg3A_863 = arith.subf %neg3A_862, %div3A_860 : vector<16xf32>
    %jit3A_864 = arith.constant -5.000000e+01 : f32
    %jit3A_865 = arith.constant 5.000000e+01 : f32
    %max3A_866 = vector.broadcast %jit3A_864 : f32 to vector<16xf32>
    %max3A_867 = arith.maximumf %max3A_866, %neg3A_863 : vector<16xf32>
    %min3A_868 = vector.broadcast %jit3A_865 : f32 to vector<16xf32>
    %min3A_869 = arith.minimumf %min3A_868, %max3A_867 : vector<16xf32>
    %exp3A_870 = math.exp %min3A_869 : vector<16xf32>
    %add3A_871 = arith.addf %get3A_516, %select_n3A_843 : vector<16xf32>
    %add3A_872 = arith.constant 1.000000e+00 : f32
    %add3A_873 = vector.broadcast %add3A_872 : f32 to vector<16xf32>
    %add3A_874 = arith.addf %add3A_873, %exp3A_870 : vector<16xf32>
    %div3A_875 = arith.divf %add3A_871, %add3A_874 : vector<16xf32>
    %swap3A_876 = arith.constant 96 : index
    %swap3A_877 = tpu.vector_load %arg22[%swap3A_876] {strides = array<i32>} : memref<512xf32, #tpu.memory_space<vmem>>, vector<16xf32>,
    tpu.vector_store %arg22[%swap3A_876], %div3A_875 {strides = array<i32>} : memref<512xf32, #tpu.memory_space<vmem>>, vector<16xf32>,
    %get3A_878 = arith.constant 0 : i32
    %get3A_879 = arith.index_cast %get3A_878 : i32 to index
    %get3A_880 = arith.constant 112 : index
    %get3A_881 = tpu.vector_load %arg19[%get3A_879, %get3A_880] {strides = array<i32>} : memref<4x128xi32, #tpu.memory_space<vmem>>, vector<16xi32>,
    %gather3A_882 = tpu.vector_load_idx %arg15[%get3A_881] : memref<1024xf32, #tpu.memory_space<vmem>>[vector<16xi32>], vector<16xf32>,
    %gather3A_883 = tpu.vector_load_idx %arg16[%get3A_881] : memref<1024xf32, #tpu.memory_space<vmem>>[vector<16xi32>], vector<16xf32>,
    %gather3A_884 = tpu.vector_load_idx %arg17[%get3A_881] : memref<1024xf32, #tpu.memory_space<vmem>>[vector<16xi32>], vector<16xf32>,
    %gather3A_885 = tpu.vector_load_idx %arg18[%get3A_881] : memref<1024xf32, #tpu.memory_space<vmem>>[vector<16xi32>], vector<16xf32>,
    %eq3A_886 = arith.constant 0.000000e+00 : f32
    %eq3A_887 = vector.broadcast %eq3A_886 : f32 to vector<16xf32>
    %eq3A_888 = arith.cmpf oeq, %gather3A_885, %eq3A_887 : vector<16xf32>
    %jit3A_889 = arith.constant 1.000000e+00 : f32
    %broadcast_in_dim3A_890 = vector.broadcast %jit3A_889 : f32 to vector<16xf32>
    %select_n3A_891 = arith.select %eq3A_888, %broadcast_in_dim3A_890, %gather3A_885 : vector<16xi1>, vector<16xf32>
    %div3A_892 = arith.divf %gather3A_882, %select_n3A_891 : vector<16xf32>
    %jit3A_893 = arith.constant 0.000000e+00 : f32
    %broadcast_in_dim3A_894 = vector.broadcast %jit3A_893 : f32 to vector<16xf32>
    %select_n3A_895 = arith.select %eq3A_888, %broadcast_in_dim3A_894, %div3A_892 : vector<16xi1>, vector<16xf32>
    %div3A_896 = arith.divf %gather3A_883, %select_n3A_891 : vector<16xf32>
    %jit3A_897 = arith.constant 0.000000e+00 : f32
    %broadcast_in_dim3A_898 = vector.broadcast %jit3A_897 : f32 to vector<16xf32>
    %select_n3A_899 = arith.select %eq3A_888, %broadcast_in_dim3A_898, %div3A_896 : vector<16xi1>, vector<16xf32>
    %div3A_900 = arith.divf %gather3A_884, %select_n3A_891 : vector<16xf32>
    %jit3A_901 = arith.constant 0.000000e+00 : f32
    %broadcast_in_dim3A_902 = vector.broadcast %jit3A_901 : f32 to vector<16xf32>
    %select_n3A_903 = arith.select %eq3A_888, %broadcast_in_dim3A_902, %div3A_900 : vector<16xi1>, vector<16xf32>
    %get3A_904 = arith.constant 112 : index
    %get3A_905 = tpu.vector_load %arg20[%get3A_904] {strides = array<i32>} : memref<512xf32, #tpu.memory_space<vmem>>, vector<16xf32>,
    %add3A_906 = arith.addf %get3A_520, %select_n3A_899 : vector<16xf32>
    %sub3A_907 = arith.subf %get3A_905, %add3A_906 : vector<16xf32>
    %add3A_908 = arith.addf %get3A_524, %select_n3A_903 : vector<16xf32>
    %max3A_909 = arith.constant 1.000000e-01 : f32
    %max3A_910 = vector.broadcast %max3A_909 : f32 to vector<16xf32>
    %max3A_911 = arith.maximumf %add3A_908, %max3A_910 : vector<16xf32>
    %div3A_912 = arith.divf %sub3A_907, %max3A_911 : vector<16xf32>
    %neg3A_913 = arith.constant 0.000000e+00 : f32
    %neg3A_914 = vector.broadcast %neg3A_913 : f32 to vector<16xf32>
    %neg3A_915 = arith.subf %neg3A_914, %div3A_912 : vector<16xf32>
    %jit3A_916 = arith.constant -5.000000e+01 : f32
    %jit3A_917 = arith.constant 5.000000e+01 : f32
    %max3A_918 = vector.broadcast %jit3A_916 : f32 to vector<16xf32>
    %max3A_919 = arith.maximumf %max3A_918, %neg3A_915 : vector<16xf32>
    %min3A_920 = vector.broadcast %jit3A_917 : f32 to vector<16xf32>
    %min3A_921 = arith.minimumf %min3A_920, %max3A_919 : vector<16xf32>
    %exp3A_922 = math.exp %min3A_921 : vector<16xf32>
    %add3A_923 = arith.addf %get3A_516, %select_n3A_895 : vector<16xf32>
    %add3A_924 = arith.constant 1.000000e+00 : f32
    %add3A_925 = vector.broadcast %add3A_924 : f32 to vector<16xf32>
    %add3A_926 = arith.addf %add3A_925, %exp3A_922 : vector<16xf32>
    %div3A_927 = arith.divf %add3A_923, %add3A_926 : vector<16xf32>
    %swap3A_928 = arith.constant 112 : index
    %swap3A_929 = tpu.vector_load %arg22[%swap3A_928] {strides = array<i32>} : memref<512xf32, #tpu.memory_space<vmem>>, vector<16xf32>,
    tpu.vector_store %arg22[%swap3A_928], %div3A_927 {strides = array<i32>} : memref<512xf32, #tpu.memory_space<vmem>>, vector<16xf32>,
    %get3A_930 = arith.constant 1 : i32
    %get3A_931 = arith.index_cast %get3A_930 : i32 to index
    %get3A_932 = arith.constant 0 : index
    %get3A_933 = tpu.vector_load %arg19[%get3A_931, %get3A_932] {strides = array<i32>} : memref<4x128xi32, #tpu.memory_space<vmem>>, vector<16xi32>,
    %gather3A_934 = tpu.vector_load_idx %arg15[%get3A_933] : memref<1024xf32, #tpu.memory_space<vmem>>[vector<16xi32>], vector<16xf32>,
    %gather3A_935 = tpu.vector_load_idx %arg16[%get3A_933] : memref<1024xf32, #tpu.memory_space<vmem>>[vector<16xi32>], vector<16xf32>,
    %gather3A_936 = tpu.vector_load_idx %arg17[%get3A_933] : memref<1024xf32, #tpu.memory_space<vmem>>[vector<16xi32>], vector<16xf32>,
    %gather3A_937 = tpu.vector_load_idx %arg18[%get3A_933] : memref<1024xf32, #tpu.memory_space<vmem>>[vector<16xi32>], vector<16xf32>,
    %eq3A_938 = arith.constant 0.000000e+00 : f32
    %eq3A_939 = vector.broadcast %eq3A_938 : f32 to vector<16xf32>
    %eq3A_940 = arith.cmpf oeq, %gather3A_937, %eq3A_939 : vector<16xf32>
    %jit3A_941 = arith.constant 1.000000e+00 : f32
    %broadcast_in_dim3A_942 = vector.broadcast %jit3A_941 : f32 to vector<16xf32>
    %select_n3A_943 = arith.select %eq3A_940, %broadcast_in_dim3A_942, %gather3A_937 : vector<16xi1>, vector<16xf32>
    %div3A_944 = arith.divf %gather3A_934, %select_n3A_943 : vector<16xf32>
    %jit3A_945 = arith.constant 0.000000e+00 : f32
    %broadcast_in_dim3A_946 = vector.broadcast %jit3A_945 : f32 to vector<16xf32>
    %select_n3A_947 = arith.select %eq3A_940, %broadcast_in_dim3A_946, %div3A_944 : vector<16xi1>, vector<16xf32>
    %div3A_948 = arith.divf %gather3A_935, %select_n3A_943 : vector<16xf32>
    %jit3A_949 = arith.constant 0.000000e+00 : f32
    %broadcast_in_dim3A_950 = vector.broadcast %jit3A_949 : f32 to vector<16xf32>
    %select_n3A_951 = arith.select %eq3A_940, %broadcast_in_dim3A_950, %div3A_948 : vector<16xi1>, vector<16xf32>
    %div3A_952 = arith.divf %gather3A_936, %select_n3A_943 : vector<16xf32>
    %jit3A_953 = arith.constant 0.000000e+00 : f32
    %broadcast_in_dim3A_954 = vector.broadcast %jit3A_953 : f32 to vector<16xf32>
    %select_n3A_955 = arith.select %eq3A_940, %broadcast_in_dim3A_954, %div3A_952 : vector<16xi1>, vector<16xf32>
    %get3A_956 = arith.constant 128 : index
    %get3A_957 = tpu.vector_load %arg20[%get3A_956] {strides = array<i32>} : memref<512xf32, #tpu.memory_space<vmem>>, vector<16xf32>,
    %add3A_958 = arith.addf %get3A_520, %select_n3A_951 : vector<16xf32>
    %sub3A_959 = arith.subf %get3A_957, %add3A_958 : vector<16xf32>
    %add3A_960 = arith.addf %get3A_524, %select_n3A_955 : vector<16xf32>
    %max3A_961 = arith.constant 1.000000e-01 : f32
    %max3A_962 = vector.broadcast %max3A_961 : f32 to vector<16xf32>
    %max3A_963 = arith.maximumf %add3A_960, %max3A_962 : vector<16xf32>
    %div3A_964 = arith.divf %sub3A_959, %max3A_963 : vector<16xf32>
    %neg3A_965 = arith.constant 0.000000e+00 : f32
    %neg3A_966 = vector.broadcast %neg3A_965 : f32 to vector<16xf32>
    %neg3A_967 = arith.subf %neg3A_966, %div3A_964 : vector<16xf32>
    %jit3A_968 = arith.constant -5.000000e+01 : f32
    %jit3A_969 = arith.constant 5.000000e+01 : f32
    %max3A_970 = vector.broadcast %jit3A_968 : f32 to vector<16xf32>
    %max3A_971 = arith.maximumf %max3A_970, %neg3A_967 : vector<16xf32>
    %min3A_972 = vector.broadcast %jit3A_969 : f32 to vector<16xf32>
    %min3A_973 = arith.minimumf %min3A_972, %max3A_971 : vector<16xf32>
    %exp3A_974 = math.exp %min3A_973 : vector<16xf32>
    %add3A_975 = arith.addf %get3A_516, %select_n3A_947 : vector<16xf32>
    %add3A_976 = arith.constant 1.000000e+00 : f32
    %add3A_977 = vector.broadcast %add3A_976 : f32 to vector<16xf32>
    %add3A_978 = arith.addf %add3A_977, %exp3A_974 : vector<16xf32>
    %div3A_979 = arith.divf %add3A_975, %add3A_978 : vector<16xf32>
    %swap3A_980 = arith.constant 128 : index
    %swap3A_981 = tpu.vector_load %arg22[%swap3A_980] {strides = array<i32>} : memref<512xf32, #tpu.memory_space<vmem>>, vector<16xf32>,
    tpu.vector_store %arg22[%swap3A_980], %div3A_979 {strides = array<i32>} : memref<512xf32, #tpu.memory_space<vmem>>, vector<16xf32>,
    %get3A_982 = arith.constant 1 : i32
    %get3A_983 = arith.index_cast %get3A_982 : i32 to index
    %get3A_984 = arith.constant 16 : index
    %get3A_985 = tpu.vector_load %arg19[%get3A_983, %get3A_984] {strides = array<i32>} : memref<4x128xi32, #tpu.memory_space<vmem>>, vector<16xi32>,
    %gather3A_986 = tpu.vector_load_idx %arg15[%get3A_985] : memref<1024xf32, #tpu.memory_space<vmem>>[vector<16xi32>], vector<16xf32>,
    %gather3A_987 = tpu.vector_load_idx %arg16[%get3A_985] : memref<1024xf32, #tpu.memory_space<vmem>>[vector<16xi32>], vector<16xf32>,
    %gather3A_988 = tpu.vector_load_idx %arg17[%get3A_985] : memref<1024xf32, #tpu.memory_space<vmem>>[vector<16xi32>], vector<16xf32>,
    %gather3A_989 = tpu.vector_load_idx %arg18[%get3A_985] : memref<1024xf32, #tpu.memory_space<vmem>>[vector<16xi32>], vector<16xf32>,
    %eq3A_990 = arith.constant 0.000000e+00 : f32
    %eq3A_991 = vector.broadcast %eq3A_990 : f32 to vector<16xf32>
    %eq3A_992 = arith.cmpf oeq, %gather3A_989, %eq3A_991 : vector<16xf32>
    %jit3A_993 = arith.constant 1.000000e+00 : f32
    %broadcast_in_dim3A_994 = vector.broadcast %jit3A_993 : f32 to vector<16xf32>
    %select_n3A_995 = arith.select %eq3A_992, %broadcast_in_dim3A_994, %gather3A_989 : vector<16xi1>, vector<16xf32>
    %div3A_996 = arith.divf %gather3A_986, %select_n3A_995 : vector<16xf32>
    %jit3A_997 = arith.constant 0.000000e+00 : f32
    %broadcast_in_dim3A_998 = vector.broadcast %jit3A_997 : f32 to vector<16xf32>
    %select_n3A_999 = arith.select %eq3A_992, %broadcast_in_dim3A_998, %div3A_996 : vector<16xi1>, vector<16xf32>
    %div3A_1000 = arith.divf %gather3A_987, %select_n3A_995 : vector<16xf32>
    %jit3A_1001 = arith.constant 0.000000e+00 : f32
    %broadcast_in_dim3A_1002 = vector.broadcast %jit3A_1001 : f32 to vector<16xf32>
    %select_n3A_1003 = arith.select %eq3A_992, %broadcast_in_dim3A_1002, %div3A_1000 : vector<16xi1>, vector<16xf32>
    %div3A_1004 = arith.divf %gather3A_988, %select_n3A_995 : vector<16xf32>
    %jit3A_1005 = arith.constant 0.000000e+00 : f32
    %broadcast_in_dim3A_1006 = vector.broadcast %jit3A_1005 : f32 to vector<16xf32>
    %select_n3A_1007 = arith.select %eq3A_992, %broadcast_in_dim3A_1006, %div3A_1004 : vector<16xi1>, vector<16xf32>
    %get3A_1008 = arith.constant 144 : index
    %get3A_1009 = tpu.vector_load %arg20[%get3A_1008] {strides = array<i32>} : memref<512xf32, #tpu.memory_space<vmem>>, vector<16xf32>,
    %add3A_1010 = arith.addf %get3A_520, %select_n3A_1003 : vector<16xf32>
    %sub3A_1011 = arith.subf %get3A_1009, %add3A_1010 : vector<16xf32>
    %add3A_1012 = arith.addf %get3A_524, %select_n3A_1007 : vector<16xf32>
    %max3A_1013 = arith.constant 1.000000e-01 : f32
    %max3A_1014 = vector.broadcast %max3A_1013 : f32 to vector<16xf32>
    %max3A_1015 = arith.maximumf %add3A_1012, %max3A_1014 : vector<16xf32>
    %div3A_1016 = arith.divf %sub3A_1011, %max3A_1015 : vector<16xf32>
    %neg3A_1017 = arith.constant 0.000000e+00 : f32
    %neg3A_1018 = vector.broadcast %neg3A_1017 : f32 to vector<16xf32>
    %neg3A_1019 = arith.subf %neg3A_1018, %div3A_1016 : vector<16xf32>
    %jit3A_1020 = arith.constant -5.000000e+01 : f32
    %jit3A_1021 = arith.constant 5.000000e+01 : f32
    %max3A_1022 = vector.broadcast %jit3A_1020 : f32 to vector<16xf32>
    %max3A_1023 = arith.maximumf %max3A_1022, %neg3A_1019 : vector<16xf32>
    %min3A_1024 = vector.broadcast %jit3A_1021 : f32 to vector<16xf32>
    %min3A_1025 = arith.minimumf %min3A_1024, %max3A_1023 : vector<16xf32>
    %exp3A_1026 = math.exp %min3A_1025 : vector<16xf32>
    %add3A_1027 = arith.addf %get3A_516, %select_n3A_999 : vector<16xf32>
    %add3A_1028 = arith.constant 1.000000e+00 : f32
    %add3A_1029 = vector.broadcast %add3A_1028 : f32 to vector<16xf32>
    %add3A_1030 = arith.addf %add3A_1029, %exp3A_1026 : vector<16xf32>
    %div3A_1031 = arith.divf %add3A_1027, %add3A_1030 : vector<16xf32>
    %swap3A_1032 = arith.constant 144 : index
    %swap3A_1033 = tpu.vector_load %arg22[%swap3A_1032] {strides = array<i32>} : memref<512xf32, #tpu.memory_space<vmem>>, vector<16xf32>,
    tpu.vector_store %arg22[%swap3A_1032], %div3A_1031 {strides = array<i32>} : memref<512xf32, #tpu.memory_space<vmem>>, vector<16xf32>,
    %get3A_1034 = arith.constant 1 : i32
    %get3A_1035 = arith.index_cast %get3A_1034 : i32 to index
    %get3A_1036 = arith.constant 32 : index
    %get3A_1037 = tpu.vector_load %arg19[%get3A_1035, %get3A_1036] {strides = array<i32>} : memref<4x128xi32, #tpu.memory_space<vmem>>, vector<16xi32>,
    %gather3A_1038 = tpu.vector_load_idx %arg15[%get3A_1037] : memref<1024xf32, #tpu.memory_space<vmem>>[vector<16xi32>], vector<16xf32>,
    %gather3A_1039 = tpu.vector_load_idx %arg16[%get3A_1037] : memref<1024xf32, #tpu.memory_space<vmem>>[vector<16xi32>], vector<16xf32>,
    %gather3A_1040 = tpu.vector_load_idx %arg17[%get3A_1037] : memref<1024xf32, #tpu.memory_space<vmem>>[vector<16xi32>], vector<16xf32>,
    %gather3A_1041 = tpu.vector_load_idx %arg18[%get3A_1037] : memref<1024xf32, #tpu.memory_space<vmem>>[vector<16xi32>], vector<16xf32>,
    %eq3A_1042 = arith.constant 0.000000e+00 : f32
    %eq3A_1043 = vector.broadcast %eq3A_1042 : f32 to vector<16xf32>
    %eq3A_1044 = arith.cmpf oeq, %gather3A_1041, %eq3A_1043 : vector<16xf32>
    %jit3A_1045 = arith.constant 1.000000e+00 : f32
    %broadcast_in_dim3A_1046 = vector.broadcast %jit3A_1045 : f32 to vector<16xf32>
    %select_n3A_1047 = arith.select %eq3A_1044, %broadcast_in_dim3A_1046, %gather3A_1041 : vector<16xi1>, vector<16xf32>
    %div3A_1048 = arith.divf %gather3A_1038, %select_n3A_1047 : vector<16xf32>
    %jit3A_1049 = arith.constant 0.000000e+00 : f32
    %broadcast_in_dim3A_1050 = vector.broadcast %jit3A_1049 : f32 to vector<16xf32>
    %select_n3A_1051 = arith.select %eq3A_1044, %broadcast_in_dim3A_1050, %div3A_1048 : vector<16xi1>, vector<16xf32>
    %div3A_1052 = arith.divf %gather3A_1039, %select_n3A_1047 : vector<16xf32>
    %jit3A_1053 = arith.constant 0.000000e+00 : f32
    %broadcast_in_dim3A_1054 = vector.broadcast %jit3A_1053 : f32 to vector<16xf32>
    %select_n3A_1055 = arith.select %eq3A_1044, %broadcast_in_dim3A_1054, %div3A_1052 : vector<16xi1>, vector<16xf32>
    %div3A_1056 = arith.divf %gather3A_1040, %select_n3A_1047 : vector<16xf32>
    %jit3A_1057 = arith.constant 0.000000e+00 : f32
    %broadcast_in_dim3A_1058 = vector.broadcast %jit3A_1057 : f32 to vector<16xf32>
    %select_n3A_1059 = arith.select %eq3A_1044, %broadcast_in_dim3A_1058, %div3A_1056 : vector<16xi1>, vector<16xf32>
    %get3A_1060 = arith.constant 160 : index
    %get3A_1061 = tpu.vector_load %arg20[%get3A_1060] {strides = array<i32>} : memref<512xf32, #tpu.memory_space<vmem>>, vector<16xf32>,
    %add3A_1062 = arith.addf %get3A_520, %select_n3A_1055 : vector<16xf32>
    %sub3A_1063 = arith.subf %get3A_1061, %add3A_1062 : vector<16xf32>
    %add3A_1064 = arith.addf %get3A_524, %select_n3A_1059 : vector<16xf32>
    %max3A_1065 = arith.constant 1.000000e-01 : f32
    %max3A_1066 = vector.broadcast %max3A_1065 : f32 to vector<16xf32>
    %max3A_1067 = arith.maximumf %add3A_1064, %max3A_1066 : vector<16xf32>
    %div3A_1068 = arith.divf %sub3A_1063, %max3A_1067 : vector<16xf32>
    %neg3A_1069 = arith.constant 0.000000e+00 : f32
    %neg3A_1070 = vector.broadcast %neg3A_1069 : f32 to vector<16xf32>
    %neg3A_1071 = arith.subf %neg3A_1070, %div3A_1068 : vector<16xf32>
    %jit3A_1072 = arith.constant -5.000000e+01 : f32
    %jit3A_1073 = arith.constant 5.000000e+01 : f32
    %max3A_1074 = vector.broadcast %jit3A_1072 : f32 to vector<16xf32>
    %max3A_1075 = arith.maximumf %max3A_1074, %neg3A_1071 : vector<16xf32>
    %min3A_1076 = vector.broadcast %jit3A_1073 : f32 to vector<16xf32>
    %min3A_1077 = arith.minimumf %min3A_1076, %max3A_1075 : vector<16xf32>
    %exp3A_1078 = math.exp %min3A_1077 : vector<16xf32>
    %add3A_1079 = arith.addf %get3A_516, %select_n3A_1051 : vector<16xf32>
    %add3A_1080 = arith.constant 1.000000e+00 : f32
    %add3A_1081 = vector.broadcast %add3A_1080 : f32 to vector<16xf32>
    %add3A_1082 = arith.addf %add3A_1081, %exp3A_1078 : vector<16xf32>
    %div3A_1083 = arith.divf %add3A_1079, %add3A_1082 : vector<16xf32>
    %swap3A_1084 = arith.constant 160 : index
    %swap3A_1085 = tpu.vector_load %arg22[%swap3A_1084] {strides = array<i32>} : memref<512xf32, #tpu.memory_space<vmem>>, vector<16xf32>,
    tpu.vector_store %arg22[%swap3A_1084], %div3A_1083 {strides = array<i32>} : memref<512xf32, #tpu.memory_space<vmem>>, vector<16xf32>,
    %get3A_1086 = arith.constant 1 : i32
    %get3A_1087 = arith.index_cast %get3A_1086 : i32 to index
    %get3A_1088 = arith.constant 48 : index
    %get3A_1089 = tpu.vector_load %arg19[%get3A_1087, %get3A_1088] {strides = array<i32>} : memref<4x128xi32, #tpu.memory_space<vmem>>, vector<16xi32>,
    %gather3A_1090 = tpu.vector_load_idx %arg15[%get3A_1089] : memref<1024xf32, #tpu.memory_space<vmem>>[vector<16xi32>], vector<16xf32>,
    %gather3A_1091 = tpu.vector_load_idx %arg16[%get3A_1089] : memref<1024xf32, #tpu.memory_space<vmem>>[vector<16xi32>], vector<16xf32>,
    %gather3A_1092 = tpu.vector_load_idx %arg17[%get3A_1089] : memref<1024xf32, #tpu.memory_space<vmem>>[vector<16xi32>], vector<16xf32>,
    %gather3A_1093 = tpu.vector_load_idx %arg18[%get3A_1089] : memref<1024xf32, #tpu.memory_space<vmem>>[vector<16xi32>], vector<16xf32>,
    %eq3A_1094 = arith.constant 0.000000e+00 : f32
    %eq3A_1095 = vector.broadcast %eq3A_1094 : f32 to vector<16xf32>
    %eq3A_1096 = arith.cmpf oeq, %gather3A_1093, %eq3A_1095 : vector<16xf32>
    %jit3A_1097 = arith.constant 1.000000e+00 : f32
    %broadcast_in_dim3A_1098 = vector.broadcast %jit3A_1097 : f32 to vector<16xf32>
    %select_n3A_1099 = arith.select %eq3A_1096, %broadcast_in_dim3A_1098, %gather3A_1093 : vector<16xi1>, vector<16xf32>
    %div3A_1100 = arith.divf %gather3A_1090, %select_n3A_1099 : vector<16xf32>
    %jit3A_1101 = arith.constant 0.000000e+00 : f32
    %broadcast_in_dim3A_1102 = vector.broadcast %jit3A_1101 : f32 to vector<16xf32>
    %select_n3A_1103 = arith.select %eq3A_1096, %broadcast_in_dim3A_1102, %div3A_1100 : vector<16xi1>, vector<16xf32>
    %div3A_1104 = arith.divf %gather3A_1091, %select_n3A_1099 : vector<16xf32>
    %jit3A_1105 = arith.constant 0.000000e+00 : f32
    %broadcast_in_dim3A_1106 = vector.broadcast %jit3A_1105 : f32 to vector<16xf32>
    %select_n3A_1107 = arith.select %eq3A_1096, %broadcast_in_dim3A_1106, %div3A_1104 : vector<16xi1>, vector<16xf32>
    %div3A_1108 = arith.divf %gather3A_1092, %select_n3A_1099 : vector<16xf32>
    %jit3A_1109 = arith.constant 0.000000e+00 : f32
    %broadcast_in_dim3A_1110 = vector.broadcast %jit3A_1109 : f32 to vector<16xf32>
    %select_n3A_1111 = arith.select %eq3A_1096, %broadcast_in_dim3A_1110, %div3A_1108 : vector<16xi1>, vector<16xf32>
    %get3A_1112 = arith.constant 176 : index
    %get3A_1113 = tpu.vector_load %arg20[%get3A_1112] {strides = array<i32>} : memref<512xf32, #tpu.memory_space<vmem>>, vector<16xf32>,
    %add3A_1114 = arith.addf %get3A_520, %select_n3A_1107 : vector<16xf32>
    %sub3A_1115 = arith.subf %get3A_1113, %add3A_1114 : vector<16xf32>
    %add3A_1116 = arith.addf %get3A_524, %select_n3A_1111 : vector<16xf32>
    %max3A_1117 = arith.constant 1.000000e-01 : f32
    %max3A_1118 = vector.broadcast %max3A_1117 : f32 to vector<16xf32>
    %max3A_1119 = arith.maximumf %add3A_1116, %max3A_1118 : vector<16xf32>
    %div3A_1120 = arith.divf %sub3A_1115, %max3A_1119 : vector<16xf32>
    %neg3A_1121 = arith.constant 0.000000e+00 : f32
    %neg3A_1122 = vector.broadcast %neg3A_1121 : f32 to vector<16xf32>
    %neg3A_1123 = arith.subf %neg3A_1122, %div3A_1120 : vector<16xf32>
    %jit3A_1124 = arith.constant -5.000000e+01 : f32
    %jit3A_1125 = arith.constant 5.000000e+01 : f32
    %max3A_1126 = vector.broadcast %jit3A_1124 : f32 to vector<16xf32>
    %max3A_1127 = arith.maximumf %max3A_1126, %neg3A_1123 : vector<16xf32>
    %min3A_1128 = vector.broadcast %jit3A_1125 : f32 to vector<16xf32>
    %min3A_1129 = arith.minimumf %min3A_1128, %max3A_1127 : vector<16xf32>
    %exp3A_1130 = math.exp %min3A_1129 : vector<16xf32>
    %add3A_1131 = arith.addf %get3A_516, %select_n3A_1103 : vector<16xf32>
    %add3A_1132 = arith.constant 1.000000e+00 : f32
    %add3A_1133 = vector.broadcast %add3A_1132 : f32 to vector<16xf32>
    %add3A_1134 = arith.addf %add3A_1133, %exp3A_1130 : vector<16xf32>
    %div3A_1135 = arith.divf %add3A_1131, %add3A_1134 : vector<16xf32>
    %swap3A_1136 = arith.constant 176 : index
    %swap3A_1137 = tpu.vector_load %arg22[%swap3A_1136] {strides = array<i32>} : memref<512xf32, #tpu.memory_space<vmem>>, vector<16xf32>,
    tpu.vector_store %arg22[%swap3A_1136], %div3A_1135 {strides = array<i32>} : memref<512xf32, #tpu.memory_space<vmem>>, vector<16xf32>,
    %get3A_1138 = arith.constant 1 : i32
    %get3A_1139 = arith.index_cast %get3A_1138 : i32 to index
    %get3A_1140 = arith.constant 64 : index
    %get3A_1141 = tpu.vector_load %arg19[%get3A_1139, %get3A_1140] {strides = array<i32>} : memref<4x128xi32, #tpu.memory_space<vmem>>, vector<16xi32>,
    %gather3A_1142 = tpu.vector_load_idx %arg15[%get3A_1141] : memref<1024xf32, #tpu.memory_space<vmem>>[vector<16xi32>], vector<16xf32>,
    %gather3A_1143 = tpu.vector_load_idx %arg16[%get3A_1141] : memref<1024xf32, #tpu.memory_space<vmem>>[vector<16xi32>], vector<16xf32>,
    %gather3A_1144 = tpu.vector_load_idx %arg17[%get3A_1141] : memref<1024xf32, #tpu.memory_space<vmem>>[vector<16xi32>], vector<16xf32>,
    %gather3A_1145 = tpu.vector_load_idx %arg18[%get3A_1141] : memref<1024xf32, #tpu.memory_space<vmem>>[vector<16xi32>], vector<16xf32>,
    %eq3A_1146 = arith.constant 0.000000e+00 : f32
    %eq3A_1147 = vector.broadcast %eq3A_1146 : f32 to vector<16xf32>
    %eq3A_1148 = arith.cmpf oeq, %gather3A_1145, %eq3A_1147 : vector<16xf32>
    %jit3A_1149 = arith.constant 1.000000e+00 : f32
    %broadcast_in_dim3A_1150 = vector.broadcast %jit3A_1149 : f32 to vector<16xf32>
    %select_n3A_1151 = arith.select %eq3A_1148, %broadcast_in_dim3A_1150, %gather3A_1145 : vector<16xi1>, vector<16xf32>
    %div3A_1152 = arith.divf %gather3A_1142, %select_n3A_1151 : vector<16xf32>
    %jit3A_1153 = arith.constant 0.000000e+00 : f32
    %broadcast_in_dim3A_1154 = vector.broadcast %jit3A_1153 : f32 to vector<16xf32>
    %select_n3A_1155 = arith.select %eq3A_1148, %broadcast_in_dim3A_1154, %div3A_1152 : vector<16xi1>, vector<16xf32>
    %div3A_1156 = arith.divf %gather3A_1143, %select_n3A_1151 : vector<16xf32>
    %jit3A_1157 = arith.constant 0.000000e+00 : f32
    %broadcast_in_dim3A_1158 = vector.broadcast %jit3A_1157 : f32 to vector<16xf32>
    %select_n3A_1159 = arith.select %eq3A_1148, %broadcast_in_dim3A_1158, %div3A_1156 : vector<16xi1>, vector<16xf32>
    %div3A_1160 = arith.divf %gather3A_1144, %select_n3A_1151 : vector<16xf32>
    %jit3A_1161 = arith.constant 0.000000e+00 : f32
    %broadcast_in_dim3A_1162 = vector.broadcast %jit3A_1161 : f32 to vector<16xf32>
    %select_n3A_1163 = arith.select %eq3A_1148, %broadcast_in_dim3A_1162, %div3A_1160 : vector<16xi1>, vector<16xf32>
    %get3A_1164 = arith.constant 192 : index
    %get3A_1165 = tpu.vector_load %arg20[%get3A_1164] {strides = array<i32>} : memref<512xf32, #tpu.memory_space<vmem>>, vector<16xf32>,
    %add3A_1166 = arith.addf %get3A_520, %select_n3A_1159 : vector<16xf32>
    %sub3A_1167 = arith.subf %get3A_1165, %add3A_1166 : vector<16xf32>
    %add3A_1168 = arith.addf %get3A_524, %select_n3A_1163 : vector<16xf32>
    %max3A_1169 = arith.constant 1.000000e-01 : f32
    %max3A_1170 = vector.broadcast %max3A_1169 : f32 to vector<16xf32>
    %max3A_1171 = arith.maximumf %add3A_1168, %max3A_1170 : vector<16xf32>
    %div3A_1172 = arith.divf %sub3A_1167, %max3A_1171 : vector<16xf32>
    %neg3A_1173 = arith.constant 0.000000e+00 : f32
    %neg3A_1174 = vector.broadcast %neg3A_1173 : f32 to vector<16xf32>
    %neg3A_1175 = arith.subf %neg3A_1174, %div3A_1172 : vector<16xf32>
    %jit3A_1176 = arith.constant -5.000000e+01 : f32
    %jit3A_1177 = arith.constant 5.000000e+01 : f32
    %max3A_1178 = vector.broadcast %jit3A_1176 : f32 to vector<16xf32>
    %max3A_1179 = arith.maximumf %max3A_1178, %neg3A_1175 : vector<16xf32>
    %min3A_1180 = vector.broadcast %jit3A_1177 : f32 to vector<16xf32>
    %min3A_1181 = arith.minimumf %min3A_1180, %max3A_1179 : vector<16xf32>
    %exp3A_1182 = math.exp %min3A_1181 : vector<16xf32>
    %add3A_1183 = arith.addf %get3A_516, %select_n3A_1155 : vector<16xf32>
    %add3A_1184 = arith.constant 1.000000e+00 : f32
    %add3A_1185 = vector.broadcast %add3A_1184 : f32 to vector<16xf32>
    %add3A_1186 = arith.addf %add3A_1185, %exp3A_1182 : vector<16xf32>
    %div3A_1187 = arith.divf %add3A_1183, %add3A_1186 : vector<16xf32>
    %swap3A_1188 = arith.constant 192 : index
    %swap3A_1189 = tpu.vector_load %arg22[%swap3A_1188] {strides = array<i32>} : memref<512xf32, #tpu.memory_space<vmem>>, vector<16xf32>,
    tpu.vector_store %arg22[%swap3A_1188], %div3A_1187 {strides = array<i32>} : memref<512xf32, #tpu.memory_space<vmem>>, vector<16xf32>,
    %get3A_1190 = arith.constant 1 : i32
    %get3A_1191 = arith.index_cast %get3A_1190 : i32 to index
    %get3A_1192 = arith.constant 80 : index
    %get3A_1193 = tpu.vector_load %arg19[%get3A_1191, %get3A_1192] {strides = array<i32>} : memref<4x128xi32, #tpu.memory_space<vmem>>, vector<16xi32>,
    %gather3A_1194 = tpu.vector_load_idx %arg15[%get3A_1193] : memref<1024xf32, #tpu.memory_space<vmem>>[vector<16xi32>], vector<16xf32>,
    %gather3A_1195 = tpu.vector_load_idx %arg16[%get3A_1193] : memref<1024xf32, #tpu.memory_space<vmem>>[vector<16xi32>], vector<16xf32>,
    %gather3A_1196 = tpu.vector_load_idx %arg17[%get3A_1193] : memref<1024xf32, #tpu.memory_space<vmem>>[vector<16xi32>], vector<16xf32>,
    %gather3A_1197 = tpu.vector_load_idx %arg18[%get3A_1193] : memref<1024xf32, #tpu.memory_space<vmem>>[vector<16xi32>], vector<16xf32>,
    %eq3A_1198 = arith.constant 0.000000e+00 : f32
    %eq3A_1199 = vector.broadcast %eq3A_1198 : f32 to vector<16xf32>
    %eq3A_1200 = arith.cmpf oeq, %gather3A_1197, %eq3A_1199 : vector<16xf32>
    %jit3A_1201 = arith.constant 1.000000e+00 : f32
    %broadcast_in_dim3A_1202 = vector.broadcast %jit3A_1201 : f32 to vector<16xf32>
    %select_n3A_1203 = arith.select %eq3A_1200, %broadcast_in_dim3A_1202, %gather3A_1197 : vector<16xi1>, vector<16xf32>
    %div3A_1204 = arith.divf %gather3A_1194, %select_n3A_1203 : vector<16xf32>
    %jit3A_1205 = arith.constant 0.000000e+00 : f32
    %broadcast_in_dim3A_1206 = vector.broadcast %jit3A_1205 : f32 to vector<16xf32>
    %select_n3A_1207 = arith.select %eq3A_1200, %broadcast_in_dim3A_1206, %div3A_1204 : vector<16xi1>, vector<16xf32>
    %div3A_1208 = arith.divf %gather3A_1195, %select_n3A_1203 : vector<16xf32>
    %jit3A_1209 = arith.constant 0.000000e+00 : f32
    %broadcast_in_dim3A_1210 = vector.broadcast %jit3A_1209 : f32 to vector<16xf32>
    %select_n3A_1211 = arith.select %eq3A_1200, %broadcast_in_dim3A_1210, %div3A_1208 : vector<16xi1>, vector<16xf32>
    %div3A_1212 = arith.divf %gather3A_1196, %select_n3A_1203 : vector<16xf32>
    %jit3A_1213 = arith.constant 0.000000e+00 : f32
    %broadcast_in_dim3A_1214 = vector.broadcast %jit3A_1213 : f32 to vector<16xf32>
    %select_n3A_1215 = arith.select %eq3A_1200, %broadcast_in_dim3A_1214, %div3A_1212 : vector<16xi1>, vector<16xf32>
    %get3A_1216 = arith.constant 208 : index
    %get3A_1217 = tpu.vector_load %arg20[%get3A_1216] {strides = array<i32>} : memref<512xf32, #tpu.memory_space<vmem>>, vector<16xf32>,
    %add3A_1218 = arith.addf %get3A_520, %select_n3A_1211 : vector<16xf32>
    %sub3A_1219 = arith.subf %get3A_1217, %add3A_1218 : vector<16xf32>
    %add3A_1220 = arith.addf %get3A_524, %select_n3A_1215 : vector<16xf32>
    %max3A_1221 = arith.constant 1.000000e-01 : f32
    %max3A_1222 = vector.broadcast %max3A_1221 : f32 to vector<16xf32>
    %max3A_1223 = arith.maximumf %add3A_1220, %max3A_1222 : vector<16xf32>
    %div3A_1224 = arith.divf %sub3A_1219, %max3A_1223 : vector<16xf32>
    %neg3A_1225 = arith.constant 0.000000e+00 : f32
    %neg3A_1226 = vector.broadcast %neg3A_1225 : f32 to vector<16xf32>
    %neg3A_1227 = arith.subf %neg3A_1226, %div3A_1224 : vector<16xf32>
    %jit3A_1228 = arith.constant -5.000000e+01 : f32
    %jit3A_1229 = arith.constant 5.000000e+01 : f32
    %max3A_1230 = vector.broadcast %jit3A_1228 : f32 to vector<16xf32>
    %max3A_1231 = arith.maximumf %max3A_1230, %neg3A_1227 : vector<16xf32>
    %min3A_1232 = vector.broadcast %jit3A_1229 : f32 to vector<16xf32>
    %min3A_1233 = arith.minimumf %min3A_1232, %max3A_1231 : vector<16xf32>
    %exp3A_1234 = math.exp %min3A_1233 : vector<16xf32>
    %add3A_1235 = arith.addf %get3A_516, %select_n3A_1207 : vector<16xf32>
    %add3A_1236 = arith.constant 1.000000e+00 : f32
    %add3A_1237 = vector.broadcast %add3A_1236 : f32 to vector<16xf32>
    %add3A_1238 = arith.addf %add3A_1237, %exp3A_1234 : vector<16xf32>
    %div3A_1239 = arith.divf %add3A_1235, %add3A_1238 : vector<16xf32>
    %swap3A_1240 = arith.constant 208 : index
    %swap3A_1241 = tpu.vector_load %arg22[%swap3A_1240] {strides = array<i32>} : memref<512xf32, #tpu.memory_space<vmem>>, vector<16xf32>,
    tpu.vector_store %arg22[%swap3A_1240], %div3A_1239 {strides = array<i32>} : memref<512xf32, #tpu.memory_space<vmem>>, vector<16xf32>,
    %get3A_1242 = arith.constant 1 : i32
    %get3A_1243 = arith.index_cast %get3A_1242 : i32 to index
    %get3A_1244 = arith.constant 96 : index
    %get3A_1245 = tpu.vector_load %arg19[%get3A_1243, %get3A_1244] {strides = array<i32>} : memref<4x128xi32, #tpu.memory_space<vmem>>, vector<16xi32>,
    %gather3A_1246 = tpu.vector_load_idx %arg15[%get3A_1245] : memref<1024xf32, #tpu.memory_space<vmem>>[vector<16xi32>], vector<16xf32>,
    %gather3A_1247 = tpu.vector_load_idx %arg16[%get3A_1245] : memref<1024xf32, #tpu.memory_space<vmem>>[vector<16xi32>], vector<16xf32>,
    %gather3A_1248 = tpu.vector_load_idx %arg17[%get3A_1245] : memref<1024xf32, #tpu.memory_space<vmem>>[vector<16xi32>], vector<16xf32>,
    %gather3A_1249 = tpu.vector_load_idx %arg18[%get3A_1245] : memref<1024xf32, #tpu.memory_space<vmem>>[vector<16xi32>], vector<16xf32>,
    %eq3A_1250 = arith.constant 0.000000e+00 : f32
    %eq3A_1251 = vector.broadcast %eq3A_1250 : f32 to vector<16xf32>
    %eq3A_1252 = arith.cmpf oeq, %gather3A_1249, %eq3A_1251 : vector<16xf32>
    %jit3A_1253 = arith.constant 1.000000e+00 : f32
    %broadcast_in_dim3A_1254 = vector.broadcast %jit3A_1253 : f32 to vector<16xf32>
    %select_n3A_1255 = arith.select %eq3A_1252, %broadcast_in_dim3A_1254, %gather3A_1249 : vector<16xi1>, vector<16xf32>
    %div3A_1256 = arith.divf %gather3A_1246, %select_n3A_1255 : vector<16xf32>
    %jit3A_1257 = arith.constant 0.000000e+00 : f32
    %broadcast_in_dim3A_1258 = vector.broadcast %jit3A_1257 : f32 to vector<16xf32>
    %select_n3A_1259 = arith.select %eq3A_1252, %broadcast_in_dim3A_1258, %div3A_1256 : vector<16xi1>, vector<16xf32>
    %div3A_1260 = arith.divf %gather3A_1247, %select_n3A_1255 : vector<16xf32>
    %jit3A_1261 = arith.constant 0.000000e+00 : f32
    %broadcast_in_dim3A_1262 = vector.broadcast %jit3A_1261 : f32 to vector<16xf32>
    %select_n3A_1263 = arith.select %eq3A_1252, %broadcast_in_dim3A_1262, %div3A_1260 : vector<16xi1>, vector<16xf32>
    %div3A_1264 = arith.divf %gather3A_1248, %select_n3A_1255 : vector<16xf32>
    %jit3A_1265 = arith.constant 0.000000e+00 : f32
    %broadcast_in_dim3A_1266 = vector.broadcast %jit3A_1265 : f32 to vector<16xf32>
    %select_n3A_1267 = arith.select %eq3A_1252, %broadcast_in_dim3A_1266, %div3A_1264 : vector<16xi1>, vector<16xf32>
    %get3A_1268 = arith.constant 224 : index
    %get3A_1269 = tpu.vector_load %arg20[%get3A_1268] {strides = array<i32>} : memref<512xf32, #tpu.memory_space<vmem>>, vector<16xf32>,
    %add3A_1270 = arith.addf %get3A_520, %select_n3A_1263 : vector<16xf32>
    %sub3A_1271 = arith.subf %get3A_1269, %add3A_1270 : vector<16xf32>
    %add3A_1272 = arith.addf %get3A_524, %select_n3A_1267 : vector<16xf32>
    %max3A_1273 = arith.constant 1.000000e-01 : f32
    %max3A_1274 = vector.broadcast %max3A_1273 : f32 to vector<16xf32>
    %max3A_1275 = arith.maximumf %add3A_1272, %max3A_1274 : vector<16xf32>
    %div3A_1276 = arith.divf %sub3A_1271, %max3A_1275 : vector<16xf32>
    %neg3A_1277 = arith.constant 0.000000e+00 : f32
    %neg3A_1278 = vector.broadcast %neg3A_1277 : f32 to vector<16xf32>
    %neg3A_1279 = arith.subf %neg3A_1278, %div3A_1276 : vector<16xf32>
    %jit3A_1280 = arith.constant -5.000000e+01 : f32
    %jit3A_1281 = arith.constant 5.000000e+01 : f32
    %max3A_1282 = vector.broadcast %jit3A_1280 : f32 to vector<16xf32>
    %max3A_1283 = arith.maximumf %max3A_1282, %neg3A_1279 : vector<16xf32>
    %min3A_1284 = vector.broadcast %jit3A_1281 : f32 to vector<16xf32>
    %min3A_1285 = arith.minimumf %min3A_1284, %max3A_1283 : vector<16xf32>
    %exp3A_1286 = math.exp %min3A_1285 : vector<16xf32>
    %add3A_1287 = arith.addf %get3A_516, %select_n3A_1259 : vector<16xf32>
    %add3A_1288 = arith.constant 1.000000e+00 : f32
    %add3A_1289 = vector.broadcast %add3A_1288 : f32 to vector<16xf32>
    %add3A_1290 = arith.addf %add3A_1289, %exp3A_1286 : vector<16xf32>
    %div3A_1291 = arith.divf %add3A_1287, %add3A_1290 : vector<16xf32>
    %swap3A_1292 = arith.constant 224 : index
    %swap3A_1293 = tpu.vector_load %arg22[%swap3A_1292] {strides = array<i32>} : memref<512xf32, #tpu.memory_space<vmem>>, vector<16xf32>,
    tpu.vector_store %arg22[%swap3A_1292], %div3A_1291 {strides = array<i32>} : memref<512xf32, #tpu.memory_space<vmem>>, vector<16xf32>,
    %get3A_1294 = arith.constant 1 : i32
    %get3A_1295 = arith.index_cast %get3A_1294 : i32 to index
    %get3A_1296 = arith.constant 112 : index
    %get3A_1297 = tpu.vector_load %arg19[%get3A_1295, %get3A_1296] {strides = array<i32>} : memref<4x128xi32, #tpu.memory_space<vmem>>, vector<16xi32>,
    %gather3A_1298 = tpu.vector_load_idx %arg15[%get3A_1297] : memref<1024xf32, #tpu.memory_space<vmem>>[vector<16xi32>], vector<16xf32>,
    %gather3A_1299 = tpu.vector_load_idx %arg16[%get3A_1297] : memref<1024xf32, #tpu.memory_space<vmem>>[vector<16xi32>], vector<16xf32>,
    %gather3A_1300 = tpu.vector_load_idx %arg17[%get3A_1297] : memref<1024xf32, #tpu.memory_space<vmem>>[vector<16xi32>], vector<16xf32>,
    %gather3A_1301 = tpu.vector_load_idx %arg18[%get3A_1297] : memref<1024xf32, #tpu.memory_space<vmem>>[vector<16xi32>], vector<16xf32>,
    %eq3A_1302 = arith.constant 0.000000e+00 : f32
    %eq3A_1303 = vector.broadcast %eq3A_1302 : f32 to vector<16xf32>
    %eq3A_1304 = arith.cmpf oeq, %gather3A_1301, %eq3A_1303 : vector<16xf32>
    %jit3A_1305 = arith.constant 1.000000e+00 : f32
    %broadcast_in_dim3A_1306 = vector.broadcast %jit3A_1305 : f32 to vector<16xf32>
    %select_n3A_1307 = arith.select %eq3A_1304, %broadcast_in_dim3A_1306, %gather3A_1301 : vector<16xi1>, vector<16xf32>
    %div3A_1308 = arith.divf %gather3A_1298, %select_n3A_1307 : vector<16xf32>
    %jit3A_1309 = arith.constant 0.000000e+00 : f32
    %broadcast_in_dim3A_1310 = vector.broadcast %jit3A_1309 : f32 to vector<16xf32>
    %select_n3A_1311 = arith.select %eq3A_1304, %broadcast_in_dim3A_1310, %div3A_1308 : vector<16xi1>, vector<16xf32>
    %div3A_1312 = arith.divf %gather3A_1299, %select_n3A_1307 : vector<16xf32>
    %jit3A_1313 = arith.constant 0.000000e+00 : f32
    %broadcast_in_dim3A_1314 = vector.broadcast %jit3A_1313 : f32 to vector<16xf32>
    %select_n3A_1315 = arith.select %eq3A_1304, %broadcast_in_dim3A_1314, %div3A_1312 : vector<16xi1>, vector<16xf32>
    %div3A_1316 = arith.divf %gather3A_1300, %select_n3A_1307 : vector<16xf32>
    %jit3A_1317 = arith.constant 0.000000e+00 : f32
    %broadcast_in_dim3A_1318 = vector.broadcast %jit3A_1317 : f32 to vector<16xf32>
    %select_n3A_1319 = arith.select %eq3A_1304, %broadcast_in_dim3A_1318, %div3A_1316 : vector<16xi1>, vector<16xf32>
    %get3A_1320 = arith.constant 240 : index
    %get3A_1321 = tpu.vector_load %arg20[%get3A_1320] {strides = array<i32>} : memref<512xf32, #tpu.memory_space<vmem>>, vector<16xf32>,
    %add3A_1322 = arith.addf %get3A_520, %select_n3A_1315 : vector<16xf32>
    %sub3A_1323 = arith.subf %get3A_1321, %add3A_1322 : vector<16xf32>
    %add3A_1324 = arith.addf %get3A_524, %select_n3A_1319 : vector<16xf32>
    %max3A_1325 = arith.constant 1.000000e-01 : f32
    %max3A_1326 = vector.broadcast %max3A_1325 : f32 to vector<16xf32>
    %max3A_1327 = arith.maximumf %add3A_1324, %max3A_1326 : vector<16xf32>
    %div3A_1328 = arith.divf %sub3A_1323, %max3A_1327 : vector<16xf32>
    %neg3A_1329 = arith.constant 0.000000e+00 : f32
    %neg3A_1330 = vector.broadcast %neg3A_1329 : f32 to vector<16xf32>
    %neg3A_1331 = arith.subf %neg3A_1330, %div3A_1328 : vector<16xf32>
    %jit3A_1332 = arith.constant -5.000000e+01 : f32
    %jit3A_1333 = arith.constant 5.000000e+01 : f32
    %max3A_1334 = vector.broadcast %jit3A_1332 : f32 to vector<16xf32>
    %max3A_1335 = arith.maximumf %max3A_1334, %neg3A_1331 : vector<16xf32>
    %min3A_1336 = vector.broadcast %jit3A_1333 : f32 to vector<16xf32>
    %min3A_1337 = arith.minimumf %min3A_1336, %max3A_1335 : vector<16xf32>
    %exp3A_1338 = math.exp %min3A_1337 : vector<16xf32>
    %add3A_1339 = arith.addf %get3A_516, %select_n3A_1311 : vector<16xf32>
    %add3A_1340 = arith.constant 1.000000e+00 : f32
    %add3A_1341 = vector.broadcast %add3A_1340 : f32 to vector<16xf32>
    %add3A_1342 = arith.addf %add3A_1341, %exp3A_1338 : vector<16xf32>
    %div3A_1343 = arith.divf %add3A_1339, %add3A_1342 : vector<16xf32>
    %swap3A_1344 = arith.constant 240 : index
    %swap3A_1345 = tpu.vector_load %arg22[%swap3A_1344] {strides = array<i32>} : memref<512xf32, #tpu.memory_space<vmem>>, vector<16xf32>,
    tpu.vector_store %arg22[%swap3A_1344], %div3A_1343 {strides = array<i32>} : memref<512xf32, #tpu.memory_space<vmem>>, vector<16xf32>,
    %get3A_1346 = arith.constant 2 : i32
    %get3A_1347 = arith.index_cast %get3A_1346 : i32 to index
    %get3A_1348 = arith.constant 0 : index
    %get3A_1349 = tpu.vector_load %arg19[%get3A_1347, %get3A_1348] {strides = array<i32>} : memref<4x128xi32, #tpu.memory_space<vmem>>, vector<16xi32>,
    %gather3A_1350 = tpu.vector_load_idx %arg15[%get3A_1349] : memref<1024xf32, #tpu.memory_space<vmem>>[vector<16xi32>], vector<16xf32>,
    %gather3A_1351 = tpu.vector_load_idx %arg16[%get3A_1349] : memref<1024xf32, #tpu.memory_space<vmem>>[vector<16xi32>], vector<16xf32>,
    %gather3A_1352 = tpu.vector_load_idx %arg17[%get3A_1349] : memref<1024xf32, #tpu.memory_space<vmem>>[vector<16xi32>], vector<16xf32>,
    %gather3A_1353 = tpu.vector_load_idx %arg18[%get3A_1349] : memref<1024xf32, #tpu.memory_space<vmem>>[vector<16xi32>], vector<16xf32>,
    %eq3A_1354 = arith.constant 0.000000e+00 : f32
    %eq3A_1355 = vector.broadcast %eq3A_1354 : f32 to vector<16xf32>
    %eq3A_1356 = arith.cmpf oeq, %gather3A_1353, %eq3A_1355 : vector<16xf32>
    %jit3A_1357 = arith.constant 1.000000e+00 : f32
    %broadcast_in_dim3A_1358 = vector.broadcast %jit3A_1357 : f32 to vector<16xf32>
    %select_n3A_1359 = arith.select %eq3A_1356, %broadcast_in_dim3A_1358, %gather3A_1353 : vector<16xi1>, vector<16xf32>
    %div3A_1360 = arith.divf %gather3A_1350, %select_n3A_1359 : vector<16xf32>
    %jit3A_1361 = arith.constant 0.000000e+00 : f32
    %broadcast_in_dim3A_1362 = vector.broadcast %jit3A_1361 : f32 to vector<16xf32>
    %select_n3A_1363 = arith.select %eq3A_1356, %broadcast_in_dim3A_1362, %div3A_1360 : vector<16xi1>, vector<16xf32>
    %div3A_1364 = arith.divf %gather3A_1351, %select_n3A_1359 : vector<16xf32>
    %jit3A_1365 = arith.constant 0.000000e+00 : f32
    %broadcast_in_dim3A_1366 = vector.broadcast %jit3A_1365 : f32 to vector<16xf32>
    %select_n3A_1367 = arith.select %eq3A_1356, %broadcast_in_dim3A_1366, %div3A_1364 : vector<16xi1>, vector<16xf32>
    %div3A_1368 = arith.divf %gather3A_1352, %select_n3A_1359 : vector<16xf32>
    %jit3A_1369 = arith.constant 0.000000e+00 : f32
    %broadcast_in_dim3A_1370 = vector.broadcast %jit3A_1369 : f32 to vector<16xf32>
    %select_n3A_1371 = arith.select %eq3A_1356, %broadcast_in_dim3A_1370, %div3A_1368 : vector<16xi1>, vector<16xf32>
    %get3A_1372 = arith.constant 256 : index
    %get3A_1373 = tpu.vector_load %arg20[%get3A_1372] {strides = array<i32>} : memref<512xf32, #tpu.memory_space<vmem>>, vector<16xf32>,
    %add3A_1374 = arith.addf %get3A_520, %select_n3A_1367 : vector<16xf32>
    %sub3A_1375 = arith.subf %get3A_1373, %add3A_1374 : vector<16xf32>
    %add3A_1376 = arith.addf %get3A_524, %select_n3A_1371 : vector<16xf32>
    %max3A_1377 = arith.constant 1.000000e-01 : f32
    %max3A_1378 = vector.broadcast %max3A_1377 : f32 to vector<16xf32>
    %max3A_1379 = arith.maximumf %add3A_1376, %max3A_1378 : vector<16xf32>
    %div3A_1380 = arith.divf %sub3A_1375, %max3A_1379 : vector<16xf32>
    %neg3A_1381 = arith.constant 0.000000e+00 : f32
    %neg3A_1382 = vector.broadcast %neg3A_1381 : f32 to vector<16xf32>
    %neg3A_1383 = arith.subf %neg3A_1382, %div3A_1380 : vector<16xf32>
    %jit3A_1384 = arith.constant -5.000000e+01 : f32
    %jit3A_1385 = arith.constant 5.000000e+01 : f32
    %max3A_1386 = vector.broadcast %jit3A_1384 : f32 to vector<16xf32>
    %max3A_1387 = arith.maximumf %max3A_1386, %neg3A_1383 : vector<16xf32>
    %min3A_1388 = vector.broadcast %jit3A_1385 : f32 to vector<16xf32>
    %min3A_1389 = arith.minimumf %min3A_1388, %max3A_1387 : vector<16xf32>
    %exp3A_1390 = math.exp %min3A_1389 : vector<16xf32>
    %add3A_1391 = arith.addf %get3A_516, %select_n3A_1363 : vector<16xf32>
    %add3A_1392 = arith.constant 1.000000e+00 : f32
    %add3A_1393 = vector.broadcast %add3A_1392 : f32 to vector<16xf32>
    %add3A_1394 = arith.addf %add3A_1393, %exp3A_1390 : vector<16xf32>
    %div3A_1395 = arith.divf %add3A_1391, %add3A_1394 : vector<16xf32>
    %swap3A_1396 = arith.constant 256 : index
    %swap3A_1397 = tpu.vector_load %arg22[%swap3A_1396] {strides = array<i32>} : memref<512xf32, #tpu.memory_space<vmem>>, vector<16xf32>,
    tpu.vector_store %arg22[%swap3A_1396], %div3A_1395 {strides = array<i32>} : memref<512xf32, #tpu.memory_space<vmem>>, vector<16xf32>,
    %get3A_1398 = arith.constant 2 : i32
    %get3A_1399 = arith.index_cast %get3A_1398 : i32 to index
    %get3A_1400 = arith.constant 16 : index
    %get3A_1401 = tpu.vector_load %arg19[%get3A_1399, %get3A_1400] {strides = array<i32>} : memref<4x128xi32, #tpu.memory_space<vmem>>, vector<16xi32>,
    %gather3A_1402 = tpu.vector_load_idx %arg15[%get3A_1401] : memref<1024xf32, #tpu.memory_space<vmem>>[vector<16xi32>], vector<16xf32>,
    %gather3A_1403 = tpu.vector_load_idx %arg16[%get3A_1401] : memref<1024xf32, #tpu.memory_space<vmem>>[vector<16xi32>], vector<16xf32>,
    %gather3A_1404 = tpu.vector_load_idx %arg17[%get3A_1401] : memref<1024xf32, #tpu.memory_space<vmem>>[vector<16xi32>], vector<16xf32>,
    %gather3A_1405 = tpu.vector_load_idx %arg18[%get3A_1401] : memref<1024xf32, #tpu.memory_space<vmem>>[vector<16xi32>], vector<16xf32>,
    %eq3A_1406 = arith.constant 0.000000e+00 : f32
    %eq3A_1407 = vector.broadcast %eq3A_1406 : f32 to vector<16xf32>
    %eq3A_1408 = arith.cmpf oeq, %gather3A_1405, %eq3A_1407 : vector<16xf32>
    %jit3A_1409 = arith.constant 1.000000e+00 : f32
    %broadcast_in_dim3A_1410 = vector.broadcast %jit3A_1409 : f32 to vector<16xf32>
    %select_n3A_1411 = arith.select %eq3A_1408, %broadcast_in_dim3A_1410, %gather3A_1405 : vector<16xi1>, vector<16xf32>
    %div3A_1412 = arith.divf %gather3A_1402, %select_n3A_1411 : vector<16xf32>
    %jit3A_1413 = arith.constant 0.000000e+00 : f32
    %broadcast_in_dim3A_1414 = vector.broadcast %jit3A_1413 : f32 to vector<16xf32>
    %select_n3A_1415 = arith.select %eq3A_1408, %broadcast_in_dim3A_1414, %div3A_1412 : vector<16xi1>, vector<16xf32>
    %div3A_1416 = arith.divf %gather3A_1403, %select_n3A_1411 : vector<16xf32>
    %jit3A_1417 = arith.constant 0.000000e+00 : f32
    %broadcast_in_dim3A_1418 = vector.broadcast %jit3A_1417 : f32 to vector<16xf32>
    %select_n3A_1419 = arith.select %eq3A_1408, %broadcast_in_dim3A_1418, %div3A_1416 : vector<16xi1>, vector<16xf32>
    %div3A_1420 = arith.divf %gather3A_1404, %select_n3A_1411 : vector<16xf32>
    %jit3A_1421 = arith.constant 0.000000e+00 : f32
    %broadcast_in_dim3A_1422 = vector.broadcast %jit3A_1421 : f32 to vector<16xf32>
    %select_n3A_1423 = arith.select %eq3A_1408, %broadcast_in_dim3A_1422, %div3A_1420 : vector<16xi1>, vector<16xf32>
    %get3A_1424 = arith.constant 272 : index
    %get3A_1425 = tpu.vector_load %arg20[%get3A_1424] {strides = array<i32>} : memref<512xf32, #tpu.memory_space<vmem>>, vector<16xf32>,
    %add3A_1426 = arith.addf %get3A_520, %select_n3A_1419 : vector<16xf32>
    %sub3A_1427 = arith.subf %get3A_1425, %add3A_1426 : vector<16xf32>
    %add3A_1428 = arith.addf %get3A_524, %select_n3A_1423 : vector<16xf32>
    %max3A_1429 = arith.constant 1.000000e-01 : f32
    %max3A_1430 = vector.broadcast %max3A_1429 : f32 to vector<16xf32>
    %max3A_1431 = arith.maximumf %add3A_1428, %max3A_1430 : vector<16xf32>
    %div3A_1432 = arith.divf %sub3A_1427, %max3A_1431 : vector<16xf32>
    %neg3A_1433 = arith.constant 0.000000e+00 : f32
    %neg3A_1434 = vector.broadcast %neg3A_1433 : f32 to vector<16xf32>
    %neg3A_1435 = arith.subf %neg3A_1434, %div3A_1432 : vector<16xf32>
    %jit3A_1436 = arith.constant -5.000000e+01 : f32
    %jit3A_1437 = arith.constant 5.000000e+01 : f32
    %max3A_1438 = vector.broadcast %jit3A_1436 : f32 to vector<16xf32>
    %max3A_1439 = arith.maximumf %max3A_1438, %neg3A_1435 : vector<16xf32>
    %min3A_1440 = vector.broadcast %jit3A_1437 : f32 to vector<16xf32>
    %min3A_1441 = arith.minimumf %min3A_1440, %max3A_1439 : vector<16xf32>
    %exp3A_1442 = math.exp %min3A_1441 : vector<16xf32>
    %add3A_1443 = arith.addf %get3A_516, %select_n3A_1415 : vector<16xf32>
    %add3A_1444 = arith.constant 1.000000e+00 : f32
    %add3A_1445 = vector.broadcast %add3A_1444 : f32 to vector<16xf32>
    %add3A_1446 = arith.addf %add3A_1445, %exp3A_1442 : vector<16xf32>
    %div3A_1447 = arith.divf %add3A_1443, %add3A_1446 : vector<16xf32>
    %swap3A_1448 = arith.constant 272 : index
    %swap3A_1449 = tpu.vector_load %arg22[%swap3A_1448] {strides = array<i32>} : memref<512xf32, #tpu.memory_space<vmem>>, vector<16xf32>,
    tpu.vector_store %arg22[%swap3A_1448], %div3A_1447 {strides = array<i32>} : memref<512xf32, #tpu.memory_space<vmem>>, vector<16xf32>,
    %get3A_1450 = arith.constant 2 : i32
    %get3A_1451 = arith.index_cast %get3A_1450 : i32 to index
    %get3A_1452 = arith.constant 32 : index
    %get3A_1453 = tpu.vector_load %arg19[%get3A_1451, %get3A_1452] {strides = array<i32>} : memref<4x128xi32, #tpu.memory_space<vmem>>, vector<16xi32>,
    %gather3A_1454 = tpu.vector_load_idx %arg15[%get3A_1453] : memref<1024xf32, #tpu.memory_space<vmem>>[vector<16xi32>], vector<16xf32>,
    %gather3A_1455 = tpu.vector_load_idx %arg16[%get3A_1453] : memref<1024xf32, #tpu.memory_space<vmem>>[vector<16xi32>], vector<16xf32>,
    %gather3A_1456 = tpu.vector_load_idx %arg17[%get3A_1453] : memref<1024xf32, #tpu.memory_space<vmem>>[vector<16xi32>], vector<16xf32>,
    %gather3A_1457 = tpu.vector_load_idx %arg18[%get3A_1453] : memref<1024xf32, #tpu.memory_space<vmem>>[vector<16xi32>], vector<16xf32>,
    %eq3A_1458 = arith.constant 0.000000e+00 : f32
    %eq3A_1459 = vector.broadcast %eq3A_1458 : f32 to vector<16xf32>
    %eq3A_1460 = arith.cmpf oeq, %gather3A_1457, %eq3A_1459 : vector<16xf32>
    %jit3A_1461 = arith.constant 1.000000e+00 : f32
    %broadcast_in_dim3A_1462 = vector.broadcast %jit3A_1461 : f32 to vector<16xf32>
    %select_n3A_1463 = arith.select %eq3A_1460, %broadcast_in_dim3A_1462, %gather3A_1457 : vector<16xi1>, vector<16xf32>
    %div3A_1464 = arith.divf %gather3A_1454, %select_n3A_1463 : vector<16xf32>
    %jit3A_1465 = arith.constant 0.000000e+00 : f32
    %broadcast_in_dim3A_1466 = vector.broadcast %jit3A_1465 : f32 to vector<16xf32>
    %select_n3A_1467 = arith.select %eq3A_1460, %broadcast_in_dim3A_1466, %div3A_1464 : vector<16xi1>, vector<16xf32>
    %div3A_1468 = arith.divf %gather3A_1455, %select_n3A_1463 : vector<16xf32>
    %jit3A_1469 = arith.constant 0.000000e+00 : f32
    %broadcast_in_dim3A_1470 = vector.broadcast %jit3A_1469 : f32 to vector<16xf32>
    %select_n3A_1471 = arith.select %eq3A_1460, %broadcast_in_dim3A_1470, %div3A_1468 : vector<16xi1>, vector<16xf32>
    %div3A_1472 = arith.divf %gather3A_1456, %select_n3A_1463 : vector<16xf32>
    %jit3A_1473 = arith.constant 0.000000e+00 : f32
    %broadcast_in_dim3A_1474 = vector.broadcast %jit3A_1473 : f32 to vector<16xf32>
    %select_n3A_1475 = arith.select %eq3A_1460, %broadcast_in_dim3A_1474, %div3A_1472 : vector<16xi1>, vector<16xf32>
    %get3A_1476 = arith.constant 288 : index
    %get3A_1477 = tpu.vector_load %arg20[%get3A_1476] {strides = array<i32>} : memref<512xf32, #tpu.memory_space<vmem>>, vector<16xf32>,
    %add3A_1478 = arith.addf %get3A_520, %select_n3A_1471 : vector<16xf32>
    %sub3A_1479 = arith.subf %get3A_1477, %add3A_1478 : vector<16xf32>
    %add3A_1480 = arith.addf %get3A_524, %select_n3A_1475 : vector<16xf32>
    %max3A_1481 = arith.constant 1.000000e-01 : f32
    %max3A_1482 = vector.broadcast %max3A_1481 : f32 to vector<16xf32>
    %max3A_1483 = arith.maximumf %add3A_1480, %max3A_1482 : vector<16xf32>
    %div3A_1484 = arith.divf %sub3A_1479, %max3A_1483 : vector<16xf32>
    %neg3A_1485 = arith.constant 0.000000e+00 : f32
    %neg3A_1486 = vector.broadcast %neg3A_1485 : f32 to vector<16xf32>
    %neg3A_1487 = arith.subf %neg3A_1486, %div3A_1484 : vector<16xf32>
    %jit3A_1488 = arith.constant -5.000000e+01 : f32
    %jit3A_1489 = arith.constant 5.000000e+01 : f32
    %max3A_1490 = vector.broadcast %jit3A_1488 : f32 to vector<16xf32>
    %max3A_1491 = arith.maximumf %max3A_1490, %neg3A_1487 : vector<16xf32>
    %min3A_1492 = vector.broadcast %jit3A_1489 : f32 to vector<16xf32>
    %min3A_1493 = arith.minimumf %min3A_1492, %max3A_1491 : vector<16xf32>
    %exp3A_1494 = math.exp %min3A_1493 : vector<16xf32>
    %add3A_1495 = arith.addf %get3A_516, %select_n3A_1467 : vector<16xf32>
    %add3A_1496 = arith.constant 1.000000e+00 : f32
    %add3A_1497 = vector.broadcast %add3A_1496 : f32 to vector<16xf32>
    %add3A_1498 = arith.addf %add3A_1497, %exp3A_1494 : vector<16xf32>
    %div3A_1499 = arith.divf %add3A_1495, %add3A_1498 : vector<16xf32>
    %swap3A_1500 = arith.constant 288 : index
    %swap3A_1501 = tpu.vector_load %arg22[%swap3A_1500] {strides = array<i32>} : memref<512xf32, #tpu.memory_space<vmem>>, vector<16xf32>,
    tpu.vector_store %arg22[%swap3A_1500], %div3A_1499 {strides = array<i32>} : memref<512xf32, #tpu.memory_space<vmem>>, vector<16xf32>,
    %get3A_1502 = arith.constant 2 : i32
    %get3A_1503 = arith.index_cast %get3A_1502 : i32 to index
    %get3A_1504 = arith.constant 48 : index
    %get3A_1505 = tpu.vector_load %arg19[%get3A_1503, %get3A_1504] {strides = array<i32>} : memref<4x128xi32, #tpu.memory_space<vmem>>, vector<16xi32>,
    %gather3A_1506 = tpu.vector_load_idx %arg15[%get3A_1505] : memref<1024xf32, #tpu.memory_space<vmem>>[vector<16xi32>], vector<16xf32>,
    %gather3A_1507 = tpu.vector_load_idx %arg16[%get3A_1505] : memref<1024xf32, #tpu.memory_space<vmem>>[vector<16xi32>], vector<16xf32>,
    %gather3A_1508 = tpu.vector_load_idx %arg17[%get3A_1505] : memref<1024xf32, #tpu.memory_space<vmem>>[vector<16xi32>], vector<16xf32>,
    %gather3A_1509 = tpu.vector_load_idx %arg18[%get3A_1505] : memref<1024xf32, #tpu.memory_space<vmem>>[vector<16xi32>], vector<16xf32>,
    %eq3A_1510 = arith.constant 0.000000e+00 : f32
    %eq3A_1511 = vector.broadcast %eq3A_1510 : f32 to vector<16xf32>
    %eq3A_1512 = arith.cmpf oeq, %gather3A_1509, %eq3A_1511 : vector<16xf32>
    %jit3A_1513 = arith.constant 1.000000e+00 : f32
    %broadcast_in_dim3A_1514 = vector.broadcast %jit3A_1513 : f32 to vector<16xf32>
    %select_n3A_1515 = arith.select %eq3A_1512, %broadcast_in_dim3A_1514, %gather3A_1509 : vector<16xi1>, vector<16xf32>
    %div3A_1516 = arith.divf %gather3A_1506, %select_n3A_1515 : vector<16xf32>
    %jit3A_1517 = arith.constant 0.000000e+00 : f32
    %broadcast_in_dim3A_1518 = vector.broadcast %jit3A_1517 : f32 to vector<16xf32>
    %select_n3A_1519 = arith.select %eq3A_1512, %broadcast_in_dim3A_1518, %div3A_1516 : vector<16xi1>, vector<16xf32>
    %div3A_1520 = arith.divf %gather3A_1507, %select_n3A_1515 : vector<16xf32>
    %jit3A_1521 = arith.constant 0.000000e+00 : f32
    %broadcast_in_dim3A_1522 = vector.broadcast %jit3A_1521 : f32 to vector<16xf32>
    %select_n3A_1523 = arith.select %eq3A_1512, %broadcast_in_dim3A_1522, %div3A_1520 : vector<16xi1>, vector<16xf32>
    %div3A_1524 = arith.divf %gather3A_1508, %select_n3A_1515 : vector<16xf32>
    %jit3A_1525 = arith.constant 0.000000e+00 : f32
    %broadcast_in_dim3A_1526 = vector.broadcast %jit3A_1525 : f32 to vector<16xf32>
    %select_n3A_1527 = arith.select %eq3A_1512, %broadcast_in_dim3A_1526, %div3A_1524 : vector<16xi1>, vector<16xf32>
    %get3A_1528 = arith.constant 304 : index
    %get3A_1529 = tpu.vector_load %arg20[%get3A_1528] {strides = array<i32>} : memref<512xf32, #tpu.memory_space<vmem>>, vector<16xf32>,
    %add3A_1530 = arith.addf %get3A_520, %select_n3A_1523 : vector<16xf32>
    %sub3A_1531 = arith.subf %get3A_1529, %add3A_1530 : vector<16xf32>
    %add3A_1532 = arith.addf %get3A_524, %select_n3A_1527 : vector<16xf32>
    %max3A_1533 = arith.constant 1.000000e-01 : f32
    %max3A_1534 = vector.broadcast %max3A_1533 : f32 to vector<16xf32>
    %max3A_1535 = arith.maximumf %add3A_1532, %max3A_1534 : vector<16xf32>
    %div3A_1536 = arith.divf %sub3A_1531, %max3A_1535 : vector<16xf32>
    %neg3A_1537 = arith.constant 0.000000e+00 : f32
    %neg3A_1538 = vector.broadcast %neg3A_1537 : f32 to vector<16xf32>
    %neg3A_1539 = arith.subf %neg3A_1538, %div3A_1536 : vector<16xf32>
    %jit3A_1540 = arith.constant -5.000000e+01 : f32
    %jit3A_1541 = arith.constant 5.000000e+01 : f32
    %max3A_1542 = vector.broadcast %jit3A_1540 : f32 to vector<16xf32>
    %max3A_1543 = arith.maximumf %max3A_1542, %neg3A_1539 : vector<16xf32>
    %min3A_1544 = vector.broadcast %jit3A_1541 : f32 to vector<16xf32>
    %min3A_1545 = arith.minimumf %min3A_1544, %max3A_1543 : vector<16xf32>
    %exp3A_1546 = math.exp %min3A_1545 : vector<16xf32>
    %add3A_1547 = arith.addf %get3A_516, %select_n3A_1519 : vector<16xf32>
    %add3A_1548 = arith.constant 1.000000e+00 : f32
    %add3A_1549 = vector.broadcast %add3A_1548 : f32 to vector<16xf32>
    %add3A_1550 = arith.addf %add3A_1549, %exp3A_1546 : vector<16xf32>
    %div3A_1551 = arith.divf %add3A_1547, %add3A_1550 : vector<16xf32>
    %swap3A_1552 = arith.constant 304 : index
    %swap3A_1553 = tpu.vector_load %arg22[%swap3A_1552] {strides = array<i32>} : memref<512xf32, #tpu.memory_space<vmem>>, vector<16xf32>,
    tpu.vector_store %arg22[%swap3A_1552], %div3A_1551 {strides = array<i32>} : memref<512xf32, #tpu.memory_space<vmem>>, vector<16xf32>,
    %get3A_1554 = arith.constant 2 : i32
    %get3A_1555 = arith.index_cast %get3A_1554 : i32 to index
    %get3A_1556 = arith.constant 64 : index
    %get3A_1557 = tpu.vector_load %arg19[%get3A_1555, %get3A_1556] {strides = array<i32>} : memref<4x128xi32, #tpu.memory_space<vmem>>, vector<16xi32>,
    %gather3A_1558 = tpu.vector_load_idx %arg15[%get3A_1557] : memref<1024xf32, #tpu.memory_space<vmem>>[vector<16xi32>], vector<16xf32>,
    %gather3A_1559 = tpu.vector_load_idx %arg16[%get3A_1557] : memref<1024xf32, #tpu.memory_space<vmem>>[vector<16xi32>], vector<16xf32>,
    %gather3A_1560 = tpu.vector_load_idx %arg17[%get3A_1557] : memref<1024xf32, #tpu.memory_space<vmem>>[vector<16xi32>], vector<16xf32>,
    %gather3A_1561 = tpu.vector_load_idx %arg18[%get3A_1557] : memref<1024xf32, #tpu.memory_space<vmem>>[vector<16xi32>], vector<16xf32>,
    %eq3A_1562 = arith.constant 0.000000e+00 : f32
    %eq3A_1563 = vector.broadcast %eq3A_1562 : f32 to vector<16xf32>
    %eq3A_1564 = arith.cmpf oeq, %gather3A_1561, %eq3A_1563 : vector<16xf32>
    %jit3A_1565 = arith.constant 1.000000e+00 : f32
    %broadcast_in_dim3A_1566 = vector.broadcast %jit3A_1565 : f32 to vector<16xf32>
    %select_n3A_1567 = arith.select %eq3A_1564, %broadcast_in_dim3A_1566, %gather3A_1561 : vector<16xi1>, vector<16xf32>
    %div3A_1568 = arith.divf %gather3A_1558, %select_n3A_1567 : vector<16xf32>
    %jit3A_1569 = arith.constant 0.000000e+00 : f32
    %broadcast_in_dim3A_1570 = vector.broadcast %jit3A_1569 : f32 to vector<16xf32>
    %select_n3A_1571 = arith.select %eq3A_1564, %broadcast_in_dim3A_1570, %div3A_1568 : vector<16xi1>, vector<16xf32>
    %div3A_1572 = arith.divf %gather3A_1559, %select_n3A_1567 : vector<16xf32>
    %jit3A_1573 = arith.constant 0.000000e+00 : f32
    %broadcast_in_dim3A_1574 = vector.broadcast %jit3A_1573 : f32 to vector<16xf32>
    %select_n3A_1575 = arith.select %eq3A_1564, %broadcast_in_dim3A_1574, %div3A_1572 : vector<16xi1>, vector<16xf32>
    %div3A_1576 = arith.divf %gather3A_1560, %select_n3A_1567 : vector<16xf32>
    %jit3A_1577 = arith.constant 0.000000e+00 : f32
    %broadcast_in_dim3A_1578 = vector.broadcast %jit3A_1577 : f32 to vector<16xf32>
    %select_n3A_1579 = arith.select %eq3A_1564, %broadcast_in_dim3A_1578, %div3A_1576 : vector<16xi1>, vector<16xf32>
    %get3A_1580 = arith.constant 320 : index
    %get3A_1581 = tpu.vector_load %arg20[%get3A_1580] {strides = array<i32>} : memref<512xf32, #tpu.memory_space<vmem>>, vector<16xf32>,
    %add3A_1582 = arith.addf %get3A_520, %select_n3A_1575 : vector<16xf32>
    %sub3A_1583 = arith.subf %get3A_1581, %add3A_1582 : vector<16xf32>
    %add3A_1584 = arith.addf %get3A_524, %select_n3A_1579 : vector<16xf32>
    %max3A_1585 = arith.constant 1.000000e-01 : f32
    %max3A_1586 = vector.broadcast %max3A_1585 : f32 to vector<16xf32>
    %max3A_1587 = arith.maximumf %add3A_1584, %max3A_1586 : vector<16xf32>
    %div3A_1588 = arith.divf %sub3A_1583, %max3A_1587 : vector<16xf32>
    %neg3A_1589 = arith.constant 0.000000e+00 : f32
    %neg3A_1590 = vector.broadcast %neg3A_1589 : f32 to vector<16xf32>
    %neg3A_1591 = arith.subf %neg3A_1590, %div3A_1588 : vector<16xf32>
    %jit3A_1592 = arith.constant -5.000000e+01 : f32
    %jit3A_1593 = arith.constant 5.000000e+01 : f32
    %max3A_1594 = vector.broadcast %jit3A_1592 : f32 to vector<16xf32>
    %max3A_1595 = arith.maximumf %max3A_1594, %neg3A_1591 : vector<16xf32>
    %min3A_1596 = vector.broadcast %jit3A_1593 : f32 to vector<16xf32>
    %min3A_1597 = arith.minimumf %min3A_1596, %max3A_1595 : vector<16xf32>
    %exp3A_1598 = math.exp %min3A_1597 : vector<16xf32>
    %add3A_1599 = arith.addf %get3A_516, %select_n3A_1571 : vector<16xf32>
    %add3A_1600 = arith.constant 1.000000e+00 : f32
    %add3A_1601 = vector.broadcast %add3A_1600 : f32 to vector<16xf32>
    %add3A_1602 = arith.addf %add3A_1601, %exp3A_1598 : vector<16xf32>
    %div3A_1603 = arith.divf %add3A_1599, %add3A_1602 : vector<16xf32>
    %swap3A_1604 = arith.constant 320 : index
    %swap3A_1605 = tpu.vector_load %arg22[%swap3A_1604] {strides = array<i32>} : memref<512xf32, #tpu.memory_space<vmem>>, vector<16xf32>,
    tpu.vector_store %arg22[%swap3A_1604], %div3A_1603 {strides = array<i32>} : memref<512xf32, #tpu.memory_space<vmem>>, vector<16xf32>,
    %get3A_1606 = arith.constant 2 : i32
    %get3A_1607 = arith.index_cast %get3A_1606 : i32 to index
    %get3A_1608 = arith.constant 80 : index
    %get3A_1609 = tpu.vector_load %arg19[%get3A_1607, %get3A_1608] {strides = array<i32>} : memref<4x128xi32, #tpu.memory_space<vmem>>, vector<16xi32>,
    %gather3A_1610 = tpu.vector_load_idx %arg15[%get3A_1609] : memref<1024xf32, #tpu.memory_space<vmem>>[vector<16xi32>], vector<16xf32>,
    %gather3A_1611 = tpu.vector_load_idx %arg16[%get3A_1609] : memref<1024xf32, #tpu.memory_space<vmem>>[vector<16xi32>], vector<16xf32>,
    %gather3A_1612 = tpu.vector_load_idx %arg17[%get3A_1609] : memref<1024xf32, #tpu.memory_space<vmem>>[vector<16xi32>], vector<16xf32>,
    %gather3A_1613 = tpu.vector_load_idx %arg18[%get3A_1609] : memref<1024xf32, #tpu.memory_space<vmem>>[vector<16xi32>], vector<16xf32>,
    %eq3A_1614 = arith.constant 0.000000e+00 : f32
    %eq3A_1615 = vector.broadcast %eq3A_1614 : f32 to vector<16xf32>
    %eq3A_1616 = arith.cmpf oeq, %gather3A_1613, %eq3A_1615 : vector<16xf32>
    %jit3A_1617 = arith.constant 1.000000e+00 : f32
    %broadcast_in_dim3A_1618 = vector.broadcast %jit3A_1617 : f32 to vector<16xf32>
    %select_n3A_1619 = arith.select %eq3A_1616, %broadcast_in_dim3A_1618, %gather3A_1613 : vector<16xi1>, vector<16xf32>
    %div3A_1620 = arith.divf %gather3A_1610, %select_n3A_1619 : vector<16xf32>
    %jit3A_1621 = arith.constant 0.000000e+00 : f32
    %broadcast_in_dim3A_1622 = vector.broadcast %jit3A_1621 : f32 to vector<16xf32>
    %select_n3A_1623 = arith.select %eq3A_1616, %broadcast_in_dim3A_1622, %div3A_1620 : vector<16xi1>, vector<16xf32>
    %div3A_1624 = arith.divf %gather3A_1611, %select_n3A_1619 : vector<16xf32>
    %jit3A_1625 = arith.constant 0.000000e+00 : f32
    %broadcast_in_dim3A_1626 = vector.broadcast %jit3A_1625 : f32 to vector<16xf32>
    %select_n3A_1627 = arith.select %eq3A_1616, %broadcast_in_dim3A_1626, %div3A_1624 : vector<16xi1>, vector<16xf32>
    %div3A_1628 = arith.divf %gather3A_1612, %select_n3A_1619 : vector<16xf32>
    %jit3A_1629 = arith.constant 0.000000e+00 : f32
    %broadcast_in_dim3A_1630 = vector.broadcast %jit3A_1629 : f32 to vector<16xf32>
    %select_n3A_1631 = arith.select %eq3A_1616, %broadcast_in_dim3A_1630, %div3A_1628 : vector<16xi1>, vector<16xf32>
    %get3A_1632 = arith.constant 336 : index
    %get3A_1633 = tpu.vector_load %arg20[%get3A_1632] {strides = array<i32>} : memref<512xf32, #tpu.memory_space<vmem>>, vector<16xf32>,
    %add3A_1634 = arith.addf %get3A_520, %select_n3A_1627 : vector<16xf32>
    %sub3A_1635 = arith.subf %get3A_1633, %add3A_1634 : vector<16xf32>
    %add3A_1636 = arith.addf %get3A_524, %select_n3A_1631 : vector<16xf32>
    %max3A_1637 = arith.constant 1.000000e-01 : f32
    %max3A_1638 = vector.broadcast %max3A_1637 : f32 to vector<16xf32>
    %max3A_1639 = arith.maximumf %add3A_1636, %max3A_1638 : vector<16xf32>
    %div3A_1640 = arith.divf %sub3A_1635, %max3A_1639 : vector<16xf32>
    %neg3A_1641 = arith.constant 0.000000e+00 : f32
    %neg3A_1642 = vector.broadcast %neg3A_1641 : f32 to vector<16xf32>
    %neg3A_1643 = arith.subf %neg3A_1642, %div3A_1640 : vector<16xf32>
    %jit3A_1644 = arith.constant -5.000000e+01 : f32
    %jit3A_1645 = arith.constant 5.000000e+01 : f32
    %max3A_1646 = vector.broadcast %jit3A_1644 : f32 to vector<16xf32>
    %max3A_1647 = arith.maximumf %max3A_1646, %neg3A_1643 : vector<16xf32>
    %min3A_1648 = vector.broadcast %jit3A_1645 : f32 to vector<16xf32>
    %min3A_1649 = arith.minimumf %min3A_1648, %max3A_1647 : vector<16xf32>
    %exp3A_1650 = math.exp %min3A_1649 : vector<16xf32>
    %add3A_1651 = arith.addf %get3A_516, %select_n3A_1623 : vector<16xf32>
    %add3A_1652 = arith.constant 1.000000e+00 : f32
    %add3A_1653 = vector.broadcast %add3A_1652 : f32 to vector<16xf32>
    %add3A_1654 = arith.addf %add3A_1653, %exp3A_1650 : vector<16xf32>
    %div3A_1655 = arith.divf %add3A_1651, %add3A_1654 : vector<16xf32>
    %swap3A_1656 = arith.constant 336 : index
    %swap3A_1657 = tpu.vector_load %arg22[%swap3A_1656] {strides = array<i32>} : memref<512xf32, #tpu.memory_space<vmem>>, vector<16xf32>,
    tpu.vector_store %arg22[%swap3A_1656], %div3A_1655 {strides = array<i32>} : memref<512xf32, #tpu.memory_space<vmem>>, vector<16xf32>,
    %get3A_1658 = arith.constant 2 : i32
    %get3A_1659 = arith.index_cast %get3A_1658 : i32 to index
    %get3A_1660 = arith.constant 96 : index
    %get3A_1661 = tpu.vector_load %arg19[%get3A_1659, %get3A_1660] {strides = array<i32>} : memref<4x128xi32, #tpu.memory_space<vmem>>, vector<16xi32>,
    %gather3A_1662 = tpu.vector_load_idx %arg15[%get3A_1661] : memref<1024xf32, #tpu.memory_space<vmem>>[vector<16xi32>], vector<16xf32>,
    %gather3A_1663 = tpu.vector_load_idx %arg16[%get3A_1661] : memref<1024xf32, #tpu.memory_space<vmem>>[vector<16xi32>], vector<16xf32>,
    %gather3A_1664 = tpu.vector_load_idx %arg17[%get3A_1661] : memref<1024xf32, #tpu.memory_space<vmem>>[vector<16xi32>], vector<16xf32>,
    %gather3A_1665 = tpu.vector_load_idx %arg18[%get3A_1661] : memref<1024xf32, #tpu.memory_space<vmem>>[vector<16xi32>], vector<16xf32>,
    %eq3A_1666 = arith.constant 0.000000e+00 : f32
    %eq3A_1667 = vector.broadcast %eq3A_1666 : f32 to vector<16xf32>
    %eq3A_1668 = arith.cmpf oeq, %gather3A_1665, %eq3A_1667 : vector<16xf32>
    %jit3A_1669 = arith.constant 1.000000e+00 : f32
    %broadcast_in_dim3A_1670 = vector.broadcast %jit3A_1669 : f32 to vector<16xf32>
    %select_n3A_1671 = arith.select %eq3A_1668, %broadcast_in_dim3A_1670, %gather3A_1665 : vector<16xi1>, vector<16xf32>
    %div3A_1672 = arith.divf %gather3A_1662, %select_n3A_1671 : vector<16xf32>
    %jit3A_1673 = arith.constant 0.000000e+00 : f32
    %broadcast_in_dim3A_1674 = vector.broadcast %jit3A_1673 : f32 to vector<16xf32>
    %select_n3A_1675 = arith.select %eq3A_1668, %broadcast_in_dim3A_1674, %div3A_1672 : vector<16xi1>, vector<16xf32>
    %div3A_1676 = arith.divf %gather3A_1663, %select_n3A_1671 : vector<16xf32>
    %jit3A_1677 = arith.constant 0.000000e+00 : f32
    %broadcast_in_dim3A_1678 = vector.broadcast %jit3A_1677 : f32 to vector<16xf32>
    %select_n3A_1679 = arith.select %eq3A_1668, %broadcast_in_dim3A_1678, %div3A_1676 : vector<16xi1>, vector<16xf32>
    %div3A_1680 = arith.divf %gather3A_1664, %select_n3A_1671 : vector<16xf32>
    %jit3A_1681 = arith.constant 0.000000e+00 : f32
    %broadcast_in_dim3A_1682 = vector.broadcast %jit3A_1681 : f32 to vector<16xf32>
    %select_n3A_1683 = arith.select %eq3A_1668, %broadcast_in_dim3A_1682, %div3A_1680 : vector<16xi1>, vector<16xf32>
    %get3A_1684 = arith.constant 352 : index
    %get3A_1685 = tpu.vector_load %arg20[%get3A_1684] {strides = array<i32>} : memref<512xf32, #tpu.memory_space<vmem>>, vector<16xf32>,
    %add3A_1686 = arith.addf %get3A_520, %select_n3A_1679 : vector<16xf32>
    %sub3A_1687 = arith.subf %get3A_1685, %add3A_1686 : vector<16xf32>
    %add3A_1688 = arith.addf %get3A_524, %select_n3A_1683 : vector<16xf32>
    %max3A_1689 = arith.constant 1.000000e-01 : f32
    %max3A_1690 = vector.broadcast %max3A_1689 : f32 to vector<16xf32>
    %max3A_1691 = arith.maximumf %add3A_1688, %max3A_1690 : vector<16xf32>
    %div3A_1692 = arith.divf %sub3A_1687, %max3A_1691 : vector<16xf32>
    %neg3A_1693 = arith.constant 0.000000e+00 : f32
    %neg3A_1694 = vector.broadcast %neg3A_1693 : f32 to vector<16xf32>
    %neg3A_1695 = arith.subf %neg3A_1694, %div3A_1692 : vector<16xf32>
    %jit3A_1696 = arith.constant -5.000000e+01 : f32
    %jit3A_1697 = arith.constant 5.000000e+01 : f32
    %max3A_1698 = vector.broadcast %jit3A_1696 : f32 to vector<16xf32>
    %max3A_1699 = arith.maximumf %max3A_1698, %neg3A_1695 : vector<16xf32>
    %min3A_1700 = vector.broadcast %jit3A_1697 : f32 to vector<16xf32>
    %min3A_1701 = arith.minimumf %min3A_1700, %max3A_1699 : vector<16xf32>
    %exp3A_1702 = math.exp %min3A_1701 : vector<16xf32>
    %add3A_1703 = arith.addf %get3A_516, %select_n3A_1675 : vector<16xf32>
    %add3A_1704 = arith.constant 1.000000e+00 : f32
    %add3A_1705 = vector.broadcast %add3A_1704 : f32 to vector<16xf32>
    %add3A_1706 = arith.addf %add3A_1705, %exp3A_1702 : vector<16xf32>
    %div3A_1707 = arith.divf %add3A_1703, %add3A_1706 : vector<16xf32>
    %swap3A_1708 = arith.constant 352 : index
    %swap3A_1709 = tpu.vector_load %arg22[%swap3A_1708] {strides = array<i32>} : memref<512xf32, #tpu.memory_space<vmem>>, vector<16xf32>,
    tpu.vector_store %arg22[%swap3A_1708], %div3A_1707 {strides = array<i32>} : memref<512xf32, #tpu.memory_space<vmem>>, vector<16xf32>,
    %get3A_1710 = arith.constant 2 : i32
    %get3A_1711 = arith.index_cast %get3A_1710 : i32 to index
    %get3A_1712 = arith.constant 112 : index
    %get3A_1713 = tpu.vector_load %arg19[%get3A_1711, %get3A_1712] {strides = array<i32>} : memref<4x128xi32, #tpu.memory_space<vmem>>, vector<16xi32>,
    %gather3A_1714 = tpu.vector_load_idx %arg15[%get3A_1713] : memref<1024xf32, #tpu.memory_space<vmem>>[vector<16xi32>], vector<16xf32>,
    %gather3A_1715 = tpu.vector_load_idx %arg16[%get3A_1713] : memref<1024xf32, #tpu.memory_space<vmem>>[vector<16xi32>], vector<16xf32>,
    %gather3A_1716 = tpu.vector_load_idx %arg17[%get3A_1713] : memref<1024xf32, #tpu.memory_space<vmem>>[vector<16xi32>], vector<16xf32>,
    %gather3A_1717 = tpu.vector_load_idx %arg18[%get3A_1713] : memref<1024xf32, #tpu.memory_space<vmem>>[vector<16xi32>], vector<16xf32>,
    %eq3A_1718 = arith.constant 0.000000e+00 : f32
    %eq3A_1719 = vector.broadcast %eq3A_1718 : f32 to vector<16xf32>
    %eq3A_1720 = arith.cmpf oeq, %gather3A_1717, %eq3A_1719 : vector<16xf32>
    %jit3A_1721 = arith.constant 1.000000e+00 : f32
    %broadcast_in_dim3A_1722 = vector.broadcast %jit3A_1721 : f32 to vector<16xf32>
    %select_n3A_1723 = arith.select %eq3A_1720, %broadcast_in_dim3A_1722, %gather3A_1717 : vector<16xi1>, vector<16xf32>
    %div3A_1724 = arith.divf %gather3A_1714, %select_n3A_1723 : vector<16xf32>
    %jit3A_1725 = arith.constant 0.000000e+00 : f32
    %broadcast_in_dim3A_1726 = vector.broadcast %jit3A_1725 : f32 to vector<16xf32>
    %select_n3A_1727 = arith.select %eq3A_1720, %broadcast_in_dim3A_1726, %div3A_1724 : vector<16xi1>, vector<16xf32>
    %div3A_1728 = arith.divf %gather3A_1715, %select_n3A_1723 : vector<16xf32>
    %jit3A_1729 = arith.constant 0.000000e+00 : f32
    %broadcast_in_dim3A_1730 = vector.broadcast %jit3A_1729 : f32 to vector<16xf32>
    %select_n3A_1731 = arith.select %eq3A_1720, %broadcast_in_dim3A_1730, %div3A_1728 : vector<16xi1>, vector<16xf32>
    %div3A_1732 = arith.divf %gather3A_1716, %select_n3A_1723 : vector<16xf32>
    %jit3A_1733 = arith.constant 0.000000e+00 : f32
    %broadcast_in_dim3A_1734 = vector.broadcast %jit3A_1733 : f32 to vector<16xf32>
    %select_n3A_1735 = arith.select %eq3A_1720, %broadcast_in_dim3A_1734, %div3A_1732 : vector<16xi1>, vector<16xf32>
    %get3A_1736 = arith.constant 368 : index
    %get3A_1737 = tpu.vector_load %arg20[%get3A_1736] {strides = array<i32>} : memref<512xf32, #tpu.memory_space<vmem>>, vector<16xf32>,
    %add3A_1738 = arith.addf %get3A_520, %select_n3A_1731 : vector<16xf32>
    %sub3A_1739 = arith.subf %get3A_1737, %add3A_1738 : vector<16xf32>
    %add3A_1740 = arith.addf %get3A_524, %select_n3A_1735 : vector<16xf32>
    %max3A_1741 = arith.constant 1.000000e-01 : f32
    %max3A_1742 = vector.broadcast %max3A_1741 : f32 to vector<16xf32>
    %max3A_1743 = arith.maximumf %add3A_1740, %max3A_1742 : vector<16xf32>
    %div3A_1744 = arith.divf %sub3A_1739, %max3A_1743 : vector<16xf32>
    %neg3A_1745 = arith.constant 0.000000e+00 : f32
    %neg3A_1746 = vector.broadcast %neg3A_1745 : f32 to vector<16xf32>
    %neg3A_1747 = arith.subf %neg3A_1746, %div3A_1744 : vector<16xf32>
    %jit3A_1748 = arith.constant -5.000000e+01 : f32
    %jit3A_1749 = arith.constant 5.000000e+01 : f32
    %max3A_1750 = vector.broadcast %jit3A_1748 : f32 to vector<16xf32>
    %max3A_1751 = arith.maximumf %max3A_1750, %neg3A_1747 : vector<16xf32>
    %min3A_1752 = vector.broadcast %jit3A_1749 : f32 to vector<16xf32>
    %min3A_1753 = arith.minimumf %min3A_1752, %max3A_1751 : vector<16xf32>
    %exp3A_1754 = math.exp %min3A_1753 : vector<16xf32>
    %add3A_1755 = arith.addf %get3A_516, %select_n3A_1727 : vector<16xf32>
    %add3A_1756 = arith.constant 1.000000e+00 : f32
    %add3A_1757 = vector.broadcast %add3A_1756 : f32 to vector<16xf32>
    %add3A_1758 = arith.addf %add3A_1757, %exp3A_1754 : vector<16xf32>
    %div3A_1759 = arith.divf %add3A_1755, %add3A_1758 : vector<16xf32>
    %swap3A_1760 = arith.constant 368 : index
    %swap3A_1761 = tpu.vector_load %arg22[%swap3A_1760] {strides = array<i32>} : memref<512xf32, #tpu.memory_space<vmem>>, vector<16xf32>,
    tpu.vector_store %arg22[%swap3A_1760], %div3A_1759 {strides = array<i32>} : memref<512xf32, #tpu.memory_space<vmem>>, vector<16xf32>,
    %get3A_1762 = arith.constant 3 : i32
    %get3A_1763 = arith.index_cast %get3A_1762 : i32 to index
    %get3A_1764 = arith.constant 0 : index
    %get3A_1765 = tpu.vector_load %arg19[%get3A_1763, %get3A_1764] {strides = array<i32>} : memref<4x128xi32, #tpu.memory_space<vmem>>, vector<16xi32>,
    %gather3A_1766 = tpu.vector_load_idx %arg15[%get3A_1765] : memref<1024xf32, #tpu.memory_space<vmem>>[vector<16xi32>], vector<16xf32>,
    %gather3A_1767 = tpu.vector_load_idx %arg16[%get3A_1765] : memref<1024xf32, #tpu.memory_space<vmem>>[vector<16xi32>], vector<16xf32>,
    %gather3A_1768 = tpu.vector_load_idx %arg17[%get3A_1765] : memref<1024xf32, #tpu.memory_space<vmem>>[vector<16xi32>], vector<16xf32>,
    %gather3A_1769 = tpu.vector_load_idx %arg18[%get3A_1765] : memref<1024xf32, #tpu.memory_space<vmem>>[vector<16xi32>], vector<16xf32>,
    %eq3A_1770 = arith.constant 0.000000e+00 : f32
    %eq3A_1771 = vector.broadcast %eq3A_1770 : f32 to vector<16xf32>
    %eq3A_1772 = arith.cmpf oeq, %gather3A_1769, %eq3A_1771 : vector<16xf32>
    %jit3A_1773 = arith.constant 1.000000e+00 : f32
    %broadcast_in_dim3A_1774 = vector.broadcast %jit3A_1773 : f32 to vector<16xf32>
    %select_n3A_1775 = arith.select %eq3A_1772, %broadcast_in_dim3A_1774, %gather3A_1769 : vector<16xi1>, vector<16xf32>
    %div3A_1776 = arith.divf %gather3A_1766, %select_n3A_1775 : vector<16xf32>
    %jit3A_1777 = arith.constant 0.000000e+00 : f32
    %broadcast_in_dim3A_1778 = vector.broadcast %jit3A_1777 : f32 to vector<16xf32>
    %select_n3A_1779 = arith.select %eq3A_1772, %broadcast_in_dim3A_1778, %div3A_1776 : vector<16xi1>, vector<16xf32>
    %div3A_1780 = arith.divf %gather3A_1767, %select_n3A_1775 : vector<16xf32>
    %jit3A_1781 = arith.constant 0.000000e+00 : f32
    %broadcast_in_dim3A_1782 = vector.broadcast %jit3A_1781 : f32 to vector<16xf32>
    %select_n3A_1783 = arith.select %eq3A_1772, %broadcast_in_dim3A_1782, %div3A_1780 : vector<16xi1>, vector<16xf32>
    %div3A_1784 = arith.divf %gather3A_1768, %select_n3A_1775 : vector<16xf32>
    %jit3A_1785 = arith.constant 0.000000e+00 : f32
    %broadcast_in_dim3A_1786 = vector.broadcast %jit3A_1785 : f32 to vector<16xf32>
    %select_n3A_1787 = arith.select %eq3A_1772, %broadcast_in_dim3A_1786, %div3A_1784 : vector<16xi1>, vector<16xf32>
    %get3A_1788 = arith.constant 384 : index
    %get3A_1789 = tpu.vector_load %arg20[%get3A_1788] {strides = array<i32>} : memref<512xf32, #tpu.memory_space<vmem>>, vector<16xf32>,
    %add3A_1790 = arith.addf %get3A_520, %select_n3A_1783 : vector<16xf32>
    %sub3A_1791 = arith.subf %get3A_1789, %add3A_1790 : vector<16xf32>
    %add3A_1792 = arith.addf %get3A_524, %select_n3A_1787 : vector<16xf32>
    %max3A_1793 = arith.constant 1.000000e-01 : f32
    %max3A_1794 = vector.broadcast %max3A_1793 : f32 to vector<16xf32>
    %max3A_1795 = arith.maximumf %add3A_1792, %max3A_1794 : vector<16xf32>
    %div3A_1796 = arith.divf %sub3A_1791, %max3A_1795 : vector<16xf32>
    %neg3A_1797 = arith.constant 0.000000e+00 : f32
    %neg3A_1798 = vector.broadcast %neg3A_1797 : f32 to vector<16xf32>
    %neg3A_1799 = arith.subf %neg3A_1798, %div3A_1796 : vector<16xf32>
    %jit3A_1800 = arith.constant -5.000000e+01 : f32
    %jit3A_1801 = arith.constant 5.000000e+01 : f32
    %max3A_1802 = vector.broadcast %jit3A_1800 : f32 to vector<16xf32>
    %max3A_1803 = arith.maximumf %max3A_1802, %neg3A_1799 : vector<16xf32>
    %min3A_1804 = vector.broadcast %jit3A_1801 : f32 to vector<16xf32>
    %min3A_1805 = arith.minimumf %min3A_1804, %max3A_1803 : vector<16xf32>
    %exp3A_1806 = math.exp %min3A_1805 : vector<16xf32>
    %add3A_1807 = arith.addf %get3A_516, %select_n3A_1779 : vector<16xf32>
    %add3A_1808 = arith.constant 1.000000e+00 : f32
    %add3A_1809 = vector.broadcast %add3A_1808 : f32 to vector<16xf32>
    %add3A_1810 = arith.addf %add3A_1809, %exp3A_1806 : vector<16xf32>
    %div3A_1811 = arith.divf %add3A_1807, %add3A_1810 : vector<16xf32>
    %swap3A_1812 = arith.constant 384 : index
    %swap3A_1813 = tpu.vector_load %arg22[%swap3A_1812] {strides = array<i32>} : memref<512xf32, #tpu.memory_space<vmem>>, vector<16xf32>,
    tpu.vector_store %arg22[%swap3A_1812], %div3A_1811 {strides = array<i32>} : memref<512xf32, #tpu.memory_space<vmem>>, vector<16xf32>,
    %get3A_1814 = arith.constant 3 : i32
    %get3A_1815 = arith.index_cast %get3A_1814 : i32 to index
    %get3A_1816 = arith.constant 16 : index
    %get3A_1817 = tpu.vector_load %arg19[%get3A_1815, %get3A_1816] {strides = array<i32>} : memref<4x128xi32, #tpu.memory_space<vmem>>, vector<16xi32>,
    %gather3A_1818 = tpu.vector_load_idx %arg15[%get3A_1817] : memref<1024xf32, #tpu.memory_space<vmem>>[vector<16xi32>], vector<16xf32>,
    %gather3A_1819 = tpu.vector_load_idx %arg16[%get3A_1817] : memref<1024xf32, #tpu.memory_space<vmem>>[vector<16xi32>], vector<16xf32>,
    %gather3A_1820 = tpu.vector_load_idx %arg17[%get3A_1817] : memref<1024xf32, #tpu.memory_space<vmem>>[vector<16xi32>], vector<16xf32>,
    %gather3A_1821 = tpu.vector_load_idx %arg18[%get3A_1817] : memref<1024xf32, #tpu.memory_space<vmem>>[vector<16xi32>], vector<16xf32>,
    %eq3A_1822 = arith.constant 0.000000e+00 : f32
    %eq3A_1823 = vector.broadcast %eq3A_1822 : f32 to vector<16xf32>
    %eq3A_1824 = arith.cmpf oeq, %gather3A_1821, %eq3A_1823 : vector<16xf32>
    %jit3A_1825 = arith.constant 1.000000e+00 : f32
    %broadcast_in_dim3A_1826 = vector.broadcast %jit3A_1825 : f32 to vector<16xf32>
    %select_n3A_1827 = arith.select %eq3A_1824, %broadcast_in_dim3A_1826, %gather3A_1821 : vector<16xi1>, vector<16xf32>
    %div3A_1828 = arith.divf %gather3A_1818, %select_n3A_1827 : vector<16xf32>
    %jit3A_1829 = arith.constant 0.000000e+00 : f32
    %broadcast_in_dim3A_1830 = vector.broadcast %jit3A_1829 : f32 to vector<16xf32>
    %select_n3A_1831 = arith.select %eq3A_1824, %broadcast_in_dim3A_1830, %div3A_1828 : vector<16xi1>, vector<16xf32>
    %div3A_1832 = arith.divf %gather3A_1819, %select_n3A_1827 : vector<16xf32>
    %jit3A_1833 = arith.constant 0.000000e+00 : f32
    %broadcast_in_dim3A_1834 = vector.broadcast %jit3A_1833 : f32 to vector<16xf32>
    %select_n3A_1835 = arith.select %eq3A_1824, %broadcast_in_dim3A_1834, %div3A_1832 : vector<16xi1>, vector<16xf32>
    %div3A_1836 = arith.divf %gather3A_1820, %select_n3A_1827 : vector<16xf32>
    %jit3A_1837 = arith.constant 0.000000e+00 : f32
    %broadcast_in_dim3A_1838 = vector.broadcast %jit3A_1837 : f32 to vector<16xf32>
    %select_n3A_1839 = arith.select %eq3A_1824, %broadcast_in_dim3A_1838, %div3A_1836 : vector<16xi1>, vector<16xf32>
    %get3A_1840 = arith.constant 400 : index
    %get3A_1841 = tpu.vector_load %arg20[%get3A_1840] {strides = array<i32>} : memref<512xf32, #tpu.memory_space<vmem>>, vector<16xf32>,
    %add3A_1842 = arith.addf %get3A_520, %select_n3A_1835 : vector<16xf32>
    %sub3A_1843 = arith.subf %get3A_1841, %add3A_1842 : vector<16xf32>
    %add3A_1844 = arith.addf %get3A_524, %select_n3A_1839 : vector<16xf32>
    %max3A_1845 = arith.constant 1.000000e-01 : f32
    %max3A_1846 = vector.broadcast %max3A_1845 : f32 to vector<16xf32>
    %max3A_1847 = arith.maximumf %add3A_1844, %max3A_1846 : vector<16xf32>
    %div3A_1848 = arith.divf %sub3A_1843, %max3A_1847 : vector<16xf32>
    %neg3A_1849 = arith.constant 0.000000e+00 : f32
    %neg3A_1850 = vector.broadcast %neg3A_1849 : f32 to vector<16xf32>
    %neg3A_1851 = arith.subf %neg3A_1850, %div3A_1848 : vector<16xf32>
    %jit3A_1852 = arith.constant -5.000000e+01 : f32
    %jit3A_1853 = arith.constant 5.000000e+01 : f32
    %max3A_1854 = vector.broadcast %jit3A_1852 : f32 to vector<16xf32>
    %max3A_1855 = arith.maximumf %max3A_1854, %neg3A_1851 : vector<16xf32>
    %min3A_1856 = vector.broadcast %jit3A_1853 : f32 to vector<16xf32>
    %min3A_1857 = arith.minimumf %min3A_1856, %max3A_1855 : vector<16xf32>
    %exp3A_1858 = math.exp %min3A_1857 : vector<16xf32>
    %add3A_1859 = arith.addf %get3A_516, %select_n3A_1831 : vector<16xf32>
    %add3A_1860 = arith.constant 1.000000e+00 : f32
    %add3A_1861 = vector.broadcast %add3A_1860 : f32 to vector<16xf32>
    %add3A_1862 = arith.addf %add3A_1861, %exp3A_1858 : vector<16xf32>
    %div3A_1863 = arith.divf %add3A_1859, %add3A_1862 : vector<16xf32>
    %swap3A_1864 = arith.constant 400 : index
    %swap3A_1865 = tpu.vector_load %arg22[%swap3A_1864] {strides = array<i32>} : memref<512xf32, #tpu.memory_space<vmem>>, vector<16xf32>,
    tpu.vector_store %arg22[%swap3A_1864], %div3A_1863 {strides = array<i32>} : memref<512xf32, #tpu.memory_space<vmem>>, vector<16xf32>,
    %get3A_1866 = arith.constant 3 : i32
    %get3A_1867 = arith.index_cast %get3A_1866 : i32 to index
    %get3A_1868 = arith.constant 32 : index
    %get3A_1869 = tpu.vector_load %arg19[%get3A_1867, %get3A_1868] {strides = array<i32>} : memref<4x128xi32, #tpu.memory_space<vmem>>, vector<16xi32>,
    %gather3A_1870 = tpu.vector_load_idx %arg15[%get3A_1869] : memref<1024xf32, #tpu.memory_space<vmem>>[vector<16xi32>], vector<16xf32>,
    %gather3A_1871 = tpu.vector_load_idx %arg16[%get3A_1869] : memref<1024xf32, #tpu.memory_space<vmem>>[vector<16xi32>], vector<16xf32>,
    %gather3A_1872 = tpu.vector_load_idx %arg17[%get3A_1869] : memref<1024xf32, #tpu.memory_space<vmem>>[vector<16xi32>], vector<16xf32>,
    %gather3A_1873 = tpu.vector_load_idx %arg18[%get3A_1869] : memref<1024xf32, #tpu.memory_space<vmem>>[vector<16xi32>], vector<16xf32>,
    %eq3A_1874 = arith.constant 0.000000e+00 : f32
    %eq3A_1875 = vector.broadcast %eq3A_1874 : f32 to vector<16xf32>
    %eq3A_1876 = arith.cmpf oeq, %gather3A_1873, %eq3A_1875 : vector<16xf32>
    %jit3A_1877 = arith.constant 1.000000e+00 : f32
    %broadcast_in_dim3A_1878 = vector.broadcast %jit3A_1877 : f32 to vector<16xf32>
    %select_n3A_1879 = arith.select %eq3A_1876, %broadcast_in_dim3A_1878, %gather3A_1873 : vector<16xi1>, vector<16xf32>
    %div3A_1880 = arith.divf %gather3A_1870, %select_n3A_1879 : vector<16xf32>
    %jit3A_1881 = arith.constant 0.000000e+00 : f32
    %broadcast_in_dim3A_1882 = vector.broadcast %jit3A_1881 : f32 to vector<16xf32>
    %select_n3A_1883 = arith.select %eq3A_1876, %broadcast_in_dim3A_1882, %div3A_1880 : vector<16xi1>, vector<16xf32>
    %div3A_1884 = arith.divf %gather3A_1871, %select_n3A_1879 : vector<16xf32>
    %jit3A_1885 = arith.constant 0.000000e+00 : f32
    %broadcast_in_dim3A_1886 = vector.broadcast %jit3A_1885 : f32 to vector<16xf32>
    %select_n3A_1887 = arith.select %eq3A_1876, %broadcast_in_dim3A_1886, %div3A_1884 : vector<16xi1>, vector<16xf32>
    %div3A_1888 = arith.divf %gather3A_1872, %select_n3A_1879 : vector<16xf32>
    %jit3A_1889 = arith.constant 0.000000e+00 : f32
    %broadcast_in_dim3A_1890 = vector.broadcast %jit3A_1889 : f32 to vector<16xf32>
    %select_n3A_1891 = arith.select %eq3A_1876, %broadcast_in_dim3A_1890, %div3A_1888 : vector<16xi1>, vector<16xf32>
    %get3A_1892 = arith.constant 416 : index
    %get3A_1893 = tpu.vector_load %arg20[%get3A_1892] {strides = array<i32>} : memref<512xf32, #tpu.memory_space<vmem>>, vector<16xf32>,
    %add3A_1894 = arith.addf %get3A_520, %select_n3A_1887 : vector<16xf32>
    %sub3A_1895 = arith.subf %get3A_1893, %add3A_1894 : vector<16xf32>
    %add3A_1896 = arith.addf %get3A_524, %select_n3A_1891 : vector<16xf32>
    %max3A_1897 = arith.constant 1.000000e-01 : f32
    %max3A_1898 = vector.broadcast %max3A_1897 : f32 to vector<16xf32>
    %max3A_1899 = arith.maximumf %add3A_1896, %max3A_1898 : vector<16xf32>
    %div3A_1900 = arith.divf %sub3A_1895, %max3A_1899 : vector<16xf32>
    %neg3A_1901 = arith.constant 0.000000e+00 : f32
    %neg3A_1902 = vector.broadcast %neg3A_1901 : f32 to vector<16xf32>
    %neg3A_1903 = arith.subf %neg3A_1902, %div3A_1900 : vector<16xf32>
    %jit3A_1904 = arith.constant -5.000000e+01 : f32
    %jit3A_1905 = arith.constant 5.000000e+01 : f32
    %max3A_1906 = vector.broadcast %jit3A_1904 : f32 to vector<16xf32>
    %max3A_1907 = arith.maximumf %max3A_1906, %neg3A_1903 : vector<16xf32>
    %min3A_1908 = vector.broadcast %jit3A_1905 : f32 to vector<16xf32>
    %min3A_1909 = arith.minimumf %min3A_1908, %max3A_1907 : vector<16xf32>
    %exp3A_1910 = math.exp %min3A_1909 : vector<16xf32>
    %add3A_1911 = arith.addf %get3A_516, %select_n3A_1883 : vector<16xf32>
    %add3A_1912 = arith.constant 1.000000e+00 : f32
    %add3A_1913 = vector.broadcast %add3A_1912 : f32 to vector<16xf32>
    %add3A_1914 = arith.addf %add3A_1913, %exp3A_1910 : vector<16xf32>
    %div3A_1915 = arith.divf %add3A_1911, %add3A_1914 : vector<16xf32>
    %swap3A_1916 = arith.constant 416 : index
    %swap3A_1917 = tpu.vector_load %arg22[%swap3A_1916] {strides = array<i32>} : memref<512xf32, #tpu.memory_space<vmem>>, vector<16xf32>,
    tpu.vector_store %arg22[%swap3A_1916], %div3A_1915 {strides = array<i32>} : memref<512xf32, #tpu.memory_space<vmem>>, vector<16xf32>,
    %get3A_1918 = arith.constant 3 : i32
    %get3A_1919 = arith.index_cast %get3A_1918 : i32 to index
    %get3A_1920 = arith.constant 48 : index
    %get3A_1921 = tpu.vector_load %arg19[%get3A_1919, %get3A_1920] {strides = array<i32>} : memref<4x128xi32, #tpu.memory_space<vmem>>, vector<16xi32>,
    %gather3A_1922 = tpu.vector_load_idx %arg15[%get3A_1921] : memref<1024xf32, #tpu.memory_space<vmem>>[vector<16xi32>], vector<16xf32>,
    %gather3A_1923 = tpu.vector_load_idx %arg16[%get3A_1921] : memref<1024xf32, #tpu.memory_space<vmem>>[vector<16xi32>], vector<16xf32>,
    %gather3A_1924 = tpu.vector_load_idx %arg17[%get3A_1921] : memref<1024xf32, #tpu.memory_space<vmem>>[vector<16xi32>], vector<16xf32>,
    %gather3A_1925 = tpu.vector_load_idx %arg18[%get3A_1921] : memref<1024xf32, #tpu.memory_space<vmem>>[vector<16xi32>], vector<16xf32>,
    %eq3A_1926 = arith.constant 0.000000e+00 : f32
    %eq3A_1927 = vector.broadcast %eq3A_1926 : f32 to vector<16xf32>
    %eq3A_1928 = arith.cmpf oeq, %gather3A_1925, %eq3A_1927 : vector<16xf32>
    %jit3A_1929 = arith.constant 1.000000e+00 : f32
    %broadcast_in_dim3A_1930 = vector.broadcast %jit3A_1929 : f32 to vector<16xf32>
    %select_n3A_1931 = arith.select %eq3A_1928, %broadcast_in_dim3A_1930, %gather3A_1925 : vector<16xi1>, vector<16xf32>
    %div3A_1932 = arith.divf %gather3A_1922, %select_n3A_1931 : vector<16xf32>
    %jit3A_1933 = arith.constant 0.000000e+00 : f32
    %broadcast_in_dim3A_1934 = vector.broadcast %jit3A_1933 : f32 to vector<16xf32>
    %select_n3A_1935 = arith.select %eq3A_1928, %broadcast_in_dim3A_1934, %div3A_1932 : vector<16xi1>, vector<16xf32>
    %div3A_1936 = arith.divf %gather3A_1923, %select_n3A_1931 : vector<16xf32>
    %jit3A_1937 = arith.constant 0.000000e+00 : f32
    %broadcast_in_dim3A_1938 = vector.broadcast %jit3A_1937 : f32 to vector<16xf32>
    %select_n3A_1939 = arith.select %eq3A_1928, %broadcast_in_dim3A_1938, %div3A_1936 : vector<16xi1>, vector<16xf32>
    %div3A_1940 = arith.divf %gather3A_1924, %select_n3A_1931 : vector<16xf32>
    %jit3A_1941 = arith.constant 0.000000e+00 : f32
    %broadcast_in_dim3A_1942 = vector.broadcast %jit3A_1941 : f32 to vector<16xf32>
    %select_n3A_1943 = arith.select %eq3A_1928, %broadcast_in_dim3A_1942, %div3A_1940 : vector<16xi1>, vector<16xf32>
    %get3A_1944 = arith.constant 432 : index
    %get3A_1945 = tpu.vector_load %arg20[%get3A_1944] {strides = array<i32>} : memref<512xf32, #tpu.memory_space<vmem>>, vector<16xf32>,
    %add3A_1946 = arith.addf %get3A_520, %select_n3A_1939 : vector<16xf32>
    %sub3A_1947 = arith.subf %get3A_1945, %add3A_1946 : vector<16xf32>
    %add3A_1948 = arith.addf %get3A_524, %select_n3A_1943 : vector<16xf32>
    %max3A_1949 = arith.constant 1.000000e-01 : f32
    %max3A_1950 = vector.broadcast %max3A_1949 : f32 to vector<16xf32>
    %max3A_1951 = arith.maximumf %add3A_1948, %max3A_1950 : vector<16xf32>
    %div3A_1952 = arith.divf %sub3A_1947, %max3A_1951 : vector<16xf32>
    %neg3A_1953 = arith.constant 0.000000e+00 : f32
    %neg3A_1954 = vector.broadcast %neg3A_1953 : f32 to vector<16xf32>
    %neg3A_1955 = arith.subf %neg3A_1954, %div3A_1952 : vector<16xf32>
    %jit3A_1956 = arith.constant -5.000000e+01 : f32
    %jit3A_1957 = arith.constant 5.000000e+01 : f32
    %max3A_1958 = vector.broadcast %jit3A_1956 : f32 to vector<16xf32>
    %max3A_1959 = arith.maximumf %max3A_1958, %neg3A_1955 : vector<16xf32>
    %min3A_1960 = vector.broadcast %jit3A_1957 : f32 to vector<16xf32>
    %min3A_1961 = arith.minimumf %min3A_1960, %max3A_1959 : vector<16xf32>
    %exp3A_1962 = math.exp %min3A_1961 : vector<16xf32>
    %add3A_1963 = arith.addf %get3A_516, %select_n3A_1935 : vector<16xf32>
    %add3A_1964 = arith.constant 1.000000e+00 : f32
    %add3A_1965 = vector.broadcast %add3A_1964 : f32 to vector<16xf32>
    %add3A_1966 = arith.addf %add3A_1965, %exp3A_1962 : vector<16xf32>
    %div3A_1967 = arith.divf %add3A_1963, %add3A_1966 : vector<16xf32>
    %swap3A_1968 = arith.constant 432 : index
    %swap3A_1969 = tpu.vector_load %arg22[%swap3A_1968] {strides = array<i32>} : memref<512xf32, #tpu.memory_space<vmem>>, vector<16xf32>,
    tpu.vector_store %arg22[%swap3A_1968], %div3A_1967 {strides = array<i32>} : memref<512xf32, #tpu.memory_space<vmem>>, vector<16xf32>,
    %get3A_1970 = arith.constant 3 : i32
    %get3A_1971 = arith.index_cast %get3A_1970 : i32 to index
    %get3A_1972 = arith.constant 64 : index
    %get3A_1973 = tpu.vector_load %arg19[%get3A_1971, %get3A_1972] {strides = array<i32>} : memref<4x128xi32, #tpu.memory_space<vmem>>, vector<16xi32>,
    %gather3A_1974 = tpu.vector_load_idx %arg15[%get3A_1973] : memref<1024xf32, #tpu.memory_space<vmem>>[vector<16xi32>], vector<16xf32>,
    %gather3A_1975 = tpu.vector_load_idx %arg16[%get3A_1973] : memref<1024xf32, #tpu.memory_space<vmem>>[vector<16xi32>], vector<16xf32>,
    %gather3A_1976 = tpu.vector_load_idx %arg17[%get3A_1973] : memref<1024xf32, #tpu.memory_space<vmem>>[vector<16xi32>], vector<16xf32>,
    %gather3A_1977 = tpu.vector_load_idx %arg18[%get3A_1973] : memref<1024xf32, #tpu.memory_space<vmem>>[vector<16xi32>], vector<16xf32>,
    %eq3A_1978 = arith.constant 0.000000e+00 : f32
    %eq3A_1979 = vector.broadcast %eq3A_1978 : f32 to vector<16xf32>
    %eq3A_1980 = arith.cmpf oeq, %gather3A_1977, %eq3A_1979 : vector<16xf32>
    %jit3A_1981 = arith.constant 1.000000e+00 : f32
    %broadcast_in_dim3A_1982 = vector.broadcast %jit3A_1981 : f32 to vector<16xf32>
    %select_n3A_1983 = arith.select %eq3A_1980, %broadcast_in_dim3A_1982, %gather3A_1977 : vector<16xi1>, vector<16xf32>
    %div3A_1984 = arith.divf %gather3A_1974, %select_n3A_1983 : vector<16xf32>
    %jit3A_1985 = arith.constant 0.000000e+00 : f32
    %broadcast_in_dim3A_1986 = vector.broadcast %jit3A_1985 : f32 to vector<16xf32>
    %select_n3A_1987 = arith.select %eq3A_1980, %broadcast_in_dim3A_1986, %div3A_1984 : vector<16xi1>, vector<16xf32>
    %div3A_1988 = arith.divf %gather3A_1975, %select_n3A_1983 : vector<16xf32>
    %jit3A_1989 = arith.constant 0.000000e+00 : f32
    %broadcast_in_dim3A_1990 = vector.broadcast %jit3A_1989 : f32 to vector<16xf32>
    %select_n3A_1991 = arith.select %eq3A_1980, %broadcast_in_dim3A_1990, %div3A_1988 : vector<16xi1>, vector<16xf32>
    %div3A_1992 = arith.divf %gather3A_1976, %select_n3A_1983 : vector<16xf32>
    %jit3A_1993 = arith.constant 0.000000e+00 : f32
    %broadcast_in_dim3A_1994 = vector.broadcast %jit3A_1993 : f32 to vector<16xf32>
    %select_n3A_1995 = arith.select %eq3A_1980, %broadcast_in_dim3A_1994, %div3A_1992 : vector<16xi1>, vector<16xf32>
    %get3A_1996 = arith.constant 448 : index
    %get3A_1997 = tpu.vector_load %arg20[%get3A_1996] {strides = array<i32>} : memref<512xf32, #tpu.memory_space<vmem>>, vector<16xf32>,
    %add3A_1998 = arith.addf %get3A_520, %select_n3A_1991 : vector<16xf32>
    %sub3A_1999 = arith.subf %get3A_1997, %add3A_1998 : vector<16xf32>
    %add3A_2000 = arith.addf %get3A_524, %select_n3A_1995 : vector<16xf32>
    %max3A_2001 = arith.constant 1.000000e-01 : f32
    %max3A_2002 = vector.broadcast %max3A_2001 : f32 to vector<16xf32>
    %max3A_2003 = arith.maximumf %add3A_2000, %max3A_2002 : vector<16xf32>
    %div3A_2004 = arith.divf %sub3A_1999, %max3A_2003 : vector<16xf32>
    %neg3A_2005 = arith.constant 0.000000e+00 : f32
    %neg3A_2006 = vector.broadcast %neg3A_2005 : f32 to vector<16xf32>
    %neg3A_2007 = arith.subf %neg3A_2006, %div3A_2004 : vector<16xf32>
    %jit3A_2008 = arith.constant -5.000000e+01 : f32
    %jit3A_2009 = arith.constant 5.000000e+01 : f32
    %max3A_2010 = vector.broadcast %jit3A_2008 : f32 to vector<16xf32>
    %max3A_2011 = arith.maximumf %max3A_2010, %neg3A_2007 : vector<16xf32>
    %min3A_2012 = vector.broadcast %jit3A_2009 : f32 to vector<16xf32>
    %min3A_2013 = arith.minimumf %min3A_2012, %max3A_2011 : vector<16xf32>
    %exp3A_2014 = math.exp %min3A_2013 : vector<16xf32>
    %add3A_2015 = arith.addf %get3A_516, %select_n3A_1987 : vector<16xf32>
    %add3A_2016 = arith.constant 1.000000e+00 : f32
    %add3A_2017 = vector.broadcast %add3A_2016 : f32 to vector<16xf32>
    %add3A_2018 = arith.addf %add3A_2017, %exp3A_2014 : vector<16xf32>
    %div3A_2019 = arith.divf %add3A_2015, %add3A_2018 : vector<16xf32>
    %swap3A_2020 = arith.constant 448 : index
    %swap3A_2021 = tpu.vector_load %arg22[%swap3A_2020] {strides = array<i32>} : memref<512xf32, #tpu.memory_space<vmem>>, vector<16xf32>,
    tpu.vector_store %arg22[%swap3A_2020], %div3A_2019 {strides = array<i32>} : memref<512xf32, #tpu.memory_space<vmem>>, vector<16xf32>,
    %get3A_2022 = arith.constant 3 : i32
    %get3A_2023 = arith.index_cast %get3A_2022 : i32 to index
    %get3A_2024 = arith.constant 80 : index
    %get3A_2025 = tpu.vector_load %arg19[%get3A_2023, %get3A_2024] {strides = array<i32>} : memref<4x128xi32, #tpu.memory_space<vmem>>, vector<16xi32>,
    %gather3A_2026 = tpu.vector_load_idx %arg15[%get3A_2025] : memref<1024xf32, #tpu.memory_space<vmem>>[vector<16xi32>], vector<16xf32>,
    %gather3A_2027 = tpu.vector_load_idx %arg16[%get3A_2025] : memref<1024xf32, #tpu.memory_space<vmem>>[vector<16xi32>], vector<16xf32>,
    %gather3A_2028 = tpu.vector_load_idx %arg17[%get3A_2025] : memref<1024xf32, #tpu.memory_space<vmem>>[vector<16xi32>], vector<16xf32>,
    %gather3A_2029 = tpu.vector_load_idx %arg18[%get3A_2025] : memref<1024xf32, #tpu.memory_space<vmem>>[vector<16xi32>], vector<16xf32>,
    %eq3A_2030 = arith.constant 0.000000e+00 : f32
    %eq3A_2031 = vector.broadcast %eq3A_2030 : f32 to vector<16xf32>
    %eq3A_2032 = arith.cmpf oeq, %gather3A_2029, %eq3A_2031 : vector<16xf32>
    %jit3A_2033 = arith.constant 1.000000e+00 : f32
    %broadcast_in_dim3A_2034 = vector.broadcast %jit3A_2033 : f32 to vector<16xf32>
    %select_n3A_2035 = arith.select %eq3A_2032, %broadcast_in_dim3A_2034, %gather3A_2029 : vector<16xi1>, vector<16xf32>
    %div3A_2036 = arith.divf %gather3A_2026, %select_n3A_2035 : vector<16xf32>
    %jit3A_2037 = arith.constant 0.000000e+00 : f32
    %broadcast_in_dim3A_2038 = vector.broadcast %jit3A_2037 : f32 to vector<16xf32>
    %select_n3A_2039 = arith.select %eq3A_2032, %broadcast_in_dim3A_2038, %div3A_2036 : vector<16xi1>, vector<16xf32>
    %div3A_2040 = arith.divf %gather3A_2027, %select_n3A_2035 : vector<16xf32>
    %jit3A_2041 = arith.constant 0.000000e+00 : f32
    %broadcast_in_dim3A_2042 = vector.broadcast %jit3A_2041 : f32 to vector<16xf32>
    %select_n3A_2043 = arith.select %eq3A_2032, %broadcast_in_dim3A_2042, %div3A_2040 : vector<16xi1>, vector<16xf32>
    %div3A_2044 = arith.divf %gather3A_2028, %select_n3A_2035 : vector<16xf32>
    %jit3A_2045 = arith.constant 0.000000e+00 : f32
    %broadcast_in_dim3A_2046 = vector.broadcast %jit3A_2045 : f32 to vector<16xf32>
    %select_n3A_2047 = arith.select %eq3A_2032, %broadcast_in_dim3A_2046, %div3A_2044 : vector<16xi1>, vector<16xf32>
    %get3A_2048 = arith.constant 464 : index
    %get3A_2049 = tpu.vector_load %arg20[%get3A_2048] {strides = array<i32>} : memref<512xf32, #tpu.memory_space<vmem>>, vector<16xf32>,
    %add3A_2050 = arith.addf %get3A_520, %select_n3A_2043 : vector<16xf32>
    %sub3A_2051 = arith.subf %get3A_2049, %add3A_2050 : vector<16xf32>
    %add3A_2052 = arith.addf %get3A_524, %select_n3A_2047 : vector<16xf32>
    %max3A_2053 = arith.constant 1.000000e-01 : f32
    %max3A_2054 = vector.broadcast %max3A_2053 : f32 to vector<16xf32>
    %max3A_2055 = arith.maximumf %add3A_2052, %max3A_2054 : vector<16xf32>
    %div3A_2056 = arith.divf %sub3A_2051, %max3A_2055 : vector<16xf32>
    %neg3A_2057 = arith.constant 0.000000e+00 : f32
    %neg3A_2058 = vector.broadcast %neg3A_2057 : f32 to vector<16xf32>
    %neg3A_2059 = arith.subf %neg3A_2058, %div3A_2056 : vector<16xf32>
    %jit3A_2060 = arith.constant -5.000000e+01 : f32
    %jit3A_2061 = arith.constant 5.000000e+01 : f32
    %max3A_2062 = vector.broadcast %jit3A_2060 : f32 to vector<16xf32>
    %max3A_2063 = arith.maximumf %max3A_2062, %neg3A_2059 : vector<16xf32>
    %min3A_2064 = vector.broadcast %jit3A_2061 : f32 to vector<16xf32>
    %min3A_2065 = arith.minimumf %min3A_2064, %max3A_2063 : vector<16xf32>
    %exp3A_2066 = math.exp %min3A_2065 : vector<16xf32>
    %add3A_2067 = arith.addf %get3A_516, %select_n3A_2039 : vector<16xf32>
    %add3A_2068 = arith.constant 1.000000e+00 : f32
    %add3A_2069 = vector.broadcast %add3A_2068 : f32 to vector<16xf32>
    %add3A_2070 = arith.addf %add3A_2069, %exp3A_2066 : vector<16xf32>
    %div3A_2071 = arith.divf %add3A_2067, %add3A_2070 : vector<16xf32>
    %swap3A_2072 = arith.constant 464 : index
    %swap3A_2073 = tpu.vector_load %arg22[%swap3A_2072] {strides = array<i32>} : memref<512xf32, #tpu.memory_space<vmem>>, vector<16xf32>,
    tpu.vector_store %arg22[%swap3A_2072], %div3A_2071 {strides = array<i32>} : memref<512xf32, #tpu.memory_space<vmem>>, vector<16xf32>,
    %get3A_2074 = arith.constant 3 : i32
    %get3A_2075 = arith.index_cast %get3A_2074 : i32 to index
    %get3A_2076 = arith.constant 96 : index
    %get3A_2077 = tpu.vector_load %arg19[%get3A_2075, %get3A_2076] {strides = array<i32>} : memref<4x128xi32, #tpu.memory_space<vmem>>, vector<16xi32>,
    %gather3A_2078 = tpu.vector_load_idx %arg15[%get3A_2077] : memref<1024xf32, #tpu.memory_space<vmem>>[vector<16xi32>], vector<16xf32>,
    %gather3A_2079 = tpu.vector_load_idx %arg16[%get3A_2077] : memref<1024xf32, #tpu.memory_space<vmem>>[vector<16xi32>], vector<16xf32>,
    %gather3A_2080 = tpu.vector_load_idx %arg17[%get3A_2077] : memref<1024xf32, #tpu.memory_space<vmem>>[vector<16xi32>], vector<16xf32>,
    %gather3A_2081 = tpu.vector_load_idx %arg18[%get3A_2077] : memref<1024xf32, #tpu.memory_space<vmem>>[vector<16xi32>], vector<16xf32>,
    %eq3A_2082 = arith.constant 0.000000e+00 : f32
    %eq3A_2083 = vector.broadcast %eq3A_2082 : f32 to vector<16xf32>
    %eq3A_2084 = arith.cmpf oeq, %gather3A_2081, %eq3A_2083 : vector<16xf32>
    %jit3A_2085 = arith.constant 1.000000e+00 : f32
    %broadcast_in_dim3A_2086 = vector.broadcast %jit3A_2085 : f32 to vector<16xf32>
    %select_n3A_2087 = arith.select %eq3A_2084, %broadcast_in_dim3A_2086, %gather3A_2081 : vector<16xi1>, vector<16xf32>
    %div3A_2088 = arith.divf %gather3A_2078, %select_n3A_2087 : vector<16xf32>
    %jit3A_2089 = arith.constant 0.000000e+00 : f32
    %broadcast_in_dim3A_2090 = vector.broadcast %jit3A_2089 : f32 to vector<16xf32>
    %select_n3A_2091 = arith.select %eq3A_2084, %broadcast_in_dim3A_2090, %div3A_2088 : vector<16xi1>, vector<16xf32>
    %div3A_2092 = arith.divf %gather3A_2079, %select_n3A_2087 : vector<16xf32>
    %jit3A_2093 = arith.constant 0.000000e+00 : f32
    %broadcast_in_dim3A_2094 = vector.broadcast %jit3A_2093 : f32 to vector<16xf32>
    %select_n3A_2095 = arith.select %eq3A_2084, %broadcast_in_dim3A_2094, %div3A_2092 : vector<16xi1>, vector<16xf32>
    %div3A_2096 = arith.divf %gather3A_2080, %select_n3A_2087 : vector<16xf32>
    %jit3A_2097 = arith.constant 0.000000e+00 : f32
    %broadcast_in_dim3A_2098 = vector.broadcast %jit3A_2097 : f32 to vector<16xf32>
    %select_n3A_2099 = arith.select %eq3A_2084, %broadcast_in_dim3A_2098, %div3A_2096 : vector<16xi1>, vector<16xf32>
    %get3A_2100 = arith.constant 480 : index
    %get3A_2101 = tpu.vector_load %arg20[%get3A_2100] {strides = array<i32>} : memref<512xf32, #tpu.memory_space<vmem>>, vector<16xf32>,
    %add3A_2102 = arith.addf %get3A_520, %select_n3A_2095 : vector<16xf32>
    %sub3A_2103 = arith.subf %get3A_2101, %add3A_2102 : vector<16xf32>
    %add3A_2104 = arith.addf %get3A_524, %select_n3A_2099 : vector<16xf32>
    %max3A_2105 = arith.constant 1.000000e-01 : f32
    %max3A_2106 = vector.broadcast %max3A_2105 : f32 to vector<16xf32>
    %max3A_2107 = arith.maximumf %add3A_2104, %max3A_2106 : vector<16xf32>
    %div3A_2108 = arith.divf %sub3A_2103, %max3A_2107 : vector<16xf32>
    %neg3A_2109 = arith.constant 0.000000e+00 : f32
    %neg3A_2110 = vector.broadcast %neg3A_2109 : f32 to vector<16xf32>
    %neg3A_2111 = arith.subf %neg3A_2110, %div3A_2108 : vector<16xf32>
    %jit3A_2112 = arith.constant -5.000000e+01 : f32
    %jit3A_2113 = arith.constant 5.000000e+01 : f32
    %max3A_2114 = vector.broadcast %jit3A_2112 : f32 to vector<16xf32>
    %max3A_2115 = arith.maximumf %max3A_2114, %neg3A_2111 : vector<16xf32>
    %min3A_2116 = vector.broadcast %jit3A_2113 : f32 to vector<16xf32>
    %min3A_2117 = arith.minimumf %min3A_2116, %max3A_2115 : vector<16xf32>
    %exp3A_2118 = math.exp %min3A_2117 : vector<16xf32>
    %add3A_2119 = arith.addf %get3A_516, %select_n3A_2091 : vector<16xf32>
    %add3A_2120 = arith.constant 1.000000e+00 : f32
    %add3A_2121 = vector.broadcast %add3A_2120 : f32 to vector<16xf32>
    %add3A_2122 = arith.addf %add3A_2121, %exp3A_2118 : vector<16xf32>
    %div3A_2123 = arith.divf %add3A_2119, %add3A_2122 : vector<16xf32>
    %swap3A_2124 = arith.constant 480 : index
    %swap3A_2125 = tpu.vector_load %arg22[%swap3A_2124] {strides = array<i32>} : memref<512xf32, #tpu.memory_space<vmem>>, vector<16xf32>,
    tpu.vector_store %arg22[%swap3A_2124], %div3A_2123 {strides = array<i32>} : memref<512xf32, #tpu.memory_space<vmem>>, vector<16xf32>,
    %get3A_2126 = arith.constant 3 : i32
    %get3A_2127 = arith.index_cast %get3A_2126 : i32 to index
    %get3A_2128 = arith.constant 112 : index
    %get3A_2129 = tpu.vector_load %arg19[%get3A_2127, %get3A_2128] {strides = array<i32>} : memref<4x128xi32, #tpu.memory_space<vmem>>, vector<16xi32>,
    %gather3A_2130 = tpu.vector_load_idx %arg15[%get3A_2129] : memref<1024xf32, #tpu.memory_space<vmem>>[vector<16xi32>], vector<16xf32>,
    %gather3A_2131 = tpu.vector_load_idx %arg16[%get3A_2129] : memref<1024xf32, #tpu.memory_space<vmem>>[vector<16xi32>], vector<16xf32>,
    %gather3A_2132 = tpu.vector_load_idx %arg17[%get3A_2129] : memref<1024xf32, #tpu.memory_space<vmem>>[vector<16xi32>], vector<16xf32>,
    %gather3A_2133 = tpu.vector_load_idx %arg18[%get3A_2129] : memref<1024xf32, #tpu.memory_space<vmem>>[vector<16xi32>], vector<16xf32>,
    %eq3A_2134 = arith.constant 0.000000e+00 : f32
    %eq3A_2135 = vector.broadcast %eq3A_2134 : f32 to vector<16xf32>
    %eq3A_2136 = arith.cmpf oeq, %gather3A_2133, %eq3A_2135 : vector<16xf32>
    %jit3A_2137 = arith.constant 1.000000e+00 : f32
    %broadcast_in_dim3A_2138 = vector.broadcast %jit3A_2137 : f32 to vector<16xf32>
    %select_n3A_2139 = arith.select %eq3A_2136, %broadcast_in_dim3A_2138, %gather3A_2133 : vector<16xi1>, vector<16xf32>
    %div3A_2140 = arith.divf %gather3A_2130, %select_n3A_2139 : vector<16xf32>
    %jit3A_2141 = arith.constant 0.000000e+00 : f32
    %broadcast_in_dim3A_2142 = vector.broadcast %jit3A_2141 : f32 to vector<16xf32>
    %select_n3A_2143 = arith.select %eq3A_2136, %broadcast_in_dim3A_2142, %div3A_2140 : vector<16xi1>, vector<16xf32>
    %div3A_2144 = arith.divf %gather3A_2131, %select_n3A_2139 : vector<16xf32>
    %jit3A_2145 = arith.constant 0.000000e+00 : f32
    %broadcast_in_dim3A_2146 = vector.broadcast %jit3A_2145 : f32 to vector<16xf32>
    %select_n3A_2147 = arith.select %eq3A_2136, %broadcast_in_dim3A_2146, %div3A_2144 : vector<16xi1>, vector<16xf32>
    %div3A_2148 = arith.divf %gather3A_2132, %select_n3A_2139 : vector<16xf32>
    %jit3A_2149 = arith.constant 0.000000e+00 : f32
    %broadcast_in_dim3A_2150 = vector.broadcast %jit3A_2149 : f32 to vector<16xf32>
    %select_n3A_2151 = arith.select %eq3A_2136, %broadcast_in_dim3A_2150, %div3A_2148 : vector<16xi1>, vector<16xf32>
    %get3A_2152 = arith.constant 496 : index
    %get3A_2153 = tpu.vector_load %arg20[%get3A_2152] {strides = array<i32>} : memref<512xf32, #tpu.memory_space<vmem>>, vector<16xf32>,
    %add3A_2154 = arith.addf %get3A_520, %select_n3A_2147 : vector<16xf32>
    %sub3A_2155 = arith.subf %get3A_2153, %add3A_2154 : vector<16xf32>
    %add3A_2156 = arith.addf %get3A_524, %select_n3A_2151 : vector<16xf32>
    %max3A_2157 = arith.constant 1.000000e-01 : f32
    %max3A_2158 = vector.broadcast %max3A_2157 : f32 to vector<16xf32>
    %max3A_2159 = arith.maximumf %add3A_2156, %max3A_2158 : vector<16xf32>
    %div3A_2160 = arith.divf %sub3A_2155, %max3A_2159 : vector<16xf32>
    %neg3A_2161 = arith.constant 0.000000e+00 : f32
    %neg3A_2162 = vector.broadcast %neg3A_2161 : f32 to vector<16xf32>
    %neg3A_2163 = arith.subf %neg3A_2162, %div3A_2160 : vector<16xf32>
    %jit3A_2164 = arith.constant -5.000000e+01 : f32
    %jit3A_2165 = arith.constant 5.000000e+01 : f32
    %max3A_2166 = vector.broadcast %jit3A_2164 : f32 to vector<16xf32>
    %max3A_2167 = arith.maximumf %max3A_2166, %neg3A_2163 : vector<16xf32>
    %min3A_2168 = vector.broadcast %jit3A_2165 : f32 to vector<16xf32>
    %min3A_2169 = arith.minimumf %min3A_2168, %max3A_2167 : vector<16xf32>
    %exp3A_2170 = math.exp %min3A_2169 : vector<16xf32>
    %add3A_2171 = arith.addf %get3A_516, %select_n3A_2143 : vector<16xf32>
    %add3A_2172 = arith.constant 1.000000e+00 : f32
    %add3A_2173 = vector.broadcast %add3A_2172 : f32 to vector<16xf32>
    %add3A_2174 = arith.addf %add3A_2173, %exp3A_2170 : vector<16xf32>
    %div3A_2175 = arith.divf %add3A_2171, %add3A_2174 : vector<16xf32>
    %swap3A_2176 = arith.constant 496 : index
    %swap3A_2177 = tpu.vector_load %arg22[%swap3A_2176] {strides = array<i32>} : memref<512xf32, #tpu.memory_space<vmem>>, vector<16xf32>,
    tpu.vector_store %arg22[%swap3A_2176], %div3A_2175 {strides = array<i32>} : memref<512xf32, #tpu.memory_space<vmem>>, vector<16xf32>,
    "tpu.region"() ({
      %run_scoped3A = tpu.sem_alloc : memref<!tpu.dma_semaphore, #tpu.memory_space<semaphore_mem>>
      %dma_start3A_2178 = tpu.memref_slice %arg8[%add3A] : memref<16384xf32, #tpu.memory_space<hbm>> -> memref<512xf32, #tpu.memory_space<hbm>>
      %dma_start3A_2179 = tpu.memref_slice %arg8[%add3A] : memref<16384xf32, #tpu.memory_space<hbm>> -> memref<512xf32, #tpu.memory_space<hbm>>
      tpu.enqueue_dma source(%arg22 : memref<512xf32, #tpu.memory_space<vmem>>) target(%dma_start3A_2179 : memref<512xf32, #tpu.memory_space<hbm>>) target_semaphore(%run_scoped3A : memref<!tpu.dma_semaphore, #tpu.memory_space<semaphore_mem>>)
      %dma_wait3A_2180 = tpu.memref_slice %arg8[%add3A] : memref<16384xf32, #tpu.memory_space<hbm>> -> memref<512xf32, #tpu.memory_space<hbm>>
      %dma_wait3A_2181 = tpu.memref_slice %arg8[%add3A] : memref<16384xf32, #tpu.memory_space<hbm>> -> memref<512xf32, #tpu.memory_space<hbm>>
      tpu.wait_dma2 semaphore(%run_scoped3A : memref<!tpu.dma_semaphore, #tpu.memory_space<semaphore_mem>>) src(%arg22 : memref<512xf32, #tpu.memory_space<vmem>>) dst(%dma_wait3A_2181 : memref<512xf32, #tpu.memory_space<hbm>>)
      tpu.yield
    }) : () -> ()
    return
  }
}

module attributes {stable_mosaic.version = 14 : i64} {
  func.func @_onehot_body(%arg0: i32, %arg1: memref<2048xi32, #tpu.memory_space<vmem>>, %arg2: memref<2048xi32, #tpu.memory_space<vmem>>, %arg3: memref<2048x1024xf32, #tpu.memory_space<vmem>>, %arg4: memref<2048x1024xf32, #tpu.memory_space<vmem>>) attributes {dimension_semantics = [#tpu.dimension_semantics<arbitrary>], iteration_bounds = array<i64: 8>, scalar_prefetch = 0 : i64, scratch_operands = 0 : i64, tpu.core_type = #tpu.core_type<tc>, window_params = [{transform_indices = @transform_0, window_bounds = array<i64: 2048>}, {transform_indices = @transform_1, window_bounds = array<i64: 2048>}, {transform_indices = @transform_2, window_bounds = array<i64: 2048, 1024>}, {transform_indices = @transform_3, window_bounds = array<i64: 2048, 1024>}]} {
    %iota3A = tpu.iota {dimensions = array<i32: 1>} : vector<2048x1024xi32>
    %get3A = arith.constant 0 : index
    %get3A_0 = vector.load %arg1[%get3A] : memref<2048xi32, #tpu.memory_space<vmem>>, vector<2048xi32>
    %broadcast_in_dim3A = vector.shape_cast %get3A_0 : vector<2048xi32> to vector<2048x1xi32>
    %eq3A = vector.broadcast %broadcast_in_dim3A : vector<2048x1xi32> to vector<2048x1024xi32>
    %eq3A_1 = arith.cmpi eq, %eq3A, %iota3A : vector<2048x1024xi32>
    %convert_element_type3A = arith.extui %eq3A_1 : vector<2048x1024xi1> to vector<2048x1024xi32>
    %convert_element_type3A_2 = arith.sitofp %convert_element_type3A : vector<2048x1024xi32> to vector<2048x1024xf32>
    %swap3A = arith.constant 0 : index
    %swap3A_3 = arith.constant 0 : index
    %swap3A_4 = vector.load %arg3[%swap3A, %swap3A_3] : memref<2048x1024xf32, #tpu.memory_space<vmem>>, vector<2048x1024xf32>
    tpu.vector_store %arg3[%swap3A, %swap3A_3], %convert_element_type3A_2 {strides = array<i32>} : memref<2048x1024xf32, #tpu.memory_space<vmem>>, vector<2048x1024xf32>,
    %get3A_5 = arith.constant 0 : index
    %get3A_6 = vector.load %arg2[%get3A_5] : memref<2048xi32, #tpu.memory_space<vmem>>, vector<2048xi32>
    %broadcast_in_dim3A_7 = vector.shape_cast %get3A_6 : vector<2048xi32> to vector<2048x1xi32>
    %eq3A_8 = vector.broadcast %broadcast_in_dim3A_7 : vector<2048x1xi32> to vector<2048x1024xi32>
    %eq3A_9 = arith.cmpi eq, %eq3A_8, %iota3A : vector<2048x1024xi32>
    %convert_element_type3A_10 = arith.extui %eq3A_9 : vector<2048x1024xi1> to vector<2048x1024xi32>
    %convert_element_type3A_11 = arith.sitofp %convert_element_type3A_10 : vector<2048x1024xi32> to vector<2048x1024xf32>
    %swap3A_12 = arith.constant 0 : index
    %swap3A_13 = arith.constant 0 : index
    %swap3A_14 = vector.load %arg4[%swap3A_12, %swap3A_13] : memref<2048x1024xf32, #tpu.memory_space<vmem>>, vector<2048x1024xf32>
    tpu.vector_store %arg4[%swap3A_12, %swap3A_13], %convert_element_type3A_11 {strides = array<i32>} : memref<2048x1024xf32, #tpu.memory_space<vmem>>, vector<2048x1024xf32>,
    return
  }
  func.func @transform_0(%arg0: i32) -> i32 {
    %c0_i32 = arith.constant 0 : i32
    return %arg0 : i32
  }
  func.func @transform_1(%arg0: i32) -> i32 {
    %c0_i32 = arith.constant 0 : i32
    return %arg0 : i32
  }
  func.func @transform_2(%arg0: i32) -> (i32, i32) {
    %c0_i32 = arith.constant 0 : i32
    %c0_i32_0 = arith.constant 0 : i32
    return %arg0, %c0_i32 : i32, i32
  }
  func.func @transform_3(%arg0: i32) -> (i32, i32) {
    %c0_i32 = arith.constant 0 : i32
    %c0_i32_0 = arith.constant 0 : i32
    return %arg0, %c0_i32 : i32, i32
  }
}

</mosaic_0001>

<sc_bundles>
// kernel: kernel.4.cloned.1.call-start
scs
__scs_entry_jumppad:
0x0: {  	(pc) =	sbr.rel $0x88, $3  }
0x1: {  	(tag) =	ssettag $0x0;
	lr =	simm.s32 $0x1  }
0x2: {  	[smem:$0x3F9A] =	sst lr;
	_ =	strace $0xD0000000  }
0x3: {  	_ = 	snop  }
0x4: {  	_ = 	snop  }
0x5: {  	_ = 	snop  }
0x6: {  	_ = 	snop  }
0x7: {  	_ = 	snop  }
__scs_overlays_trampoline_lowered:
0x8: {  	[smem:$0x3FA9] =	sst s0  }
0x9: {  	[smem:$0x3FAA] =	sst s1  }
0xa: {  	[smem:$0x3FAB] =	sst s2  }
0xb: {  	[smem:$0x3FAC] =	sst s3  }
0xc: {  	[smem:$0x3FAD] =	sst s4  }
0xd: {  	[smem:$0x3FAE] =	sst s5  }
0xe: {  	[smem:$0x3FAF] =	sst s6  }
0xf: {  	[smem:$0x3FB0] =	sst s7  }
0x10: {  	[smem:$0x3FB1] =	sst s8  }
0x11: {  	[smem:$0x3FB2] =	sst s9;
	s0 =	simm.s32 @!p0 $0x0  }
0x12: {  	s1 =	sld [smem:$0x3F98];
	s0 =	simm.s32 @p0 $0x1  }
0x13: {  	[smem:$0x3FB3] =	sst s0;
	s0 =	simm.s32 @!p1 $0x0  }
0x14: {  	s2 =	sld [smem:$0x3F97];
	s0 =	simm.s32 @p1 $0x1  }
0x15: {  	[smem:$0x3FB4] =	sst s0;
	s0 =	simm.s32 @!p2 $0x0  }
0x16: {  	s3 =	sld [smem:$0x3FDB];
	s0 =	simm.s32 @p2 $0x1  }
0x17: {  	s4 =	simm.s32 $0x1BF5;
	[smem:$0x3FB6] =	sst s0  }
0x18: {  	s0 =	sld [smem:$0x3F99];
	_ =	swait.ge [sflag:s4], $0x0  }
0x19: {  	s7 =	sld [smem:$0x3F9A]  }
0x1a: {  	s8 =	sadd.s32 $0xFFFFE003, lr  }
0x1b: {  	s9 =	sadd.s32 $0xFFFFFEF7, lr;
	s5 =	simm.s32 $0xFFFFFFFF;
	p2 =	slt.u32 s8, $0xFFFFF086  }
0x1c: {  	p1 =	slt.u32 s9, $0xF7A;
	s5 =	simm.s32 @!p2 $0x0  }
0x1d: {  	s5 =	simm.s32 @p1 $0x1;
	p0 =	seq.s32 s7, s2  }
0x1e: {  	s7 =	smul.u32 @!p0 $0xF7A, s2;
	p2 =	seq.s32 @!p0 s5, $0x0  }
0x1f: {  	s9 =	smul.u32 $0xF7A, s1;
	s8 =	simm.s32 @!p0 $0x1BF5;
	p2 =	por !p2, p0  }
0x20: {  	[sflag:s8] =	ssyncset.s32 @!p0 $0xFFFFF086;
	s6 =	sadd.s32 @!p0 s3, s7;
	s7 =	simm.s32 @!p0 $0x108  }
0x21: {  	s3 =	sadd.s32 s3, s9;
	s6 =	sadd.s32 @!p0 $0x88, s6;
	s7 =	simm.s32 @p2 $0x1082  }
0x22: {  	[simem:s7], [sflag:s8] =	dma.local @!p0 [hbm:s6], $0xF7A  }
0x23: {  	s9 =	sor.u32 $0xD0000000, s2;
	s6 =	simm.s32 $0x108;
	_ =	swait.ge @!p0 [sflag:s8], $0x0  }
0x24: {  	s3 =	sadd.s32 $0x88, s3;
	s6 =	simm.s32 @!p1 $0x1082;
	[sflag:s4] =	ssyncset.s32 $0xFFFFF086  }
0x25: {  	[simem:s6], [sflag:s4] =	dma.local [hbm:s3], $0xF7A  }
0x26: {  	[smem:$0x3F9A] =	sst s1;
	(tag) =	ssettag s2;
	_ =	strace s9  }
0x27: {  	s1 =	sld [smem:$0x3FAA]  }
0x28: {  	s2 =	sld [smem:$0x3FAB]  }
0x29: {  	s4 =	sld [smem:$0x3FAD]  }
0x2a: {  	p0 =	seq.s32 s5, $0x0;
	s5 =	sld [smem:$0x3FAE]  }
0x2b: {  	s6 =	sld [smem:$0x3FAF]  }
0x2c: {  	s7 =	sld [smem:$0x3FB0]  }
0x2d: {  	s3 =	simm.s32 $0x108;
	s8 =	sld [smem:$0x3FB1]  }
0x2e: {  	s3 =	simm.s32 @!p0 $0x1082;
	s9 =	sld [smem:$0x3FB2]  }
0x2f: {  	lr =	sadd.s32 s0, s3;
	s0 =	sld [smem:$0x3FA9]  }
0x30: {  	s3 =	sld [smem:$0x3FAC]  }
0x31: {  	[smem:$0x3FB5] =	sst s10  }
0x32: {  	s10 =	sld [smem:$0x3FB3];
	_ =	sdelay $0x3  }
0x33: {  	p0 =	seq.s32 s10, $0x1;
	s10 =	sld [smem:$0x3FB5];
	_ =	sdelay $0x3  }
0x34: {  	[smem:$0x3FB5] =	sst s10  }
0x35: {  	s10 =	sld [smem:$0x3FB4];
	_ =	sdelay $0x3  }
0x36: {  	p1 =	seq.s32 s10, $0x1;
	s10 =	sld [smem:$0x3FB5];
	_ =	sdelay $0x3  }
0x37: {  	[smem:$0x3FB5] =	sst s10  }
0x38: {  	s10 =	sld [smem:$0x3FB6]  }
0x39: {  	_ = 	snop;
	(pc) =	sbr.ind lr, $3  }
0x3a: {  	_ = 	snop  }
0x3b: {  	_ = 	snop  }
0x3c: {  	p2 =	seq.s32 s10, $0x1;
	s10 =	sld [smem:$0x3FB5]  }
0x3d: {  	_ =	shalt  }
0x3e: {  	_ =	shalt  }
0x3f: {  	_ =	shalt  }
0x40: {  	_ =	shalt  }
0x41: {  	_ =	shalt  }
0x42: {  	_ =	shalt  }
0x43: {  	_ =	shalt  }
0x44: {  	_ =	shalt  }
0x45: {  	_ =	shalt  }
0x46: {  	_ =	shalt  }
0x47: {  	_ =	shalt  }
0x48: {  	_ =	shalt  }
0x49: {  	_ =	shalt  }
0x4a: {  	_ =	shalt  }
0x4b: {  	_ =	shalt  }
0x4c: {  	_ =	shalt  }
0x4d: {  	_ =	shalt  }
0x4e: {  	_ =	shalt  }
0x4f: {  	_ =	shalt  }
0x50: {  	_ =	shalt  }
0x51: {  	_ =	shalt  }
0x52: {  	_ =	shalt  }
0x53: {  	_ =	shalt  }
0x54: {  	_ =	shalt  }
0x55: {  	_ =	shalt  }
0x56: {  	_ =	shalt  }
0x57: {  	_ =	shalt  }
0x58: {  	_ =	shalt  }
0x59: {  	_ =	shalt  }
0x5a: {  	_ =	shalt  }
0x5b: {  	_ =	shalt  }
0x5c: {  	_ =	shalt  }
0x5d: {  	_ =	shalt  }
0x5e: {  	_ =	shalt  }
0x5f: {  	_ =	shalt  }
0x60: {  	_ =	shalt  }
0x61: {  	_ =	shalt  }
0x62: {  	_ =	shalt  }
0x63: {  	_ =	shalt  }
0x64: {  	_ =	shalt  }
0x65: {  	_ =	shalt  }
0x66: {  	_ =	shalt  }
0x67: {  	_ =	shalt  }
0x68: {  	_ =	shalt  }
0x69: {  	_ =	shalt  }
0x6a: {  	_ =	shalt  }
0x6b: {  	_ =	shalt  }
0x6c: {  	_ =	shalt  }
0x6d: {  	_ =	shalt  }
0x6e: {  	_ =	shalt  }
0x6f: {  	_ =	shalt  }
0x70: {  	_ =	shalt  }
0x71: {  	_ =	shalt  }
0x72: {  	_ =	shalt  }
0x73: {  	_ =	shalt  }
0x74: {  	_ =	shalt  }
0x75: {  	_ =	shalt  }
0x76: {  	_ =	shalt  }
0x77: {  	_ =	shalt  }
0x78: {  	_ =	shalt  }
0x79: {  	_ =	shalt  }
0x7a: {  	_ =	shalt  }
0x7b: {  	_ =	shalt  }
0x7c: {  	_ =	shalt  }
0x7d: {  	_ =	shalt  }
0x7e: {  	_ =	shalt  }
0x7f: {  	_ =	shalt  }
0x80: {  	_ =	shalt  }
0x81: {  	_ =	shalt  }
0x82: {  	_ =	shalt  }
0x83: {  	_ =	shalt  }
0x84: {  	_ =	shalt  }
0x85: {  	_ =	shalt  }
0x86: {  	_ =	shalt  }
0x87: {  	_ =	shalt  }
.Lfunc_end0:
.L_simem_size_0:
called_computation.2_lowered:
.L_overlay_start_0:
0x88: {  	s2 =	sld [smem:$0x3FD9]  }
0x89: {  	s3 =	sld [smem:$0x3FFE];
	_ =	sdelay $0x1  }
0x8a: {  	s1 =	srdreg.scid  }
0x8b: {  	s0 =	sand.u32 $0x1, s1  }
0x8c: {  	s15 =	sshll.u32 s0, $0xA;
	s2 =	sadd.s32 s3, s2  }
0x8d: {  	s2 =	sadd.s32 s2, s15  }
0x8e: {  	[smem:$0x3FC1] =	sst s2  }
0x8f: {  	_ = 	snop  }
0x90: {  	s2 =	sld [smem:$0x3FD0];
	_ =	sdelay $0x1  }
0x91: {  	s16 =	sld [smem:$0x3FC9]  }
0x92: {  	s5 =	simm.s32 $0xC;
	s6 =	simm.s32 $0x10;
	s4 =	sld [smem:$0x3FC8]  }
0x93: {  	[smem:s6], [sflag:s5] =	dma.local [hbm:s2], $0x1  }
0x94: {  	_ =	swait.eq [sflag:s5], $0x1  }
0x95: {  	[sflag:s5] =	ssyncset.done $0x0  }
0x96: {  	[sflag:s5] =	ssyncadd.s32 $0xFFFFFFFF  }
0x97: {  	s17 =	sld [smem:$0x10];
	(tm) =	ssettm $0x1  }
0x98: {  	s18 =	sld [smem:$0x3FFB];
	_ =	sdelay $0x3  }
0x99: {  	_ =	strace s18  }
0x9a: {  	s2 =	sld [smem:$0x3FFC];
	_ =	sdelay $0x3  }
0x9b: {  	_ =	strace s2  }
0x9c: {  	s2 =	sld [smem:$0x3FFD];
	_ =	sdelay $0x3  }
0x9d: {  	_ =	strace s2  }
0x9e: {  	_ =	strace $0x8FFFFFFF  }
0x9f: {  	s19 =	sld [smem:$0x3FDB];
	_ =	sdelay $0x1  }
0xa0: {  	s20 =	simm.s32 $_scs_section_size  }
0xa1: {  	s7 =	simm.s32 $_size__tile_overlayer_lowered;
	s8 =	simm.s32 $_tile_overlayer_lowered  }
0xa2: {  	s9 =	simm.s32 $0x1BFF;
	s21 =	sshll.u32 s8, $0x1;
	s6 =	sadd.s32 s20, s19  }
0xa3: {  	s22 =	simm.s32 $0x0;
	s7 =	sshll.u32 s7, $0x1;
	s8 =	sadd.s32 s21, s6  }
0xa4: {  	[timem:s22], [sflag:s9] =	dma.local [hbm:s8], s7  }
0xa5: {  	_ =	swait.ge [sflag:s9], s7  }
0xa6: {  	s7 =	ssub.s32 $0x0, s7;
	[sflag:s9] =	ssyncset.done $0x0  }
0xa7: {  	[sflag:s9] =	ssyncadd.s32 s7;
	_ =	sdelay $0x1  }
0xa8: {  	s23 =	simm.s32 $0x1B8B  }
0xa9: {  	_ =	swait.ge [sflag:s23], $0x1  }
0xaa: {  	[sflag:s23] =	ssyncset.done $0x0  }
0xab: {  	[sflag:s23] =	ssyncadd.s32 $0xFFFFFFFF  }
0xac: {  	s7 =	sld [smem:$0x0]  }
0xad: {  	s8 =	sand.u32 $0xFFFFFFFE, s1  }
0xae: {  	p0 =	sne.s32 s1, s8  }
0xaf: {  	s8 =	sshll.u32 @p0 s8, $0xE  }
0xb0: {  	s8 =	sadd.s32 @p0 $0x11B8D, s8;
	s9 =	sshll.u32 @p0 s7, $0x11  }
0xb1: {  	s8 =	sor.u32 @p0 s9, s8  }
0xb2: {  	[sflag:s8] =	ssyncadd.remote.s32 @p0 $0x1;
	_ =	sdelay $0x1  }
0xb3: {  	s8 =	simm.s32 @p0 $0x1B8D  }
0xb4: {  	_ =	swait.eq @p0 [sflag:s8], $0x1  }
0xb5: {  	[sflag:s8] =	ssyncadd.s32 @p0 $0xFFFFFFFF  }
0xb6: {  	s9 =	sshll.u32 @!p0 s1, $0xE  }
0xb7: {  	s9 =	sor.u32 @!p0 $0x4000, s9;
	s8 =	simm.s32 @!p0 $0x1B8D  }
0xb8: {  	s7 =	sshll.u32 @!p0 s7, $0x11;
	s9 =	sadd.s32 @!p0 $0x11B8D, s9;
	_ =	swait.eq @!p0 [sflag:s8], $0x1  }
0xb9: {  	s7 =	sor.u32 @!p0 s7, s9;
	[sflag:s8] =	ssyncadd.s32 @!p0 $0xFFFFFFFF  }
0xba: {  	s25 =	simm.s32 $0x1B8E;
	s24 =	sld [smem:$0x3FFE];
	[sflag:s7] =	ssyncadd.remote.s32 @!p0 $0x1  }
0xbb: {  	s26 =	simm.s32 $execute0_lowered;
	[smem:$0x3FD2] =	sst s25  }
0xbc: {  	s8 =	sshll.u32 s26, $0x1;
	_ =	strace $0x8000004C;
	[dreg:$0x1] =	wrdreg $0xFFFFFFFF  }
0xbd: {  	s28 =	simm.s32 $_size_execute0_lowered;
	s6 =	sadd.s32 s6, s8;
	[dreg:$0x0] =	wrdreg $0x0  }
0xbe: {  	s8 =	sshll.u32 s28, $0x1;
	[dreg:$0x2] =	wrdreg s6  }
0xbf: {  	[dreg:$0x3] =	wrdreg s8  }
0xc0: {  	[dreg:$0x4] =	wrdreg $0xC0  }
0xc1: {  	_ =	task [dreg:s22], $0x5FFFF  }
0xc2: {  	[dreg:$0x1] =	wrdreg $0xFFFFFFFF  }
0xc3: {  	[dreg:$0x0] =	wrdreg $0x60  }
0xc4: {  	[dreg:$0x2] =	wrdreg s4  }
0xc5: {  	[dreg:$0x3] =	wrdreg s24  }
0xc6: {  	[dreg:$0x4] =	wrdreg s16  }
0xc7: {  	[dreg:$0x5] =	wrdreg s17  }
0xc8: {  	[dreg:$0x6] =	wrdreg $0x29000  }
0xc9: {  	[dreg:$0x7] =	wrdreg $0x29400  }
0xca: {  	[dreg:$0x8] =	wrdreg $0x29800  }
0xcb: {  	[dreg:$0x9] =	wrdreg $0x29C00  }
0xcc: {  	[dreg:$0xa] =	wrdreg $0xB  }
0xcd: {  	_ =	task.clear_ibuf [dreg:s22], $0xBFFFF;
	_ =	strace $0x9000004C  }
0xce: {  	s29 =	simm.s32 $0xB;
	_ =	strace $0x8000004E  }
0xcf: {  	_ =	swait.ge [sflag:s29], $0x1  }
0xd0: {  	[sflag:s29] =	ssyncadd.s32 $0xFFFFFFFF  }
0xd1: {  	_ =	strace $0x9000004E  }
0xd2: {  	_ =	sfence  }
0xd3: {  	s30 =	sld [smem:$0x0];
	_ =	sdelay $0x2  }
0xd4: {  	s31 =	sshll.u32 s1, $0xD;
	s1 =	sshrl.u32 s1, $0x2  }
0xd5: {  	s4 =	sand.u32 $0x4000, s31;
	s1 =	sadd.s32 s1, s30  }
0xd6: {  	s0 =	sor.u32 s4, s0;
	s1 =	sshll.u32 s1, $0x11  }
0xd7: {  	s0 =	sor.u32 s1, s0  }
0xd8: {  	s0 =	sadd.s32 $0x8F2B, s0  }
0xd9: {  	[sflag:s0] =	ssyncadd.remote.s32 $0x1  }
0xda: {  	_ =	sfence.sel $0xFFFF  }
0xdb: {  	[dreg:$0x0] =	wrdreg $0xFFFFFFFF;
	(pc) =	sbr.abs _section_cstart, $3  }
0xdc: {  	[dreg:$0x1] =	wrdreg $0xFFFFFFFF  }
0xdd: {  	_ =	task.clear_ibuf [dreg:s22], $0x2FFFF;
	_ =	strace $0x9FFFFFFF  }
0xde: {  	(tm) =	ssettm $0x7FFFFFFF  }
0xdf: {  	_ =	shalt  }
tec
execute0_lowered:
.L_overlay_start_1:
0x0: {  	(tag) =	ssettag $0x1  }
0x1: {  	s0 =	rddreg [dreg:$0x0]  }
0x2: {  	s7 =	rddreg [dreg:$0x1]  }
0x3: {  	s8 =	rddreg [dreg:$0x2]  }
0x4: {  	s9 =	rddreg [dreg:$0x3]  }
0x5: {  	s1 =	rddreg [dreg:$0x4]  }
0x6: {  	s2 =	rddreg [dreg:$0x5]  }
0x7: {  	s3 =	rddreg [dreg:$0x6]  }
0x8: {  	s5 =	rddreg [dreg:$0x7];
	s6 =	simm.s32 $0x0  }
0x9: {  	s4 =	stileid.u32;
	[smem:$0x7FF] =	sst s6  }
0xa: {  	s10 =	sadd.s32 $0x402C00, s7;
	s11 =	sshll.u32 s4, $0x6;
	s12 =	sshll.u32 s4, $0x7  }
0xb: {  	s4 =	simm.s32 $0x480;
	_ =	strace $0x8000004D;
	[dreg:$0x9] =	wrdreg s10  }
0xc: {  	s14 =	simm.s32 $0x580;
	[dreg:$0x15] =	wrdreg s4  }
0xd: {  	s15 =	simm.s32 $0x980;
	[dreg:$0x1b] =	wrdreg s14  }
0xe: {  	s16 =	simm.s32 $0xD80;
	[dreg:$0x1c] =	wrdreg s15  }
0xf: {  	s17 =	sadd.s32 s11, s1;
	[dreg:$0x1d] =	wrdreg s16  }
0x10: {  	s18 =	sadd.s32 s11, s2;
	[dreg:$0xa] =	wrdreg s17  }
0x11: {  	s21 =	srdreg.scid;
	s19 =	sadd.s32 s11, s3;
	[dreg:$0xb] =	wrdreg s18  }
0x12: {  	s28 =	simm.s32 $0x1D00;
	s20 =	sadd.s32 s11, s5;
	[dreg:$0xc] =	wrdreg s19  }
0x13: {  	s7 =	sadd.s32 s12, s7;
	s22 =	sadd.s32 s0, s12;
	[dreg:$0xd] =	wrdreg s20  }
0x14: {  	s11 =	sand.u32 $0x1, s21;
	s21 =	simm.s32 $0xA80;
	[dreg:$0xe] =	wrdreg s22  }
0x15: {  	s29 =	simm.s32 $0x2100;
	s23 =	sadd.s32 $0x402400, s7;
	[smem:$0x7F8] =	sst s21  }
0x16: {  	s30 =	simm.s32 $0x2300;
	s24 =	sadd.s32 $0x401C00, s7;
	[dreg:$0xf] =	wrdreg s23  }
0x17: {  	s31 =	simm.s32 $0x2500;
	s7 =	sadd.s32 $0x401400, s7;
	[dreg:$0x10] =	wrdreg s24  }
0x18: {  	s14 =	simm.s32 $0x1000;
	s17 =	simm.s32 $0x600;
	[dreg:$0x11] =	wrdreg s7  }
0x19: {  	s15 =	simm.s32 $0x100;
	s18 =	simm.s32 $0xA00;
	[dreg:$0x1e] =	wrdreg s17  }
0x1a: {  	s16 =	simm.s32 $0x180;
	s19 =	simm.s32 $0xE00;
	[dreg:$0x1f] =	wrdreg s18  }
0x1b: {  	s13 =	sshll.u32 s11, $0x6;
	s20 =	simm.s32 $0x680;
	[smem:$0x7F6] =	sst s19  }
0x1c: {  	s22 =	simm.s32 $0xE80;
	s12 =	sor.u32 s13, s12;
	[smem:$0x7F7] =	sst s20  }
0x1d: {  	s7 =	simm.s32 $0x880;
	s13 =	simm.s32 $0xD00;
	[smem:$0x7F9] =	sst s22  }
0x1e: {  	s17 =	simm.s32 $0x200;
	s23 =	simm.s32 $0x700;
	[dreg:$0x16] =	wrdreg s7  }
0x1f: {  	s18 =	simm.s32 $0x280;
	s24 =	simm.s32 $0xB00;
	[dreg:$0x1a] =	wrdreg s13  }
0x20: {  	s19 =	simm.s32 $0x300;
	s20 =	simm.s32 $0x380;
	[smem:$0x7FA] =	sst s23  }
0x21: {  	s22 =	simm.s32 $0xF80;
	s0 =	sadd.s32 s0, s12;
	[smem:$0x7FB] =	sst s24  }
0x22: {  	s25 =	sadd.s32 s8, s12;
	s26 =	sadd.s32 s9, s12;
	[dreg:$0x12] =	wrdreg s0  }
0x23: {  	s8 =	ssub.s32 $0x2, s11;
	s9 =	simm.s32 $0xC80;
	[dreg:$0x13] =	wrdreg s25  }
0x24: {  	s11 =	simm.s32 $0x500;
	s12 =	simm.s32 $0x900;
	[dreg:$0x14] =	wrdreg s26  }
0x25: {  	s13 =	simm.s32 $0x80;
	s23 =	simm.s32 $0x1;
	[dreg:$0x17] =	wrdreg s9  }
0x26: {  	s24 =	simm.s32 $0x1100;
	s10 =	sshrl.u32 s8, $0x1;
	[dreg:$0x18] =	wrdreg s11  }
0x27: {  	[dreg:$0x19] =	wrdreg s12;
	s9 =	simm.s32 $0x2;
	s11 =	simm.s32 $0x800  }
0x28: {  	s12 =	simm.s32 $0xC00;
	s25 =	simm.s32 $0xF00;
	s26 =	simm.s32 $0x780  }
0x29: {  	s0 =	simm.s32 $0x2700;
	s7 =	ssub.s32 s8, s10;
	[smem:$0x7FC] =	sst s25  }
0x2a: {  	s8 =	simm.s32 $0x1080;
	s10 =	simm.s32 $0x400;
	[smem:$0x7FD] =	sst s26  }
0x2b: {  	v0 =	vimm.f32 $0.0e+00;
	v1 =	vimm.f32 $1.000000000e+00;
	s25 =	simm.s32 $0x1500;
	s26 =	simm.s32 $0x1900;
	s7 =	smax.u32 s7, $0x1  }
.LBB2_1:
0x2c: {  	[tilespmem:$0x1080] =	vst v0  }
0x2d: {  	[tilespmem:$0x1090] =	vst v0  }
0x2e: {  	[tilespmem:$0x10A0] =	vst v0  }
0x2f: {  	[tilespmem:$0x10B0] =	vst v0  }
0x30: {  	[tilespmem:$0x1000] =	vst v1  }
0x31: {  	[tilespmem:$0x1010] =	vst v1  }
0x32: {  	[tilespmem:$0x1020] =	vst v1  }
0x33: {  	[tilespmem:$0x1030] =	vst v1  }
0x34: {  	[tilespmem:$0x1040] =	vst v1  }
0x35: {  	[tilespmem:$0x1050] =	vst v1  }
0x36: {  	[tilespmem:$0x1060] =	vst v1  }
0x37: {  	s4 =	rddreg [dreg:$0xa];
	[tilespmem:$0x1070] =	vst v1  }
0x38: {  	[spmem:s4] =	stream.linear.scatter [tilespmem:s8], [sflag:$0x2], $0x40, $0x38;
	[tilespmem:$0x2A00] =	vst v63  }
0x39: {  	_ =	swait.ge [sflag:s9], $0x40  }
0x3a: {  	[sflag:s9] =	ssyncset.done $0x0  }
0x3b: {  	s21 =	rddreg [dreg:$0xb];
	[sflag:s9] =	ssyncadd.s32 $0xFFFFFFC0  }
0x3c: {  	[spmem:s21] =	stream.linear.scatter [tilespmem:s8], [sflag:$0x2], $0x40, $0x38;
	[tilespmem:$0x2A00] =	vst v63  }
0x3d: {  	_ =	swait.ge [sflag:s9], $0x40  }
0x3e: {  	[sflag:s9] =	ssyncset.done $0x0  }
0x3f: {  	s21 =	rddreg [dreg:$0xc];
	[sflag:s9] =	ssyncadd.s32 $0xFFFFFFC0  }
0x40: {  	[spmem:s21] =	stream.linear.scatter [tilespmem:s8], [sflag:$0x2], $0x40, $0x38;
	[tilespmem:$0x2A00] =	vst v63  }
0x41: {  	_ =	swait.ge [sflag:s9], $0x40  }
0x42: {  	[sflag:s9] =	ssyncset.done $0x0  }
0x43: {  	s21 =	rddreg [dreg:$0xd];
	[sflag:s9] =	ssyncadd.s32 $0xFFFFFFC0  }
0x44: {  	[spmem:s21] =	stream.linear.scatter [tilespmem:s8], [sflag:$0x2], $0x40, $0x38;
	[tilespmem:$0x2A00] =	vst v63  }
0x45: {  	_ =	swait.ge [sflag:s9], $0x40  }
0x46: {  	[sflag:s9] =	ssyncset.done $0x0  }
0x47: {  	[sflag:s9] =	ssyncadd.s32 $0xFFFFFFC0  }
0x48: {  	[bflag:$0x0] =	sbarrier.arrive $0xFFFF  }
0x49: {  	s21 =	rddreg [dreg:$0xe]  }
0x4a: {  	[tilespmem:s6], [sflag:$0x2] =	stream.linear.gather [hbm4b:s21+s6], $0x400, $0x38;
	[tilespmem:$0x2A00] =	vst v63  }
0x4b: {  	_ =	swait.ge [sflag:s9], $0x400  }
0x4c: {  	[sflag:s9] =	ssyncset.done $0x0  }
0x4d: {  	s21 =	rddreg [dreg:$0xf];
	[sflag:s9] =	ssyncadd.s32 $0xFFFFFC00  }
0x4e: {  	[tilespmem:s10], [sflag:$0x2] =	stream.linear.gather [hbm4b:s21+s6], $0x400, $0x38;
	[tilespmem:$0x2A00] =	vst v63  }
0x4f: {  	_ =	swait.ge [sflag:s9], $0x400  }
0x50: {  	[sflag:s9] =	ssyncset.done $0x0  }
0x51: {  	s21 =	rddreg [dreg:$0x10];
	[sflag:s9] =	ssyncadd.s32 $0xFFFFFC00  }
0x52: {  	[tilespmem:s11], [sflag:$0x2] =	stream.linear.gather [hbm4b:s21+s6], $0x400, $0x38;
	[tilespmem:$0x2A00] =	vst v63  }
0x53: {  	_ =	swait.ge [sflag:s9], $0x400  }
0x54: {  	[sflag:s9] =	ssyncset.done $0x0  }
0x55: {  	s21 =	rddreg [dreg:$0x11];
	[sflag:s9] =	ssyncadd.s32 $0xFFFFFC00  }
0x56: {  	[tilespmem:s12], [sflag:$0x2] =	stream.linear.gather [hbm4b:s21+s6], $0x400, $0x38;
	[tilespmem:$0x2A00] =	vst v63  }
0x57: {  	_ =	swait.ge [sflag:s9], $0x400  }
0x58: {  	[sflag:s9] =	ssyncset.done $0x0  }
0x59: {  	[sflag:s9] =	ssyncadd.s32 $0xFFFFFC00  }
0x5a: {  	[spmem:s1] =	stream.indirect.scatter.add.f32 [tilespmem:s10], [sflag:$0x1], $0x1, s6, s13, $0xb8;
	[tilespmem:$0x2A00] =	vst v63  }
0x5b: {  	_ = 	snop  }
0x5c: {  	[spmem:s2] =	stream.indirect.scatter.add.f32 [tilespmem:s11], [sflag:$0x1], $0x1, s6, s13, $0xb8;
	[tilespmem:$0x2A00] =	vst v63  }
0x5d: {  	_ = 	snop  }
0x5e: {  	[spmem:s3] =	stream.indirect.scatter.add.f32 [tilespmem:s12], [sflag:$0x1], $0x1, s6, s13, $0xb8;
	[tilespmem:$0x2A00] =	vst v63  }
0x5f: {  	_ = 	snop  }
0x60: {  	[spmem:s5] =	stream.indirect.scatter.add.f32 [tilespmem:s14], [sflag:$0x1], $0x1, s6, s13, $0xb8;
	[tilespmem:$0x2A00] =	vst v63  }
0x61: {  	s4 =	rddreg [dreg:$0x15]  }
0x62: {  	[spmem:s1] =	stream.indirect.scatter.add.f32 [tilespmem:s4], [sflag:$0x1], $0x1, s13, s13, $0xb8;
	[tilespmem:$0x2A00] =	vst v63  }
0x63: {  	s21 =	rddreg [dreg:$0x16]  }
0x64: {  	[spmem:s2] =	stream.indirect.scatter.add.f32 [tilespmem:s21], [sflag:$0x1], $0x1, s13, s13, $0xb8;
	[tilespmem:$0x2A00] =	vst v63  }
0x65: {  	s4 =	rddreg [dreg:$0x17]  }
0x66: {  	[spmem:s3] =	stream.indirect.scatter.add.f32 [tilespmem:s4], [sflag:$0x1], $0x1, s13, s13, $0xb8;
	[tilespmem:$0x2A00] =	vst v63  }
0x67: {  	_ = 	snop  }
0x68: {  	[spmem:s5] =	stream.indirect.scatter.add.f32 [tilespmem:s14], [sflag:$0x1], $0x1, s13, s13, $0xb8;
	[tilespmem:$0x2A00] =	vst v63  }
0x69: {  	s4 =	rddreg [dreg:$0x18]  }
0x6a: {  	[spmem:s1] =	stream.indirect.scatter.add.f32 [tilespmem:s4], [sflag:$0x1], $0x1, s15, s13, $0xb8;
	[tilespmem:$0x2A00] =	vst v63  }
0x6b: {  	s21 =	rddreg [dreg:$0x19]  }
0x6c: {  	[spmem:s2] =	stream.indirect.scatter.add.f32 [tilespmem:s21], [sflag:$0x1], $0x1, s15, s13, $0xb8;
	[tilespmem:$0x2A00] =	vst v63  }
0x6d: {  	s4 =	rddreg [dreg:$0x1a]  }
0x6e: {  	[spmem:s3] =	stream.indirect.scatter.add.f32 [tilespmem:s4], [sflag:$0x1], $0x1, s15, s13, $0xb8;
	[tilespmem:$0x2A00] =	vst v63  }
0x6f: {  	_ = 	snop  }
0x70: {  	[spmem:s5] =	stream.indirect.scatter.add.f32 [tilespmem:s14], [sflag:$0x1], $0x1, s15, s13, $0xb8;
	[tilespmem:$0x2A00] =	vst v63  }
0x71: {  	s4 =	rddreg [dreg:$0x1b]  }
0x72: {  	[spmem:s1] =	stream.indirect.scatter.add.f32 [tilespmem:s4], [sflag:$0x1], $0x1, s16, s13, $0xb8;
	[tilespmem:$0x2A00] =	vst v63  }
0x73: {  	s21 =	rddreg [dreg:$0x1c]  }
0x74: {  	[spmem:s2] =	stream.indirect.scatter.add.f32 [tilespmem:s21], [sflag:$0x1], $0x1, s16, s13, $0xb8;
	[tilespmem:$0x2A00] =	vst v63  }
0x75: {  	s4 =	rddreg [dreg:$0x1d]  }
0x76: {  	[spmem:s3] =	stream.indirect.scatter.add.f32 [tilespmem:s4], [sflag:$0x1], $0x1, s16, s13, $0xb8;
	[tilespmem:$0x2A00] =	vst v63  }
0x77: {  	s21 =	rddreg [dreg:$0x1f]  }
0x78: {  	[spmem:s5] =	stream.indirect.scatter.add.f32 [tilespmem:s14], [sflag:$0x1], $0x1, s16, s13, $0xb8;
	[tilespmem:$0x2A00] =	vst v63  }
0x79: {  	s4 =	rddreg [dreg:$0x1e]  }
0x7a: {  	[spmem:s1] =	stream.indirect.scatter.add.f32 [tilespmem:s4], [sflag:$0x1], $0x1, s17, s13, $0xb8;
	[tilespmem:$0x2A00] =	vst v63  }
0x7b: {  	s4 =	sld [smem:$0x7F6]  }
0x7c: {  	[spmem:s2] =	stream.indirect.scatter.add.f32 [tilespmem:s21], [sflag:$0x1], $0x1, s17, s13, $0xb8;
	[tilespmem:$0x2A00] =	vst v63  }
0x7d: {  	_ = 	snop  }
0x7e: {  	[spmem:s3] =	stream.indirect.scatter.add.f32 [tilespmem:s4], [sflag:$0x1], $0x1, s17, s13, $0xb8;
	[tilespmem:$0x2A00] =	vst v63  }
0x7f: {  	s4 =	sld [smem:$0x7F7]  }
0x80: {  	[spmem:s5] =	stream.indirect.scatter.add.f32 [tilespmem:s14], [sflag:$0x1], $0x1, s17, s13, $0xb8;
	[tilespmem:$0x2A00] =	vst v63  }
0x81: {  	s21 =	sld [smem:$0x7F8]  }
0x82: {  	[spmem:s1] =	stream.indirect.scatter.add.f32 [tilespmem:s4], [sflag:$0x1], $0x1, s18, s13, $0xb8;
	[tilespmem:$0x2A00] =	vst v63  }
0x83: {  	s4 =	sld [smem:$0x7F9]  }
0x84: {  	[spmem:s2] =	stream.indirect.scatter.add.f32 [tilespmem:s21], [sflag:$0x1], $0x1, s18, s13, $0xb8;
	[tilespmem:$0x2A00] =	vst v63  }
0x85: {  	_ = 	snop  }
0x86: {  	[spmem:s3] =	stream.indirect.scatter.add.f32 [tilespmem:s4], [sflag:$0x1], $0x1, s18, s13, $0xb8;
	[tilespmem:$0x2A00] =	vst v63  }
0x87: {  	s4 =	sld [smem:$0x7FA]  }
0x88: {  	[spmem:s5] =	stream.indirect.scatter.add.f32 [tilespmem:s14], [sflag:$0x1], $0x1, s18, s13, $0xb8;
	[tilespmem:$0x2A00] =	vst v63  }
0x89: {  	s21 =	sld [smem:$0x7FB]  }
0x8a: {  	[spmem:s1] =	stream.indirect.scatter.add.f32 [tilespmem:s4], [sflag:$0x1], $0x1, s19, s13, $0xb8;
	[tilespmem:$0x2A00] =	vst v63  }
0x8b: {  	s4 =	sld [smem:$0x7FC]  }
0x8c: {  	[spmem:s2] =	stream.indirect.scatter.add.f32 [tilespmem:s21], [sflag:$0x1], $0x1, s19, s13, $0xb8;
	[tilespmem:$0x2A00] =	vst v63  }
0x8d: {  	_ = 	snop  }
0x8e: {  	[spmem:s3] =	stream.indirect.scatter.add.f32 [tilespmem:s4], [sflag:$0x1], $0x1, s19, s13, $0xb8;
	[tilespmem:$0x2A00] =	vst v63  }
0x8f: {  	s21 =	sld [smem:$0x7FD]  }
0x90: {  	[spmem:s5] =	stream.indirect.scatter.add.f32 [tilespmem:s14], [sflag:$0x1], $0x1, s19, s13, $0xb8;
	[tilespmem:$0x2A00] =	vst v63  }
0x91: {  	_ = 	snop  }
0x92: {  	[spmem:s1] =	stream.indirect.scatter.add.f32 [tilespmem:s21], [sflag:$0x1], $0x1, s20, s13, $0xb8;
	[tilespmem:$0x2A00] =	vst v63  }
0x93: {  	s21 =	simm.s32 $0xB80  }
0x94: {  	[spmem:s2] =	stream.indirect.scatter.add.f32 [tilespmem:s21], [sflag:$0x1], $0x1, s20, s13, $0xb8;
	[tilespmem:$0x2A00] =	vst v63  }
0x95: {  	_ = 	snop  }
0x96: {  	[spmem:s3] =	stream.indirect.scatter.add.f32 [tilespmem:s22], [sflag:$0x1], $0x1, s20, s13, $0xb8;
	[tilespmem:$0x2A00] =	vst v63  }
0x97: {  	_ = 	snop  }
0x98: {  	[spmem:s5] =	stream.indirect.scatter.add.f32 [tilespmem:s14], [sflag:$0x1], $0x1, s20, s13, $0xb8;
	[tilespmem:$0x2A00] =	vst v63  }
0x99: {  	_ =	swait.ge [sflag:s23], $0x80  }
0x9a: {  	[sflag:s23] =	ssyncset.done $0x0  }
0x9b: {  	[sflag:s23] =	ssyncadd.s32 $0xFFFFFF80  }
0x9c: {  	_ =	swait.ge [sflag:s23], $0x80  }
0x9d: {  	[sflag:s23] =	ssyncset.done $0x0  }
0x9e: {  	[sflag:s23] =	ssyncadd.s32 $0xFFFFFF80  }
0x9f: {  	_ =	swait.ge [sflag:s23], $0x80  }
0xa0: {  	[sflag:s23] =	ssyncset.done $0x0  }
0xa1: {  	[sflag:s23] =	ssyncadd.s32 $0xFFFFFF80  }
0xa2: {  	_ =	swait.ge [sflag:s23], $0x80  }
0xa3: {  	[sflag:s23] =	ssyncset.done $0x0  }
0xa4: {  	[sflag:s23] =	ssyncadd.s32 $0xFFFFFF80  }
0xa5: {  	_ =	swait.ge [sflag:s23], $0x80  }
0xa6: {  	[sflag:s23] =	ssyncset.done $0x0  }
0xa7: {  	[sflag:s23] =	ssyncadd.s32 $0xFFFFFF80  }
0xa8: {  	_ =	swait.ge [sflag:s23], $0x80  }
0xa9: {  	[sflag:s23] =	ssyncset.done $0x0  }
0xaa: {  	[sflag:s23] =	ssyncadd.s32 $0xFFFFFF80  }
0xab: {  	_ =	swait.ge [sflag:s23], $0x80  }
0xac: {  	[sflag:s23] =	ssyncset.done $0x0  }
0xad: {  	[sflag:s23] =	ssyncadd.s32 $0xFFFFFF80  }
0xae: {  	_ =	swait.ge [sflag:s23], $0x80  }
0xaf: {  	[sflag:s23] =	ssyncset.done $0x0  }
0xb0: {  	[sflag:s23] =	ssyncadd.s32 $0xFFFFFF80  }
0xb1: {  	_ =	swait.ge [sflag:s23], $0x80  }
0xb2: {  	[sflag:s23] =	ssyncset.done $0x0  }
0xb3: {  	[sflag:s23] =	ssyncadd.s32 $0xFFFFFF80  }
0xb4: {  	_ =	swait.ge [sflag:s23], $0x80  }
0xb5: {  	[sflag:s23] =	ssyncset.done $0x0  }
0xb6: {  	[sflag:s23] =	ssyncadd.s32 $0xFFFFFF80  }
0xb7: {  	_ =	swait.ge [sflag:s23], $0x80  }
0xb8: {  	[sflag:s23] =	ssyncset.done $0x0  }
0xb9: {  	[sflag:s23] =	ssyncadd.s32 $0xFFFFFF80  }
0xba: {  	_ =	swait.ge [sflag:s23], $0x80  }
0xbb: {  	[sflag:s23] =	ssyncset.done $0x0  }
0xbc: {  	[sflag:s23] =	ssyncadd.s32 $0xFFFFFF80  }
0xbd: {  	_ =	swait.ge [sflag:s23], $0x80  }
0xbe: {  	[sflag:s23] =	ssyncset.done $0x0  }
0xbf: {  	[sflag:s23] =	ssyncadd.s32 $0xFFFFFF80  }
0xc0: {  	_ =	swait.ge [sflag:s23], $0x80  }
0xc1: {  	[sflag:s23] =	ssyncset.done $0x0  }
0xc2: {  	[sflag:s23] =	ssyncadd.s32 $0xFFFFFF80  }
0xc3: {  	_ =	swait.ge [sflag:s23], $0x80  }
0xc4: {  	[sflag:s23] =	ssyncset.done $0x0  }
0xc5: {  	[sflag:s23] =	ssyncadd.s32 $0xFFFFFF80  }
0xc6: {  	_ =	swait.ge [sflag:s23], $0x80  }
0xc7: {  	[sflag:s23] =	ssyncset.done $0x0  }
0xc8: {  	[sflag:s23] =	ssyncadd.s32 $0xFFFFFF80  }
0xc9: {  	_ =	swait.ge [sflag:s23], $0x80  }
0xca: {  	[sflag:s23] =	ssyncset.done $0x0  }
0xcb: {  	[sflag:s23] =	ssyncadd.s32 $0xFFFFFF80  }
0xcc: {  	_ =	swait.ge [sflag:s23], $0x80  }
0xcd: {  	[sflag:s23] =	ssyncset.done $0x0  }
0xce: {  	[sflag:s23] =	ssyncadd.s32 $0xFFFFFF80  }
0xcf: {  	_ =	swait.ge [sflag:s23], $0x80  }
0xd0: {  	[sflag:s23] =	ssyncset.done $0x0  }
0xd1: {  	[sflag:s23] =	ssyncadd.s32 $0xFFFFFF80  }
0xd2: {  	_ =	swait.ge [sflag:s23], $0x80  }
0xd3: {  	[sflag:s23] =	ssyncset.done $0x0  }
0xd4: {  	[sflag:s23] =	ssyncadd.s32 $0xFFFFFF80  }
0xd5: {  	_ =	swait.ge [sflag:s23], $0x80  }
0xd6: {  	[sflag:s23] =	ssyncset.done $0x0  }
0xd7: {  	[sflag:s23] =	ssyncadd.s32 $0xFFFFFF80  }
0xd8: {  	_ =	swait.ge [sflag:s23], $0x80  }
0xd9: {  	[sflag:s23] =	ssyncset.done $0x0  }
0xda: {  	[sflag:s23] =	ssyncadd.s32 $0xFFFFFF80  }
0xdb: {  	_ =	swait.ge [sflag:s23], $0x80  }
0xdc: {  	[sflag:s23] =	ssyncset.done $0x0  }
0xdd: {  	[sflag:s23] =	ssyncadd.s32 $0xFFFFFF80  }
0xde: {  	_ =	swait.ge [sflag:s23], $0x80  }
0xdf: {  	[sflag:s23] =	ssyncset.done $0x0  }
0xe0: {  	[sflag:s23] =	ssyncadd.s32 $0xFFFFFF80  }
0xe1: {  	_ =	swait.ge [sflag:s23], $0x80  }
0xe2: {  	[sflag:s23] =	ssyncset.done $0x0  }
0xe3: {  	[sflag:s23] =	ssyncadd.s32 $0xFFFFFF80  }
0xe4: {  	_ =	swait.ge [sflag:s23], $0x80  }
0xe5: {  	[sflag:s23] =	ssyncset.done $0x0  }
0xe6: {  	[sflag:s23] =	ssyncadd.s32 $0xFFFFFF80  }
0xe7: {  	_ =	swait.ge [sflag:s23], $0x80  }
0xe8: {  	[sflag:s23] =	ssyncset.done $0x0  }
0xe9: {  	[sflag:s23] =	ssyncadd.s32 $0xFFFFFF80  }
0xea: {  	_ =	swait.ge [sflag:s23], $0x80  }
0xeb: {  	[sflag:s23] =	ssyncset.done $0x0  }
0xec: {  	[sflag:s23] =	ssyncadd.s32 $0xFFFFFF80  }
0xed: {  	_ =	swait.ge [sflag:s23], $0x80  }
0xee: {  	[sflag:s23] =	ssyncset.done $0x0  }
0xef: {  	[sflag:s23] =	ssyncadd.s32 $0xFFFFFF80  }
0xf0: {  	_ =	swait.ge [sflag:s23], $0x80  }
0xf1: {  	[sflag:s23] =	ssyncset.done $0x0  }
0xf2: {  	[sflag:s23] =	ssyncadd.s32 $0xFFFFFF80  }
0xf3: {  	_ =	swait.ge [sflag:s23], $0x80  }
0xf4: {  	[sflag:s23] =	ssyncset.done $0x0  }
0xf5: {  	[sflag:s23] =	ssyncadd.s32 $0xFFFFFF80  }
0xf6: {  	_ =	swait.ge [sflag:s23], $0x80  }
0xf7: {  	[sflag:s23] =	ssyncset.done $0x0  }
0xf8: {  	[sflag:s23] =	ssyncadd.s32 $0xFFFFFF80  }
0xf9: {  	[bflag:$0x0] =	sbarrier.arrive $0xFFFF  }
0xfa: {  	[tilespmem:s24], [sflag:$0x2] =	stream.linear.gather [spmem:s1], $0x400, $0x38;
	[tilespmem:$0x2A00] =	vst v63  }
0xfb: {  	_ =	swait.ge [sflag:s9], $0x400  }
0xfc: {  	[sflag:s9] =	ssyncset.done $0x0  }
0xfd: {  	[sflag:s9] =	ssyncadd.s32 $0xFFFFFC00  }
0xfe: {  	[tilespmem:s25], [sflag:$0x2] =	stream.linear.gather [spmem:s2], $0x400, $0x38;
	[tilespmem:$0x2A00] =	vst v63  }
0xff: {  	_ =	swait.ge [sflag:s9], $0x400  }
0x100: {  	[sflag:s9] =	ssyncset.done $0x0  }
0x101: {  	[sflag:s9] =	ssyncadd.s32 $0xFFFFFC00  }
0x102: {  	[tilespmem:s26], [sflag:$0x2] =	stream.linear.gather [spmem:s3], $0x400, $0x38;
	[tilespmem:$0x2A00] =	vst v63  }
0x103: {  	_ =	swait.ge [sflag:s9], $0x400  }
0x104: {  	[sflag:s9] =	ssyncset.done $0x0  }
0x105: {  	[sflag:s9] =	ssyncadd.s32 $0xFFFFFC00  }
0x106: {  	[tilespmem:s28], [sflag:$0x2] =	stream.linear.gather [spmem:s5], $0x400, $0x38;
	[tilespmem:$0x2A00] =	vst v63  }
0x107: {  	_ =	swait.ge [sflag:s9], $0x400  }
0x108: {  	[sflag:s9] =	ssyncset.done $0x0  }
0x109: {  	[sflag:s9] =	ssyncadd.s32 $0xFFFFFC00  }
0x10a: {  	s21 =	rddreg [dreg:$0x12]  }
0x10b: {  	[tilespmem:s29], [sflag:$0x2] =	stream.linear.gather [hbm4b:s21+s6], $0x200, $0x38;
	[tilespmem:$0x2A00] =	vst v63  }
0x10c: {  	_ =	swait.ge [sflag:s9], $0x200  }
0x10d: {  	[sflag:s9] =	ssyncset.done $0x0  }
0x10e: {  	s21 =	rddreg [dreg:$0x13];
	[sflag:s9] =	ssyncadd.s32 $0xFFFFFE00  }
0x10f: {  	[tilespmem:s30], [sflag:$0x2] =	stream.linear.gather [hbm4b:s21+s6], $0x200, $0x38;
	[tilespmem:$0x2A00] =	vst v63  }
0x110: {  	_ =	swait.ge [sflag:s9], $0x200  }
0x111: {  	[sflag:s9] =	ssyncset.done $0x0  }
0x112: {  	s21 =	rddreg [dreg:$0x9];
	[sflag:s9] =	ssyncadd.s32 $0xFFFFFE00  }
0x113: {  	[tilespmem:s31], [sflag:$0x2] =	stream.linear.gather [hbm4b:s21+s6], $0x180, $0x38;
	[tilespmem:$0x2A00] =	vst v63  }
0x114: {  	_ =	swait.ge [sflag:s9], $0x180  }
0x115: {  	[sflag:s9] =	ssyncset.done $0x0  }
0x116: {  	[sflag:s9] =	ssyncadd.s32 $0xFFFFFE80  }
0x117: {  	v4 =	vld [tilespmem:$0x2100];
	_ =	sdelay $0x7  }
0x118: {  	v2 =	vld.idx.msk [tilespmem:v4+s28+$0x0], $0xffff;
	_ =	sdelay $0x4  }
0x119: {  	vm0 =	veq.f32 v2, $0.0e+00  }
0x11a: {  	v2 =	vsel vm0, $0x3F800000, v2  }
0x11b: {  	(erf) = vrcp.f32 v2;
	_ =	sdelay $0x4  }
0x11c: {  	v3 =	vld.idx.msk [tilespmem:v4+s26+$0x0], $0xffff;
	_ =	sdelay $0x2  }
0x11d: {  	v2 =	vld [tilespmem:$0x2600]  }
0x11e: {  	v5 =	vpop (erf)  }
0x11f: {  	v3 =	vmul.f32 v5, v3;
	_ =	sdelay $0x1  }
0x120: {  	v3 =	vsel vm0, $0x0, v3  }
0x121: {  	v3 =	vadd.f32 v3, v2  }
0x122: {  	v6 =	vld.idx.msk [tilespmem:v4+s25+$0x0], $0xffff  }
0x123: {  	v3 =	vmax.f32 v3, $1.000000010e-01  }
0x124: {  	(erf) = vrcp.f32 v3  }
0x125: {  	v3 =	vld [tilespmem:$0x2580];
	_ =	sdelay $0x1  }
0x126: {  	v7 =	vld [tilespmem:$0x2300];
	v6 =	vmul.f32 v5, v6;
	_ =	sdelay $0x1  }
0x127: {  	v6 =	vsel vm0, $0x0, v6  }
0x128: {  	v6 =	vadd.f32 v6, v3;
	_ =	sdelay $0x1  }
0x129: {  	v6 =	vsub.f32 v7, v6  }
0x12a: {  	v53 =	vpop (erf)  }
0x12b: {  	v6 =	vmul.f32 v53, v6;
	_ =	sdelay $0x1  }
0x12c: {  	v6 =	vxor.u32 $0x80000000, v6  }
0x12d: {  	v6 =	vmax.f32 v6, $-5.000000000e+01  }
0x12e: {  	v6 =	vmin.f32 v6, $5.000000000e+01  }
0x12f: {  	v6 =	vmul.f32 $1.442695020e+00, v6;
	_ =	sdelay $0x1  }
0x130: {  	(erf) = vpow2.f32 v6;
	_ =	sdelay $0x8  }
0x131: {  	v6 =	vpop (erf)  }
0x132: {  	v6 =	vadd.f32 $1.000000000e+00, v6;
	_ =	sdelay $0x1  }
0x133: {  	v54 =	vld.idx.msk [tilespmem:v4+s24+$0x0], $0xffff;
	(erf) = vrcp.f32 v6;
	_ =	sdelay $0x2  }
0x134: {  	v4 =	vld [tilespmem:$0x2500];
	_ =	sdelay $0x1  }
0x135: {  	v55 =	vld [tilespmem:$0x2110];
	v5 =	vmul.f32 v5, v54;
	_ =	sdelay $0x1  }
0x136: {  	v5 =	vsel vm0, $0x0, v5  }
0x137: {  	v5 =	vadd.f32 v5, v4  }
0x138: {  	v56 =	vpop (erf)  }
0x139: {  	v5 =	vmul.f32 v56, v5;
	_ =	sdelay $0x1  }
0x13a: {  	[tilespmem:$0x2700] =	vst v5  }
0x13b: {  	v5 =	vld.idx.msk [tilespmem:v55+s28+$0x0], $0xffff;
	_ =	sdelay $0x4  }
0x13c: {  	vm9 =	veq.f32 v5, $0.0e+00  }
0x13d: {  	v5 =	vsel vm9, $0x3F800000, v5  }
0x13e: {  	(erf) = vrcp.f32 v5;
	_ =	sdelay $0x4  }
0x13f: {  	v57 =	vld.idx.msk [tilespmem:v55+s26+$0x0], $0xffff;
	_ =	sdelay $0x3  }
0x140: {  	v58 =	vpop (erf)  }
0x141: {  	v5 =	vmul.f32 v58, v57;
	_ =	sdelay $0x1  }
0x142: {  	v5 =	vsel vm9, $0x0, v5  }
0x143: {  	v5 =	vadd.f32 v5, v2  }
0x144: {  	v8 =	vld.idx.msk [tilespmem:v55+s25+$0x0], $0xffff  }
0x145: {  	v5 =	vmax.f32 v5, $1.000000010e-01  }
0x146: {  	(erf) = vrcp.f32 v5;
	_ =	sdelay $0x2  }
0x147: {  	v60 =	vld [tilespmem:$0x2310];
	v59 =	vmul.f32 v58, v8;
	_ =	sdelay $0x1  }
0x148: {  	v5 =	vsel vm9, $0x0, v59  }
0x149: {  	v5 =	vadd.f32 v5, v3;
	_ =	sdelay $0x1  }
0x14a: {  	v5 =	vsub.f32 v60, v5  }
0x14b: {  	v61 =	vpop (erf)  }
0x14c: {  	v5 =	vmul.f32 v61, v5;
	_ =	sdelay $0x1  }
0x14d: {  	v5 =	vxor.u32 $0x80000000, v5  }
0x14e: {  	v5 =	vmax.f32 v5, $-5.000000000e+01  }
0x14f: {  	v5 =	vmin.f32 v5, $5.000000000e+01  }
0x150: {  	v5 =	vmul.f32 $1.442695020e+00, v5;
	_ =	sdelay $0x1  }
0x151: {  	(erf) = vpow2.f32 v5;
	_ =	sdelay $0x8  }
0x152: {  	v5 =	vpop (erf)  }
0x153: {  	v5 =	vadd.f32 $1.000000000e+00, v5;
	_ =	sdelay $0x1  }
0x154: {  	v6 =	vld.idx.msk [tilespmem:v55+s24+$0x0], $0xffff;
	(erf) = vrcp.f32 v5;
	_ =	sdelay $0x4  }
0x155: {  	v63 =	vld [tilespmem:$0x2120];
	v62 =	vmul.f32 v58, v6;
	_ =	sdelay $0x1  }
0x156: {  	v5 =	vsel vm9, $0x0, v62  }
0x157: {  	v5 =	vadd.f32 v5, v4  }
0x158: {  	v10 =	vpop (erf)  }
0x159: {  	v5 =	vmul.f32 v10, v5;
	_ =	sdelay $0x1  }
0x15a: {  	[tilespmem:$0x2710] =	vst v5  }
0x15b: {  	v5 =	vld.idx.msk [tilespmem:v63+s28+$0x0], $0xffff;
	_ =	sdelay $0x4  }
0x15c: {  	vm10 =	veq.f32 v5, $0.0e+00  }
0x15d: {  	v5 =	vsel vm10, $0x3F800000, v5  }
0x15e: {  	(erf) = vrcp.f32 v5;
	_ =	sdelay $0x4  }
0x15f: {  	v11 =	vld.idx.msk [tilespmem:v63+s26+$0x0], $0xffff;
	_ =	sdelay $0x3  }
0x160: {  	v12 =	vpop (erf)  }
0x161: {  	v5 =	vmul.f32 v12, v11;
	_ =	sdelay $0x1  }
0x162: {  	v5 =	vsel vm10, $0x0, v5  }
0x163: {  	v5 =	vadd.f32 v5, v2  }
0x164: {  	v13 =	vld.idx.msk [tilespmem:v63+s25+$0x0], $0xffff  }
0x165: {  	v5 =	vmax.f32 v5, $1.000000010e-01  }
0x166: {  	(erf) = vrcp.f32 v5;
	_ =	sdelay $0x2  }
0x167: {  	v15 =	vld [tilespmem:$0x2320];
	v14 =	vmul.f32 v12, v13;
	_ =	sdelay $0x1  }
0x168: {  	v5 =	vsel vm10, $0x0, v14  }
0x169: {  	v5 =	vadd.f32 v5, v3;
	_ =	sdelay $0x1  }
0x16a: {  	v5 =	vsub.f32 v15, v5  }
0x16b: {  	v16 =	vpop (erf)  }
0x16c: {  	v5 =	vmul.f32 v16, v5;
	_ =	sdelay $0x1  }
0x16d: {  	v5 =	vxor.u32 $0x80000000, v5  }
0x16e: {  	v5 =	vmax.f32 v5, $-5.000000000e+01  }
0x16f: {  	v5 =	vmin.f32 v5, $5.000000000e+01  }
0x170: {  	v5 =	vmul.f32 $1.442695020e+00, v5;
	_ =	sdelay $0x1  }
0x171: {  	(erf) = vpow2.f32 v5;
	_ =	sdelay $0x8  }
0x172: {  	v5 =	vpop (erf)  }
0x173: {  	v5 =	vadd.f32 $1.000000000e+00, v5;
	_ =	sdelay $0x1  }
0x174: {  	v6 =	vld.idx.msk [tilespmem:v63+s24+$0x0], $0xffff;
	(erf) = vrcp.f32 v5;
	_ =	sdelay $0x4  }
0x175: {  	v18 =	vld [tilespmem:$0x2130];
	v17 =	vmul.f32 v12, v6;
	_ =	sdelay $0x1  }
0x176: {  	v5 =	vsel vm10, $0x0, v17  }
0x177: {  	v5 =	vadd.f32 v5, v4  }
0x178: {  	v19 =	vpop (erf)  }
0x179: {  	v5 =	vmul.f32 v19, v5;
	_ =	sdelay $0x1  }
0x17a: {  	[tilespmem:$0x2720] =	vst v5  }
0x17b: {  	v5 =	vld.idx.msk [tilespmem:v18+s28+$0x0], $0xffff;
	_ =	sdelay $0x4  }
0x17c: {  	vm11 =	veq.f32 v5, $0.0e+00  }
0x17d: {  	v5 =	vsel vm11, $0x3F800000, v5  }
0x17e: {  	(erf) = vrcp.f32 v5;
	_ =	sdelay $0x4  }
0x17f: {  	v20 =	vld.idx.msk [tilespmem:v18+s26+$0x0], $0xffff;
	_ =	sdelay $0x3  }
0x180: {  	v21 =	vpop (erf)  }
0x181: {  	v5 =	vmul.f32 v21, v20;
	_ =	sdelay $0x1  }
0x182: {  	v5 =	vsel vm11, $0x0, v5  }
0x183: {  	v5 =	vadd.f32 v5, v2  }
0x184: {  	v22 =	vld.idx.msk [tilespmem:v18+s25+$0x0], $0xffff  }
0x185: {  	v5 =	vmax.f32 v5, $1.000000010e-01  }
0x186: {  	(erf) = vrcp.f32 v5;
	_ =	sdelay $0x2  }
0x187: {  	v24 =	vld [tilespmem:$0x2330];
	v23 =	vmul.f32 v21, v22;
	_ =	sdelay $0x1  }
0x188: {  	v5 =	vsel vm11, $0x0, v23  }
0x189: {  	v5 =	vadd.f32 v5, v3;
	_ =	sdelay $0x1  }
0x18a: {  	v5 =	vsub.f32 v24, v5  }
0x18b: {  	v25 =	vpop (erf)  }
0x18c: {  	v5 =	vmul.f32 v25, v5;
	_ =	sdelay $0x1  }
0x18d: {  	v5 =	vxor.u32 $0x80000000, v5  }
0x18e: {  	v5 =	vmax.f32 v5, $-5.000000000e+01  }
0x18f: {  	v5 =	vmin.f32 v5, $5.000000000e+01  }
0x190: {  	v5 =	vmul.f32 $1.442695020e+00, v5;
	_ =	sdelay $0x1  }
0x191: {  	(erf) = vpow2.f32 v5;
	_ =	sdelay $0x8  }
0x192: {  	v5 =	vpop (erf)  }
0x193: {  	v5 =	vadd.f32 $1.000000000e+00, v5;
	_ =	sdelay $0x1  }
0x194: {  	v6 =	vld.idx.msk [tilespmem:v18+s24+$0x0], $0xffff;
	(erf) = vrcp.f32 v5;
	_ =	sdelay $0x4  }
0x195: {  	v27 =	vld [tilespmem:$0x2140];
	v26 =	vmul.f32 v21, v6;
	_ =	sdelay $0x1  }
0x196: {  	v5 =	vsel vm11, $0x0, v26  }
0x197: {  	v5 =	vadd.f32 v5, v4  }
0x198: {  	v28 =	vpop (erf)  }
0x199: {  	v5 =	vmul.f32 v28, v5;
	_ =	sdelay $0x1  }
0x19a: {  	[tilespmem:$0x2730] =	vst v5  }
0x19b: {  	v5 =	vld.idx.msk [tilespmem:v27+s28+$0x0], $0xffff;
	_ =	sdelay $0x4  }
0x19c: {  	vm12 =	veq.f32 v5, $0.0e+00  }
0x19d: {  	v5 =	vsel vm12, $0x3F800000, v5  }
0x19e: {  	(erf) = vrcp.f32 v5;
	_ =	sdelay $0x4  }
0x19f: {  	v29 =	vld.idx.msk [tilespmem:v27+s26+$0x0], $0xffff;
	_ =	sdelay $0x3  }
0x1a0: {  	v30 =	vpop (erf)  }
0x1a1: {  	v5 =	vmul.f32 v30, v29;
	_ =	sdelay $0x1  }
0x1a2: {  	v5 =	vsel vm12, $0x0, v5  }
0x1a3: {  	v5 =	vadd.f32 v5, v2  }
0x1a4: {  	v31 =	vld.idx.msk [tilespmem:v27+s25+$0x0], $0xffff  }
0x1a5: {  	v5 =	vmax.f32 v5, $1.000000010e-01  }
0x1a6: {  	(erf) = vrcp.f32 v5;
	_ =	sdelay $0x2  }
0x1a7: {  	v33 =	vld [tilespmem:$0x2340];
	v32 =	vmul.f32 v30, v31;
	_ =	sdelay $0x1  }
0x1a8: {  	v5 =	vsel vm12, $0x0, v32  }
0x1a9: {  	v5 =	vadd.f32 v5, v3;
	_ =	sdelay $0x1  }
0x1aa: {  	v5 =	vsub.f32 v33, v5  }
0x1ab: {  	v34 =	vpop (erf)  }
0x1ac: {  	v5 =	vmul.f32 v34, v5;
	_ =	sdelay $0x1  }
0x1ad: {  	v5 =	vxor.u32 $0x80000000, v5  }
0x1ae: {  	v5 =	vmax.f32 v5, $-5.000000000e+01  }
0x1af: {  	v5 =	vmin.f32 v5, $5.000000000e+01  }
0x1b0: {  	v5 =	vmul.f32 $1.442695020e+00, v5;
	_ =	sdelay $0x1  }
0x1b1: {  	(erf) = vpow2.f32 v5;
	_ =	sdelay $0x8  }
0x1b2: {  	v5 =	vpop (erf)  }
0x1b3: {  	v5 =	vadd.f32 $1.000000000e+00, v5;
	_ =	sdelay $0x1  }
0x1b4: {  	v6 =	vld.idx.msk [tilespmem:v27+s24+$0x0], $0xffff;
	(erf) = vrcp.f32 v5;
	_ =	sdelay $0x4  }
0x1b5: {  	v36 =	vld [tilespmem:$0x2150];
	v35 =	vmul.f32 v30, v6;
	_ =	sdelay $0x1  }
0x1b6: {  	v5 =	vsel vm12, $0x0, v35  }
0x1b7: {  	v5 =	vadd.f32 v5, v4  }
0x1b8: {  	v37 =	vpop (erf)  }
0x1b9: {  	v5 =	vmul.f32 v37, v5;
	_ =	sdelay $0x1  }
0x1ba: {  	[tilespmem:$0x2740] =	vst v5  }
0x1bb: {  	v5 =	vld.idx.msk [tilespmem:v36+s28+$0x0], $0xffff;
	_ =	sdelay $0x4  }
0x1bc: {  	vm13 =	veq.f32 v5, $0.0e+00  }
0x1bd: {  	v5 =	vsel vm13, $0x3F800000, v5  }
0x1be: {  	(erf) = vrcp.f32 v5;
	_ =	sdelay $0x4  }
0x1bf: {  	v38 =	vld.idx.msk [tilespmem:v36+s26+$0x0], $0xffff;
	_ =	sdelay $0x3  }
0x1c0: {  	v39 =	vpop (erf)  }
0x1c1: {  	v5 =	vmul.f32 v39, v38;
	_ =	sdelay $0x1  }
0x1c2: {  	v5 =	vsel vm13, $0x0, v5  }
0x1c3: {  	v5 =	vadd.f32 v5, v2  }
0x1c4: {  	v40 =	vld.idx.msk [tilespmem:v36+s25+$0x0], $0xffff  }
0x1c5: {  	v5 =	vmax.f32 v5, $1.000000010e-01  }
0x1c6: {  	(erf) = vrcp.f32 v5;
	_ =	sdelay $0x2  }
0x1c7: {  	v42 =	vld [tilespmem:$0x2350];
	v41 =	vmul.f32 v39, v40;
	_ =	sdelay $0x1  }
0x1c8: {  	v5 =	vsel vm13, $0x0, v41  }
0x1c9: {  	v5 =	vadd.f32 v5, v3;
	_ =	sdelay $0x1  }
0x1ca: {  	v5 =	vsub.f32 v42, v5  }
0x1cb: {  	v43 =	vpop (erf)  }
0x1cc: {  	v5 =	vmul.f32 v43, v5;
	_ =	sdelay $0x1  }
0x1cd: {  	v5 =	vxor.u32 $0x80000000, v5  }
0x1ce: {  	v5 =	vmax.f32 v5, $-5.000000000e+01  }
0x1cf: {  	v5 =	vmin.f32 v5, $5.000000000e+01  }
0x1d0: {  	v5 =	vmul.f32 $1.442695020e+00, v5;
	_ =	sdelay $0x1  }
0x1d1: {  	(erf) = vpow2.f32 v5;
	_ =	sdelay $0x8  }
0x1d2: {  	v5 =	vpop (erf)  }
0x1d3: {  	v5 =	vadd.f32 $1.000000000e+00, v5;
	_ =	sdelay $0x1  }
0x1d4: {  	v6 =	vld.idx.msk [tilespmem:v36+s24+$0x0], $0xffff;
	(erf) = vrcp.f32 v5;
	_ =	sdelay $0x4  }
0x1d5: {  	v45 =	vld [tilespmem:$0x2160];
	v44 =	vmul.f32 v39, v6;
	_ =	sdelay $0x1  }
0x1d6: {  	v5 =	vsel vm13, $0x0, v44  }
0x1d7: {  	v5 =	vadd.f32 v5, v4  }
0x1d8: {  	v46 =	vpop (erf)  }
0x1d9: {  	v5 =	vmul.f32 v46, v5;
	_ =	sdelay $0x1  }
0x1da: {  	[tilespmem:$0x2750] =	vst v5  }
0x1db: {  	v5 =	vld.idx.msk [tilespmem:v45+s28+$0x0], $0xffff;
	_ =	sdelay $0x4  }
0x1dc: {  	vm14 =	veq.f32 v5, $0.0e+00  }
0x1dd: {  	v5 =	vsel vm14, $0x3F800000, v5  }
0x1de: {  	(erf) = vrcp.f32 v5;
	_ =	sdelay $0x4  }
0x1df: {  	v47 =	vld.idx.msk [tilespmem:v45+s26+$0x0], $0xffff;
	_ =	sdelay $0x3  }
0x1e0: {  	v48 =	vpop (erf)  }
0x1e1: {  	v5 =	vmul.f32 v48, v47;
	_ =	sdelay $0x1  }
0x1e2: {  	v5 =	vsel vm14, $0x0, v5  }
0x1e3: {  	v5 =	vadd.f32 v5, v2  }
0x1e4: {  	v49 =	vld.idx.msk [tilespmem:v45+s25+$0x0], $0xffff  }
0x1e5: {  	v5 =	vmax.f32 v5, $1.000000010e-01  }
0x1e6: {  	(erf) = vrcp.f32 v5;
	_ =	sdelay $0x2  }
0x1e7: {  	v51 =	vld [tilespmem:$0x2360];
	v50 =	vmul.f32 v48, v49;
	_ =	sdelay $0x1  }
0x1e8: {  	v5 =	vsel vm14, $0x0, v50  }
0x1e9: {  	v5 =	vadd.f32 v5, v3;
	_ =	sdelay $0x1  }
0x1ea: {  	v5 =	vsub.f32 v51, v5  }
0x1eb: {  	v52 =	vpop (erf)  }
0x1ec: {  	v5 =	vmul.f32 v52, v5;
	_ =	sdelay $0x1  }
0x1ed: {  	v5 =	vxor.u32 $0x80000000, v5  }
0x1ee: {  	v5 =	vmax.f32 v5, $-5.000000000e+01  }
0x1ef: {  	v5 =	vmin.f32 v5, $5.000000000e+01  }
0x1f0: {  	v5 =	vmul.f32 $1.442695020e+00, v5;
	_ =	sdelay $0x1  }
0x1f1: {  	(erf) = vpow2.f32 v5;
	_ =	sdelay $0x8  }
0x1f2: {  	v5 =	vpop (erf)  }
0x1f3: {  	v5 =	vadd.f32 $1.000000000e+00, v5;
	_ =	sdelay $0x1  }
0x1f4: {  	v6 =	vld.idx.msk [tilespmem:v45+s24+$0x0], $0xffff;
	(erf) = vrcp.f32 v5;
	_ =	sdelay $0x4  }
0x1f5: {  	v54 =	vld [tilespmem:$0x2170];
	v53 =	vmul.f32 v48, v6;
	_ =	sdelay $0x1  }
0x1f6: {  	v5 =	vsel vm14, $0x0, v53  }
0x1f7: {  	v5 =	vadd.f32 v5, v4  }
0x1f8: {  	v55 =	vpop (erf)  }
0x1f9: {  	v5 =	vmul.f32 v55, v5;
	_ =	sdelay $0x1  }
0x1fa: {  	[tilespmem:$0x2760] =	vst v5  }
0x1fb: {  	v5 =	vld.idx.msk [tilespmem:v54+s28+$0x0], $0xffff;
	_ =	sdelay $0x4  }
0x1fc: {  	vm15 =	veq.f32 v5, $0.0e+00  }
0x1fd: {  	v5 =	vsel vm15, $0x3F800000, v5  }
0x1fe: {  	(erf) = vrcp.f32 v5;
	_ =	sdelay $0x4  }
0x1ff: {  	v56 =	vld.idx.msk [tilespmem:v54+s26+$0x0], $0xffff;
	_ =	sdelay $0x3  }
0x200: {  	v57 =	vpop (erf)  }
0x201: {  	v5 =	vmul.f32 v57, v56;
	_ =	sdelay $0x1  }
0x202: {  	v5 =	vsel vm15, $0x0, v5  }
0x203: {  	v5 =	vadd.f32 v5, v2  }
0x204: {  	v58 =	vld.idx.msk [tilespmem:v54+s25+$0x0], $0xffff  }
0x205: {  	v5 =	vmax.f32 v5, $1.000000010e-01  }
0x206: {  	(erf) = vrcp.f32 v5;
	_ =	sdelay $0x2  }
0x207: {  	v60 =	vld [tilespmem:$0x2370];
	v59 =	vmul.f32 v57, v58;
	_ =	sdelay $0x1  }
0x208: {  	v5 =	vsel vm15, $0x0, v59  }
0x209: {  	v5 =	vadd.f32 v5, v3;
	_ =	sdelay $0x1  }
0x20a: {  	v5 =	vsub.f32 v60, v5  }
0x20b: {  	v61 =	vpop (erf)  }
0x20c: {  	v5 =	vmul.f32 v61, v5;
	_ =	sdelay $0x1  }
0x20d: {  	v5 =	vxor.u32 $0x80000000, v5  }
0x20e: {  	v5 =	vmax.f32 v5, $-5.000000000e+01  }
0x20f: {  	v5 =	vmin.f32 v5, $5.000000000e+01  }
0x210: {  	v5 =	vmul.f32 $1.442695020e+00, v5;
	_ =	sdelay $0x1  }
0x211: {  	(erf) = vpow2.f32 v5;
	_ =	sdelay $0x8  }
0x212: {  	v5 =	vpop (erf)  }
0x213: {  	v5 =	vadd.f32 $1.000000000e+00, v5;
	_ =	sdelay $0x1  }
0x214: {  	v6 =	vld.idx.msk [tilespmem:v54+s24+$0x0], $0xffff;
	(erf) = vrcp.f32 v5;
	_ =	sdelay $0x4  }
0x215: {  	v63 =	vld [tilespmem:$0x2180];
	v62 =	vmul.f32 v57, v6;
	_ =	sdelay $0x1  }
0x216: {  	v5 =	vsel vm15, $0x0, v62  }
0x217: {  	v5 =	vadd.f32 v5, v4  }
0x218: {  	v10 =	vpop (erf)  }
0x219: {  	v5 =	vmul.f32 v10, v5;
	_ =	sdelay $0x1  }
0x21a: {  	[tilespmem:$0x2770] =	vst v5  }
0x21b: {  	v5 =	vld.idx.msk [tilespmem:v63+s28+$0x0], $0xffff;
	_ =	sdelay $0x4  }
0x21c: {  	vm4 =	veq.f32 v5, $0.0e+00  }
0x21d: {  	v5 =	vsel vm4, $0x3F800000, v5  }
0x21e: {  	(erf) = vrcp.f32 v5;
	_ =	sdelay $0x4  }
0x21f: {  	v11 =	vld.idx.msk [tilespmem:v63+s26+$0x0], $0xffff;
	_ =	sdelay $0x3  }
0x220: {  	v12 =	vpop (erf)  }
0x221: {  	v5 =	vmul.f32 v12, v11;
	_ =	sdelay $0x1  }
0x222: {  	v5 =	vsel vm4, $0x0, v5  }
0x223: {  	v5 =	vadd.f32 v5, v2  }
0x224: {  	v13 =	vld.idx.msk [tilespmem:v63+s25+$0x0], $0xffff  }
0x225: {  	v5 =	vmax.f32 v5, $1.000000010e-01  }
0x226: {  	(erf) = vrcp.f32 v5;
	_ =	sdelay $0x2  }
0x227: {  	v15 =	vld [tilespmem:$0x2380];
	v14 =	vmul.f32 v12, v13;
	_ =	sdelay $0x1  }
0x228: {  	v5 =	vsel vm4, $0x0, v14  }
0x229: {  	v5 =	vadd.f32 v5, v3;
	_ =	sdelay $0x1  }
0x22a: {  	v5 =	vsub.f32 v15, v5  }
0x22b: {  	v16 =	vpop (erf)  }
0x22c: {  	v5 =	vmul.f32 v16, v5;
	_ =	sdelay $0x1  }
0x22d: {  	v5 =	vxor.u32 $0x80000000, v5  }
0x22e: {  	v5 =	vmax.f32 v5, $-5.000000000e+01  }
0x22f: {  	v5 =	vmin.f32 v5, $5.000000000e+01  }
0x230: {  	v5 =	vmul.f32 $1.442695020e+00, v5;
	_ =	sdelay $0x1  }
0x231: {  	(erf) = vpow2.f32 v5;
	_ =	sdelay $0x8  }
0x232: {  	v5 =	vpop (erf)  }
0x233: {  	v5 =	vadd.f32 $1.000000000e+00, v5;
	_ =	sdelay $0x1  }
0x234: {  	v6 =	vld.idx.msk [tilespmem:v63+s24+$0x0], $0xffff;
	(erf) = vrcp.f32 v5;
	_ =	sdelay $0x4  }
0x235: {  	v18 =	vld [tilespmem:$0x2190];
	v17 =	vmul.f32 v12, v6;
	_ =	sdelay $0x1  }
0x236: {  	v5 =	vsel vm4, $0x0, v17  }
0x237: {  	v5 =	vadd.f32 v5, v4  }
0x238: {  	v19 =	vpop (erf)  }
0x239: {  	v5 =	vmul.f32 v19, v5;
	_ =	sdelay $0x1  }
0x23a: {  	[tilespmem:$0x2780] =	vst v5  }
0x23b: {  	v5 =	vld.idx.msk [tilespmem:v18+s28+$0x0], $0xffff;
	_ =	sdelay $0x4  }
0x23c: {  	vm5 =	veq.f32 v5, $0.0e+00  }
0x23d: {  	v5 =	vsel vm5, $0x3F800000, v5  }
0x23e: {  	(erf) = vrcp.f32 v5;
	_ =	sdelay $0x4  }
0x23f: {  	v20 =	vld.idx.msk [tilespmem:v18+s26+$0x0], $0xffff;
	_ =	sdelay $0x3  }
0x240: {  	v21 =	vpop (erf)  }
0x241: {  	v5 =	vmul.f32 v21, v20;
	_ =	sdelay $0x1  }
0x242: {  	v5 =	vsel vm5, $0x0, v5  }
0x243: {  	v5 =	vadd.f32 v5, v2  }
0x244: {  	v22 =	vld.idx.msk [tilespmem:v18+s25+$0x0], $0xffff  }
0x245: {  	v5 =	vmax.f32 v5, $1.000000010e-01  }
0x246: {  	(erf) = vrcp.f32 v5;
	_ =	sdelay $0x2  }
0x247: {  	v24 =	vld [tilespmem:$0x2390];
	v23 =	vmul.f32 v21, v22;
	_ =	sdelay $0x1  }
0x248: {  	v5 =	vsel vm5, $0x0, v23  }
0x249: {  	v5 =	vadd.f32 v5, v3;
	_ =	sdelay $0x1  }
0x24a: {  	v5 =	vsub.f32 v24, v5  }
0x24b: {  	v25 =	vpop (erf)  }
0x24c: {  	v5 =	vmul.f32 v25, v5;
	_ =	sdelay $0x1  }
0x24d: {  	v5 =	vxor.u32 $0x80000000, v5  }
0x24e: {  	v5 =	vmax.f32 v5, $-5.000000000e+01  }
0x24f: {  	v5 =	vmin.f32 v5, $5.000000000e+01  }
0x250: {  	v5 =	vmul.f32 $1.442695020e+00, v5;
	_ =	sdelay $0x1  }
0x251: {  	(erf) = vpow2.f32 v5;
	_ =	sdelay $0x8  }
0x252: {  	v5 =	vpop (erf)  }
0x253: {  	v5 =	vadd.f32 $1.000000000e+00, v5;
	_ =	sdelay $0x1  }
0x254: {  	v6 =	vld.idx.msk [tilespmem:v18+s24+$0x0], $0xffff;
	(erf) = vrcp.f32 v5;
	_ =	sdelay $0x4  }
0x255: {  	v27 =	vld [tilespmem:$0x21A0];
	v26 =	vmul.f32 v21, v6;
	_ =	sdelay $0x1  }
0x256: {  	v5 =	vsel vm5, $0x0, v26  }
0x257: {  	v5 =	vadd.f32 v5, v4  }
0x258: {  	v28 =	vpop (erf)  }
0x259: {  	v5 =	vmul.f32 v28, v5;
	_ =	sdelay $0x1  }
0x25a: {  	[tilespmem:$0x2790] =	vst v5  }
0x25b: {  	v5 =	vld.idx.msk [tilespmem:v27+s28+$0x0], $0xffff;
	_ =	sdelay $0x4  }
0x25c: {  	vm6 =	veq.f32 v5, $0.0e+00  }
0x25d: {  	v5 =	vsel vm6, $0x3F800000, v5  }
0x25e: {  	(erf) = vrcp.f32 v5;
	_ =	sdelay $0x4  }
0x25f: {  	v29 =	vld.idx.msk [tilespmem:v27+s26+$0x0], $0xffff;
	_ =	sdelay $0x3  }
0x260: {  	v30 =	vpop (erf)  }
0x261: {  	v5 =	vmul.f32 v30, v29;
	_ =	sdelay $0x1  }
0x262: {  	v5 =	vsel vm6, $0x0, v5  }
0x263: {  	v5 =	vadd.f32 v5, v2  }
0x264: {  	v31 =	vld.idx.msk [tilespmem:v27+s25+$0x0], $0xffff  }
0x265: {  	v5 =	vmax.f32 v5, $1.000000010e-01  }
0x266: {  	(erf) = vrcp.f32 v5;
	_ =	sdelay $0x2  }
0x267: {  	v33 =	vld [tilespmem:$0x23A0];
	v32 =	vmul.f32 v30, v31;
	_ =	sdelay $0x1  }
0x268: {  	v5 =	vsel vm6, $0x0, v32  }
0x269: {  	v5 =	vadd.f32 v5, v3;
	_ =	sdelay $0x1  }
0x26a: {  	v5 =	vsub.f32 v33, v5  }
0x26b: {  	v34 =	vpop (erf)  }
0x26c: {  	v5 =	vmul.f32 v34, v5;
	_ =	sdelay $0x1  }
0x26d: {  	v5 =	vxor.u32 $0x80000000, v5  }
0x26e: {  	v5 =	vmax.f32 v5, $-5.000000000e+01  }
0x26f: {  	v5 =	vmin.f32 v5, $5.000000000e+01  }
0x270: {  	v5 =	vmul.f32 $1.442695020e+00, v5;
	_ =	sdelay $0x1  }
0x271: {  	(erf) = vpow2.f32 v5;
	_ =	sdelay $0x8  }
0x272: {  	v5 =	vpop (erf)  }
0x273: {  	v5 =	vadd.f32 $1.000000000e+00, v5;
	_ =	sdelay $0x1  }
0x274: {  	v6 =	vld.idx.msk [tilespmem:v27+s24+$0x0], $0xffff;
	(erf) = vrcp.f32 v5;
	_ =	sdelay $0x4  }
0x275: {  	v36 =	vld [tilespmem:$0x21B0];
	v35 =	vmul.f32 v30, v6;
	_ =	sdelay $0x1  }
0x276: {  	v5 =	vsel vm6, $0x0, v35  }
0x277: {  	v5 =	vadd.f32 v5, v4  }
0x278: {  	v37 =	vpop (erf)  }
0x279: {  	v5 =	vmul.f32 v37, v5;
	_ =	sdelay $0x1  }
0x27a: {  	[tilespmem:$0x27A0] =	vst v5  }
0x27b: {  	v5 =	vld.idx.msk [tilespmem:v36+s28+$0x0], $0xffff;
	_ =	sdelay $0x4  }
0x27c: {  	vm7 =	veq.f32 v5, $0.0e+00  }
0x27d: {  	v5 =	vsel vm7, $0x3F800000, v5  }
0x27e: {  	(erf) = vrcp.f32 v5;
	_ =	sdelay $0x4  }
0x27f: {  	v38 =	vld.idx.msk [tilespmem:v36+s26+$0x0], $0xffff;
	_ =	sdelay $0x3  }
0x280: {  	v39 =	vpop (erf)  }
0x281: {  	v5 =	vmul.f32 v39, v38;
	_ =	sdelay $0x1  }
0x282: {  	v5 =	vsel vm7, $0x0, v5  }
0x283: {  	v5 =	vadd.f32 v5, v2  }
0x284: {  	v40 =	vld.idx.msk [tilespmem:v36+s25+$0x0], $0xffff  }
0x285: {  	v5 =	vmax.f32 v5, $1.000000010e-01  }
0x286: {  	(erf) = vrcp.f32 v5;
	_ =	sdelay $0x2  }
0x287: {  	v42 =	vld [tilespmem:$0x23B0];
	v41 =	vmul.f32 v39, v40;
	_ =	sdelay $0x1  }
0x288: {  	v5 =	vsel vm7, $0x0, v41  }
0x289: {  	v5 =	vadd.f32 v5, v3;
	_ =	sdelay $0x1  }
0x28a: {  	v5 =	vsub.f32 v42, v5  }
0x28b: {  	v43 =	vpop (erf)  }
0x28c: {  	v5 =	vmul.f32 v43, v5;
	_ =	sdelay $0x1  }
0x28d: {  	v5 =	vxor.u32 $0x80000000, v5  }
0x28e: {  	v5 =	vmax.f32 v5, $-5.000000000e+01  }
0x28f: {  	v5 =	vmin.f32 v5, $5.000000000e+01  }
0x290: {  	v5 =	vmul.f32 $1.442695020e+00, v5;
	_ =	sdelay $0x1  }
0x291: {  	(erf) = vpow2.f32 v5;
	_ =	sdelay $0x8  }
0x292: {  	v5 =	vpop (erf)  }
0x293: {  	v5 =	vadd.f32 $1.000000000e+00, v5;
	_ =	sdelay $0x1  }
0x294: {  	v6 =	vld.idx.msk [tilespmem:v36+s24+$0x0], $0xffff;
	(erf) = vrcp.f32 v5;
	_ =	sdelay $0x4  }
0x295: {  	v45 =	vld [tilespmem:$0x21C0];
	v44 =	vmul.f32 v39, v6;
	_ =	sdelay $0x1  }
0x296: {  	v5 =	vsel vm7, $0x0, v44  }
0x297: {  	v5 =	vadd.f32 v5, v4  }
0x298: {  	v46 =	vpop (erf)  }
0x299: {  	v5 =	vmul.f32 v46, v5;
	_ =	sdelay $0x1  }
0x29a: {  	[tilespmem:$0x27B0] =	vst v5  }
0x29b: {  	v5 =	vld.idx.msk [tilespmem:v45+s28+$0x0], $0xffff;
	_ =	sdelay $0x4  }
0x29c: {  	vm8 =	veq.f32 v5, $0.0e+00  }
0x29d: {  	v5 =	vsel vm8, $0x3F800000, v5  }
0x29e: {  	(erf) = vrcp.f32 v5;
	_ =	sdelay $0x4  }
0x29f: {  	v47 =	vld.idx.msk [tilespmem:v45+s26+$0x0], $0xffff;
	_ =	sdelay $0x3  }
0x2a0: {  	v48 =	vpop (erf)  }
0x2a1: {  	v5 =	vmul.f32 v48, v47;
	_ =	sdelay $0x1  }
0x2a2: {  	v5 =	vsel vm8, $0x0, v5  }
0x2a3: {  	v5 =	vadd.f32 v5, v2  }
0x2a4: {  	v49 =	vld.idx.msk [tilespmem:v45+s25+$0x0], $0xffff  }
0x2a5: {  	v5 =	vmax.f32 v5, $1.000000010e-01  }
0x2a6: {  	(erf) = vrcp.f32 v5;
	_ =	sdelay $0x2  }
0x2a7: {  	v51 =	vld [tilespmem:$0x23C0];
	v50 =	vmul.f32 v48, v49;
	_ =	sdelay $0x1  }
0x2a8: {  	v5 =	vsel vm8, $0x0, v50  }
0x2a9: {  	v5 =	vadd.f32 v5, v3;
	_ =	sdelay $0x1  }
0x2aa: {  	v5 =	vsub.f32 v51, v5  }
0x2ab: {  	v52 =	vpop (erf)  }
0x2ac: {  	v5 =	vmul.f32 v52, v5;
	_ =	sdelay $0x1  }
0x2ad: {  	v5 =	vxor.u32 $0x80000000, v5  }
0x2ae: {  	v5 =	vmax.f32 v5, $-5.000000000e+01  }
0x2af: {  	v5 =	vmin.f32 v5, $5.000000000e+01  }
0x2b0: {  	v5 =	vmul.f32 $1.442695020e+00, v5;
	_ =	sdelay $0x1  }
0x2b1: {  	(erf) = vpow2.f32 v5;
	_ =	sdelay $0x8  }
0x2b2: {  	v5 =	vpop (erf)  }
0x2b3: {  	v5 =	vadd.f32 $1.000000000e+00, v5;
	_ =	sdelay $0x1  }
0x2b4: {  	v6 =	vld.idx.msk [tilespmem:v45+s24+$0x0], $0xffff;
	(erf) = vrcp.f32 v5;
	_ =	sdelay $0x4  }
0x2b5: {  	v54 =	vld [tilespmem:$0x21D0];
	v53 =	vmul.f32 v48, v6;
	_ =	sdelay $0x1  }
0x2b6: {  	v5 =	vsel vm8, $0x0, v53  }
0x2b7: {  	v5 =	vadd.f32 v5, v4  }
0x2b8: {  	v55 =	vpop (erf)  }
0x2b9: {  	v5 =	vmul.f32 v55, v5;
	_ =	sdelay $0x1  }
0x2ba: {  	[tilespmem:$0x27C0] =	vst v5  }
0x2bb: {  	v5 =	vld.idx.msk [tilespmem:v54+s28+$0x0], $0xffff;
	_ =	sdelay $0x4  }
0x2bc: {  	vm9 =	veq.f32 v5, $0.0e+00  }
0x2bd: {  	v5 =	vsel vm9, $0x3F800000, v5  }
0x2be: {  	(erf) = vrcp.f32 v5;
	_ =	sdelay $0x4  }
0x2bf: {  	v56 =	vld.idx.msk [tilespmem:v54+s26+$0x0], $0xffff;
	_ =	sdelay $0x3  }
0x2c0: {  	v57 =	vpop (erf)  }
0x2c1: {  	v5 =	vmul.f32 v57, v56;
	_ =	sdelay $0x1  }
0x2c2: {  	v5 =	vsel vm9, $0x0, v5  }
0x2c3: {  	v5 =	vadd.f32 v5, v2  }
0x2c4: {  	v58 =	vld.idx.msk [tilespmem:v54+s25+$0x0], $0xffff  }
0x2c5: {  	v5 =	vmax.f32 v5, $1.000000010e-01  }
0x2c6: {  	(erf) = vrcp.f32 v5;
	_ =	sdelay $0x2  }
0x2c7: {  	v60 =	vld [tilespmem:$0x23D0];
	v59 =	vmul.f32 v57, v58;
	_ =	sdelay $0x1  }
0x2c8: {  	v5 =	vsel vm9, $0x0, v59  }
0x2c9: {  	v5 =	vadd.f32 v5, v3;
	_ =	sdelay $0x1  }
0x2ca: {  	v5 =	vsub.f32 v60, v5  }
0x2cb: {  	v61 =	vpop (erf)  }
0x2cc: {  	v5 =	vmul.f32 v61, v5;
	_ =	sdelay $0x1  }
0x2cd: {  	v5 =	vxor.u32 $0x80000000, v5  }
0x2ce: {  	v5 =	vmax.f32 v5, $-5.000000000e+01  }
0x2cf: {  	v5 =	vmin.f32 v5, $5.000000000e+01  }
0x2d0: {  	v5 =	vmul.f32 $1.442695020e+00, v5;
	_ =	sdelay $0x1  }
0x2d1: {  	(erf) = vpow2.f32 v5;
	_ =	sdelay $0x8  }
0x2d2: {  	v5 =	vpop (erf)  }
0x2d3: {  	v5 =	vadd.f32 $1.000000000e+00, v5;
	_ =	sdelay $0x1  }
0x2d4: {  	v6 =	vld.idx.msk [tilespmem:v54+s24+$0x0], $0xffff;
	(erf) = vrcp.f32 v5;
	_ =	sdelay $0x4  }
0x2d5: {  	v63 =	vld [tilespmem:$0x21E0];
	v62 =	vmul.f32 v57, v6;
	_ =	sdelay $0x1  }
0x2d6: {  	v5 =	vsel vm9, $0x0, v62  }
0x2d7: {  	v5 =	vadd.f32 v5, v4  }
0x2d8: {  	v10 =	vpop (erf)  }
0x2d9: {  	v5 =	vmul.f32 v10, v5;
	_ =	sdelay $0x1  }
0x2da: {  	[tilespmem:$0x27D0] =	vst v5  }
0x2db: {  	v5 =	vld.idx.msk [tilespmem:v63+s28+$0x0], $0xffff;
	_ =	sdelay $0x4  }
0x2dc: {  	vm10 =	veq.f32 v5, $0.0e+00  }
0x2dd: {  	v5 =	vsel vm10, $0x3F800000, v5  }
0x2de: {  	(erf) = vrcp.f32 v5;
	_ =	sdelay $0x4  }
0x2df: {  	v11 =	vld.idx.msk [tilespmem:v63+s26+$0x0], $0xffff;
	_ =	sdelay $0x3  }
0x2e0: {  	v12 =	vpop (erf)  }
0x2e1: {  	v5 =	vmul.f32 v12, v11;
	_ =	sdelay $0x1  }
0x2e2: {  	v5 =	vsel vm10, $0x0, v5  }
0x2e3: {  	v5 =	vadd.f32 v5, v2  }
0x2e4: {  	v13 =	vld.idx.msk [tilespmem:v63+s25+$0x0], $0xffff  }
0x2e5: {  	v5 =	vmax.f32 v5, $1.000000010e-01  }
0x2e6: {  	(erf) = vrcp.f32 v5;
	_ =	sdelay $0x2  }
0x2e7: {  	v15 =	vld [tilespmem:$0x23E0];
	v14 =	vmul.f32 v12, v13;
	_ =	sdelay $0x1  }
0x2e8: {  	v5 =	vsel vm10, $0x0, v14  }
0x2e9: {  	v5 =	vadd.f32 v5, v3;
	_ =	sdelay $0x1  }
0x2ea: {  	v5 =	vsub.f32 v15, v5  }
0x2eb: {  	v16 =	vpop (erf)  }
0x2ec: {  	v5 =	vmul.f32 v16, v5;
	_ =	sdelay $0x1  }
0x2ed: {  	v5 =	vxor.u32 $0x80000000, v5  }
0x2ee: {  	v5 =	vmax.f32 v5, $-5.000000000e+01  }
0x2ef: {  	v5 =	vmin.f32 v5, $5.000000000e+01  }
0x2f0: {  	v5 =	vmul.f32 $1.442695020e+00, v5;
	_ =	sdelay $0x1  }
0x2f1: {  	(erf) = vpow2.f32 v5;
	_ =	sdelay $0x8  }
0x2f2: {  	v5 =	vpop (erf)  }
0x2f3: {  	v5 =	vadd.f32 $1.000000000e+00, v5;
	_ =	sdelay $0x1  }
0x2f4: {  	v6 =	vld.idx.msk [tilespmem:v63+s24+$0x0], $0xffff;
	(erf) = vrcp.f32 v5;
	_ =	sdelay $0x4  }
0x2f5: {  	v18 =	vld [tilespmem:$0x21F0];
	v17 =	vmul.f32 v12, v6;
	_ =	sdelay $0x1  }
0x2f6: {  	v5 =	vsel vm10, $0x0, v17  }
0x2f7: {  	v5 =	vadd.f32 v5, v4  }
0x2f8: {  	v19 =	vpop (erf)  }
0x2f9: {  	v5 =	vmul.f32 v19, v5;
	_ =	sdelay $0x1  }
0x2fa: {  	[tilespmem:$0x27E0] =	vst v5  }
0x2fb: {  	v5 =	vld.idx.msk [tilespmem:v18+s28+$0x0], $0xffff;
	_ =	sdelay $0x4  }
0x2fc: {  	vm11 =	veq.f32 v5, $0.0e+00  }
0x2fd: {  	v5 =	vsel vm11, $0x3F800000, v5  }
0x2fe: {  	(erf) = vrcp.f32 v5;
	_ =	sdelay $0x4  }
0x2ff: {  	v20 =	vld.idx.msk [tilespmem:v18+s26+$0x0], $0xffff;
	_ =	sdelay $0x3  }
0x300: {  	v21 =	vpop (erf)  }
0x301: {  	v5 =	vmul.f32 v21, v20;
	_ =	sdelay $0x1  }
0x302: {  	v5 =	vsel vm11, $0x0, v5  }
0x303: {  	v5 =	vadd.f32 v5, v2  }
0x304: {  	v22 =	vld.idx.msk [tilespmem:v18+s25+$0x0], $0xffff  }
0x305: {  	v5 =	vmax.f32 v5, $1.000000010e-01  }
0x306: {  	(erf) = vrcp.f32 v5;
	_ =	sdelay $0x2  }
0x307: {  	v24 =	vld [tilespmem:$0x23F0];
	v23 =	vmul.f32 v21, v22;
	_ =	sdelay $0x1  }
0x308: {  	v5 =	vsel vm11, $0x0, v23  }
0x309: {  	v5 =	vadd.f32 v5, v3;
	_ =	sdelay $0x1  }
0x30a: {  	v5 =	vsub.f32 v24, v5  }
0x30b: {  	v25 =	vpop (erf)  }
0x30c: {  	v5 =	vmul.f32 v25, v5;
	_ =	sdelay $0x1  }
0x30d: {  	v5 =	vxor.u32 $0x80000000, v5  }
0x30e: {  	v5 =	vmax.f32 v5, $-5.000000000e+01  }
0x30f: {  	v5 =	vmin.f32 v5, $5.000000000e+01  }
0x310: {  	v5 =	vmul.f32 $1.442695020e+00, v5;
	_ =	sdelay $0x1  }
0x311: {  	(erf) = vpow2.f32 v5;
	_ =	sdelay $0x8  }
0x312: {  	v5 =	vpop (erf)  }
0x313: {  	v5 =	vadd.f32 $1.000000000e+00, v5;
	_ =	sdelay $0x1  }
0x314: {  	v6 =	vld.idx.msk [tilespmem:v18+s24+$0x0], $0xffff;
	(erf) = vrcp.f32 v5;
	_ =	sdelay $0x4  }
0x315: {  	v27 =	vld [tilespmem:$0x2200];
	v26 =	vmul.f32 v21, v6;
	_ =	sdelay $0x1  }
0x316: {  	v5 =	vsel vm11, $0x0, v26  }
0x317: {  	v5 =	vadd.f32 v5, v4  }
0x318: {  	v28 =	vpop (erf)  }
0x319: {  	v5 =	vmul.f32 v28, v5;
	_ =	sdelay $0x1  }
0x31a: {  	[tilespmem:$0x27F0] =	vst v5  }
0x31b: {  	v5 =	vld.idx.msk [tilespmem:v27+s28+$0x0], $0xffff;
	_ =	sdelay $0x4  }
0x31c: {  	vm12 =	veq.f32 v5, $0.0e+00  }
0x31d: {  	v5 =	vsel vm12, $0x3F800000, v5  }
0x31e: {  	(erf) = vrcp.f32 v5;
	_ =	sdelay $0x4  }
0x31f: {  	v29 =	vld.idx.msk [tilespmem:v27+s26+$0x0], $0xffff;
	_ =	sdelay $0x3  }
0x320: {  	v30 =	vpop (erf)  }
0x321: {  	v5 =	vmul.f32 v30, v29;
	_ =	sdelay $0x1  }
0x322: {  	v5 =	vsel vm12, $0x0, v5  }
0x323: {  	v5 =	vadd.f32 v5, v2  }
0x324: {  	v31 =	vld.idx.msk [tilespmem:v27+s25+$0x0], $0xffff  }
0x325: {  	v5 =	vmax.f32 v5, $1.000000010e-01  }
0x326: {  	(erf) = vrcp.f32 v5;
	_ =	sdelay $0x2  }
0x327: {  	v33 =	vld [tilespmem:$0x2400];
	v32 =	vmul.f32 v30, v31;
	_ =	sdelay $0x1  }
0x328: {  	v5 =	vsel vm12, $0x0, v32  }
0x329: {  	v5 =	vadd.f32 v5, v3;
	_ =	sdelay $0x1  }
0x32a: {  	v5 =	vsub.f32 v33, v5  }
0x32b: {  	v34 =	vpop (erf)  }
0x32c: {  	v5 =	vmul.f32 v34, v5;
	_ =	sdelay $0x1  }
0x32d: {  	v5 =	vxor.u32 $0x80000000, v5  }
0x32e: {  	v5 =	vmax.f32 v5, $-5.000000000e+01  }
0x32f: {  	v5 =	vmin.f32 v5, $5.000000000e+01  }
0x330: {  	v5 =	vmul.f32 $1.442695020e+00, v5;
	_ =	sdelay $0x1  }
0x331: {  	(erf) = vpow2.f32 v5;
	_ =	sdelay $0x8  }
0x332: {  	v5 =	vpop (erf)  }
0x333: {  	v5 =	vadd.f32 $1.000000000e+00, v5;
	_ =	sdelay $0x1  }
0x334: {  	v6 =	vld.idx.msk [tilespmem:v27+s24+$0x0], $0xffff;
	(erf) = vrcp.f32 v5;
	_ =	sdelay $0x4  }
0x335: {  	v36 =	vld [tilespmem:$0x2210];
	v35 =	vmul.f32 v30, v6;
	_ =	sdelay $0x1  }
0x336: {  	v5 =	vsel vm12, $0x0, v35  }
0x337: {  	v5 =	vadd.f32 v5, v4  }
0x338: {  	v37 =	vpop (erf)  }
0x339: {  	v5 =	vmul.f32 v37, v5;
	_ =	sdelay $0x1  }
0x33a: {  	[tilespmem:$0x2800] =	vst v5  }
0x33b: {  	v5 =	vld.idx.msk [tilespmem:v36+s28+$0x0], $0xffff;
	_ =	sdelay $0x4  }
0x33c: {  	vm13 =	veq.f32 v5, $0.0e+00  }
0x33d: {  	v5 =	vsel vm13, $0x3F800000, v5  }
0x33e: {  	(erf) = vrcp.f32 v5;
	_ =	sdelay $0x4  }
0x33f: {  	v38 =	vld.idx.msk [tilespmem:v36+s26+$0x0], $0xffff;
	_ =	sdelay $0x3  }
0x340: {  	v39 =	vpop (erf)  }
0x341: {  	v5 =	vmul.f32 v39, v38;
	_ =	sdelay $0x1  }
0x342: {  	v5 =	vsel vm13, $0x0, v5  }
0x343: {  	v5 =	vadd.f32 v5, v2  }
0x344: {  	v40 =	vld.idx.msk [tilespmem:v36+s25+$0x0], $0xffff  }
0x345: {  	v5 =	vmax.f32 v5, $1.000000010e-01  }
0x346: {  	(erf) = vrcp.f32 v5;
	_ =	sdelay $0x2  }
0x347: {  	v42 =	vld [tilespmem:$0x2410];
	v41 =	vmul.f32 v39, v40;
	_ =	sdelay $0x1  }
0x348: {  	v5 =	vsel vm13, $0x0, v41  }
0x349: {  	v5 =	vadd.f32 v5, v3;
	_ =	sdelay $0x1  }
0x34a: {  	v5 =	vsub.f32 v42, v5  }
0x34b: {  	v43 =	vpop (erf)  }
0x34c: {  	v5 =	vmul.f32 v43, v5;
	_ =	sdelay $0x1  }
0x34d: {  	v5 =	vxor.u32 $0x80000000, v5  }
0x34e: {  	v5 =	vmax.f32 v5, $-5.000000000e+01  }
0x34f: {  	v5 =	vmin.f32 v5, $5.000000000e+01  }
0x350: {  	v5 =	vmul.f32 $1.442695020e+00, v5;
	_ =	sdelay $0x1  }
0x351: {  	(erf) = vpow2.f32 v5;
	_ =	sdelay $0x8  }
0x352: {  	v5 =	vpop (erf)  }
0x353: {  	v5 =	vadd.f32 $1.000000000e+00, v5;
	_ =	sdelay $0x1  }
0x354: {  	v6 =	vld.idx.msk [tilespmem:v36+s24+$0x0], $0xffff;
	(erf) = vrcp.f32 v5;
	_ =	sdelay $0x4  }
0x355: {  	v45 =	vld [tilespmem:$0x2220];
	v44 =	vmul.f32 v39, v6;
	_ =	sdelay $0x1  }
0x356: {  	v5 =	vsel vm13, $0x0, v44  }
0x357: {  	v5 =	vadd.f32 v5, v4  }
0x358: {  	v46 =	vpop (erf)  }
0x359: {  	v5 =	vmul.f32 v46, v5;
	_ =	sdelay $0x1  }
0x35a: {  	[tilespmem:$0x2810] =	vst v5  }
0x35b: {  	v5 =	vld.idx.msk [tilespmem:v45+s28+$0x0], $0xffff;
	_ =	sdelay $0x4  }
0x35c: {  	vm14 =	veq.f32 v5, $0.0e+00  }
0x35d: {  	v5 =	vsel vm14, $0x3F800000, v5  }
0x35e: {  	(erf) = vrcp.f32 v5;
	_ =	sdelay $0x4  }
0x35f: {  	v47 =	vld.idx.msk [tilespmem:v45+s26+$0x0], $0xffff;
	_ =	sdelay $0x3  }
0x360: {  	v48 =	vpop (erf)  }
0x361: {  	v5 =	vmul.f32 v48, v47;
	_ =	sdelay $0x1  }
0x362: {  	v5 =	vsel vm14, $0x0, v5  }
0x363: {  	v5 =	vadd.f32 v5, v2  }
0x364: {  	v49 =	vld.idx.msk [tilespmem:v45+s25+$0x0], $0xffff  }
0x365: {  	v5 =	vmax.f32 v5, $1.000000010e-01  }
0x366: {  	(erf) = vrcp.f32 v5;
	_ =	sdelay $0x2  }
0x367: {  	v51 =	vld [tilespmem:$0x2420];
	v50 =	vmul.f32 v48, v49;
	_ =	sdelay $0x1  }
0x368: {  	v5 =	vsel vm14, $0x0, v50  }
0x369: {  	v5 =	vadd.f32 v5, v3;
	_ =	sdelay $0x1  }
0x36a: {  	v5 =	vsub.f32 v51, v5  }
0x36b: {  	v52 =	vpop (erf)  }
0x36c: {  	v5 =	vmul.f32 v52, v5;
	_ =	sdelay $0x1  }
0x36d: {  	v5 =	vxor.u32 $0x80000000, v5  }
0x36e: {  	v5 =	vmax.f32 v5, $-5.000000000e+01  }
0x36f: {  	v5 =	vmin.f32 v5, $5.000000000e+01  }
0x370: {  	v5 =	vmul.f32 $1.442695020e+00, v5;
	_ =	sdelay $0x1  }
0x371: {  	(erf) = vpow2.f32 v5;
	_ =	sdelay $0x8  }
0x372: {  	v5 =	vpop (erf)  }
0x373: {  	v5 =	vadd.f32 $1.000000000e+00, v5;
	_ =	sdelay $0x1  }
0x374: {  	v6 =	vld.idx.msk [tilespmem:v45+s24+$0x0], $0xffff;
	(erf) = vrcp.f32 v5;
	_ =	sdelay $0x4  }
0x375: {  	v54 =	vld [tilespmem:$0x2230];
	v53 =	vmul.f32 v48, v6;
	_ =	sdelay $0x1  }
0x376: {  	v5 =	vsel vm14, $0x0, v53  }
0x377: {  	v5 =	vadd.f32 v5, v4  }
0x378: {  	v55 =	vpop (erf)  }
0x379: {  	v5 =	vmul.f32 v55, v5;
	_ =	sdelay $0x1  }
0x37a: {  	[tilespmem:$0x2820] =	vst v5  }
0x37b: {  	v5 =	vld.idx.msk [tilespmem:v54+s28+$0x0], $0xffff;
	_ =	sdelay $0x4  }
0x37c: {  	vm15 =	veq.f32 v5, $0.0e+00  }
0x37d: {  	v5 =	vsel vm15, $0x3F800000, v5  }
0x37e: {  	(erf) = vrcp.f32 v5;
	_ =	sdelay $0x4  }
0x37f: {  	v56 =	vld.idx.msk [tilespmem:v54+s26+$0x0], $0xffff;
	_ =	sdelay $0x3  }
0x380: {  	v57 =	vpop (erf)  }
0x381: {  	v5 =	vmul.f32 v57, v56;
	_ =	sdelay $0x1  }
0x382: {  	v5 =	vsel vm15, $0x0, v5  }
0x383: {  	v5 =	vadd.f32 v5, v2  }
0x384: {  	v58 =	vld.idx.msk [tilespmem:v54+s25+$0x0], $0xffff  }
0x385: {  	v5 =	vmax.f32 v5, $1.000000010e-01  }
0x386: {  	(erf) = vrcp.f32 v5;
	_ =	sdelay $0x2  }
0x387: {  	v60 =	vld [tilespmem:$0x2430];
	v59 =	vmul.f32 v57, v58;
	_ =	sdelay $0x1  }
0x388: {  	v5 =	vsel vm15, $0x0, v59  }
0x389: {  	v5 =	vadd.f32 v5, v3;
	_ =	sdelay $0x1  }
0x38a: {  	v5 =	vsub.f32 v60, v5  }
0x38b: {  	v61 =	vpop (erf)  }
0x38c: {  	v5 =	vmul.f32 v61, v5;
	_ =	sdelay $0x1  }
0x38d: {  	v5 =	vxor.u32 $0x80000000, v5  }
0x38e: {  	v5 =	vmax.f32 v5, $-5.000000000e+01  }
0x38f: {  	v5 =	vmin.f32 v5, $5.000000000e+01  }
0x390: {  	v5 =	vmul.f32 $1.442695020e+00, v5;
	_ =	sdelay $0x1  }
0x391: {  	(erf) = vpow2.f32 v5;
	_ =	sdelay $0x8  }
0x392: {  	v5 =	vpop (erf)  }
0x393: {  	v5 =	vadd.f32 $1.000000000e+00, v5;
	_ =	sdelay $0x1  }
0x394: {  	v6 =	vld.idx.msk [tilespmem:v54+s24+$0x0], $0xffff;
	(erf) = vrcp.f32 v5;
	_ =	sdelay $0x4  }
0x395: {  	v63 =	vld [tilespmem:$0x2240];
	v62 =	vmul.f32 v57, v6;
	_ =	sdelay $0x1  }
0x396: {  	v5 =	vsel vm15, $0x0, v62  }
0x397: {  	v5 =	vadd.f32 v5, v4  }
0x398: {  	v12 =	vpop (erf)  }
0x399: {  	v5 =	vmul.f32 v12, v5;
	_ =	sdelay $0x1  }
0x39a: {  	[tilespmem:$0x2830] =	vst v5  }
0x39b: {  	v5 =	vld.idx.msk [tilespmem:v63+s28+$0x0], $0xffff;
	_ =	sdelay $0x4  }
0x39c: {  	vm4 =	veq.f32 v5, $0.0e+00  }
0x39d: {  	v5 =	vsel vm4, $0x3F800000, v5  }
0x39e: {  	(erf) = vrcp.f32 v5;
	_ =	sdelay $0x4  }
0x39f: {  	v13 =	vld.idx.msk [tilespmem:v63+s26+$0x0], $0xffff;
	_ =	sdelay $0x3  }
0x3a0: {  	v14 =	vpop (erf)  }
0x3a1: {  	v5 =	vmul.f32 v14, v13;
	_ =	sdelay $0x1  }
0x3a2: {  	v5 =	vsel vm4, $0x0, v5  }
0x3a3: {  	v5 =	vadd.f32 v5, v2  }
0x3a4: {  	v15 =	vld.idx.msk [tilespmem:v63+s25+$0x0], $0xffff  }
0x3a5: {  	v5 =	vmax.f32 v5, $1.000000010e-01  }
0x3a6: {  	(erf) = vrcp.f32 v5;
	_ =	sdelay $0x2  }
0x3a7: {  	v17 =	vld [tilespmem:$0x2440];
	v16 =	vmul.f32 v14, v15;
	_ =	sdelay $0x1  }
0x3a8: {  	v5 =	vsel vm4, $0x0, v16  }
0x3a9: {  	v5 =	vadd.f32 v5, v3;
	_ =	sdelay $0x1  }
0x3aa: {  	v5 =	vsub.f32 v17, v5  }
0x3ab: {  	v18 =	vpop (erf)  }
0x3ac: {  	v5 =	vmul.f32 v18, v5;
	_ =	sdelay $0x1  }
0x3ad: {  	v5 =	vxor.u32 $0x80000000, v5  }
0x3ae: {  	v5 =	vmax.f32 v5, $-5.000000000e+01  }
0x3af: {  	v5 =	vmin.f32 v5, $5.000000000e+01  }
0x3b0: {  	v5 =	vmul.f32 $1.442695020e+00, v5;
	_ =	sdelay $0x1  }
0x3b1: {  	(erf) = vpow2.f32 v5;
	_ =	sdelay $0x8  }
0x3b2: {  	v5 =	vpop (erf)  }
0x3b3: {  	v5 =	vadd.f32 $1.000000000e+00, v5;
	_ =	sdelay $0x1  }
0x3b4: {  	v6 =	vld.idx.msk [tilespmem:v63+s24+$0x0], $0xffff;
	(erf) = vrcp.f32 v5;
	_ =	sdelay $0x4  }
0x3b5: {  	v20 =	vld [tilespmem:$0x2250];
	v19 =	vmul.f32 v14, v6;
	_ =	sdelay $0x1  }
0x3b6: {  	v5 =	vsel vm4, $0x0, v19  }
0x3b7: {  	v5 =	vadd.f32 v5, v4  }
0x3b8: {  	v21 =	vpop (erf)  }
0x3b9: {  	v5 =	vmul.f32 v21, v5;
	_ =	sdelay $0x1  }
0x3ba: {  	[tilespmem:$0x2840] =	vst v5  }
0x3bb: {  	v5 =	vld.idx.msk [tilespmem:v20+s28+$0x0], $0xffff;
	_ =	sdelay $0x4  }
0x3bc: {  	vm5 =	veq.f32 v5, $0.0e+00  }
0x3bd: {  	v5 =	vsel vm5, $0x3F800000, v5  }
0x3be: {  	(erf) = vrcp.f32 v5;
	_ =	sdelay $0x4  }
0x3bf: {  	v22 =	vld.idx.msk [tilespmem:v20+s26+$0x0], $0xffff;
	_ =	sdelay $0x3  }
0x3c0: {  	v23 =	vpop (erf)  }
0x3c1: {  	v5 =	vmul.f32 v23, v22;
	_ =	sdelay $0x1  }
0x3c2: {  	v5 =	vsel vm5, $0x0, v5  }
0x3c3: {  	v5 =	vadd.f32 v5, v2  }
0x3c4: {  	v24 =	vld.idx.msk [tilespmem:v20+s25+$0x0], $0xffff  }
0x3c5: {  	v5 =	vmax.f32 v5, $1.000000010e-01  }
0x3c6: {  	(erf) = vrcp.f32 v5;
	_ =	sdelay $0x2  }
0x3c7: {  	v26 =	vld [tilespmem:$0x2450];
	v25 =	vmul.f32 v23, v24;
	_ =	sdelay $0x1  }
0x3c8: {  	v5 =	vsel vm5, $0x0, v25  }
0x3c9: {  	v5 =	vadd.f32 v5, v3;
	_ =	sdelay $0x1  }
0x3ca: {  	v5 =	vsub.f32 v26, v5  }
0x3cb: {  	v27 =	vpop (erf)  }
0x3cc: {  	v5 =	vmul.f32 v27, v5;
	_ =	sdelay $0x1  }
0x3cd: {  	v5 =	vxor.u32 $0x80000000, v5  }
0x3ce: {  	v5 =	vmax.f32 v5, $-5.000000000e+01  }
0x3cf: {  	v5 =	vmin.f32 v5, $5.000000000e+01  }
0x3d0: {  	v5 =	vmul.f32 $1.442695020e+00, v5;
	_ =	sdelay $0x1  }
0x3d1: {  	(erf) = vpow2.f32 v5;
	_ =	sdelay $0x8  }
0x3d2: {  	v5 =	vpop (erf)  }
0x3d3: {  	v5 =	vadd.f32 $1.000000000e+00, v5;
	_ =	sdelay $0x1  }
0x3d4: {  	v6 =	vld.idx.msk [tilespmem:v20+s24+$0x0], $0xffff;
	(erf) = vrcp.f32 v5;
	_ =	sdelay $0x4  }
0x3d5: {  	v29 =	vld [tilespmem:$0x2260];
	v28 =	vmul.f32 v23, v6;
	_ =	sdelay $0x1  }
0x3d6: {  	v5 =	vsel vm5, $0x0, v28  }
0x3d7: {  	v5 =	vadd.f32 v5, v4  }
0x3d8: {  	v30 =	vpop (erf)  }
0x3d9: {  	v5 =	vmul.f32 v30, v5;
	_ =	sdelay $0x1  }
0x3da: {  	[tilespmem:$0x2850] =	vst v5  }
0x3db: {  	v5 =	vld.idx.msk [tilespmem:v29+s28+$0x0], $0xffff;
	_ =	sdelay $0x4  }
0x3dc: {  	vm6 =	veq.f32 v5, $0.0e+00  }
0x3dd: {  	v5 =	vsel vm6, $0x3F800000, v5  }
0x3de: {  	(erf) = vrcp.f32 v5;
	_ =	sdelay $0x4  }
0x3df: {  	v31 =	vld.idx.msk [tilespmem:v29+s26+$0x0], $0xffff;
	_ =	sdelay $0x3  }
0x3e0: {  	v32 =	vpop (erf)  }
0x3e1: {  	v5 =	vmul.f32 v32, v31;
	_ =	sdelay $0x1  }
0x3e2: {  	v5 =	vsel vm6, $0x0, v5  }
0x3e3: {  	v5 =	vadd.f32 v5, v2  }
0x3e4: {  	v33 =	vld.idx.msk [tilespmem:v29+s25+$0x0], $0xffff  }
0x3e5: {  	v5 =	vmax.f32 v5, $1.000000010e-01  }
0x3e6: {  	(erf) = vrcp.f32 v5;
	_ =	sdelay $0x2  }
0x3e7: {  	v35 =	vld [tilespmem:$0x2460];
	v34 =	vmul.f32 v32, v33;
	_ =	sdelay $0x1  }
0x3e8: {  	v5 =	vsel vm6, $0x0, v34  }
0x3e9: {  	v5 =	vadd.f32 v5, v3;
	_ =	sdelay $0x1  }
0x3ea: {  	v5 =	vsub.f32 v35, v5  }
0x3eb: {  	v36 =	vpop (erf)  }
0x3ec: {  	v5 =	vmul.f32 v36, v5;
	_ =	sdelay $0x1  }
0x3ed: {  	v5 =	vxor.u32 $0x80000000, v5  }
0x3ee: {  	v5 =	vmax.f32 v5, $-5.000000000e+01  }
0x3ef: {  	v5 =	vmin.f32 v5, $5.000000000e+01  }
0x3f0: {  	v5 =	vmul.f32 $1.442695020e+00, v5;
	_ =	sdelay $0x1  }
0x3f1: {  	(erf) = vpow2.f32 v5;
	_ =	sdelay $0x8  }
0x3f2: {  	v5 =	vpop (erf)  }
0x3f3: {  	v5 =	vadd.f32 $1.000000000e+00, v5;
	_ =	sdelay $0x1  }
0x3f4: {  	v6 =	vld.idx.msk [tilespmem:v29+s24+$0x0], $0xffff;
	(erf) = vrcp.f32 v5;
	_ =	sdelay $0x4  }
0x3f5: {  	v38 =	vld [tilespmem:$0x2270];
	v37 =	vmul.f32 v32, v6;
	_ =	sdelay $0x1  }
0x3f6: {  	v5 =	vsel vm6, $0x0, v37  }
0x3f7: {  	v5 =	vadd.f32 v5, v4  }
0x3f8: {  	v39 =	vpop (erf)  }
0x3f9: {  	v5 =	vmul.f32 v39, v5;
	_ =	sdelay $0x1  }
0x3fa: {  	[tilespmem:$0x2860] =	vst v5  }
0x3fb: {  	v5 =	vld.idx.msk [tilespmem:v38+s28+$0x0], $0xffff;
	_ =	sdelay $0x4  }
0x3fc: {  	vm7 =	veq.f32 v5, $0.0e+00  }
0x3fd: {  	v5 =	vsel vm7, $0x3F800000, v5  }
0x3fe: {  	(erf) = vrcp.f32 v5;
	_ =	sdelay $0x4  }
0x3ff: {  	v40 =	vld.idx.msk [tilespmem:v38+s26+$0x0], $0xffff;
	_ =	sdelay $0x3  }
0x400: {  	v41 =	vpop (erf)  }
0x401: {  	v5 =	vmul.f32 v41, v40;
	_ =	sdelay $0x1  }
0x402: {  	v5 =	vsel vm7, $0x0, v5  }
0x403: {  	v5 =	vadd.f32 v5, v2  }
0x404: {  	v42 =	vld.idx.msk [tilespmem:v38+s25+$0x0], $0xffff  }
0x405: {  	v5 =	vmax.f32 v5, $1.000000010e-01  }
0x406: {  	(erf) = vrcp.f32 v5;
	_ =	sdelay $0x2  }
0x407: {  	v44 =	vld [tilespmem:$0x2470];
	v43 =	vmul.f32 v41, v42;
	_ =	sdelay $0x1  }
0x408: {  	v5 =	vsel vm7, $0x0, v43  }
0x409: {  	v5 =	vadd.f32 v5, v3;
	_ =	sdelay $0x1  }
0x40a: {  	v5 =	vsub.f32 v44, v5  }
0x40b: {  	v45 =	vpop (erf)  }
0x40c: {  	v5 =	vmul.f32 v45, v5;
	_ =	sdelay $0x1  }
0x40d: {  	v5 =	vxor.u32 $0x80000000, v5  }
0x40e: {  	v5 =	vmax.f32 v5, $-5.000000000e+01  }
0x40f: {  	v5 =	vmin.f32 v5, $5.000000000e+01  }
0x410: {  	v5 =	vmul.f32 $1.442695020e+00, v5;
	_ =	sdelay $0x1  }
0x411: {  	(erf) = vpow2.f32 v5;
	_ =	sdelay $0x8  }
0x412: {  	v5 =	vpop (erf)  }
0x413: {  	v5 =	vadd.f32 $1.000000000e+00, v5;
	_ =	sdelay $0x1  }
0x414: {  	v6 =	vld.idx.msk [tilespmem:v38+s24+$0x0], $0xffff;
	(erf) = vrcp.f32 v5;
	_ =	sdelay $0x4  }
0x415: {  	v47 =	vld [tilespmem:$0x2280];
	v46 =	vmul.f32 v41, v6;
	_ =	sdelay $0x1  }
0x416: {  	v5 =	vsel vm7, $0x0, v46  }
0x417: {  	v5 =	vadd.f32 v5, v4  }
0x418: {  	v48 =	vpop (erf)  }
0x419: {  	v5 =	vmul.f32 v48, v5;
	_ =	sdelay $0x1  }
0x41a: {  	[tilespmem:$0x2870] =	vst v5  }
0x41b: {  	v5 =	vld.idx.msk [tilespmem:v47+s28+$0x0], $0xffff;
	_ =	sdelay $0x4  }
0x41c: {  	vm8 =	veq.f32 v5, $0.0e+00  }
0x41d: {  	v5 =	vsel vm8, $0x3F800000, v5  }
0x41e: {  	(erf) = vrcp.f32 v5;
	_ =	sdelay $0x4  }
0x41f: {  	v49 =	vld.idx.msk [tilespmem:v47+s26+$0x0], $0xffff;
	_ =	sdelay $0x3  }
0x420: {  	v50 =	vpop (erf)  }
0x421: {  	v5 =	vmul.f32 v50, v49;
	_ =	sdelay $0x1  }
0x422: {  	v5 =	vsel vm8, $0x0, v5  }
0x423: {  	v5 =	vadd.f32 v5, v2  }
0x424: {  	v51 =	vld.idx.msk [tilespmem:v47+s25+$0x0], $0xffff  }
0x425: {  	v5 =	vmax.f32 v5, $1.000000010e-01  }
0x426: {  	(erf) = vrcp.f32 v5;
	_ =	sdelay $0x2  }
0x427: {  	v53 =	vld [tilespmem:$0x2480];
	v52 =	vmul.f32 v50, v51;
	_ =	sdelay $0x1  }
0x428: {  	v5 =	vsel vm8, $0x0, v52  }
0x429: {  	v5 =	vadd.f32 v5, v3;
	_ =	sdelay $0x1  }
0x42a: {  	v5 =	vsub.f32 v53, v5  }
0x42b: {  	v54 =	vpop (erf)  }
0x42c: {  	v5 =	vmul.f32 v54, v5;
	_ =	sdelay $0x1  }
0x42d: {  	v5 =	vxor.u32 $0x80000000, v5  }
0x42e: {  	v5 =	vmax.f32 v5, $-5.000000000e+01  }
0x42f: {  	v5 =	vmin.f32 v5, $5.000000000e+01  }
0x430: {  	v5 =	vmul.f32 $1.442695020e+00, v5;
	_ =	sdelay $0x1  }
0x431: {  	(erf) = vpow2.f32 v5;
	_ =	sdelay $0x8  }
0x432: {  	v5 =	vpop (erf)  }
0x433: {  	v5 =	vadd.f32 $1.000000000e+00, v5;
	_ =	sdelay $0x1  }
0x434: {  	v6 =	vld.idx.msk [tilespmem:v47+s24+$0x0], $0xffff;
	(erf) = vrcp.f32 v5;
	_ =	sdelay $0x4  }
0x435: {  	v56 =	vld [tilespmem:$0x2290];
	v55 =	vmul.f32 v50, v6;
	_ =	sdelay $0x1  }
0x436: {  	v5 =	vsel vm8, $0x0, v55  }
0x437: {  	v5 =	vadd.f32 v5, v4  }
0x438: {  	v57 =	vpop (erf)  }
0x439: {  	v5 =	vmul.f32 v57, v5;
	_ =	sdelay $0x1  }
0x43a: {  	[tilespmem:$0x2880] =	vst v5  }
0x43b: {  	v5 =	vld.idx.msk [tilespmem:v56+s28+$0x0], $0xffff;
	_ =	sdelay $0x4  }
0x43c: {  	vm9 =	veq.f32 v5, $0.0e+00  }
0x43d: {  	v5 =	vsel vm9, $0x3F800000, v5  }
0x43e: {  	(erf) = vrcp.f32 v5;
	_ =	sdelay $0x4  }
0x43f: {  	v58 =	vld.idx.msk [tilespmem:v56+s26+$0x0], $0xffff;
	_ =	sdelay $0x3  }
0x440: {  	v59 =	vpop (erf)  }
0x441: {  	v5 =	vmul.f32 v59, v58;
	_ =	sdelay $0x1  }
0x442: {  	v5 =	vsel vm9, $0x0, v5  }
0x443: {  	v5 =	vadd.f32 v5, v2  }
0x444: {  	v60 =	vld.idx.msk [tilespmem:v56+s25+$0x0], $0xffff  }
0x445: {  	v5 =	vmax.f32 v5, $1.000000010e-01  }
0x446: {  	(erf) = vrcp.f32 v5;
	_ =	sdelay $0x2  }
0x447: {  	v62 =	vld [tilespmem:$0x2490];
	v61 =	vmul.f32 v59, v60;
	_ =	sdelay $0x1  }
0x448: {  	v5 =	vsel vm9, $0x0, v61  }
0x449: {  	v5 =	vadd.f32 v5, v3;
	_ =	sdelay $0x1  }
0x44a: {  	v5 =	vsub.f32 v62, v5  }
0x44b: {  	v63 =	vpop (erf)  }
0x44c: {  	v5 =	vmul.f32 v63, v5;
	_ =	sdelay $0x1  }
0x44d: {  	v5 =	vxor.u32 $0x80000000, v5  }
0x44e: {  	v5 =	vmax.f32 v5, $-5.000000000e+01  }
0x44f: {  	v5 =	vmin.f32 v5, $5.000000000e+01  }
0x450: {  	v5 =	vmul.f32 $1.442695020e+00, v5;
	_ =	sdelay $0x1  }
0x451: {  	(erf) = vpow2.f32 v5;
	_ =	sdelay $0x8  }
0x452: {  	v5 =	vpop (erf)  }
0x453: {  	v5 =	vadd.f32 $1.000000000e+00, v5;
	_ =	sdelay $0x1  }
0x454: {  	v6 =	vld.idx.msk [tilespmem:v56+s24+$0x0], $0xffff;
	(erf) = vrcp.f32 v5;
	_ =	sdelay $0x4  }
0x455: {  	v13 =	vld [tilespmem:$0x22A0];
	v12 =	vmul.f32 v59, v6;
	_ =	sdelay $0x1  }
0x456: {  	v5 =	vsel vm9, $0x0, v12  }
0x457: {  	v5 =	vadd.f32 v5, v4  }
0x458: {  	v14 =	vpop (erf)  }
0x459: {  	v5 =	vmul.f32 v14, v5;
	_ =	sdelay $0x1  }
0x45a: {  	[tilespmem:$0x2890] =	vst v5  }
0x45b: {  	v5 =	vld.idx.msk [tilespmem:v13+s28+$0x0], $0xffff;
	_ =	sdelay $0x4  }
0x45c: {  	vm10 =	veq.f32 v5, $0.0e+00  }
0x45d: {  	v5 =	vsel vm10, $0x3F800000, v5  }
0x45e: {  	(erf) = vrcp.f32 v5;
	_ =	sdelay $0x4  }
0x45f: {  	v15 =	vld.idx.msk [tilespmem:v13+s26+$0x0], $0xffff;
	_ =	sdelay $0x3  }
0x460: {  	v16 =	vpop (erf)  }
0x461: {  	v5 =	vmul.f32 v16, v15;
	_ =	sdelay $0x1  }
0x462: {  	v5 =	vsel vm10, $0x0, v5  }
0x463: {  	v5 =	vadd.f32 v5, v2  }
0x464: {  	v17 =	vld.idx.msk [tilespmem:v13+s25+$0x0], $0xffff  }
0x465: {  	v5 =	vmax.f32 v5, $1.000000010e-01  }
0x466: {  	(erf) = vrcp.f32 v5;
	_ =	sdelay $0x2  }
0x467: {  	v19 =	vld [tilespmem:$0x24A0];
	v18 =	vmul.f32 v16, v17;
	_ =	sdelay $0x1  }
0x468: {  	v5 =	vsel vm10, $0x0, v18  }
0x469: {  	v5 =	vadd.f32 v5, v3;
	_ =	sdelay $0x1  }
0x46a: {  	v5 =	vsub.f32 v19, v5  }
0x46b: {  	v20 =	vpop (erf)  }
0x46c: {  	v5 =	vmul.f32 v20, v5;
	_ =	sdelay $0x1  }
0x46d: {  	v5 =	vxor.u32 $0x80000000, v5  }
0x46e: {  	v5 =	vmax.f32 v5, $-5.000000000e+01  }
0x46f: {  	v5 =	vmin.f32 v5, $5.000000000e+01  }
0x470: {  	v5 =	vmul.f32 $1.442695020e+00, v5;
	_ =	sdelay $0x1  }
0x471: {  	(erf) = vpow2.f32 v5;
	_ =	sdelay $0x8  }
0x472: {  	v5 =	vpop (erf)  }
0x473: {  	v5 =	vadd.f32 $1.000000000e+00, v5;
	_ =	sdelay $0x1  }
0x474: {  	v6 =	vld.idx.msk [tilespmem:v13+s24+$0x0], $0xffff;
	(erf) = vrcp.f32 v5;
	_ =	sdelay $0x4  }
0x475: {  	v22 =	vld [tilespmem:$0x22B0];
	v21 =	vmul.f32 v16, v6;
	_ =	sdelay $0x1  }
0x476: {  	v5 =	vsel vm10, $0x0, v21  }
0x477: {  	v5 =	vadd.f32 v5, v4  }
0x478: {  	v23 =	vpop (erf)  }
0x479: {  	v5 =	vmul.f32 v23, v5;
	_ =	sdelay $0x1  }
0x47a: {  	[tilespmem:$0x28A0] =	vst v5  }
0x47b: {  	v5 =	vld.idx.msk [tilespmem:v22+s28+$0x0], $0xffff;
	_ =	sdelay $0x4  }
0x47c: {  	vm11 =	veq.f32 v5, $0.0e+00  }
0x47d: {  	v5 =	vsel vm11, $0x3F800000, v5  }
0x47e: {  	(erf) = vrcp.f32 v5;
	_ =	sdelay $0x4  }
0x47f: {  	v24 =	vld.idx.msk [tilespmem:v22+s26+$0x0], $0xffff;
	_ =	sdelay $0x3  }
0x480: {  	v25 =	vpop (erf)  }
0x481: {  	v5 =	vmul.f32 v25, v24;
	_ =	sdelay $0x1  }
0x482: {  	v5 =	vsel vm11, $0x0, v5  }
0x483: {  	v5 =	vadd.f32 v5, v2  }
0x484: {  	v26 =	vld.idx.msk [tilespmem:v22+s25+$0x0], $0xffff  }
0x485: {  	v5 =	vmax.f32 v5, $1.000000010e-01  }
0x486: {  	(erf) = vrcp.f32 v5;
	_ =	sdelay $0x2  }
0x487: {  	v28 =	vld [tilespmem:$0x24B0];
	v27 =	vmul.f32 v25, v26;
	_ =	sdelay $0x1  }
0x488: {  	v5 =	vsel vm11, $0x0, v27  }
0x489: {  	v5 =	vadd.f32 v5, v3;
	_ =	sdelay $0x1  }
0x48a: {  	v5 =	vsub.f32 v28, v5  }
0x48b: {  	v29 =	vpop (erf)  }
0x48c: {  	v5 =	vmul.f32 v29, v5;
	_ =	sdelay $0x1  }
0x48d: {  	v5 =	vxor.u32 $0x80000000, v5  }
0x48e: {  	v5 =	vmax.f32 v5, $-5.000000000e+01  }
0x48f: {  	v5 =	vmin.f32 v5, $5.000000000e+01  }
0x490: {  	v5 =	vmul.f32 $1.442695020e+00, v5;
	_ =	sdelay $0x1  }
0x491: {  	(erf) = vpow2.f32 v5;
	_ =	sdelay $0x8  }
0x492: {  	v5 =	vpop (erf)  }
0x493: {  	v5 =	vadd.f32 $1.000000000e+00, v5;
	_ =	sdelay $0x1  }
0x494: {  	v6 =	vld.idx.msk [tilespmem:v22+s24+$0x0], $0xffff;
	(erf) = vrcp.f32 v5;
	_ =	sdelay $0x4  }
0x495: {  	v31 =	vld [tilespmem:$0x22C0];
	v30 =	vmul.f32 v25, v6;
	_ =	sdelay $0x1  }
0x496: {  	v5 =	vsel vm11, $0x0, v30  }
0x497: {  	v5 =	vadd.f32 v5, v4  }
0x498: {  	v32 =	vpop (erf)  }
0x499: {  	v5 =	vmul.f32 v32, v5;
	_ =	sdelay $0x1  }
0x49a: {  	[tilespmem:$0x28B0] =	vst v5  }
0x49b: {  	v5 =	vld.idx.msk [tilespmem:v31+s28+$0x0], $0xffff;
	_ =	sdelay $0x4  }
0x49c: {  	vm12 =	veq.f32 v5, $0.0e+00  }
0x49d: {  	v5 =	vsel vm12, $0x3F800000, v5  }
0x49e: {  	(erf) = vrcp.f32 v5;
	_ =	sdelay $0x4  }
0x49f: {  	v33 =	vld.idx.msk [tilespmem:v31+s26+$0x0], $0xffff;
	_ =	sdelay $0x3  }
0x4a0: {  	v34 =	vpop (erf)  }
0x4a1: {  	v5 =	vmul.f32 v34, v33;
	_ =	sdelay $0x1  }
0x4a2: {  	v5 =	vsel vm12, $0x0, v5  }
0x4a3: {  	v5 =	vadd.f32 v5, v2  }
0x4a4: {  	v35 =	vld.idx.msk [tilespmem:v31+s25+$0x0], $0xffff  }
0x4a5: {  	v5 =	vmax.f32 v5, $1.000000010e-01  }
0x4a6: {  	(erf) = vrcp.f32 v5;
	_ =	sdelay $0x2  }
0x4a7: {  	v37 =	vld [tilespmem:$0x24C0];
	v36 =	vmul.f32 v34, v35;
	_ =	sdelay $0x1  }
0x4a8: {  	v5 =	vsel vm12, $0x0, v36  }
0x4a9: {  	v5 =	vadd.f32 v5, v3;
	_ =	sdelay $0x1  }
0x4aa: {  	v5 =	vsub.f32 v37, v5  }
0x4ab: {  	v38 =	vpop (erf)  }
0x4ac: {  	v5 =	vmul.f32 v38, v5;
	_ =	sdelay $0x1  }
0x4ad: {  	v5 =	vxor.u32 $0x80000000, v5  }
0x4ae: {  	v5 =	vmax.f32 v5, $-5.000000000e+01  }
0x4af: {  	v5 =	vmin.f32 v5, $5.000000000e+01  }
0x4b0: {  	v5 =	vmul.f32 $1.442695020e+00, v5;
	_ =	sdelay $0x1  }
0x4b1: {  	(erf) = vpow2.f32 v5;
	_ =	sdelay $0x8  }
0x4b2: {  	v5 =	vpop (erf)  }
0x4b3: {  	v5 =	vadd.f32 $1.000000000e+00, v5;
	_ =	sdelay $0x1  }
0x4b4: {  	v6 =	vld.idx.msk [tilespmem:v31+s24+$0x0], $0xffff;
	(erf) = vrcp.f32 v5;
	_ =	sdelay $0x4  }
0x4b5: {  	v40 =	vld [tilespmem:$0x22D0];
	v39 =	vmul.f32 v34, v6;
	_ =	sdelay $0x1  }
0x4b6: {  	v5 =	vsel vm12, $0x0, v39  }
0x4b7: {  	v5 =	vadd.f32 v5, v4  }
0x4b8: {  	v41 =	vpop (erf)  }
0x4b9: {  	v5 =	vmul.f32 v41, v5;
	_ =	sdelay $0x1  }
0x4ba: {  	[tilespmem:$0x28C0] =	vst v5  }
0x4bb: {  	v5 =	vld.idx.msk [tilespmem:v40+s28+$0x0], $0xffff;
	_ =	sdelay $0x4  }
0x4bc: {  	vm13 =	veq.f32 v5, $0.0e+00  }
0x4bd: {  	v5 =	vsel vm13, $0x3F800000, v5  }
0x4be: {  	(erf) = vrcp.f32 v5;
	_ =	sdelay $0x4  }
0x4bf: {  	v42 =	vld.idx.msk [tilespmem:v40+s26+$0x0], $0xffff;
	_ =	sdelay $0x3  }
0x4c0: {  	v43 =	vpop (erf)  }
0x4c1: {  	v5 =	vmul.f32 v43, v42;
	_ =	sdelay $0x1  }
0x4c2: {  	v5 =	vsel vm13, $0x0, v5  }
0x4c3: {  	v5 =	vadd.f32 v5, v2  }
0x4c4: {  	v44 =	vld.idx.msk [tilespmem:v40+s25+$0x0], $0xffff  }
0x4c5: {  	v5 =	vmax.f32 v5, $1.000000010e-01  }
0x4c6: {  	(erf) = vrcp.f32 v5;
	_ =	sdelay $0x2  }
0x4c7: {  	v46 =	vld [tilespmem:$0x24D0];
	v45 =	vmul.f32 v43, v44;
	_ =	sdelay $0x1  }
0x4c8: {  	v5 =	vsel vm13, $0x0, v45  }
0x4c9: {  	v5 =	vadd.f32 v5, v3;
	_ =	sdelay $0x1  }
0x4ca: {  	v5 =	vsub.f32 v46, v5  }
0x4cb: {  	v47 =	vpop (erf)  }
0x4cc: {  	v5 =	vmul.f32 v47, v5;
	_ =	sdelay $0x1  }
0x4cd: {  	v5 =	vxor.u32 $0x80000000, v5  }
0x4ce: {  	v5 =	vmax.f32 v5, $-5.000000000e+01  }
0x4cf: {  	v5 =	vmin.f32 v5, $5.000000000e+01  }
0x4d0: {  	v5 =	vmul.f32 $1.442695020e+00, v5;
	_ =	sdelay $0x1  }
0x4d1: {  	(erf) = vpow2.f32 v5;
	_ =	sdelay $0x8  }
0x4d2: {  	v5 =	vpop (erf)  }
0x4d3: {  	v5 =	vadd.f32 $1.000000000e+00, v5;
	_ =	sdelay $0x1  }
0x4d4: {  	v6 =	vld.idx.msk [tilespmem:v40+s24+$0x0], $0xffff;
	(erf) = vrcp.f32 v5;
	_ =	sdelay $0x4  }
0x4d5: {  	v49 =	vld [tilespmem:$0x22E0];
	v48 =	vmul.f32 v43, v6;
	_ =	sdelay $0x1  }
0x4d6: {  	v5 =	vsel vm13, $0x0, v48  }
0x4d7: {  	v5 =	vadd.f32 v5, v4  }
0x4d8: {  	v50 =	vpop (erf)  }
0x4d9: {  	v5 =	vmul.f32 v50, v5;
	_ =	sdelay $0x1  }
0x4da: {  	[tilespmem:$0x28D0] =	vst v5  }
0x4db: {  	v5 =	vld.idx.msk [tilespmem:v49+s28+$0x0], $0xffff;
	_ =	sdelay $0x4  }
0x4dc: {  	vm14 =	veq.f32 v5, $0.0e+00  }
0x4dd: {  	v5 =	vsel vm14, $0x3F800000, v5  }
0x4de: {  	(erf) = vrcp.f32 v5;
	_ =	sdelay $0x4  }
0x4df: {  	v51 =	vld.idx.msk [tilespmem:v49+s26+$0x0], $0xffff;
	_ =	sdelay $0x3  }
0x4e0: {  	v52 =	vpop (erf)  }
0x4e1: {  	v5 =	vmul.f32 v52, v51;
	_ =	sdelay $0x1  }
0x4e2: {  	v5 =	vsel vm14, $0x0, v5  }
0x4e3: {  	v5 =	vadd.f32 v5, v2  }
0x4e4: {  	v53 =	vld.idx.msk [tilespmem:v49+s25+$0x0], $0xffff  }
0x4e5: {  	v5 =	vmax.f32 v5, $1.000000010e-01  }
0x4e6: {  	(erf) = vrcp.f32 v5;
	_ =	sdelay $0x2  }
0x4e7: {  	v55 =	vld [tilespmem:$0x24E0];
	v54 =	vmul.f32 v52, v53;
	_ =	sdelay $0x1  }
0x4e8: {  	v5 =	vsel vm14, $0x0, v54  }
0x4e9: {  	v5 =	vadd.f32 v5, v3;
	_ =	sdelay $0x1  }
0x4ea: {  	v5 =	vsub.f32 v55, v5  }
0x4eb: {  	v56 =	vpop (erf)  }
0x4ec: {  	v5 =	vmul.f32 v56, v5;
	_ =	sdelay $0x1  }
0x4ed: {  	v5 =	vxor.u32 $0x80000000, v5  }
0x4ee: {  	v5 =	vmax.f32 v5, $-5.000000000e+01  }
0x4ef: {  	v5 =	vmin.f32 v5, $5.000000000e+01  }
0x4f0: {  	v5 =	vmul.f32 $1.442695020e+00, v5;
	_ =	sdelay $0x1  }
0x4f1: {  	(erf) = vpow2.f32 v5;
	_ =	sdelay $0x8  }
0x4f2: {  	v5 =	vpop (erf)  }
0x4f3: {  	v5 =	vadd.f32 $1.000000000e+00, v5;
	_ =	sdelay $0x1  }
0x4f4: {  	v6 =	vld.idx.msk [tilespmem:v49+s24+$0x0], $0xffff;
	(erf) = vrcp.f32 v5;
	_ =	sdelay $0x4  }
0x4f5: {  	v58 =	vld [tilespmem:$0x22F0];
	v57 =	vmul.f32 v52, v6;
	_ =	sdelay $0x1  }
0x4f6: {  	v5 =	vsel vm14, $0x0, v57  }
0x4f7: {  	v5 =	vadd.f32 v5, v4  }
0x4f8: {  	v59 =	vpop (erf)  }
0x4f9: {  	v5 =	vmul.f32 v59, v5;
	_ =	sdelay $0x1  }
0x4fa: {  	[tilespmem:$0x28E0] =	vst v5  }
0x4fb: {  	v5 =	vld.idx.msk [tilespmem:v58+s28+$0x0], $0xffff;
	_ =	sdelay $0x4  }
0x4fc: {  	vm15 =	veq.f32 v5, $0.0e+00  }
0x4fd: {  	v5 =	vsel vm15, $0x3F800000, v5  }
0x4fe: {  	(erf) = vrcp.f32 v5;
	_ =	sdelay $0x4  }
0x4ff: {  	v60 =	vld.idx.msk [tilespmem:v58+s26+$0x0], $0xffff;
	_ =	sdelay $0x3  }
0x500: {  	v61 =	vpop (erf)  }
0x501: {  	v5 =	vmul.f32 v61, v60;
	_ =	sdelay $0x1  }
0x502: {  	v5 =	vsel vm15, $0x0, v5  }
0x503: {  	v2 =	vadd.f32 v5, v2  }
0x504: {  	v62 =	vld.idx.msk [tilespmem:v58+s25+$0x0], $0xffff  }
0x505: {  	v2 =	vmax.f32 v2, $1.000000010e-01  }
0x506: {  	(erf) = vrcp.f32 v2;
	_ =	sdelay $0x2  }
0x507: {  	v63 =	vld [tilespmem:$0x24F0];
	v2 =	vmul.f32 v61, v62;
	_ =	sdelay $0x1  }
0x508: {  	v2 =	vsel vm15, $0x0, v2  }
0x509: {  	v2 =	vadd.f32 v2, v3;
	_ =	sdelay $0x1  }
0x50a: {  	v2 =	vsub.f32 v63, v2  }
0x50b: {  	v3 =	vpop (erf)  }
0x50c: {  	v2 =	vmul.f32 v3, v2;
	_ =	sdelay $0x1  }
0x50d: {  	v2 =	vxor.u32 $0x80000000, v2  }
0x50e: {  	v2 =	vmax.f32 v2, $-5.000000000e+01  }
0x50f: {  	v2 =	vmin.f32 v2, $5.000000000e+01  }
0x510: {  	v2 =	vmul.f32 $1.442695020e+00, v2;
	_ =	sdelay $0x1  }
0x511: {  	(erf) = vpow2.f32 v2;
	_ =	sdelay $0x8  }
0x512: {  	v2 =	vpop (erf)  }
0x513: {  	v2 =	vadd.f32 $1.000000000e+00, v2;
	_ =	sdelay $0x1  }
0x514: {  	v3 =	vld.idx.msk [tilespmem:v58+s24+$0x0], $0xffff;
	(erf) = vrcp.f32 v2;
	_ =	sdelay $0x4  }
0x515: {  	v2 =	vmul.f32 v61, v3;
	_ =	sdelay $0x1  }
0x516: {  	v2 =	vsel vm15, $0x0, v2  }
0x517: {  	v2 =	vadd.f32 v2, v4  }
0x518: {  	v3 =	vpop (erf)  }
0x519: {  	v2 =	vmul.f32 v3, v2  }
0x51a: {  	p0 =	sne.s32 s7, $0x1  }
.Ltmp0:
0x51b: {  	s21 =	rddreg [dreg:$0x14];
	[tilespmem:$0x28F0] =	vst v2;
	(pc) =	sbr.rel @p0 .LBB2_1-.Ltmp0, $4  }
0x51c: {  	[hbm4b:s21+s6] =	stream.linear.scatter [tilespmem:s0], [sflag:$0x2], $0x200, $0x38;
	[tilespmem:$0x2A00] =	vst v63  }
0x51d: {  	_ =	swait.ge [sflag:s9], $0x200  }
0x51e: {  	[sflag:s9] =	ssyncset.done $0x0  }
0x51f: {  	s7 =	sadd.s32 $0xFFFFFFFF, s7;
	[sflag:s9] =	ssyncadd.s32 $0xFFFFFE00  }
0x520: {  	_ =	sfence.sel $0x180000  }
0x521: {  	[bflag:$0x0] =	sbarrier.arrive $0xFFFF  }
0x522: {  	_ =	strace $0x9000004D  }
0x523: {  	s0 =	stileid.u32;
	[bflag:$0x2] =	sbarrier.arrive $0xFFFF  }
0x524: {  	p0 =	sne.s32 s0, $0x0;
	s0 =	rddreg [dreg:$0x8]  }
0x525: {  	s0 =	sadd.s32 @!p0 $0x100000, s0  }
0x526: {  	[sflag:s0] =	ssyncadd.tile.s32 @!p0 $0x1;
	_ =	shalt  }
.Lfunc_end2:
_tile_overlayer_lowered:
.L_overlay_start_2:
0x527: {  	(tag) =	ssettag $0x2  }
0x528: {  	s0 =	rddreg [dreg:$0x0];
	s2 =	stileid.u32  }
0x529: {  	s1 =	rddreg [dreg:$0x1];
	p0 =	sne.s32 s2, $0x0  }
0x52a: {  	s3 =	rddreg [dreg:$0x2];
	[bflag:$0x3] =	sbarrier.arrive $0xFFFF;
	s2 =	simm.s32 @!p0 $0x1C02  }
0x52b: {  	[timem:s3], [sflag:s2] =	dma.local @!p0 [hbm:s0], s1  }
0x52c: {  	s0 =	simm.s32 @!p0 $0x2  }
0x52d: {  	_ =	swait.ge @!p0 [sflag:s0], s1  }
0x52e: {  	s1 =	ssub.s32 @!p0 $0x0, s1;
	[sflag:s0] =	ssyncset.done @!p0 $0x0  }
0x52f: {  	[sflag:s0] =	ssyncadd.s32 @!p0 s1  }
0x530: {  	[bflag:$0x3] =	sbarrier.arrive $0xFFFF  }
0x531: {  	_ =	shalt  }

// kernel: sparse-core-data-format-call.1.cloned.1.call-start
scs
called_computation.1_lowered:
.L_overlay_start_0:
0x0: {  	s2 =	sld [smem:$0x3FD9]  }
0x1: {  	s3 =	sld [smem:$0x3FFE];
	_ =	sdelay $0x1  }
0x2: {  	s1 =	srdreg.scid  }
0x3: {  	s0 =	sand.u32 $0x1, s1  }
0x4: {  	s16 =	sshll.u32 s0, $0xA;
	s2 =	sadd.s32 s3, s2  }
0x5: {  	s2 =	sadd.s32 s2, s16  }
0x6: {  	[smem:$0x3FC1] =	sst s2  }
0x7: {  	_ = 	snop  }
0x8: {  	s2 =	sld [smem:$0x3FD0];
	_ =	sdelay $0x2  }
0x9: {  	s17 =	simm.s32 $0xC;
	s4 =	simm.s32 $0x10  }
0xa: {  	[smem:s4], [sflag:s17] =	dma.local [hbm:s2], $0x1  }
0xb: {  	_ =	swait.eq [sflag:s17], $0x1  }
0xc: {  	[sflag:s17] =	ssyncset.done $0x0  }
0xd: {  	[sflag:s17] =	ssyncadd.s32 $0xFFFFFFFF  }
0xe: {  	s18 =	sld [smem:$0x11];
	(tm) =	ssettm $0x1  }
0xf: {  	s19 =	sld [smem:$0x3FFB];
	_ =	sdelay $0x3  }
0x10: {  	_ =	strace s19  }
0x11: {  	s2 =	sld [smem:$0x3FFC];
	_ =	sdelay $0x3  }
0x12: {  	_ =	strace s2  }
0x13: {  	s2 =	sld [smem:$0x3FFD];
	_ =	sdelay $0x3  }
0x14: {  	_ =	strace s2  }
0x15: {  	_ =	strace $0x8FFFFFFF  }
0x16: {  	s20 =	sld [smem:$0x3FDB];
	_ =	sdelay $0x1  }
0x17: {  	s21 =	simm.s32 $_scs_section_size  }
0x18: {  	s5 =	simm.s32 $_size__tile_overlayer_lowered;
	s6 =	simm.s32 $_tile_overlayer_lowered  }
0x19: {  	s7 =	simm.s32 $0x1BFF;
	s22 =	sshll.u32 s6, $0x1;
	s4 =	sadd.s32 s21, s20  }
0x1a: {  	s23 =	simm.s32 $0x0;
	s5 =	sshll.u32 s5, $0x1;
	s6 =	sadd.s32 s22, s4  }
0x1b: {  	[timem:s23], [sflag:s7] =	dma.local [hbm:s6], s5  }
0x1c: {  	_ =	swait.ge [sflag:s7], s5  }
0x1d: {  	s5 =	ssub.s32 $0x0, s5;
	[sflag:s7] =	ssyncset.done $0x0  }
0x1e: {  	[sflag:s7] =	ssyncadd.s32 s5;
	_ =	sdelay $0x1  }
0x1f: {  	s24 =	simm.s32 $0x1B8B  }
0x20: {  	_ =	swait.ge [sflag:s24], $0x1  }
0x21: {  	[sflag:s24] =	ssyncset.done $0x0  }
0x22: {  	[sflag:s24] =	ssyncadd.s32 $0xFFFFFFFF  }
0x23: {  	s5 =	sld [smem:$0x0]  }
0x24: {  	s6 =	sand.u32 $0xFFFFFFFE, s1  }
0x25: {  	p0 =	sne.s32 s1, s6  }
0x26: {  	s6 =	sshll.u32 @p0 s6, $0xE  }
0x27: {  	s6 =	sadd.s32 @p0 $0x11B8D, s6;
	s7 =	sshll.u32 @p0 s5, $0x11  }
0x28: {  	s6 =	sor.u32 @p0 s7, s6  }
0x29: {  	[sflag:s6] =	ssyncadd.remote.s32 @p0 $0x1;
	_ =	sdelay $0x1  }
0x2a: {  	s6 =	simm.s32 @p0 $0x1B8D  }
0x2b: {  	_ =	swait.eq @p0 [sflag:s6], $0x1  }
0x2c: {  	[sflag:s6] =	ssyncadd.s32 @p0 $0xFFFFFFFF  }
0x2d: {  	s7 =	sshll.u32 @!p0 s1, $0xE  }
0x2e: {  	s7 =	sor.u32 @!p0 $0x4000, s7;
	s6 =	simm.s32 @!p0 $0x1B8D  }
0x2f: {  	s5 =	sshll.u32 @!p0 s5, $0x11;
	s7 =	sadd.s32 @!p0 $0x11B8D, s7;
	_ =	swait.eq @!p0 [sflag:s6], $0x1  }
0x30: {  	s5 =	sor.u32 @!p0 s5, s7;
	[sflag:s6] =	ssyncadd.s32 @!p0 $0xFFFFFFFF  }
0x31: {  	s26 =	simm.s32 $0x1B8E;
	s25 =	sld [smem:$0x3FFE];
	[sflag:s5] =	ssyncadd.remote.s32 @!p0 $0x1  }
0x32: {  	s27 =	simm.s32 $execute0_lowered;
	[smem:$0x3FD2] =	sst s26  }
0x33: {  	s6 =	sshll.u32 s27, $0x1;
	_ =	strace $0x80000049;
	[dreg:$0x1] =	wrdreg $0xFFFFFFFF  }
0x34: {  	s28 =	simm.s32 $_size_execute0_lowered;
	s4 =	sadd.s32 s4, s6;
	[dreg:$0x0] =	wrdreg $0x0  }
0x35: {  	s6 =	sshll.u32 s28, $0x1;
	[dreg:$0x2] =	wrdreg s4  }
0x36: {  	[dreg:$0x3] =	wrdreg s6  }
0x37: {  	[dreg:$0x4] =	wrdreg $0xC0  }
0x38: {  	_ =	task [dreg:s23], $0x5FFFF  }
0x39: {  	[dreg:$0x1] =	wrdreg $0xFFFFFFFF  }
0x3a: {  	[dreg:$0x0] =	wrdreg $0x60  }
0x3b: {  	[dreg:$0x2] =	wrdreg s25  }
0x3c: {  	[dreg:$0x3] =	wrdreg s18  }
0x3d: {  	[dreg:$0x4] =	wrdreg $0xA  }
0x3e: {  	_ =	task.clear_ibuf [dreg:s23], $0x5FFFF;
	_ =	strace $0x90000049  }
0x3f: {  	s29 =	simm.s32 $0xA;
	_ =	strace $0x8000004B  }
0x40: {  	_ =	swait.ge [sflag:s29], $0x1  }
0x41: {  	[sflag:s29] =	ssyncadd.s32 $0xFFFFFFFF  }
0x42: {  	_ =	strace $0x9000004B  }
0x43: {  	_ =	sfence  }
0x44: {  	s30 =	sld [smem:$0x0];
	_ =	sdelay $0x2  }
0x45: {  	s31 =	sshll.u32 s1, $0xD;
	s1 =	sshrl.u32 s1, $0x2  }
0x46: {  	s4 =	sand.u32 $0x4000, s31;
	s1 =	sadd.s32 s1, s30  }
0x47: {  	s0 =	sor.u32 s4, s0;
	s1 =	sshll.u32 s1, $0x11  }
0x48: {  	s0 =	sor.u32 s1, s0  }
0x49: {  	s0 =	sadd.s32 $0x8F2B, s0  }
0x4a: {  	[sflag:s0] =	ssyncadd.remote.s32 $0x1  }
0x4b: {  	_ =	sfence.sel $0xFFFF  }
0x4c: {  	[dreg:$0x0] =	wrdreg $0xFFFFFFFF;
	(pc) =	sbr.abs _section_cstart, $3  }
0x4d: {  	[dreg:$0x1] =	wrdreg $0xFFFFFFFF  }
0x4e: {  	_ =	task.clear_ibuf [dreg:s23], $0x2FFFF;
	_ =	strace $0x9FFFFFFF  }
0x4f: {  	(tm) =	ssettm $0x7FFFFFFF  }
tec
execute0_lowered:
.L_overlay_start_1:
0x0: {  	(tag) =	ssettag $0x1  }
0x1: {  	s0 =	srdreg.scid;
	s5 =	rddreg [dreg:$0x0]  }
0x2: {  	s3 =	rddreg [dreg:$0x1];
	s1 =	sshll.u32 s0, $0x4  }
0x3: {  	s7 =	simm.s32 $0x1;
	s0 =	stileid.u32;
	s1 =	sand.u32 $0x10, s1  }
0x4: {  	s8 =	simm.s32 $0x2;
	s15 =	simm.s32 $0x0;
	s1 =	sor.u32 s0, s1  }
0x5: {  	s14 =	simm.s32 $0x0;
	s9 =	simm.s32 $0x0;
	s2 =	sshll.u32 s1, $0x7  }
0x6: {  	s10 =	simm.s32 $0x0;
	s11 =	simm.s32 $0x0;
	s6 =	ssub.s32 $0x4000, s2  }
0x7: {  	s13 =	simm.s32 $0x0;
	s5 =	sadd.s32 $0x201400, s5;
	s4 =	sand.u32 $0xF80, s6  }
.Ltmp0:
0x8: {  	s1 =	rddreg [dreg:$0x2];
	p0 =	sne.s32 s4, $0x0;
	(pc) =	sbr.rel .LBB1_1-.Ltmp0, $4  }
0x9: {  	_ =	strace $0x8000004A;
	s6 =	sshrl.u32 s6, $0xC;
	s7 =	simm.s32 @!p0 $0x0  }
0xa: {  	s12 =	smov.u32 s2;
	s4 =	simm.s32 $0x1;
	s6 =	sadd.s32 s7, s6  }
0xb: {  	[sflag:s4] =	ssyncpa.u1 $0x0;
	p0 =	por $0x0, $0x0;
	s6 =	sshll.u32 s6, $0x3  }
0xc: {  	[sflag:s8] =	ssyncpa.u1 $0x0;
	s8 =	simm.s32 $0x20000;
	s7 =	sor.u32 $0x1, s6  }
.LBB1_4:
0xd: {  	s20 =	sshra.s32 s20, $0x2  }
0xe: {  	s28 =	sand.u32 $0x78, s10;
	s21 =	sshll.u32 s9, $0xE;
	s22 =	sshll.u32 s10, $0x3  }
0xf: {  	s24 =	sshll.u32 s9, $0x7;
	p1 =	sgt.s32 s9, $0x368;
	s30 =	sshra.s32 s9, $0x1F  }
0x10: {  	s26 =	sshra.s32 s10, $0x1F;
	s19 =	sadd.s32 s20, s19;
	s21 =	sand.u32 $0xFFFE0000, s21  }
0x11: {  	v5 =	vld [tilespmem:s17+$0xFFFFFFD0];
	[tilespmem:s18+$0x2040 ss:$0x81] =	vst.msk $0xffff, v4;
	s23 =	sand.u32 $0xFFFFFC00, s22;
	s29 =	sand.u32 $0x380, s24;
	s22 =	sand.u32 $0x3C00, s22  }
0x12: {  	v58 =	vld [tilespmem:s17+$0xFFFFFFE0];
	[tilespmem:s18+$0x2850 ss:$0x81] =	vst.msk $0xffff, v3;
	s21 =	sadd.s32 s23, s21;
	s20 =	sor.u32 s28, s22;
	s22 =	smov.u32 s9  }
0x13: {  	v59 =	vld [tilespmem:s17+$0xFFFFFFF0];
	[tilespmem:s18+$0x3060 ss:$0x81] =	vst.msk $0xffff, v2;
	s24 =	sand.u32 s30, s9;
	s21 =	sshrl.u32 s21, $0xE;
	s22 =	simm.s32 @!p1 $0x368  }
0x14: {  	v60 =	vld [tilespmem:s17+$0x0];
	[tilespmem:s18+$0x0 ss:$0x81] =	vst.msk $0xffff, v1;
	p1 =	sgt.s32 s10, $0x3F80;
	s31 =	ssub.s32 s22, s24;
	s22 =	smov.u32 s10  }
0x15: {  	v61 =	vld [tilespmem:s17+$0x10];
	[tilespmem:s19+$0x3870 ss:$0x81] =	vst.msk $0xffff, v0;
	s25 =	smulhi.u32 $0x418938, s21;
	s24 =	sand.u32 s26, s10;
	s22 =	simm.s32 @!p1 $0x3F80  }
0x16: {  	v62 =	vld [tilespmem:s17+$0x20];
	s20 =	sor.u32 s29, s20;
	[tilespmem:s19+$0x810 ss:$0x81] =	vst.msk $0xffff, v5;
	s27 =	sadd.s32 $0xFFFFFC98, s31;
	s22 =	ssub.s32 s22, s24  }
0x17: {  	v63 =	vld [tilespmem:s17+$0xFFFFFFC0];
	[tilespmem:s19+$0x1020 ss:$0x81] =	vst.msk $0xffff, v58;
	s18 =	ssub.s32 $0x3E8, s31;
	s28 =	smul.u32 $0x3E8, s25;
	s29 =	sadd.s32 $0xFFFFC080, s22  }
0x18: {  	[tilespmem:s19+$0x1830 ss:$0x81] =	vst.msk $0xffff, v59;
	p1 =	sgt.s32 s27, $0x7F;
	s22 =	ssub.s32 $0x4000, s22;
	p2 =	sgt.s32 s29, $0x7F  }
0x19: {  	s30 =	sand.u32 $0x7, s10;
	[tilespmem:s19+$0x2040 ss:$0x81] =	vst.msk $0xffff, v60;
	s18 =	simm.s32 @p1 $0x0;
	s22 =	simm.s32 @p2 $0x0  }
0x1a: {  	s20 =	sshrl.u32 s20, $0x3;
	[tilespmem:s19+$0x2850 ss:$0x81] =	vst.msk $0xffff, v61;
	s17 =	ssub.s32 s21, s28;
	s18 =	smul.u32 s22, s18  }
0x1b: {  	[tilespmem:s19+$0x3060 ss:$0x81] =	vst.msk $0xffff, v62;
	s20 =	sadd.s32 s3, s20;
	s21 =	sshll.u32 s30, $0x12;
	s17 =	sshll.u32 s17, $0xB  }
0x1c: {  	[tilespmem:s19+$0x0 ss:$0x81] =	vst.msk $0xffff, v63;
	s31 =	sor.u32 $0x400, s21;
	s17 =	sadd.s32 s17, s20;
	s18 =	sand.u32 $0x3FFFFFFF, s18  }
0x1d: {  	[hbm4b:s17+s31] =	stream.strided.scatter [tilespmem:s16], [sflag:$0x2], s18, s8, s31, $0x20;
	[tilespmem:$0x10100] =	vst v63  }
.LBB1_5:
0x1e: {  	p1 =	slt.u32 s13, $0x2  }
0x1f: {  	s17 =	smov.u32 s15;
	p2 =	sgt.s32 @!p1 s15, $0x368;
	s16 =	sshra.s32 @!p1 s15, $0x1F  }
0x20: {  	p3 =	sgt.s32 @!p1 s14, $0x3F80;
	s18 =	sshra.s32 @!p1 s14, $0x1F;
	p2 =	por !p2, p1  }
0x21: {  	s15 =	sand.u32 @!p1 s16, s15;
	p3 =	por !p3, p1;
	s16 =	smov.u32 s14  }
0x22: {  	s14 =	sand.u32 @!p1 s18, s14;
	s17 =	simm.s32 @p2 $0x368;
	s16 =	simm.s32 @p3 $0x3F80  }
0x23: {  	s15 =	ssub.s32 @!p1 s17, s15;
	s14 =	ssub.s32 @!p1 s16, s14  }
0x24: {  	s18 =	smov.u32 s12;
	s16 =	sadd.s32 @!p1 $0xFFFFFC98, s15;
	s17 =	sadd.s32 @!p1 $0xFFFFC080, s14  }
0x25: {  	s15 =	ssub.s32 @!p1 $0x3E8, s15;
	p2 =	sgt.s32 @!p1 s16, $0x7F;
	p3 =	sgt.s32 @!p1 s17, $0x7F  }
0x26: {  	s14 =	ssub.s32 @!p1 $0x4000, s14;
	p2 =	por !p2, p1;
	p3 =	por !p3, p1  }
0x27: {  	s16 =	sadd.s32 $0x80, s11;
	s15 =	simm.s32 @!p2 $0x0;
	s14 =	simm.s32 @!p3 $0x0  }
0x28: {  	p2 =	sgt.s32 s16, $0x3E7;
	s14 =	smul.u32 @!p1 s14, s15;
	s15 =	sadd.s32 $0x1000, s12  }
0x29: {  	s18 =	smov.u32 @p2 s15  }
0x2a: {  	s16 =	simm.s32 @p2 $0x0;
	p2 =	sgt.s32 s18, $0x3FFF  }
0x2b: {  	s18 =	smov.u32 @p2 s2;
	p2 =	sne.s32 s13, s7  }
.Ltmp1:
0x2c: {  	p0 =	por !p0, !p0;
	s17 =	simm.s32 @!p1 $0x2;
	(pc) =	sbr.rel @!p2 .LBB1_6-.Ltmp1, $4  }
0x2d: {  	s15 =	smov.u32 s9;
	s9 =	smov.u32 s11;
	s14 =	sand.u32 @!p1 $0x3FFFFFFF, s14  }
0x2e: {  	s11 =	smov.u32 s16;
	_ =	swait.ge @!p1 [sflag:s17], s14;
	s19 =	ssub.s32 @!p1 $0x0, s14  }
0x2f: {  	s14 =	smov.u32 s10;
	s13 =	sadd.s32 $0x1, s13;
	[sflag:s17] =	ssyncset.done @!p1 $0x0  }
0x30: {  	s10 =	smov.u32 s12;
	s12 =	smov.u32 s18;
	[sflag:s17] =	ssyncadd.s32 @!p1 s19  }
.LBB1_1:
0x31: {  	p1 =	sge.u32 s13, s6  }
0x32: {  	s31 =	sadd.s32 $0xFFFFFFFF, s13;
	s16 =	sshll.u32 @!p1 s12, $0xA  }
0x33: {  	s17 =	sshll.u32 @!p1 s11, $0x3;
	s18 =	sshll.u32 @!p1 s12, $0x7;
	s16 =	sand.u32 @!p1 $0xFFE000, s16  }
0x34: {  	s19 =	sand.u32 @!p1 $0x78, s11;
	s16 =	sadd.s32 @!p1 s16, s17;
	s17 =	sand.u32 @!p1 $0x380, s18  }
0x35: {  	s18 =	sxor.u32 @!p1 $0xFFFFFFFF, s13;
	s16 =	sand.u32 @!p1 $0xFFFC00, s16;
	s17 =	sor.u32 @!p1 s17, s19  }
0x36: {  	s18 =	sshll.u32 @!p1 s18, $0xE;
	s16 =	sor.u32 @!p1 s16, s17;
	s17 =	sand.u32 @!p1 $0x7, s11  }
0x37: {  	s19 =	simm.s32 @!p1 $0x2000;
	s16 =	sshrl.u32 @!p1 s16, $0x3;
	s17 =	sshll.u32 @!p1 s17, $0x12  }
0x38: {  	s18 =	sand.u32 @!p1 $0x4000, s18;
	s16 =	sadd.s32 @!p1 s5, s16;
	s17 =	sor.u32 @!p1 $0x400, s17  }
0x39: {  	[tilespmem:s18], [sflag:$0x1] =	stream.strided.gather @!p1 [hbm4b:s16+s17], $0x4000, s19, s17, $0x38;
	[tilespmem:$0x10100] =	vst v63  }
0x3a: {  	p1 =	sge.u32 s31, s6  }
.Ltmp2:
0x3b: {  	_ = 	snop;
	(pc) =	sbr.rel @p1 .LBB1_5-.Ltmp2, $1  }
0x3c: {  	_ =	sdelay $0x3  }
0x3d: {  	s16 =	simm.s32 $0x1  }
0x3e: {  	_ =	swait.ge [sflag:s4], $0x4000;
	s16 =	simm.s32 @!p0 $0x0  }
0x3f: {  	[sflag:s4] =	ssyncset.done $0x0;
	s17 =	sshll.u32 s16, $0xE  }
0x40: {  	[sflag:s4] =	ssyncadd.s32 $0xFFFFC000;
	s17 =	sor.u32 $0x40, s17  }
0x41: {  	s16 =	smul.u32 $0x10200, s16;
	v0 =	vld [tilespmem:s17+$0x30]  }
0x42: {  	v1 =	vld [tilespmem:s17+$0xFFFFFFD0]  }
0x43: {  	s16 =	sshrl.u32 s16, $0x2;
	v5 =	vld [tilespmem:s17+$0xFFFFFFE0]  }
0x44: {  	v6 =	vld [tilespmem:s17+$0xFFFFFFF0];
	s19 =	sor.u32 $0x8000, s16  }
0x45: {  	s31 =	sand.u32 $0x1, s13;
	v4 =	vld [tilespmem:s17+$0x0];
	s18 =	sadd.s32 $0x0, s19  }
0x46: {  	v3 =	vld [tilespmem:s17+$0x10];
	s16 =	smul.u32 $0x10200, s31;
	[tilespmem:s18+$0x3870 ss:$0x81] =	vst.msk $0xffff, v0  }
0x47: {  	v2 =	vld [tilespmem:s17+$0x20];
	[tilespmem:s18+$0x810 ss:$0x81] =	vst.msk $0xffff, v1  }
0x48: {  	s16 =	sshrl.u32 s16, $0x2;
	v1 =	vld [tilespmem:s17+$0xFFFFFFC0];
	[tilespmem:s18+$0x1020 ss:$0x81] =	vst.msk $0xffff, v5;
	s17 =	sadd.s32 $0x80, s17  }
0x49: {  	s20 =	simm.s32 $0x4;
	s21 =	simm.s32 $0x8;
	s16 =	sor.u32 $0x8000, s16;
	[tilespmem:s18+$0x1830 ss:$0x81] =	vst.msk $0xffff, v6;
	v0 =	vld [tilespmem:s17+$0x30]  }
.LBB1_3:
0x4a: {  	p1 =	sne.s32 s21, $0x1FC;
	v5 =	vld [tilespmem:s17+$0xFFFFFFD0];
	[tilespmem:s18+$0x2040 ss:$0x81] =	vst.msk $0xffff, v4  }
0x4b: {  	v6 =	vld [tilespmem:s17+$0xFFFFFFE0];
	[tilespmem:s18+$0x2850 ss:$0x81] =	vst.msk $0xffff, v3  }
0x4c: {  	s22 =	sshra.s32 s20, $0x2;
	s20 =	smov.u32 s21;
	v7 =	vld [tilespmem:s17+$0xFFFFFFF0];
	[tilespmem:s18+$0x3060 ss:$0x81] =	vst.msk $0xffff, v2  }
.Ltmp3:
0x4d: {  	v4 =	vld [tilespmem:s17+$0x0];
	[tilespmem:s18+$0x0 ss:$0x81] =	vst.msk $0xffff, v1;
	s18 =	sadd.s32 s22, s19;
	(pc) =	sbr.rel @p1 .LBB1_3-.Ltmp3, $4  }
0x4e: {  	v3 =	vld [tilespmem:s17+$0x10];
	[tilespmem:s18+$0x3870 ss:$0x81] =	vst.msk $0xffff, v0  }
0x4f: {  	[tilespmem:s18+$0x810 ss:$0x81] =	vst.msk $0xffff, v5;
	v2 =	vld [tilespmem:s17+$0x20]  }
0x50: {  	v1 =	vld [tilespmem:s17+$0xFFFFFFC0];
	[tilespmem:s18+$0x1020 ss:$0x81] =	vst.msk $0xffff, v6;
	s17 =	sadd.s32 $0x80, s17  }
0x51: {  	s21 =	sadd.s32 $0x4, s21;
	v0 =	vld [tilespmem:s17+$0x30];
	[tilespmem:s18+$0x1830 ss:$0x81] =	vst.msk $0xffff, v7  }
.Ltmp4:
0x52: {  	_ = 	snop;
	(pc) =	sbr.rel .LBB1_4-.Ltmp4, $1  }
0x53: {  	_ =	sdelay $0x3  }
.LBB1_6:
0x54: {  	_ =	sfence.sel $0x180000  }
0x55: {  	s2 =	simm.s32 $0x1;
	[bflag:$0x0] =	sbarrier.arrive $0xFFFF  }
0x56: {  	s31 =	simm.s32 $0x2;
	[sflag:s2] =	ssyncpa.u1 $0x1  }
0x57: {  	[sflag:s31] =	ssyncpa.u1 $0x1  }
0x58: {  	p0 =	sne.s32 s0, $0x0;
	_ =	strace $0x9000004A  }
0x59: {  	s0 =	sadd.s32 @!p0 $0x100000, s1;
	[bflag:$0x2] =	sbarrier.arrive $0xFFFF  }
0x5a: {  	[sflag:s0] =	ssyncadd.tile.s32 @!p0 $0x1;
	_ =	shalt  }
.Lfunc_end1:
_tile_overlayer_lowered:
.L_overlay_start_2:
0x5b: {  	(tag) =	ssettag $0x2  }
0x5c: {  	s0 =	rddreg [dreg:$0x0];
	s2 =	stileid.u32  }
0x5d: {  	s1 =	rddreg [dreg:$0x1];
	p0 =	sne.s32 s2, $0x0  }
0x5e: {  	s3 =	rddreg [dreg:$0x2];
	[bflag:$0x3] =	sbarrier.arrive $0xFFFF;
	s2 =	simm.s32 @!p0 $0x1C01  }
0x5f: {  	[timem:s3], [sflag:s2] =	dma.local @!p0 [hbm:s0], s1  }
0x60: {  	s0 =	simm.s32 @!p0 $0x1  }
0x61: {  	_ =	swait.ge @!p0 [sflag:s0], s1  }
0x62: {  	s1 =	ssub.s32 @!p0 $0x0, s1;
	[sflag:s0] =	ssyncset.done @!p0 $0x0  }
0x63: {  	[sflag:s0] =	ssyncadd.s32 @!p0 s1  }
0x64: {  	[bflag:$0x3] =	sbarrier.arrive $0xFFFF  }
0x65: {  	_ =	shalt  }

// kernel: sparse-core-data-format-call.cloned.1.call-start
scs
called_computation_lowered:
.L_overlay_start_0:
0x0: {  	s2 =	sld [smem:$0x3FD9]  }
0x1: {  	s3 =	sld [smem:$0x3FFE];
	_ =	sdelay $0x1  }
0x2: {  	s1 =	srdreg.scid  }
0x3: {  	s0 =	sand.u32 $0x1, s1  }
0x4: {  	s15 =	sshll.u32 s0, $0xA;
	s2 =	sadd.s32 s3, s2  }
0x5: {  	s2 =	sadd.s32 s2, s15  }
0x6: {  	[smem:$0x3FC1] =	sst s2  }
0x7: {  	_ = 	snop  }
0x8: {  	s2 =	sld [smem:$0x3FD0];
	_ =	sdelay $0x2  }
0x9: {  	s16 =	simm.s32 $0xC;
	s4 =	simm.s32 $0x10  }
0xa: {  	[smem:s4], [sflag:s16] =	dma.local [hbm:s2], $0x1  }
0xb: {  	_ =	swait.eq [sflag:s16], $0x1  }
0xc: {  	[sflag:s16] =	ssyncset.done $0x0  }
0xd: {  	[sflag:s16] =	ssyncadd.s32 $0xFFFFFFFF  }
0xe: {  	s17 =	sld [smem:$0x12];
	(tm) =	ssettm $0x1  }
0xf: {  	s18 =	sld [smem:$0x3FFB];
	_ =	sdelay $0x3  }
0x10: {  	_ =	strace s18  }
0x11: {  	s3 =	sld [smem:$0x3FFC];
	_ =	sdelay $0x3  }
0x12: {  	_ =	strace s3  }
0x13: {  	s3 =	sld [smem:$0x3FFD];
	_ =	sdelay $0x3  }
0x14: {  	_ =	strace s3  }
0x15: {  	_ =	strace $0x8FFFFFFF  }
0x16: {  	s19 =	sld [smem:$0x3FDB];
	_ =	sdelay $0x1  }
0x17: {  	s20 =	simm.s32 $_scs_section_size  }
0x18: {  	s5 =	simm.s32 $_size__tile_overlayer_lowered;
	s6 =	simm.s32 $_tile_overlayer_lowered  }
0x19: {  	s23 =	simm.s32 $0x1BFF;
	s22 =	sshll.u32 s6, $0x1;
	s3 =	sadd.s32 s20, s19  }
0x1a: {  	s7 =	simm.s32 $0x0;
	s21 =	sshll.u32 s5, $0x1;
	s5 =	sadd.s32 s22, s3  }
0x1b: {  	[timem:s7], [sflag:s23] =	dma.local [hbm:s5], s21  }
0x1c: {  	_ =	swait.ge [sflag:s23], s21  }
0x1d: {  	s4 =	ssub.s32 $0x0, s21;
	[sflag:s23] =	ssyncset.done $0x0  }
0x1e: {  	[sflag:s23] =	ssyncadd.s32 s4;
	_ =	sdelay $0x1  }
0x1f: {  	s24 =	simm.s32 $0x1B8B  }
0x20: {  	_ =	swait.ge [sflag:s24], $0x1  }
0x21: {  	[sflag:s24] =	ssyncset.done $0x0  }
0x22: {  	s26 =	simm.s32 $0x1B8E;
	s25 =	sld [smem:$0x3FFE];
	[sflag:s24] =	ssyncadd.s32 $0xFFFFFFFF  }
0x23: {  	s27 =	simm.s32 $execute0_lowered;
	[smem:$0x3FD2] =	sst s26  }
0x24: {  	s5 =	sshll.u32 s27, $0x1;
	_ =	strace $0x80000046;
	[dreg:$0x1] =	wrdreg $0xFFFFFFFF  }
0x25: {  	s28 =	simm.s32 $_size_execute0_lowered;
	s3 =	sadd.s32 s3, s5;
	[dreg:$0x0] =	wrdreg $0x0  }
0x26: {  	s5 =	sshll.u32 s28, $0x1;
	[dreg:$0x2] =	wrdreg s3  }
0x27: {  	[dreg:$0x3] =	wrdreg s5  }
0x28: {  	[dreg:$0x4] =	wrdreg $0xC0  }
0x29: {  	_ =	task [dreg:s7], $0x5FFFF  }
0x2a: {  	[dreg:$0x1] =	wrdreg $0xFFFFFFFF  }
0x2b: {  	[dreg:$0x0] =	wrdreg $0x60  }
0x2c: {  	[dreg:$0x2] =	wrdreg s25  }
0x2d: {  	[dreg:$0x3] =	wrdreg s17  }
0x2e: {  	[dreg:$0x4] =	wrdreg $0x9  }
0x2f: {  	_ =	task.clear_ibuf [dreg:s7], $0x5FFFF;
	_ =	strace $0x90000046  }
0x30: {  	s29 =	simm.s32 $0x9;
	_ =	strace $0x80000048  }
0x31: {  	_ =	swait.ge [sflag:s29], $0x1  }
0x32: {  	[sflag:s29] =	ssyncadd.s32 $0xFFFFFFFF  }
0x33: {  	_ =	strace $0x90000048  }
0x34: {  	_ =	sfence  }
0x35: {  	s30 =	sld [smem:$0x0];
	_ =	sdelay $0x2  }
0x36: {  	s31 =	sshll.u32 s1, $0xD;
	s1 =	sshrl.u32 s1, $0x2  }
0x37: {  	s3 =	sand.u32 $0x4000, s31;
	s1 =	sadd.s32 s1, s30  }
0x38: {  	s0 =	sor.u32 s3, s0;
	s1 =	sshll.u32 s1, $0x11  }
0x39: {  	s0 =	sor.u32 s1, s0  }
0x3a: {  	s0 =	sadd.s32 $0x8F2B, s0  }
0x3b: {  	[sflag:s0] =	ssyncadd.remote.s32 $0x1  }
0x3c: {  	_ =	sfence.sel $0xFFFF  }
0x3d: {  	[dreg:$0x0] =	wrdreg $0xFFFFFFFF;
	(pc) =	sbr.abs _section_cstart, $3  }
0x3e: {  	[dreg:$0x1] =	wrdreg $0xFFFFFFFF  }
0x3f: {  	_ =	task.clear_ibuf [dreg:s7], $0x2FFFF;
	_ =	strace $0x9FFFFFFF  }
0x40: {  	(tm) =	ssettm $0x7FFFFFFF  }
0x41: {  	_ =	shalt  }
tec
execute0_lowered:
.L_overlay_start_1:
0x0: {  	(tag) =	ssettag $0x1  }
0x1: {  	s0 =	srdreg.scid;
	s5 =	rddreg [dreg:$0x0]  }
0x2: {  	s3 =	rddreg [dreg:$0x1];
	s1 =	sshll.u32 s0, $0x4  }
0x3: {  	s7 =	simm.s32 $0x1;
	s0 =	stileid.u32;
	s1 =	sand.u32 $0x10, s1  }
0x4: {  	s8 =	simm.s32 $0x2;
	s15 =	simm.s32 $0x0;
	s1 =	sor.u32 s0, s1  }
0x5: {  	s14 =	simm.s32 $0x0;
	s9 =	simm.s32 $0x0;
	s2 =	sshll.u32 s1, $0x7  }
0x6: {  	s10 =	simm.s32 $0x0;
	s11 =	simm.s32 $0x0;
	s6 =	ssub.s32 $0x4000, s2  }
0x7: {  	s13 =	simm.s32 $0x0;
	s5 =	sadd.s32 $0x1400, s5;
	s4 =	sand.u32 $0xF80, s6  }
.Ltmp0:
0x8: {  	s1 =	rddreg [dreg:$0x2];
	p0 =	sne.s32 s4, $0x0;
	(pc) =	sbr.rel .LBB1_1-.Ltmp0, $4  }
0x9: {  	_ =	strace $0x80000047;
	s6 =	sshrl.u32 s6, $0xC;
	s7 =	simm.s32 @!p0 $0x0  }
0xa: {  	s12 =	smov.u32 s2;
	s4 =	simm.s32 $0x1;
	s6 =	sadd.s32 s7, s6  }
0xb: {  	[sflag:s4] =	ssyncpa.u1 $0x0;
	p0 =	por $0x0, $0x0;
	s6 =	sshll.u32 s6, $0x3  }
0xc: {  	[sflag:s8] =	ssyncpa.u1 $0x0;
	s8 =	simm.s32 $0x20000;
	s7 =	sor.u32 $0x1, s6  }
.LBB1_4:
0xd: {  	s20 =	sshra.s32 s20, $0x2  }
0xe: {  	s28 =	sand.u32 $0x78, s10;
	s21 =	sshll.u32 s9, $0xE;
	s22 =	sshll.u32 s10, $0x3  }
0xf: {  	s24 =	sshll.u32 s9, $0x7;
	p1 =	sgt.s32 s9, $0x368;
	s30 =	sshra.s32 s9, $0x1F  }
0x10: {  	s26 =	sshra.s32 s10, $0x1F;
	s19 =	sadd.s32 s20, s19;
	s21 =	sand.u32 $0xFFFE0000, s21  }
0x11: {  	v5 =	vld [tilespmem:s17+$0xFFFFFFD0];
	[tilespmem:s18+$0x2040 ss:$0x81] =	vst.msk $0xffff, v4;
	s23 =	sand.u32 $0xFFFFFC00, s22;
	s29 =	sand.u32 $0x380, s24;
	s22 =	sand.u32 $0x3C00, s22  }
0x12: {  	v58 =	vld [tilespmem:s17+$0xFFFFFFE0];
	[tilespmem:s18+$0x2850 ss:$0x81] =	vst.msk $0xffff, v3;
	s21 =	sadd.s32 s23, s21;
	s20 =	sor.u32 s28, s22;
	s22 =	smov.u32 s9  }
0x13: {  	v59 =	vld [tilespmem:s17+$0xFFFFFFF0];
	[tilespmem:s18+$0x3060 ss:$0x81] =	vst.msk $0xffff, v2;
	s24 =	sand.u32 s30, s9;
	s21 =	sshrl.u32 s21, $0xE;
	s22 =	simm.s32 @!p1 $0x368  }
0x14: {  	v60 =	vld [tilespmem:s17+$0x0];
	[tilespmem:s18+$0x0 ss:$0x81] =	vst.msk $0xffff, v1;
	p1 =	sgt.s32 s10, $0x3F80;
	s31 =	ssub.s32 s22, s24;
	s22 =	smov.u32 s10  }
0x15: {  	v61 =	vld [tilespmem:s17+$0x10];
	[tilespmem:s19+$0x3870 ss:$0x81] =	vst.msk $0xffff, v0;
	s25 =	smulhi.u32 $0x418938, s21;
	s24 =	sand.u32 s26, s10;
	s22 =	simm.s32 @!p1 $0x3F80  }
0x16: {  	v62 =	vld [tilespmem:s17+$0x20];
	s20 =	sor.u32 s29, s20;
	[tilespmem:s19+$0x810 ss:$0x81] =	vst.msk $0xffff, v5;
	s27 =	sadd.s32 $0xFFFFFC98, s31;
	s22 =	ssub.s32 s22, s24  }
0x17: {  	v63 =	vld [tilespmem:s17+$0xFFFFFFC0];
	[tilespmem:s19+$0x1020 ss:$0x81] =	vst.msk $0xffff, v58;
	s18 =	ssub.s32 $0x3E8, s31;
	s28 =	smul.u32 $0x3E8, s25;
	s29 =	sadd.s32 $0xFFFFC080, s22  }
0x18: {  	[tilespmem:s19+$0x1830 ss:$0x81] =	vst.msk $0xffff, v59;
	p1 =	sgt.s32 s27, $0x7F;
	s22 =	ssub.s32 $0x4000, s22;
	p2 =	sgt.s32 s29, $0x7F  }
0x19: {  	s30 =	sand.u32 $0x7, s10;
	[tilespmem:s19+$0x2040 ss:$0x81] =	vst.msk $0xffff, v60;
	s18 =	simm.s32 @p1 $0x0;
	s22 =	simm.s32 @p2 $0x0  }
0x1a: {  	s20 =	sshrl.u32 s20, $0x3;
	[tilespmem:s19+$0x2850 ss:$0x81] =	vst.msk $0xffff, v61;
	s17 =	ssub.s32 s21, s28;
	s18 =	smul.u32 s22, s18  }
0x1b: {  	[tilespmem:s19+$0x3060 ss:$0x81] =	vst.msk $0xffff, v62;
	s20 =	sadd.s32 s3, s20;
	s21 =	sshll.u32 s30, $0x12;
	s17 =	sshll.u32 s17, $0xB  }
0x1c: {  	[tilespmem:s19+$0x0 ss:$0x81] =	vst.msk $0xffff, v63;
	s31 =	sor.u32 $0x400, s21;
	s17 =	sadd.s32 s17, s20;
	s18 =	sand.u32 $0x3FFFFFFF, s18  }
0x1d: {  	[hbm4b:s17+s31] =	stream.strided.scatter [tilespmem:s16], [sflag:$0x2], s18, s8, s31, $0x20;
	[tilespmem:$0x10100] =	vst v63  }
.LBB1_5:
0x1e: {  	p1 =	slt.u32 s13, $0x2  }
0x1f: {  	s17 =	smov.u32 s15;
	p2 =	sgt.s32 @!p1 s15, $0x368;
	s16 =	sshra.s32 @!p1 s15, $0x1F  }
0x20: {  	p3 =	sgt.s32 @!p1 s14, $0x3F80;
	s18 =	sshra.s32 @!p1 s14, $0x1F;
	p2 =	por !p2, p1  }
0x21: {  	s15 =	sand.u32 @!p1 s16, s15;
	p3 =	por !p3, p1;
	s16 =	smov.u32 s14  }
0x22: {  	s14 =	sand.u32 @!p1 s18, s14;
	s17 =	simm.s32 @p2 $0x368;
	s16 =	simm.s32 @p3 $0x3F80  }
0x23: {  	s15 =	ssub.s32 @!p1 s17, s15;
	s14 =	ssub.s32 @!p1 s16, s14  }
0x24: {  	s18 =	smov.u32 s12;
	s16 =	sadd.s32 @!p1 $0xFFFFFC98, s15;
	s17 =	sadd.s32 @!p1 $0xFFFFC080, s14  }
0x25: {  	s15 =	ssub.s32 @!p1 $0x3E8, s15;
	p2 =	sgt.s32 @!p1 s16, $0x7F;
	p3 =	sgt.s32 @!p1 s17, $0x7F  }
0x26: {  	s14 =	ssub.s32 @!p1 $0x4000, s14;
	p2 =	por !p2, p1;
	p3 =	por !p3, p1  }
0x27: {  	s16 =	sadd.s32 $0x80, s11;
	s15 =	simm.s32 @!p2 $0x0;
	s14 =	simm.s32 @!p3 $0x0  }
0x28: {  	p2 =	sgt.s32 s16, $0x3E7;
	s14 =	smul.u32 @!p1 s14, s15;
	s15 =	sadd.s32 $0x1000, s12  }
0x29: {  	s18 =	smov.u32 @p2 s15  }
0x2a: {  	s16 =	simm.s32 @p2 $0x0;
	p2 =	sgt.s32 s18, $0x3FFF  }
0x2b: {  	s18 =	smov.u32 @p2 s2;
	p2 =	sne.s32 s13, s7  }
.Ltmp1:
0x2c: {  	p0 =	por !p0, !p0;
	s17 =	simm.s32 @!p1 $0x2;
	(pc) =	sbr.rel @!p2 .LBB1_6-.Ltmp1, $4  }
0x2d: {  	s15 =	smov.u32 s9;
	s9 =	smov.u32 s11;
	s14 =	sand.u32 @!p1 $0x3FFFFFFF, s14  }
0x2e: {  	s11 =	smov.u32 s16;
	_ =	swait.ge @!p1 [sflag:s17], s14;
	s19 =	ssub.s32 @!p1 $0x0, s14  }
0x2f: {  	s14 =	smov.u32 s10;
	s13 =	sadd.s32 $0x1, s13;
	[sflag:s17] =	ssyncset.done @!p1 $0x0  }
0x30: {  	s10 =	smov.u32 s12;
	s12 =	smov.u32 s18;
	[sflag:s17] =	ssyncadd.s32 @!p1 s19  }
.LBB1_1:
0x31: {  	p1 =	sge.u32 s13, s6  }
0x32: {  	s31 =	sadd.s32 $0xFFFFFFFF, s13;
	s16 =	sshll.u32 @!p1 s12, $0xA  }
0x33: {  	s17 =	sshll.u32 @!p1 s11, $0x3;
	s18 =	sshll.u32 @!p1 s12, $0x7;
	s16 =	sand.u32 @!p1 $0xFFE000, s16  }
0x34: {  	s19 =	sand.u32 @!p1 $0x78, s11;
	s16 =	sadd.s32 @!p1 s16, s17;
	s17 =	sand.u32 @!p1 $0x380, s18  }
0x35: {  	s18 =	sxor.u32 @!p1 $0xFFFFFFFF, s13;
	s16 =	sand.u32 @!p1 $0xFFFC00, s16;
	s17 =	sor.u32 @!p1 s17, s19  }
0x36: {  	s18 =	sshll.u32 @!p1 s18, $0xE;
	s16 =	sor.u32 @!p1 s16, s17;
	s17 =	sand.u32 @!p1 $0x7, s11  }
0x37: {  	s19 =	simm.s32 @!p1 $0x2000;
	s16 =	sshrl.u32 @!p1 s16, $0x3;
	s17 =	sshll.u32 @!p1 s17, $0x12  }
0x38: {  	s18 =	sand.u32 @!p1 $0x4000, s18;
	s16 =	sadd.s32 @!p1 s5, s16;
	s17 =	sor.u32 @!p1 $0x400, s17  }
0x39: {  	[tilespmem:s18], [sflag:$0x1] =	stream.strided.gather @!p1 [hbm4b:s16+s17], $0x4000, s19, s17, $0x38;
	[tilespmem:$0x10100] =	vst v63  }
0x3a: {  	p1 =	sge.u32 s31, s6  }
.Ltmp2:
0x3b: {  	_ = 	snop;
	(pc) =	sbr.rel @p1 .LBB1_5-.Ltmp2, $1  }
0x3c: {  	_ =	sdelay $0x3  }
0x3d: {  	s16 =	simm.s32 $0x1  }
0x3e: {  	_ =	swait.ge [sflag:s4], $0x4000;
	s16 =	simm.s32 @!p0 $0x0  }
0x3f: {  	[sflag:s4] =	ssyncset.done $0x0;
	s17 =	sshll.u32 s16, $0xE  }
0x40: {  	[sflag:s4] =	ssyncadd.s32 $0xFFFFC000;
	s17 =	sor.u32 $0x40, s17  }
0x41: {  	s16 =	smul.u32 $0x10200, s16;
	v0 =	vld [tilespmem:s17+$0x30]  }
0x42: {  	v1 =	vld [tilespmem:s17+$0xFFFFFFD0]  }
0x43: {  	s16 =	sshrl.u32 s16, $0x2;
	v5 =	vld [tilespmem:s17+$0xFFFFFFE0]  }
0x44: {  	v6 =	vld [tilespmem:s17+$0xFFFFFFF0];
	s19 =	sor.u32 $0x8000, s16  }
0x45: {  	s31 =	sand.u32 $0x1, s13;
	v4 =	vld [tilespmem:s17+$0x0];
	s18 =	sadd.s32 $0x0, s19  }
0x46: {  	v3 =	vld [tilespmem:s17+$0x10];
	s16 =	smul.u32 $0x10200, s31;
	[tilespmem:s18+$0x3870 ss:$0x81] =	vst.msk $0xffff, v0  }
0x47: {  	v2 =	vld [tilespmem:s17+$0x20];
	[tilespmem:s18+$0x810 ss:$0x81] =	vst.msk $0xffff, v1  }
0x48: {  	s16 =	sshrl.u32 s16, $0x2;
	v1 =	vld [tilespmem:s17+$0xFFFFFFC0];
	[tilespmem:s18+$0x1020 ss:$0x81] =	vst.msk $0xffff, v5;
	s17 =	sadd.s32 $0x80, s17  }
0x49: {  	s20 =	simm.s32 $0x4;
	s21 =	simm.s32 $0x8;
	s16 =	sor.u32 $0x8000, s16;
	[tilespmem:s18+$0x1830 ss:$0x81] =	vst.msk $0xffff, v6;
	v0 =	vld [tilespmem:s17+$0x30]  }
.LBB1_3:
0x4a: {  	p1 =	sne.s32 s21, $0x1FC;
	v5 =	vld [tilespmem:s17+$0xFFFFFFD0];
	[tilespmem:s18+$0x2040 ss:$0x81] =	vst.msk $0xffff, v4  }
0x4b: {  	v6 =	vld [tilespmem:s17+$0xFFFFFFE0];
	[tilespmem:s18+$0x2850 ss:$0x81] =	vst.msk $0xffff, v3  }
0x4c: {  	s22 =	sshra.s32 s20, $0x2;
	s20 =	smov.u32 s21;
	v7 =	vld [tilespmem:s17+$0xFFFFFFF0];
	[tilespmem:s18+$0x3060 ss:$0x81] =	vst.msk $0xffff, v2  }
.Ltmp3:
0x4d: {  	v4 =	vld [tilespmem:s17+$0x0];
	[tilespmem:s18+$0x0 ss:$0x81] =	vst.msk $0xffff, v1;
	s18 =	sadd.s32 s22, s19;
	(pc) =	sbr.rel @p1 .LBB1_3-.Ltmp3, $4  }
0x4e: {  	v3 =	vld [tilespmem:s17+$0x10];
	[tilespmem:s18+$0x3870 ss:$0x81] =	vst.msk $0xffff, v0  }
0x4f: {  	[tilespmem:s18+$0x810 ss:$0x81] =	vst.msk $0xffff, v5;
	v2 =	vld [tilespmem:s17+$0x20]  }
0x50: {  	v1 =	vld [tilespmem:s17+$0xFFFFFFC0];
	[tilespmem:s18+$0x1020 ss:$0x81] =	vst.msk $0xffff, v6;
	s17 =	sadd.s32 $0x80, s17  }
0x51: {  	s21 =	sadd.s32 $0x4, s21;
	v0 =	vld [tilespmem:s17+$0x30];
	[tilespmem:s18+$0x1830 ss:$0x81] =	vst.msk $0xffff, v7  }
.Ltmp4:
0x52: {  	_ = 	snop;
	(pc) =	sbr.rel .LBB1_4-.Ltmp4, $1  }
0x53: {  	_ =	sdelay $0x3  }
.LBB1_6:
0x54: {  	_ =	sfence.sel $0x180000  }
0x55: {  	s2 =	simm.s32 $0x1;
	[bflag:$0x0] =	sbarrier.arrive $0xFFFF  }
0x56: {  	s31 =	simm.s32 $0x2;
	[sflag:s2] =	ssyncpa.u1 $0x1  }
0x57: {  	[sflag:s31] =	ssyncpa.u1 $0x1  }
0x58: {  	p0 =	sne.s32 s0, $0x0;
	_ =	strace $0x90000047  }
0x59: {  	s0 =	sadd.s32 @!p0 $0x100000, s1;
	[bflag:$0x2] =	sbarrier.arrive $0xFFFF  }
0x5a: {  	[sflag:s0] =	ssyncadd.tile.s32 @!p0 $0x1;
	_ =	shalt  }
.Lfunc_end1:
_tile_overlayer_lowered:
.L_overlay_start_2:
0x5b: {  	(tag) =	ssettag $0x2  }
0x5c: {  	s0 =	rddreg [dreg:$0x0];
	s2 =	stileid.u32  }
0x5d: {  	s1 =	rddreg [dreg:$0x1];
	p0 =	sne.s32 s2, $0x0  }
0x5e: {  	s3 =	rddreg [dreg:$0x2];
	[bflag:$0x3] =	sbarrier.arrive $0xFFFF;
	s2 =	simm.s32 @!p0 $0x1C01  }
0x5f: {  	[timem:s3], [sflag:s2] =	dma.local @!p0 [hbm:s0], s1  }
0x60: {  	s0 =	simm.s32 @!p0 $0x1  }
0x61: {  	_ =	swait.ge @!p0 [sflag:s0], s1  }
0x62: {  	s1 =	ssub.s32 @!p0 $0x0, s1;
	[sflag:s0] =	ssyncset.done @!p0 $0x0  }
0x63: {  	[sflag:s0] =	ssyncadd.s32 @!p0 s1  }
0x64: {  	[bflag:$0x3] =	sbarrier.arrive $0xFFFF  }
0x65: {  	_ =	shalt  }

</sc_bundles>
